<compile_context>
chip_gen: v7x
topology: tpu7x:2x2x1
jax: 0.10.2.dev20260603
libtpu: 0.0.44.dev20260713+nightly
codegen_flags: <defaults>
</compile_context>

<pallas_src>
import functools

import jax
import jax.numpy as jnp
from jax import lax
from jax.experimental import pallas as pl
from jax.experimental.pallas import tpu as pltpu
from jax.experimental.pallas import tpu_sc as plsc

N = 10000
E = 320000
OUT = 128
H = 2
HF = H * OUT
NEG = 0.2

RB = 1000
GRID = N // RB

EPC = 128
NCHUNK = E // EPC
NTILES = 16
ITERS = -(-NCHUNK // NTILES)

NPASS = 2
PLEN = 5000
AROWS = 5120
TRASH = 5060
AW = 144
ZCH = AROWS // 128
PTS = 312



def _tc1_body(x_ref, w_ref, asv_ref, adv_ref, xt_ref, a4_ref, mx_ref):
    i = pl.program_id(0)
    xb = x_ref[...]
    w = w_ref[...]
    cols_src = []
    cols_dst = []
    for h in range(H):
        wh = w[h * OUT:(h + 1) * OUT, :]
        xt_h = lax.dot_general(xb, wh, (((1,), (1,)), ((), ())),
                               preferred_element_type=jnp.float32)
        xt_ref[h] = xt_h
        asv = asv_ref[...][h][None, :]
        adv = adv_ref[...][h][None, :]
        cols_src.append(jnp.sum(xt_h * asv, axis=1, keepdims=True))
        cols_dst.append(jnp.sum(xt_h * adv, axis=1, keepdims=True))
    a4 = jnp.concatenate(cols_src + cols_dst, axis=1)
    a4_ref[...] = a4
    bm = jnp.max(a4, axis=0, keepdims=True)
    prev = jnp.where(i == 0, jnp.full_like(bm, -jnp.inf), mx_ref[...])
    mx_ref[...] = jnp.maximum(prev, bm)


def _tc1(x, w, att_src2, att_dst2):
    return pl.pallas_call(
        _tc1_body,
        grid=(GRID,),
        in_specs=[
            pl.BlockSpec((RB, 128), lambda i: (i, 0)),
            pl.BlockSpec((HF, 128), lambda i: (0, 0)),
            pl.BlockSpec((H, 128), lambda i: (0, 0)),
            pl.BlockSpec((H, 128), lambda i: (0, 0)),
        ],
        out_specs=[
            pl.BlockSpec((H, RB, 128), lambda i: (0, i, 0)),
            pl.BlockSpec((RB, 4), lambda i: (i, 0)),
            pl.BlockSpec((1, 4), lambda i: (0, 0)),
        ],
        out_shape=[
            jax.ShapeDtypeStruct((H, N, 128), jnp.float32),
            jax.ShapeDtypeStruct((N, 4), jnp.float32),
            jax.ShapeDtypeStruct((1, 4), jnp.float32),
        ],
    )(x, w, att_src2, att_dst2)



def _sc_body(xt2_hbm, a_hbm, src_hbm, dst_hbm, s_hbm,
             gat_hbm,
             asrc_v, adst_v, srcb, dstb, idxb, locb, rows_v, scat_v,
             exs_v, sv_v, zrow_v, acc_sp, sem):
    c = lax.axis_index("c")
    s = lax.axis_index("s")
    h = c

    pltpu.sync_copy(a_hbm.at[h], asrc_v)
    pltpu.sync_copy(a_hbm.at[2 + h], adst_v)
    pltpu.sync_copy(s_hbm.at[h], sv_v)
    shift = sv_v[...]


    zero16 = jnp.zeros((16,), jnp.float32)
    lanes = lax.iota(jnp.int32, 16)
    mask0 = jnp.where(lanes == 0, 1.0, 0.0).astype(jnp.float32)

    def _zrow(i, _):
        for j in range(AW // 16):
            zrow_v[i, pl.ds(j * 16, 16)] = zero16
        return 0
    lax.fori_loop(0, 64, _zrow, 0)

    for p in range(NPASS):
        pstart = p * PLEN
        plen = PLEN

        for k in range(3):
            z = s + NTILES * k

            @pl.when(z < ZCH)
            def _():
                zoff = pl.multiple_of(z * 128, 8)
                pltpu.sync_copy(zrow_v, acc_sp.at[pl.ds(zoff, 64)])
                pltpu.sync_copy(zrow_v, acc_sp.at[pl.ds(zoff + 64, 64)])
        plsc.subcore_barrier()

        def _chunk(i, _):
            cid = s + NTILES * i

            @pl.when(cid < NCHUNK)
            def _():
                off = cid * EPC
                pltpu.sync_copy(src_hbm.at[pl.ds(off, EPC)], srcb)
                pltpu.sync_copy(dst_hbm.at[pl.ds(off, EPC)], dstb)

                def _aphase(j, _):
                    sidx = srcb[pl.ds(j * 16, 16)]
                    didx = dstb[pl.ds(j * 16, 16)]
                    t = (plsc.load_gather(asrc_v, [sidx])
                         + plsc.load_gather(adst_v, [didx]))
                    alpha = jnp.maximum(t, NEG * t)
                    ex = jnp.exp(alpha - shift)
                    exs_v[pl.ds(j * 16, 16)] = ex
                    idxb[pl.ds(j * 16, 16)] = sidx + h * N
                    loc = didx - pstart
                    inp = (loc >= 0) & (loc < plen)
                    locb[pl.ds(j * 16, 16)] = jnp.where(inp, loc, TRASH)
                    return 0
                lax.fori_loop(0, EPC // 16, _aphase, 0)

                pltpu.async_copy(xt2_hbm.at[idxb], rows_v, sem).wait()

                def _scale(g, _):
                    exvec = exs_v[pl.ds(g * 16, 16)]
                    for r in range(16):
                        e = exvec[r]
                        row = g * 16 + r
                        for j in range(8):
                            scat_v[row, pl.ds(j * 16, 16)] = (
                                rows_v[row, pl.ds(j * 16, 16)] * e)
                        scat_v[row, pl.ds(128, 16)] = mask0 * e
                    return 0
                lax.fori_loop(0, EPC // 16, _scale, 0)

                pltpu.sync_copy(scat_v, acc_sp.at[locb], add=True)
            return 0
        lax.fori_loop(0, ITERS, _chunk, 0)
        plsc.subcore_barrier()

        obase = pl.multiple_of(s * PTS, 8)
        hoff = pl.multiple_of(h * N + pstart + obase, 8)
        pltpu.sync_copy(acc_sp.at[pl.ds(obase, PTS)],
                        gat_hbm.at[pl.ds(hoff, PTS)])
        if True:
            tail_len = PLEN - NTILES * PTS

            @pl.when(s == 0)
            def _():
                tail = pl.multiple_of(NTILES * PTS, 8)
                toff = pl.multiple_of(h * N + pstart + tail, 8)
                pltpu.sync_copy(acc_sp.at[pl.ds(tail, tail_len)],
                                gat_hbm.at[pl.ds(toff, tail_len)])
        plsc.subcore_barrier()


@functools.lru_cache(maxsize=1)
def _make_sc_edge():
  return pl.kernel(
    _sc_body,
    out_type=[
        jax.ShapeDtypeStruct((H * N, AW), jnp.float32),
    ],
    mesh=plsc.VectorSubcoreMesh(core_axis_name="c", subcore_axis_name="s",
                                num_cores=2, num_subcores=NTILES),
    compiler_params=pltpu.CompilerParams(needs_layout_passes=False,
                                         use_tc_tiling_on_sc=False),
    scratch_types=[
        pltpu.VMEM((N,), jnp.float32),
        pltpu.VMEM((N,), jnp.float32),
        pltpu.VMEM((EPC,), jnp.int32),
        pltpu.VMEM((EPC,), jnp.int32),
        pltpu.VMEM((EPC,), jnp.int32),
        pltpu.VMEM((EPC,), jnp.int32),
        pltpu.VMEM((EPC, 128), jnp.float32),
        pltpu.VMEM((EPC, AW), jnp.float32),
        pltpu.VMEM((EPC,), jnp.float32),
        pltpu.VMEM((16,), jnp.float32),
        pltpu.VMEM((64, AW), jnp.float32),
        pltpu.VMEM_SHARED((AROWS, AW), jnp.float32),
        pltpu.SemaphoreType.DMA,
    ],
  )



def _tc2_body(gat_ref, xt_ref, a4_ref, s_ref, xp_ref,
              wih_ref, whh_ref, bih_ref, bhh_ref, bias_ref, out_ref):
    parts = []
    for h in range(H):
        t = a4_ref[:, h:h + 1] + a4_ref[:, 2 + h:3 + h]
        alpha = jnp.maximum(t, NEG * t)
        sx = jnp.exp(alpha - s_ref[0, h])
        num_h = gat_ref[h][:, 0:128]
        den_h = gat_ref[h][:, 128:129]
        inp_h = (num_h + sx * xt_ref[h]) / (den_h + sx)
        parts.append(inp_h)
    inp = jnp.concatenate(parts, axis=1) + bias_ref[...]
    gi = lax.dot_general(inp, wih_ref[...], (((1,), (1,)), ((), ())),
                         preferred_element_type=jnp.float32) + bih_ref[...]
    gh = lax.dot_general(xp_ref[...], whh_ref[...], (((1,), (1,)), ((), ())),
                         preferred_element_type=jnp.float32) + bhh_ref[...]
    r = jax.nn.sigmoid(gi[:, :OUT] + gh[:, :OUT])
    z = jax.nn.sigmoid(gi[:, OUT:2 * OUT] + gh[:, OUT:2 * OUT])
    nn_ = jnp.tanh(gi[:, 2 * OUT:] + r * gh[:, 2 * OUT:])
    out_ref[...] = (1.0 - z) * nn_ + z * xp_ref[...]


def _tc2(gat, xt, a4, svec, x_prev, w_ih, w_hh, b_ih2, b_hh2, bias2):
    return pl.pallas_call(
        _tc2_body,
        grid=(GRID,),
        in_specs=[
            pl.BlockSpec((H, RB, AW), lambda i: (0, i, 0)),
            pl.BlockSpec((H, RB, 128), lambda i: (0, i, 0)),
            pl.BlockSpec((RB, 4), lambda i: (i, 0)),
            pl.BlockSpec((1, H), lambda i: (0, 0)),
            pl.BlockSpec((RB, 128), lambda i: (i, 0)),
            pl.BlockSpec((3 * OUT, HF), lambda i: (0, 0)),
            pl.BlockSpec((3 * OUT, OUT), lambda i: (0, 0)),
            pl.BlockSpec((1, 3 * OUT), lambda i: (0, 0)),
            pl.BlockSpec((1, 3 * OUT), lambda i: (0, 0)),
            pl.BlockSpec((1, HF), lambda i: (0, 0)),
        ],
        out_specs=pl.BlockSpec((RB, 128), lambda i: (i, 0)),
        out_shape=jax.ShapeDtypeStruct((N, OUT), jnp.float32),
    )(gat, xt, a4, svec, x_prev, w_ih, w_hh, b_ih2, b_hh2, bias2)



def kernel(x, edge_index, x_prev, W, att_src, att_dst, bias,
           W_ih, W_hh, b_ih, b_hh):
    att_src2 = att_src.reshape(H, OUT)
    att_dst2 = att_dst.reshape(H, OUT)
    xt, a4, mx = _tc1(x, W, att_src2, att_dst2)

    svec = jnp.maximum(mx[:, 0:2] + mx[:, 2:4], 0.0)
    s_exp = jnp.broadcast_to(svec.reshape(2, 1), (2, 16)).astype(jnp.float32)
    aT = a4.T
    src32 = edge_index[0].astype(jnp.int32)
    dst32 = edge_index[1].astype(jnp.int32)
    xt2 = xt.reshape(H * N, 128)

    (gat2,) = _make_sc_edge()(xt2, aT, src32, dst32, s_exp)
    gat = gat2.reshape(H, N, AW)

    b_ih2 = b_ih.reshape(1, 3 * OUT)
    b_hh2 = b_hh.reshape(1, 3 * OUT)
    bias2 = bias.reshape(1, HF)
    return _tc2(gat, xt, a4, svec, x_prev, W_ih, W_hh,
                b_ih2, b_hh2, bias2)

# --- scband reference (transcript-rebuilt; emitter-appended) ---
"""Pipeline reference for scband-dynamic-gatlayer-47330539602431 (READ-ONLY COPY).

The authoritative reference and input builder live on the scoring server;
editing this copy changes nothing except your own understanding.
"""

import jax, jax.numpy as jnp
import numpy as np

N = 10000
E = 320000
IN_CH = 128
OUT_CH = 128
HEADS = 2


def setup_inputs(seed: int = 0) -> dict:
    key = jax.random.key(seed)
    ks = jax.random.split(key, 12)
    x = jax.random.normal(ks[0], (N, IN_CH), dtype=jnp.float32)
    edge_index = jax.random.randint(ks[1], (2, E), 0, N, dtype=jnp.int64)
    x_prev = jax.random.normal(ks[2], (N, OUT_CH), dtype=jnp.float32)
    HF = HEADS * OUT_CH
    W = jax.random.normal(ks[3], (HF, IN_CH), dtype=jnp.float32) * 0.05
    att_src = jax.random.normal(ks[4], (1, HEADS, OUT_CH), dtype=jnp.float32) * 0.05
    att_dst = jax.random.normal(ks[5], (1, HEADS, OUT_CH), dtype=jnp.float32) * 0.05
    bias = jnp.zeros((HF,), dtype=jnp.float32)
    W_ih = jax.random.normal(ks[6], (3 * OUT_CH, HF), dtype=jnp.float32) * 0.05
    W_hh = jax.random.normal(ks[7], (3 * OUT_CH, OUT_CH), dtype=jnp.float32) * 0.05
    b_ih = jnp.zeros((3 * OUT_CH,), dtype=jnp.float32)
    b_hh = jnp.zeros((3 * OUT_CH,), dtype=jnp.float32)
    return {"x": x, "edge_index": edge_index, "x_prev": x_prev, "W": W,
            "att_src": att_src, "att_dst": att_dst, "bias": bias,
            "W_ih": W_ih, "W_hh": W_hh, "b_ih": b_ih, "b_hh": b_hh}


def _gat_conv(x, edge_index, W, att_src, att_dst, bias):
    n = x.shape[0]
    # PyG GATConv default: add self loops
    loop = jnp.arange(n, dtype=edge_index.dtype)
    src = jnp.concatenate([edge_index[0], loop])
    dst = jnp.concatenate([edge_index[1], loop])
    xt = (x @ W.T).reshape(n, HEADS, OUT_CH)
    a_src = (xt * att_src).sum(-1)  # [N, H]
    a_dst = (xt * att_dst).sum(-1)  # [N, H]
    alpha = a_src[src] + a_dst[dst]  # [E', H]
    alpha = jax.nn.leaky_relu(alpha, negative_slope=0.2)
    amax = jax.ops.segment_max(alpha, dst, num_segments=n)
    amax = jnp.where(jnp.isfinite(amax), amax, 0.0)
    ex = jnp.exp(alpha - amax[dst])
    denom = jax.ops.segment_sum(ex, dst, num_segments=n)
    attn = ex / (denom[dst] + 1e-16)
    msg = xt[src] * attn[:, :, None]
    out = jax.ops.segment_sum(msg, dst, num_segments=n)  # [N, H, F]
    return out.reshape(n, HEADS * OUT_CH) + bias


def _gru_cell(inp, h, W_ih, W_hh, b_ih, b_hh):
    gi = inp @ W_ih.T + b_ih
    gh = h @ W_hh.T + b_hh
    i_r, i_z, i_n = jnp.split(gi, 3, axis=-1)
    h_r, h_z, h_n = jnp.split(gh, 3, axis=-1)
    r = jax.nn.sigmoid(i_r + h_r)
    z = jax.nn.sigmoid(i_z + h_z)
    nn_ = jnp.tanh(i_n + r * h_n)
    return (1.0 - z) * nn_ + z * h


def reference(x, edge_index, x_prev, W, att_src, att_dst, bias, W_ih, W_hh, b_ih, b_hh):
    h_cur = _gat_conv(x, edge_index, W, att_src, att_dst, bias)
    return _gru_cell(h_cur, x_prev, W_ih, W_hh, b_ih, b_hh)

if __name__ == "__main__":
    import jax
    _d = setup_inputs()
    print(jax.jit(kernel)(*tuple(_d.values())))

</pallas_src>

<mosaic_0001>
#map = affine_map<(d0, d1) -> (0, 0)>
#map1 = affine_map<(d0, d1) -> (0)>
module attributes {stable_mosaic.version = 14 : i64} {
  func.func @_sc_body(%arg0: i32, %arg1: i32, %arg2: memref<20000x128xf32, #tpu.memory_space<hbm>>, %arg3: memref<4x10000xf32, #tpu.memory_space<hbm>>, %arg4: memref<320000xi32, #tpu.memory_space<hbm>>, %arg5: memref<320000xi32, #tpu.memory_space<hbm>>, %arg6: memref<2x16xf32, #tpu.memory_space<hbm>>, %arg7: memref<20000x144xf32, #tpu.memory_space<hbm>>, %arg8: memref<10000xf32, #tpu.memory_space<vmem>>, %arg9: memref<10000xf32, #tpu.memory_space<vmem>>, %arg10: memref<128xi32, #tpu.memory_space<vmem>>, %arg11: memref<128xi32, #tpu.memory_space<vmem>>, %arg12: memref<128xi32, #tpu.memory_space<vmem>>, %arg13: memref<128xi32, #tpu.memory_space<vmem>>, %arg14: memref<128x128xf32, #tpu.memory_space<vmem>>, %arg15: memref<128x144xf32, #tpu.memory_space<vmem>>, %arg16: memref<128xf32, #tpu.memory_space<vmem>>, %arg17: memref<16xf32, #tpu.memory_space<vmem>>, %arg18: memref<64x144xf32, #tpu.memory_space<vmem>>, %arg19: memref<5120x144xf32, #tpu.memory_space<vmem_shared>>, %arg20: memref<!tpu.dma_semaphore, #tpu.memory_space<semaphore_mem>>) attributes {dimension_semantics = [#tpu.dimension_semantics<core_parallel>, #tpu.dimension_semantics<subcore_parallel>], iteration_bounds = array<i64: 2, 16>, scalar_prefetch = 0 : i64, scratch_operands = 13 : i64, tpu.core_type = #tpu.core_type<sc_vector_subcore>, window_params = [{transform_indices = #map}, {transform_indices = #map}, {transform_indices = #map1}, {transform_indices = #map1}, {transform_indices = #map}, {transform_indices = #map}]} {
    "tpu.region"() ({
      %run_scoped3A = tpu.sem_alloc : memref<!tpu.dma_semaphore, #tpu.memory_space<semaphore_mem>>
      %dma_start3A = arith.constant 0 : i32
      %dma_start3A_98 = tpu.memref_slice %arg3[%arg0, %dma_start3A] : memref<4x10000xf32, #tpu.memory_space<hbm>> -> memref<1x10000xf32, #tpu.memory_space<hbm>>
      %dma_start3A_99 = tpu.memref_squeeze %dma_start3A_98 : memref<1x10000xf32, #tpu.memory_space<hbm>> -> memref<10000xf32, #tpu.memory_space<hbm>>
      %dma_start3A_100 = arith.constant 0 : i32
      %dma_start3A_101 = tpu.memref_slice %arg3[%arg0, %dma_start3A_100] : memref<4x10000xf32, #tpu.memory_space<hbm>> -> memref<1x10000xf32, #tpu.memory_space<hbm>>
      %dma_start3A_102 = tpu.memref_squeeze %dma_start3A_101 : memref<1x10000xf32, #tpu.memory_space<hbm>> -> memref<10000xf32, #tpu.memory_space<hbm>>
      tpu.enqueue_dma source(%dma_start3A_102 : memref<10000xf32, #tpu.memory_space<hbm>>) target(%arg8 : memref<10000xf32, #tpu.memory_space<vmem>>) target_semaphore(%run_scoped3A : memref<!tpu.dma_semaphore, #tpu.memory_space<semaphore_mem>>)
      %dma_wait3A = arith.constant 0 : i32
      %dma_wait3A_103 = tpu.memref_slice %arg3[%arg0, %dma_wait3A] : memref<4x10000xf32, #tpu.memory_space<hbm>> -> memref<1x10000xf32, #tpu.memory_space<hbm>>
      %dma_wait3A_104 = tpu.memref_squeeze %dma_wait3A_103 : memref<1x10000xf32, #tpu.memory_space<hbm>> -> memref<10000xf32, #tpu.memory_space<hbm>>
      %dma_wait3A_105 = arith.constant 0 : i32
      %dma_wait3A_106 = tpu.memref_slice %arg3[%arg0, %dma_wait3A_105] : memref<4x10000xf32, #tpu.memory_space<hbm>> -> memref<1x10000xf32, #tpu.memory_space<hbm>>
      %dma_wait3A_107 = tpu.memref_squeeze %dma_wait3A_106 : memref<1x10000xf32, #tpu.memory_space<hbm>> -> memref<10000xf32, #tpu.memory_space<hbm>>
      tpu.wait_dma2 semaphore(%run_scoped3A : memref<!tpu.dma_semaphore, #tpu.memory_space<semaphore_mem>>) src(%dma_wait3A_107 : memref<10000xf32, #tpu.memory_space<hbm>>) dst(%arg8 : memref<10000xf32, #tpu.memory_space<vmem>>)
      tpu.yield
    }) : () -> ()
    %add3A = arith.constant 2 : i32
    %add3A_0 = arith.addi %add3A, %arg0 : i32
    "tpu.region"() ({
      %run_scoped3A = tpu.sem_alloc : memref<!tpu.dma_semaphore, #tpu.memory_space<semaphore_mem>>
      %dma_start3A = arith.constant 0 : i32
      %dma_start3A_98 = tpu.memref_slice %arg3[%add3A_0, %dma_start3A] : memref<4x10000xf32, #tpu.memory_space<hbm>> -> memref<1x10000xf32, #tpu.memory_space<hbm>>
      %dma_start3A_99 = tpu.memref_squeeze %dma_start3A_98 : memref<1x10000xf32, #tpu.memory_space<hbm>> -> memref<10000xf32, #tpu.memory_space<hbm>>
      %dma_start3A_100 = arith.constant 0 : i32
      %dma_start3A_101 = tpu.memref_slice %arg3[%add3A_0, %dma_start3A_100] : memref<4x10000xf32, #tpu.memory_space<hbm>> -> memref<1x10000xf32, #tpu.memory_space<hbm>>
      %dma_start3A_102 = tpu.memref_squeeze %dma_start3A_101 : memref<1x10000xf32, #tpu.memory_space<hbm>> -> memref<10000xf32, #tpu.memory_space<hbm>>
      tpu.enqueue_dma source(%dma_start3A_102 : memref<10000xf32, #tpu.memory_space<hbm>>) target(%arg9 : memref<10000xf32, #tpu.memory_space<vmem>>) target_semaphore(%run_scoped3A : memref<!tpu.dma_semaphore, #tpu.memory_space<semaphore_mem>>)
      %dma_wait3A = arith.constant 0 : i32
      %dma_wait3A_103 = tpu.memref_slice %arg3[%add3A_0, %dma_wait3A] : memref<4x10000xf32, #tpu.memory_space<hbm>> -> memref<1x10000xf32, #tpu.memory_space<hbm>>
      %dma_wait3A_104 = tpu.memref_squeeze %dma_wait3A_103 : memref<1x10000xf32, #tpu.memory_space<hbm>> -> memref<10000xf32, #tpu.memory_space<hbm>>
      %dma_wait3A_105 = arith.constant 0 : i32
      %dma_wait3A_106 = tpu.memref_slice %arg3[%add3A_0, %dma_wait3A_105] : memref<4x10000xf32, #tpu.memory_space<hbm>> -> memref<1x10000xf32, #tpu.memory_space<hbm>>
      %dma_wait3A_107 = tpu.memref_squeeze %dma_wait3A_106 : memref<1x10000xf32, #tpu.memory_space<hbm>> -> memref<10000xf32, #tpu.memory_space<hbm>>
      tpu.wait_dma2 semaphore(%run_scoped3A : memref<!tpu.dma_semaphore, #tpu.memory_space<semaphore_mem>>) src(%dma_wait3A_107 : memref<10000xf32, #tpu.memory_space<hbm>>) dst(%arg9 : memref<10000xf32, #tpu.memory_space<vmem>>)
      tpu.yield
    }) : () -> ()
    "tpu.region"() ({
      %run_scoped3A = tpu.sem_alloc : memref<!tpu.dma_semaphore, #tpu.memory_space<semaphore_mem>>
      %dma_start3A = arith.constant 0 : i32
      %dma_start3A_98 = tpu.memref_slice %arg6[%arg0, %dma_start3A] : memref<2x16xf32, #tpu.memory_space<hbm>> -> memref<1x16xf32, #tpu.memory_space<hbm>>
      %dma_start3A_99 = tpu.memref_squeeze %dma_start3A_98 : memref<1x16xf32, #tpu.memory_space<hbm>> -> memref<16xf32, #tpu.memory_space<hbm>>
      %dma_start3A_100 = arith.constant 0 : i32
      %dma_start3A_101 = tpu.memref_slice %arg6[%arg0, %dma_start3A_100] : memref<2x16xf32, #tpu.memory_space<hbm>> -> memref<1x16xf32, #tpu.memory_space<hbm>>
      %dma_start3A_102 = tpu.memref_squeeze %dma_start3A_101 : memref<1x16xf32, #tpu.memory_space<hbm>> -> memref<16xf32, #tpu.memory_space<hbm>>
      tpu.enqueue_dma source(%dma_start3A_102 : memref<16xf32, #tpu.memory_space<hbm>>) target(%arg17 : memref<16xf32, #tpu.memory_space<vmem>>) target_semaphore(%run_scoped3A : memref<!tpu.dma_semaphore, #tpu.memory_space<semaphore_mem>>)
      %dma_wait3A = arith.constant 0 : i32
      %dma_wait3A_103 = tpu.memref_slice %arg6[%arg0, %dma_wait3A] : memref<2x16xf32, #tpu.memory_space<hbm>> -> memref<1x16xf32, #tpu.memory_space<hbm>>
      %dma_wait3A_104 = tpu.memref_squeeze %dma_wait3A_103 : memref<1x16xf32, #tpu.memory_space<hbm>> -> memref<16xf32, #tpu.memory_space<hbm>>
      %dma_wait3A_105 = arith.constant 0 : i32
      %dma_wait3A_106 = tpu.memref_slice %arg6[%arg0, %dma_wait3A_105] : memref<2x16xf32, #tpu.memory_space<hbm>> -> memref<1x16xf32, #tpu.memory_space<hbm>>
      %dma_wait3A_107 = tpu.memref_squeeze %dma_wait3A_106 : memref<1x16xf32, #tpu.memory_space<hbm>> -> memref<16xf32, #tpu.memory_space<hbm>>
      tpu.wait_dma2 semaphore(%run_scoped3A : memref<!tpu.dma_semaphore, #tpu.memory_space<semaphore_mem>>) src(%dma_wait3A_107 : memref<16xf32, #tpu.memory_space<hbm>>) dst(%arg17 : memref<16xf32, #tpu.memory_space<vmem>>)
      tpu.yield
    }) : () -> ()
    %get3A = arith.constant 0 : index
    %get3A_1 = tpu.vector_load %arg17[%get3A] {strides = array<i32>} : memref<16xf32, #tpu.memory_space<vmem>>, vector<16xf32>,
    %broadcast_in_dim3A = arith.constant 0.000000e+00 : f32
    %broadcast_in_dim3A_2 = vector.broadcast %broadcast_in_dim3A : f32 to vector<16xf32>
    %iota3A = tpu.iota {dimensions = array<i32: 0>} : vector<16xi32>
    %eq3A = arith.constant 0 : i32
    %eq3A_3 = vector.broadcast %eq3A : i32 to vector<16xi32>
    %eq3A_4 = arith.cmpi eq, %iota3A, %eq3A_3 : vector<16xi32>
    %jit3A = arith.constant 1.000000e+00 : f32
    %jit3A_5 = arith.constant 0.000000e+00 : f32
    %broadcast_in_dim3A_6 = vector.broadcast %jit3A : f32 to vector<16xf32>
    %broadcast_in_dim3A_7 = vector.broadcast %jit3A_5 : f32 to vector<16xf32>
    %select_n3A = arith.select %eq3A_4, %broadcast_in_dim3A_6, %broadcast_in_dim3A_7 : vector<16xi1>, vector<16xf32>
    %scan3A = arith.constant 0 : i32
    %scan3A_8 = arith.constant 0 : i32
    %scan3A_9 = arith.constant 64 : i32
    %scan3A_10 = arith.addi %scan3A_8, %scan3A_9 : i32
    %scan3A_11 = arith.constant 1 : i32
    %scan3A_12 = scf.for %scan3A_98 = %scan3A_8 to %scan3A_10 step %scan3A_11 iter_args(%scan3A_99 = %scan3A) -> (i32)  : i32 {
      %swap3A = arith.index_cast %scan3A_98 : i32 to index
      %swap3A_100 = arith.constant 0 : index
      %swap3A_101 = tpu.vector_load %arg18[%swap3A, %swap3A_100] {strides = array<i32>} : memref<64x144xf32, #tpu.memory_space<vmem>>, vector<16xf32>,
      tpu.vector_store %arg18[%swap3A, %swap3A_100], %broadcast_in_dim3A_2 {strides = array<i32>} : memref<64x144xf32, #tpu.memory_space<vmem>>, vector<16xf32>,
      %swap3A_102 = arith.index_cast %scan3A_98 : i32 to index
      %swap3A_103 = arith.constant 16 : index
      %swap3A_104 = tpu.vector_load %arg18[%swap3A_102, %swap3A_103] {strides = array<i32>} : memref<64x144xf32, #tpu.memory_space<vmem>>, vector<16xf32>,
      tpu.vector_store %arg18[%swap3A_102, %swap3A_103], %broadcast_in_dim3A_2 {strides = array<i32>} : memref<64x144xf32, #tpu.memory_space<vmem>>, vector<16xf32>,
      %swap3A_105 = arith.index_cast %scan3A_98 : i32 to index
      %swap3A_106 = arith.constant 32 : index
      %swap3A_107 = tpu.vector_load %arg18[%swap3A_105, %swap3A_106] {strides = array<i32>} : memref<64x144xf32, #tpu.memory_space<vmem>>, vector<16xf32>,
      tpu.vector_store %arg18[%swap3A_105, %swap3A_106], %broadcast_in_dim3A_2 {strides = array<i32>} : memref<64x144xf32, #tpu.memory_space<vmem>>, vector<16xf32>,
      %swap3A_108 = arith.index_cast %scan3A_98 : i32 to index
      %swap3A_109 = arith.constant 48 : index
      %swap3A_110 = tpu.vector_load %arg18[%swap3A_108, %swap3A_109] {strides = array<i32>} : memref<64x144xf32, #tpu.memory_space<vmem>>, vector<16xf32>,
      tpu.vector_store %arg18[%swap3A_108, %swap3A_109], %broadcast_in_dim3A_2 {strides = array<i32>} : memref<64x144xf32, #tpu.memory_space<vmem>>, vector<16xf32>,
      %swap3A_111 = arith.index_cast %scan3A_98 : i32 to index
      %swap3A_112 = arith.constant 64 : index
      %swap3A_113 = tpu.vector_load %arg18[%swap3A_111, %swap3A_112] {strides = array<i32>} : memref<64x144xf32, #tpu.memory_space<vmem>>, vector<16xf32>,
      tpu.vector_store %arg18[%swap3A_111, %swap3A_112], %broadcast_in_dim3A_2 {strides = array<i32>} : memref<64x144xf32, #tpu.memory_space<vmem>>, vector<16xf32>,
      %swap3A_114 = arith.index_cast %scan3A_98 : i32 to index
      %swap3A_115 = arith.constant 80 : index
      %swap3A_116 = tpu.vector_load %arg18[%swap3A_114, %swap3A_115] {strides = array<i32>} : memref<64x144xf32, #tpu.memory_space<vmem>>, vector<16xf32>,
      tpu.vector_store %arg18[%swap3A_114, %swap3A_115], %broadcast_in_dim3A_2 {strides = array<i32>} : memref<64x144xf32, #tpu.memory_space<vmem>>, vector<16xf32>,
      %swap3A_117 = arith.index_cast %scan3A_98 : i32 to index
      %swap3A_118 = arith.constant 96 : index
      %swap3A_119 = tpu.vector_load %arg18[%swap3A_117, %swap3A_118] {strides = array<i32>} : memref<64x144xf32, #tpu.memory_space<vmem>>, vector<16xf32>,
      tpu.vector_store %arg18[%swap3A_117, %swap3A_118], %broadcast_in_dim3A_2 {strides = array<i32>} : memref<64x144xf32, #tpu.memory_space<vmem>>, vector<16xf32>,
      %swap3A_120 = arith.index_cast %scan3A_98 : i32 to index
      %swap3A_121 = arith.constant 112 : index
      %swap3A_122 = tpu.vector_load %arg18[%swap3A_120, %swap3A_121] {strides = array<i32>} : memref<64x144xf32, #tpu.memory_space<vmem>>, vector<16xf32>,
      tpu.vector_store %arg18[%swap3A_120, %swap3A_121], %broadcast_in_dim3A_2 {strides = array<i32>} : memref<64x144xf32, #tpu.memory_space<vmem>>, vector<16xf32>,
      %swap3A_123 = arith.index_cast %scan3A_98 : i32 to index
      %swap3A_124 = arith.constant 128 : index
      %swap3A_125 = tpu.vector_load %arg18[%swap3A_123, %swap3A_124] {strides = array<i32>} : memref<64x144xf32, #tpu.memory_space<vmem>>, vector<16xf32>,
      tpu.vector_store %arg18[%swap3A_123, %swap3A_124], %broadcast_in_dim3A_2 {strides = array<i32>} : memref<64x144xf32, #tpu.memory_space<vmem>>, vector<16xf32>,
      %scan3A_126 = arith.constant 0 : i32
      scf.yield %scan3A_126 : i32
    }
    %scan3A_13 = arith.constant 64 : i32
    %add3A_14 = arith.constant 0 : i32
    %add3A_15 = arith.addi %arg1, %add3A_14 : i32
    %lt3A = arith.constant 40 : i32
    %lt3A_16 = arith.cmpi slt, %add3A_15, %lt3A : i32
    %convert_element_type3A = arith.extui %lt3A_16 : i1 to i32
    %cond3A = arith.constant 0 : i32
    %cond3A_17 = arith.cmpi ne, %convert_element_type3A, %cond3A : i32
    scf.if %cond3A_17 {
      %mul3A_98 = arith.constant 128 : i32
      %mul3A_99 = arith.muli %add3A_15, %mul3A_98 : i32
      %multiple_of3A_100 = tpu.assume_multiple %mul3A_99, 8 : i32
      "tpu.region"() ({
        %run_scoped3A = tpu.sem_alloc : memref<!tpu.dma_semaphore, #tpu.memory_space<semaphore_mem>>
        %dma_start3A = arith.constant 0 : i32
        %dma_start3A_103 = tpu.memref_slice %arg19[%multiple_of3A_100, %dma_start3A] : memref<5120x144xf32, #tpu.memory_space<vmem_shared>> -> memref<64x144xf32, #tpu.memory_space<vmem_shared>>
        %dma_start3A_104 = arith.constant 0 : i32
        %dma_start3A_105 = tpu.memref_slice %arg19[%multiple_of3A_100, %dma_start3A_104] : memref<5120x144xf32, #tpu.memory_space<vmem_shared>> -> memref<64x144xf32, #tpu.memory_space<vmem_shared>>
        tpu.enqueue_dma source(%arg18 : memref<64x144xf32, #tpu.memory_space<vmem>>) target(%dma_start3A_105 : memref<64x144xf32, #tpu.memory_space<vmem_shared>>) target_semaphore(%run_scoped3A : memref<!tpu.dma_semaphore, #tpu.memory_space<semaphore_mem>>)
        %dma_wait3A = arith.constant 0 : i32
        %dma_wait3A_106 = tpu.memref_slice %arg19[%multiple_of3A_100, %dma_wait3A] : memref<5120x144xf32, #tpu.memory_space<vmem_shared>> -> memref<64x144xf32, #tpu.memory_space<vmem_shared>>
        %dma_wait3A_107 = arith.constant 0 : i32
        %dma_wait3A_108 = tpu.memref_slice %arg19[%multiple_of3A_100, %dma_wait3A_107] : memref<5120x144xf32, #tpu.memory_space<vmem_shared>> -> memref<64x144xf32, #tpu.memory_space<vmem_shared>>
        tpu.wait_dma2 semaphore(%run_scoped3A : memref<!tpu.dma_semaphore, #tpu.memory_space<semaphore_mem>>) src(%arg18 : memref<64x144xf32, #tpu.memory_space<vmem>>) dst(%dma_wait3A_108 : memref<64x144xf32, #tpu.memory_space<vmem_shared>>)
        tpu.yield
      }) : () -> ()
      %add3A_101 = arith.constant 64 : i32
      %add3A_102 = arith.addi %multiple_of3A_100, %add3A_101 : i32
      "tpu.region"() ({
        %run_scoped3A = tpu.sem_alloc : memref<!tpu.dma_semaphore, #tpu.memory_space<semaphore_mem>>
        %dma_start3A = arith.constant 0 : i32
        %dma_start3A_103 = tpu.memref_slice %arg19[%add3A_102, %dma_start3A] : memref<5120x144xf32, #tpu.memory_space<vmem_shared>> -> memref<64x144xf32, #tpu.memory_space<vmem_shared>>
        %dma_start3A_104 = arith.constant 0 : i32
        %dma_start3A_105 = tpu.memref_slice %arg19[%add3A_102, %dma_start3A_104] : memref<5120x144xf32, #tpu.memory_space<vmem_shared>> -> memref<64x144xf32, #tpu.memory_space<vmem_shared>>
        tpu.enqueue_dma source(%arg18 : memref<64x144xf32, #tpu.memory_space<vmem>>) target(%dma_start3A_105 : memref<64x144xf32, #tpu.memory_space<vmem_shared>>) target_semaphore(%run_scoped3A : memref<!tpu.dma_semaphore, #tpu.memory_space<semaphore_mem>>)
        %dma_wait3A = arith.constant 0 : i32
        %dma_wait3A_106 = tpu.memref_slice %arg19[%add3A_102, %dma_wait3A] : memref<5120x144xf32, #tpu.memory_space<vmem_shared>> -> memref<64x144xf32, #tpu.memory_space<vmem_shared>>
        %dma_wait3A_107 = arith.constant 0 : i32
        %dma_wait3A_108 = tpu.memref_slice %arg19[%add3A_102, %dma_wait3A_107] : memref<5120x144xf32, #tpu.memory_space<vmem_shared>> -> memref<64x144xf32, #tpu.memory_space<vmem_shared>>
        tpu.wait_dma2 semaphore(%run_scoped3A : memref<!tpu.dma_semaphore, #tpu.memory_space<semaphore_mem>>) src(%arg18 : memref<64x144xf32, #tpu.memory_space<vmem>>) dst(%dma_wait3A_108 : memref<64x144xf32, #tpu.memory_space<vmem_shared>>)
        tpu.yield
      }) : () -> ()
    } else {
    }
    %add3A_18 = arith.constant 16 : i32
    %add3A_19 = arith.addi %arg1, %add3A_18 : i32
    %lt3A_20 = arith.constant 40 : i32
    %lt3A_21 = arith.cmpi slt, %add3A_19, %lt3A_20 : i32
    %convert_element_type3A_22 = arith.extui %lt3A_21 : i1 to i32
    %cond3A_23 = arith.constant 0 : i32
    %cond3A_24 = arith.cmpi ne, %convert_element_type3A_22, %cond3A_23 : i32
    scf.if %cond3A_24 {
      %mul3A_98 = arith.constant 128 : i32
      %mul3A_99 = arith.muli %add3A_19, %mul3A_98 : i32
      %multiple_of3A_100 = tpu.assume_multiple %mul3A_99, 8 : i32
      "tpu.region"() ({
        %run_scoped3A = tpu.sem_alloc : memref<!tpu.dma_semaphore, #tpu.memory_space<semaphore_mem>>
        %dma_start3A = arith.constant 0 : i32
        %dma_start3A_103 = tpu.memref_slice %arg19[%multiple_of3A_100, %dma_start3A] : memref<5120x144xf32, #tpu.memory_space<vmem_shared>> -> memref<64x144xf32, #tpu.memory_space<vmem_shared>>
        %dma_start3A_104 = arith.constant 0 : i32
        %dma_start3A_105 = tpu.memref_slice %arg19[%multiple_of3A_100, %dma_start3A_104] : memref<5120x144xf32, #tpu.memory_space<vmem_shared>> -> memref<64x144xf32, #tpu.memory_space<vmem_shared>>
        tpu.enqueue_dma source(%arg18 : memref<64x144xf32, #tpu.memory_space<vmem>>) target(%dma_start3A_105 : memref<64x144xf32, #tpu.memory_space<vmem_shared>>) target_semaphore(%run_scoped3A : memref<!tpu.dma_semaphore, #tpu.memory_space<semaphore_mem>>)
        %dma_wait3A = arith.constant 0 : i32
        %dma_wait3A_106 = tpu.memref_slice %arg19[%multiple_of3A_100, %dma_wait3A] : memref<5120x144xf32, #tpu.memory_space<vmem_shared>> -> memref<64x144xf32, #tpu.memory_space<vmem_shared>>
        %dma_wait3A_107 = arith.constant 0 : i32
        %dma_wait3A_108 = tpu.memref_slice %arg19[%multiple_of3A_100, %dma_wait3A_107] : memref<5120x144xf32, #tpu.memory_space<vmem_shared>> -> memref<64x144xf32, #tpu.memory_space<vmem_shared>>
        tpu.wait_dma2 semaphore(%run_scoped3A : memref<!tpu.dma_semaphore, #tpu.memory_space<semaphore_mem>>) src(%arg18 : memref<64x144xf32, #tpu.memory_space<vmem>>) dst(%dma_wait3A_108 : memref<64x144xf32, #tpu.memory_space<vmem_shared>>)
        tpu.yield
      }) : () -> ()
      %add3A_101 = arith.constant 64 : i32
      %add3A_102 = arith.addi %multiple_of3A_100, %add3A_101 : i32
      "tpu.region"() ({
        %run_scoped3A = tpu.sem_alloc : memref<!tpu.dma_semaphore, #tpu.memory_space<semaphore_mem>>
        %dma_start3A = arith.constant 0 : i32
        %dma_start3A_103 = tpu.memref_slice %arg19[%add3A_102, %dma_start3A] : memref<5120x144xf32, #tpu.memory_space<vmem_shared>> -> memref<64x144xf32, #tpu.memory_space<vmem_shared>>
        %dma_start3A_104 = arith.constant 0 : i32
        %dma_start3A_105 = tpu.memref_slice %arg19[%add3A_102, %dma_start3A_104] : memref<5120x144xf32, #tpu.memory_space<vmem_shared>> -> memref<64x144xf32, #tpu.memory_space<vmem_shared>>
        tpu.enqueue_dma source(%arg18 : memref<64x144xf32, #tpu.memory_space<vmem>>) target(%dma_start3A_105 : memref<64x144xf32, #tpu.memory_space<vmem_shared>>) target_semaphore(%run_scoped3A : memref<!tpu.dma_semaphore, #tpu.memory_space<semaphore_mem>>)
        %dma_wait3A = arith.constant 0 : i32
        %dma_wait3A_106 = tpu.memref_slice %arg19[%add3A_102, %dma_wait3A] : memref<5120x144xf32, #tpu.memory_space<vmem_shared>> -> memref<64x144xf32, #tpu.memory_space<vmem_shared>>
        %dma_wait3A_107 = arith.constant 0 : i32
        %dma_wait3A_108 = tpu.memref_slice %arg19[%add3A_102, %dma_wait3A_107] : memref<5120x144xf32, #tpu.memory_space<vmem_shared>> -> memref<64x144xf32, #tpu.memory_space<vmem_shared>>
        tpu.wait_dma2 semaphore(%run_scoped3A : memref<!tpu.dma_semaphore, #tpu.memory_space<semaphore_mem>>) src(%arg18 : memref<64x144xf32, #tpu.memory_space<vmem>>) dst(%dma_wait3A_108 : memref<64x144xf32, #tpu.memory_space<vmem_shared>>)
        tpu.yield
      }) : () -> ()
    } else {
    }
    %add3A_25 = arith.constant 32 : i32
    %add3A_26 = arith.addi %arg1, %add3A_25 : i32
    %lt3A_27 = arith.constant 40 : i32
    %lt3A_28 = arith.cmpi slt, %add3A_26, %lt3A_27 : i32
    %convert_element_type3A_29 = arith.extui %lt3A_28 : i1 to i32
    %cond3A_30 = arith.constant 0 : i32
    %cond3A_31 = arith.cmpi ne, %convert_element_type3A_29, %cond3A_30 : i32
    scf.if %cond3A_31 {
      %mul3A_98 = arith.constant 128 : i32
      %mul3A_99 = arith.muli %add3A_26, %mul3A_98 : i32
      %multiple_of3A_100 = tpu.assume_multiple %mul3A_99, 8 : i32
      "tpu.region"() ({
        %run_scoped3A = tpu.sem_alloc : memref<!tpu.dma_semaphore, #tpu.memory_space<semaphore_mem>>
        %dma_start3A = arith.constant 0 : i32
        %dma_start3A_103 = tpu.memref_slice %arg19[%multiple_of3A_100, %dma_start3A] : memref<5120x144xf32, #tpu.memory_space<vmem_shared>> -> memref<64x144xf32, #tpu.memory_space<vmem_shared>>
        %dma_start3A_104 = arith.constant 0 : i32
        %dma_start3A_105 = tpu.memref_slice %arg19[%multiple_of3A_100, %dma_start3A_104] : memref<5120x144xf32, #tpu.memory_space<vmem_shared>> -> memref<64x144xf32, #tpu.memory_space<vmem_shared>>
        tpu.enqueue_dma source(%arg18 : memref<64x144xf32, #tpu.memory_space<vmem>>) target(%dma_start3A_105 : memref<64x144xf32, #tpu.memory_space<vmem_shared>>) target_semaphore(%run_scoped3A : memref<!tpu.dma_semaphore, #tpu.memory_space<semaphore_mem>>)
        %dma_wait3A = arith.constant 0 : i32
        %dma_wait3A_106 = tpu.memref_slice %arg19[%multiple_of3A_100, %dma_wait3A] : memref<5120x144xf32, #tpu.memory_space<vmem_shared>> -> memref<64x144xf32, #tpu.memory_space<vmem_shared>>
        %dma_wait3A_107 = arith.constant 0 : i32
        %dma_wait3A_108 = tpu.memref_slice %arg19[%multiple_of3A_100, %dma_wait3A_107] : memref<5120x144xf32, #tpu.memory_space<vmem_shared>> -> memref<64x144xf32, #tpu.memory_space<vmem_shared>>
        tpu.wait_dma2 semaphore(%run_scoped3A : memref<!tpu.dma_semaphore, #tpu.memory_space<semaphore_mem>>) src(%arg18 : memref<64x144xf32, #tpu.memory_space<vmem>>) dst(%dma_wait3A_108 : memref<64x144xf32, #tpu.memory_space<vmem_shared>>)
        tpu.yield
      }) : () -> ()
      %add3A_101 = arith.constant 64 : i32
      %add3A_102 = arith.addi %multiple_of3A_100, %add3A_101 : i32
      "tpu.region"() ({
        %run_scoped3A = tpu.sem_alloc : memref<!tpu.dma_semaphore, #tpu.memory_space<semaphore_mem>>
        %dma_start3A = arith.constant 0 : i32
        %dma_start3A_103 = tpu.memref_slice %arg19[%add3A_102, %dma_start3A] : memref<5120x144xf32, #tpu.memory_space<vmem_shared>> -> memref<64x144xf32, #tpu.memory_space<vmem_shared>>
        %dma_start3A_104 = arith.constant 0 : i32
        %dma_start3A_105 = tpu.memref_slice %arg19[%add3A_102, %dma_start3A_104] : memref<5120x144xf32, #tpu.memory_space<vmem_shared>> -> memref<64x144xf32, #tpu.memory_space<vmem_shared>>
        tpu.enqueue_dma source(%arg18 : memref<64x144xf32, #tpu.memory_space<vmem>>) target(%dma_start3A_105 : memref<64x144xf32, #tpu.memory_space<vmem_shared>>) target_semaphore(%run_scoped3A : memref<!tpu.dma_semaphore, #tpu.memory_space<semaphore_mem>>)
        %dma_wait3A = arith.constant 0 : i32
        %dma_wait3A_106 = tpu.memref_slice %arg19[%add3A_102, %dma_wait3A] : memref<5120x144xf32, #tpu.memory_space<vmem_shared>> -> memref<64x144xf32, #tpu.memory_space<vmem_shared>>
        %dma_wait3A_107 = arith.constant 0 : i32
        %dma_wait3A_108 = tpu.memref_slice %arg19[%add3A_102, %dma_wait3A_107] : memref<5120x144xf32, #tpu.memory_space<vmem_shared>> -> memref<64x144xf32, #tpu.memory_space<vmem_shared>>
        tpu.wait_dma2 semaphore(%run_scoped3A : memref<!tpu.dma_semaphore, #tpu.memory_space<semaphore_mem>>) src(%arg18 : memref<64x144xf32, #tpu.memory_space<vmem>>) dst(%dma_wait3A_108 : memref<64x144xf32, #tpu.memory_space<vmem_shared>>)
        tpu.yield
      }) : () -> ()
    } else {
    }
    %barrier3A = arith.constant 0 : index
    tpu.barrier barrier_id(%barrier3A)
    %scan3A_32 = arith.constant 0 : i32
    %scan3A_33 = arith.constant 0 : i32
    %scan3A_34 = arith.constant 157 : i32
    %scan3A_35 = arith.addi %scan3A_33, %scan3A_34 : i32
    %scan3A_36 = arith.constant 1 : i32
    %scan3A_37 = scf.for %scan3A_98 = %scan3A_33 to %scan3A_35 step %scan3A_36 iter_args(%scan3A_99 = %scan3A_32) -> (i32)  : i32 {
      %mul3A_100 = arith.constant 16 : i32
      %mul3A_101 = arith.muli %mul3A_100, %scan3A_98 : i32
      %add3A_102 = arith.addi %arg1, %mul3A_101 : i32
      %lt3A_103 = arith.constant 2500 : i32
      %lt3A_104 = arith.cmpi slt, %add3A_102, %lt3A_103 : i32
      %convert_element_type3A_105 = arith.extui %lt3A_104 : i1 to i32
      %cond3A_106 = arith.constant 0 : i32
      %cond3A_107 = arith.cmpi ne, %convert_element_type3A_105, %cond3A_106 : i32
      scf.if %cond3A_107 {
        %mul3A_109 = arith.constant 128 : i32
        %mul3A_110 = arith.muli %add3A_102, %mul3A_109 : i32
        "tpu.region"() ({
          %run_scoped3A = tpu.sem_alloc : memref<!tpu.dma_semaphore, #tpu.memory_space<semaphore_mem>>
          %dma_start3A_129 = tpu.memref_slice %arg4[%mul3A_110] : memref<320000xi32, #tpu.memory_space<hbm>> -> memref<128xi32, #tpu.memory_space<hbm>>
          %dma_start3A_130 = tpu.memref_slice %arg4[%mul3A_110] : memref<320000xi32, #tpu.memory_space<hbm>> -> memref<128xi32, #tpu.memory_space<hbm>>
          tpu.enqueue_dma source(%dma_start3A_130 : memref<128xi32, #tpu.memory_space<hbm>>) target(%arg10 : memref<128xi32, #tpu.memory_space<vmem>>) target_semaphore(%run_scoped3A : memref<!tpu.dma_semaphore, #tpu.memory_space<semaphore_mem>>)
          %dma_wait3A_131 = tpu.memref_slice %arg4[%mul3A_110] : memref<320000xi32, #tpu.memory_space<hbm>> -> memref<128xi32, #tpu.memory_space<hbm>>
          %dma_wait3A_132 = tpu.memref_slice %arg4[%mul3A_110] : memref<320000xi32, #tpu.memory_space<hbm>> -> memref<128xi32, #tpu.memory_space<hbm>>
          tpu.wait_dma2 semaphore(%run_scoped3A : memref<!tpu.dma_semaphore, #tpu.memory_space<semaphore_mem>>) src(%dma_wait3A_132 : memref<128xi32, #tpu.memory_space<hbm>>) dst(%arg10 : memref<128xi32, #tpu.memory_space<vmem>>)
          tpu.yield
        }) : () -> ()
        "tpu.region"() ({
          %run_scoped3A = tpu.sem_alloc : memref<!tpu.dma_semaphore, #tpu.memory_space<semaphore_mem>>
          %dma_start3A_129 = tpu.memref_slice %arg5[%mul3A_110] : memref<320000xi32, #tpu.memory_space<hbm>> -> memref<128xi32, #tpu.memory_space<hbm>>
          %dma_start3A_130 = tpu.memref_slice %arg5[%mul3A_110] : memref<320000xi32, #tpu.memory_space<hbm>> -> memref<128xi32, #tpu.memory_space<hbm>>
          tpu.enqueue_dma source(%dma_start3A_130 : memref<128xi32, #tpu.memory_space<hbm>>) target(%arg11 : memref<128xi32, #tpu.memory_space<vmem>>) target_semaphore(%run_scoped3A : memref<!tpu.dma_semaphore, #tpu.memory_space<semaphore_mem>>)
          %dma_wait3A_131 = tpu.memref_slice %arg5[%mul3A_110] : memref<320000xi32, #tpu.memory_space<hbm>> -> memref<128xi32, #tpu.memory_space<hbm>>
          %dma_wait3A_132 = tpu.memref_slice %arg5[%mul3A_110] : memref<320000xi32, #tpu.memory_space<hbm>> -> memref<128xi32, #tpu.memory_space<hbm>>
          tpu.wait_dma2 semaphore(%run_scoped3A : memref<!tpu.dma_semaphore, #tpu.memory_space<semaphore_mem>>) src(%dma_wait3A_132 : memref<128xi32, #tpu.memory_space<hbm>>) dst(%arg11 : memref<128xi32, #tpu.memory_space<vmem>>)
          tpu.yield
        }) : () -> ()
        %scan3A_111 = arith.constant 0 : i32
        %scan3A_112 = arith.constant 0 : i32
        %scan3A_113 = arith.constant 8 : i32
        %scan3A_114 = arith.addi %scan3A_112, %scan3A_113 : i32
        %scan3A_115 = arith.constant 1 : i32
        %scan3A_116 = scf.for %scan3A_129 = %scan3A_112 to %scan3A_114 step %scan3A_115 iter_args(%scan3A_130 = %scan3A_111) -> (i32)  : i32 {
          %mul3A_131 = arith.constant 16 : i32
          %mul3A_132 = arith.muli %scan3A_129, %mul3A_131 : i32
          %get3A_133 = arith.index_cast %mul3A_132 : i32 to index
          %get3A_134 = tpu.vector_load %arg10[%get3A_133] {strides = array<i32>} : memref<128xi32, #tpu.memory_space<vmem>>, vector<16xi32>,
          %mul3A_135 = arith.constant 16 : i32
          %mul3A_136 = arith.muli %scan3A_129, %mul3A_135 : i32
          %get3A_137 = arith.index_cast %mul3A_136 : i32 to index
          %get3A_138 = tpu.vector_load %arg11[%get3A_137] {strides = array<i32>} : memref<128xi32, #tpu.memory_space<vmem>>, vector<16xi32>,
          %gather3A = tpu.vector_load_idx %arg8[%get3A_134] : memref<10000xf32, #tpu.memory_space<vmem>>[vector<16xi32>], vector<16xf32>,
          %gather3A_139 = tpu.vector_load_idx %arg9[%get3A_138] : memref<10000xf32, #tpu.memory_space<vmem>>[vector<16xi32>], vector<16xf32>,
          %add3A_140 = arith.addf %gather3A, %gather3A_139 : vector<16xf32>
          %mul3A_141 = arith.constant 2.000000e-01 : f32
          %mul3A_142 = vector.broadcast %mul3A_141 : f32 to vector<16xf32>
          %mul3A_143 = arith.mulf %mul3A_142, %add3A_140 : vector<16xf32>
          %max3A = arith.maximumf %add3A_140, %mul3A_143 : vector<16xf32>
          %sub3A = arith.subf %max3A, %get3A_1 : vector<16xf32>
          %exp3A = math.exp %sub3A : vector<16xf32>
          %mul3A_144 = arith.constant 16 : i32
          %mul3A_145 = arith.muli %scan3A_129, %mul3A_144 : i32
          %swap3A = arith.index_cast %mul3A_145 : i32 to index
          %swap3A_146 = tpu.vector_load %arg16[%swap3A] {strides = array<i32>} : memref<128xf32, #tpu.memory_space<vmem>>, vector<16xf32>,
          tpu.vector_store %arg16[%swap3A], %exp3A {strides = array<i32>} : memref<128xf32, #tpu.memory_space<vmem>>, vector<16xf32>,
          %mul3A_147 = arith.constant 10000 : i32
          %mul3A_148 = arith.muli %arg0, %mul3A_147 : i32
          %add3A_149 = vector.broadcast %mul3A_148 : i32 to vector<16xi32>
          %add3A_150 = arith.addi %get3A_134, %add3A_149 : vector<16xi32>
          %mul3A_151 = arith.constant 16 : i32
          %mul3A_152 = arith.muli %scan3A_129, %mul3A_151 : i32
          %swap3A_153 = arith.index_cast %mul3A_152 : i32 to index
          %swap3A_154 = tpu.vector_load %arg12[%swap3A_153] {strides = array<i32>} : memref<128xi32, #tpu.memory_space<vmem>>, vector<16xi32>,
          tpu.vector_store %arg12[%swap3A_153], %add3A_150 {strides = array<i32>} : memref<128xi32, #tpu.memory_space<vmem>>, vector<16xi32>,
          %sub3A_155 = arith.constant 0 : i32
          %sub3A_156 = vector.broadcast %sub3A_155 : i32 to vector<16xi32>
          %sub3A_157 = arith.subi %get3A_138, %sub3A_156 : vector<16xi32>
          %ge3A = arith.constant 0 : i32
          %ge3A_158 = vector.broadcast %ge3A : i32 to vector<16xi32>
          %ge3A_159 = arith.cmpi sge, %sub3A_157, %ge3A_158 : vector<16xi32>
          %lt3A_160 = arith.constant 5000 : i32
          %lt3A_161 = vector.broadcast %lt3A_160 : i32 to vector<16xi32>
          %lt3A_162 = arith.cmpi slt, %sub3A_157, %lt3A_161 : vector<16xi32>
          %and3A = arith.andi %ge3A_159, %lt3A_162 : vector<16xi1>
          %jit3A_163 = arith.constant 5060 : i32
          %broadcast_in_dim3A_164 = vector.broadcast %jit3A_163 : i32 to vector<16xi32>
          %select_n3A_165 = arith.select %and3A, %sub3A_157, %broadcast_in_dim3A_164 : vector<16xi1>, vector<16xi32>
          %mul3A_166 = arith.constant 16 : i32
          %mul3A_167 = arith.muli %scan3A_129, %mul3A_166 : i32
          %swap3A_168 = arith.index_cast %mul3A_167 : i32 to index
          %swap3A_169 = tpu.vector_load %arg13[%swap3A_168] {strides = array<i32>} : memref<128xi32, #tpu.memory_space<vmem>>, vector<16xi32>,
          tpu.vector_store %arg13[%swap3A_168], %select_n3A_165 {strides = array<i32>} : memref<128xi32, #tpu.memory_space<vmem>>, vector<16xi32>,
          %scan3A_170 = arith.constant 0 : i32
          scf.yield %scan3A_170 : i32
        }
        %scan3A_117 = arith.constant 8 : i32
        %dma_start3A = arith.constant 0 : i32
        %dma_start3A_118 = arith.constant 0 : i32
        %dma_start3A_119 = tpu.memref_slice %arg2[%dma_start3A, %dma_start3A_118] : memref<20000x128xf32, #tpu.memory_space<hbm>> -> memref<20000x128xf32, #tpu.memory_space<hbm>>
        tpu.enqueue_indirect_dma source(%dma_start3A_119 : memref<20000x128xf32, #tpu.memory_space<hbm>>) target(%arg14 : memref<128x128xf32, #tpu.memory_space<vmem>>) offsets(%arg12 : memref<128xi32, #tpu.memory_space<vmem>>) semaphore(%arg20 : memref<!tpu.dma_semaphore, #tpu.memory_space<semaphore_mem>>)
        %dma_wait3A = arith.constant 0 : i32
        %dma_wait3A_120 = arith.constant 0 : i32
        %dma_wait3A_121 = tpu.memref_slice %arg2[%dma_wait3A, %dma_wait3A_120] : memref<20000x128xf32, #tpu.memory_space<hbm>> -> memref<20000x128xf32, #tpu.memory_space<hbm>>
        tpu.wait_indirect_dma semaphore(%arg20 : memref<!tpu.dma_semaphore, #tpu.memory_space<semaphore_mem>>) src(%dma_wait3A_121 : memref<20000x128xf32, #tpu.memory_space<hbm>>) dst(%arg14 : memref<128x128xf32, #tpu.memory_space<vmem>>)
        %scan3A_122 = arith.constant 0 : i32
        %scan3A_123 = arith.constant 0 : i32
        %scan3A_124 = arith.constant 8 : i32
        %scan3A_125 = arith.addi %scan3A_123, %scan3A_124 : i32
        %scan3A_126 = arith.constant 1 : i32
        %scan3A_127 = scf.for %scan3A_129 = %scan3A_123 to %scan3A_125 step %scan3A_126 iter_args(%scan3A_130 = %scan3A_122) -> (i32)  : i32 {
          %mul3A_131 = arith.constant 16 : i32
          %mul3A_132 = arith.muli %scan3A_129, %mul3A_131 : i32
          %get3A_133 = arith.index_cast %mul3A_132 : i32 to index
          %get3A_134 = tpu.vector_load %arg16[%get3A_133] {strides = array<i32>} : memref<128xf32, #tpu.memory_space<vmem>>, vector<16xf32>,
          %slice3A = vector.extract_strided_slice %get3A_134 {offsets = [0], sizes = [1], strides = [1]} : vector<16xf32> to vector<1xf32>
          %squeeze3A = vector.extract %slice3A[0] : f32 from vector<1xf32>
          %mul3A_135 = arith.constant 16 : i32
          %mul3A_136 = arith.muli %scan3A_129, %mul3A_135 : i32
          %add3A_137 = arith.constant 0 : i32
          %add3A_138 = arith.addi %mul3A_136, %add3A_137 : i32
          %get3A_139 = arith.index_cast %add3A_138 : i32 to index
          %get3A_140 = arith.constant 0 : index
          %get3A_141 = tpu.vector_load %arg14[%get3A_139, %get3A_140] {strides = array<i32>} : memref<128x128xf32, #tpu.memory_space<vmem>>, vector<16xf32>,
          %mul3A_142 = vector.broadcast %squeeze3A : f32 to vector<16xf32>
          %mul3A_143 = arith.mulf %get3A_141, %mul3A_142 : vector<16xf32>
          %swap3A = arith.index_cast %add3A_138 : i32 to index
          %swap3A_144 = arith.constant 0 : index
          %swap3A_145 = tpu.vector_load %arg15[%swap3A, %swap3A_144] {strides = array<i32>} : memref<128x144xf32, #tpu.memory_space<vmem>>, vector<16xf32>,
          tpu.vector_store %arg15[%swap3A, %swap3A_144], %mul3A_143 {strides = array<i32>} : memref<128x144xf32, #tpu.memory_space<vmem>>, vector<16xf32>,
          %get3A_146 = arith.index_cast %add3A_138 : i32 to index
          %get3A_147 = arith.constant 16 : index
          %get3A_148 = tpu.vector_load %arg14[%get3A_146, %get3A_147] {strides = array<i32>} : memref<128x128xf32, #tpu.memory_space<vmem>>, vector<16xf32>,
          %mul3A_149 = vector.broadcast %squeeze3A : f32 to vector<16xf32>
          %mul3A_150 = arith.mulf %get3A_148, %mul3A_149 : vector<16xf32>
          %swap3A_151 = arith.index_cast %add3A_138 : i32 to index
          %swap3A_152 = arith.constant 16 : index
          %swap3A_153 = tpu.vector_load %arg15[%swap3A_151, %swap3A_152] {strides = array<i32>} : memref<128x144xf32, #tpu.memory_space<vmem>>, vector<16xf32>,
          tpu.vector_store %arg15[%swap3A_151, %swap3A_152], %mul3A_150 {strides = array<i32>} : memref<128x144xf32, #tpu.memory_space<vmem>>, vector<16xf32>,
          %get3A_154 = arith.index_cast %add3A_138 : i32 to index
          %get3A_155 = arith.constant 32 : index
          %get3A_156 = tpu.vector_load %arg14[%get3A_154, %get3A_155] {strides = array<i32>} : memref<128x128xf32, #tpu.memory_space<vmem>>, vector<16xf32>,
          %mul3A_157 = vector.broadcast %squeeze3A : f32 to vector<16xf32>
          %mul3A_158 = arith.mulf %get3A_156, %mul3A_157 : vector<16xf32>
          %swap3A_159 = arith.index_cast %add3A_138 : i32 to index
          %swap3A_160 = arith.constant 32 : index
          %swap3A_161 = tpu.vector_load %arg15[%swap3A_159, %swap3A_160] {strides = array<i32>} : memref<128x144xf32, #tpu.memory_space<vmem>>, vector<16xf32>,
          tpu.vector_store %arg15[%swap3A_159, %swap3A_160], %mul3A_158 {strides = array<i32>} : memref<128x144xf32, #tpu.memory_space<vmem>>, vector<16xf32>,
          %get3A_162 = arith.index_cast %add3A_138 : i32 to index
          %get3A_163 = arith.constant 48 : index
          %get3A_164 = tpu.vector_load %arg14[%get3A_162, %get3A_163] {strides = array<i32>} : memref<128x128xf32, #tpu.memory_space<vmem>>, vector<16xf32>,
          %mul3A_165 = vector.broadcast %squeeze3A : f32 to vector<16xf32>
          %mul3A_166 = arith.mulf %get3A_164, %mul3A_165 : vector<16xf32>
          %swap3A_167 = arith.index_cast %add3A_138 : i32 to index
          %swap3A_168 = arith.constant 48 : index
          %swap3A_169 = tpu.vector_load %arg15[%swap3A_167, %swap3A_168] {strides = array<i32>} : memref<128x144xf32, #tpu.memory_space<vmem>>, vector<16xf32>,
          tpu.vector_store %arg15[%swap3A_167, %swap3A_168], %mul3A_166 {strides = array<i32>} : memref<128x144xf32, #tpu.memory_space<vmem>>, vector<16xf32>,
          %get3A_170 = arith.index_cast %add3A_138 : i32 to index
          %get3A_171 = arith.constant 64 : index
          %get3A_172 = tpu.vector_load %arg14[%get3A_170, %get3A_171] {strides = array<i32>} : memref<128x128xf32, #tpu.memory_space<vmem>>, vector<16xf32>,
          %mul3A_173 = vector.broadcast %squeeze3A : f32 to vector<16xf32>
          %mul3A_174 = arith.mulf %get3A_172, %mul3A_173 : vector<16xf32>
          %swap3A_175 = arith.index_cast %add3A_138 : i32 to index
          %swap3A_176 = arith.constant 64 : index
          %swap3A_177 = tpu.vector_load %arg15[%swap3A_175, %swap3A_176] {strides = array<i32>} : memref<128x144xf32, #tpu.memory_space<vmem>>, vector<16xf32>,
          tpu.vector_store %arg15[%swap3A_175, %swap3A_176], %mul3A_174 {strides = array<i32>} : memref<128x144xf32, #tpu.memory_space<vmem>>, vector<16xf32>,
          %get3A_178 = arith.index_cast %add3A_138 : i32 to index
          %get3A_179 = arith.constant 80 : index
          %get3A_180 = tpu.vector_load %arg14[%get3A_178, %get3A_179] {strides = array<i32>} : memref<128x128xf32, #tpu.memory_space<vmem>>, vector<16xf32>,
          %mul3A_181 = vector.broadcast %squeeze3A : f32 to vector<16xf32>
          %mul3A_182 = arith.mulf %get3A_180, %mul3A_181 : vector<16xf32>
          %swap3A_183 = arith.index_cast %add3A_138 : i32 to index
          %swap3A_184 = arith.constant 80 : index
          %swap3A_185 = tpu.vector_load %arg15[%swap3A_183, %swap3A_184] {strides = array<i32>} : memref<128x144xf32, #tpu.memory_space<vmem>>, vector<16xf32>,
          tpu.vector_store %arg15[%swap3A_183, %swap3A_184], %mul3A_182 {strides = array<i32>} : memref<128x144xf32, #tpu.memory_space<vmem>>, vector<16xf32>,
          %get3A_186 = arith.index_cast %add3A_138 : i32 to index
          %get3A_187 = arith.constant 96 : index
          %get3A_188 = tpu.vector_load %arg14[%get3A_186, %get3A_187] {strides = array<i32>} : memref<128x128xf32, #tpu.memory_space<vmem>>, vector<16xf32>,
          %mul3A_189 = vector.broadcast %squeeze3A : f32 to vector<16xf32>
          %mul3A_190 = arith.mulf %get3A_188, %mul3A_189 : vector<16xf32>
          %swap3A_191 = arith.index_cast %add3A_138 : i32 to index
          %swap3A_192 = arith.constant 96 : index
          %swap3A_193 = tpu.vector_load %arg15[%swap3A_191, %swap3A_192] {strides = array<i32>} : memref<128x144xf32, #tpu.memory_space<vmem>>, vector<16xf32>,
          tpu.vector_store %arg15[%swap3A_191, %swap3A_192], %mul3A_190 {strides = array<i32>} : memref<128x144xf32, #tpu.memory_space<vmem>>, vector<16xf32>,
          %get3A_194 = arith.index_cast %add3A_138 : i32 to index
          %get3A_195 = arith.constant 112 : index
          %get3A_196 = tpu.vector_load %arg14[%get3A_194, %get3A_195] {strides = array<i32>} : memref<128x128xf32, #tpu.memory_space<vmem>>, vector<16xf32>,
          %mul3A_197 = vector.broadcast %squeeze3A : f32 to vector<16xf32>
          %mul3A_198 = arith.mulf %get3A_196, %mul3A_197 : vector<16xf32>
          %swap3A_199 = arith.index_cast %add3A_138 : i32 to index
          %swap3A_200 = arith.constant 112 : index
          %swap3A_201 = tpu.vector_load %arg15[%swap3A_199, %swap3A_200] {strides = array<i32>} : memref<128x144xf32, #tpu.memory_space<vmem>>, vector<16xf32>,
          tpu.vector_store %arg15[%swap3A_199, %swap3A_200], %mul3A_198 {strides = array<i32>} : memref<128x144xf32, #tpu.memory_space<vmem>>, vector<16xf32>,
          %mul3A_202 = vector.broadcast %squeeze3A : f32 to vector<16xf32>
          %mul3A_203 = arith.mulf %select_n3A, %mul3A_202 : vector<16xf32>
          %swap3A_204 = arith.index_cast %add3A_138 : i32 to index
          %swap3A_205 = arith.constant 128 : index
          %swap3A_206 = tpu.vector_load %arg15[%swap3A_204, %swap3A_205] {strides = array<i32>} : memref<128x144xf32, #tpu.memory_space<vmem>>, vector<16xf32>,
          tpu.vector_store %arg15[%swap3A_204, %swap3A_205], %mul3A_203 {strides = array<i32>} : memref<128x144xf32, #tpu.memory_space<vmem>>, vector<16xf32>,
          %slice3A_207 = vector.extract_strided_slice %get3A_134 {offsets = [1], sizes = [1], strides = [1]} : vector<16xf32> to vector<1xf32>
          %squeeze3A_208 = vector.extract %slice3A_207[0] : f32 from vector<1xf32>
          %mul3A_209 = arith.constant 16 : i32
          %mul3A_210 = arith.muli %scan3A_129, %mul3A_209 : i32
          %add3A_211 = arith.constant 1 : i32
          %add3A_212 = arith.addi %mul3A_210, %add3A_211 : i32
          %get3A_213 = arith.index_cast %add3A_212 : i32 to index
          %get3A_214 = arith.constant 0 : index
          %get3A_215 = tpu.vector_load %arg14[%get3A_213, %get3A_214] {strides = array<i32>} : memref<128x128xf32, #tpu.memory_space<vmem>>, vector<16xf32>,
          %mul3A_216 = vector.broadcast %squeeze3A_208 : f32 to vector<16xf32>
          %mul3A_217 = arith.mulf %get3A_215, %mul3A_216 : vector<16xf32>
          %swap3A_218 = arith.index_cast %add3A_212 : i32 to index
          %swap3A_219 = arith.constant 0 : index
          %swap3A_220 = tpu.vector_load %arg15[%swap3A_218, %swap3A_219] {strides = array<i32>} : memref<128x144xf32, #tpu.memory_space<vmem>>, vector<16xf32>,
          tpu.vector_store %arg15[%swap3A_218, %swap3A_219], %mul3A_217 {strides = array<i32>} : memref<128x144xf32, #tpu.memory_space<vmem>>, vector<16xf32>,
          %get3A_221 = arith.index_cast %add3A_212 : i32 to index
          %get3A_222 = arith.constant 16 : index
          %get3A_223 = tpu.vector_load %arg14[%get3A_221, %get3A_222] {strides = array<i32>} : memref<128x128xf32, #tpu.memory_space<vmem>>, vector<16xf32>,
          %mul3A_224 = vector.broadcast %squeeze3A_208 : f32 to vector<16xf32>
          %mul3A_225 = arith.mulf %get3A_223, %mul3A_224 : vector<16xf32>
          %swap3A_226 = arith.index_cast %add3A_212 : i32 to index
          %swap3A_227 = arith.constant 16 : index
          %swap3A_228 = tpu.vector_load %arg15[%swap3A_226, %swap3A_227] {strides = array<i32>} : memref<128x144xf32, #tpu.memory_space<vmem>>, vector<16xf32>,
          tpu.vector_store %arg15[%swap3A_226, %swap3A_227], %mul3A_225 {strides = array<i32>} : memref<128x144xf32, #tpu.memory_space<vmem>>, vector<16xf32>,
          %get3A_229 = arith.index_cast %add3A_212 : i32 to index
          %get3A_230 = arith.constant 32 : index
          %get3A_231 = tpu.vector_load %arg14[%get3A_229, %get3A_230] {strides = array<i32>} : memref<128x128xf32, #tpu.memory_space<vmem>>, vector<16xf32>,
          %mul3A_232 = vector.broadcast %squeeze3A_208 : f32 to vector<16xf32>
          %mul3A_233 = arith.mulf %get3A_231, %mul3A_232 : vector<16xf32>
          %swap3A_234 = arith.index_cast %add3A_212 : i32 to index
          %swap3A_235 = arith.constant 32 : index
          %swap3A_236 = tpu.vector_load %arg15[%swap3A_234, %swap3A_235] {strides = array<i32>} : memref<128x144xf32, #tpu.memory_space<vmem>>, vector<16xf32>,
          tpu.vector_store %arg15[%swap3A_234, %swap3A_235], %mul3A_233 {strides = array<i32>} : memref<128x144xf32, #tpu.memory_space<vmem>>, vector<16xf32>,
          %get3A_237 = arith.index_cast %add3A_212 : i32 to index
          %get3A_238 = arith.constant 48 : index
          %get3A_239 = tpu.vector_load %arg14[%get3A_237, %get3A_238] {strides = array<i32>} : memref<128x128xf32, #tpu.memory_space<vmem>>, vector<16xf32>,
          %mul3A_240 = vector.broadcast %squeeze3A_208 : f32 to vector<16xf32>
          %mul3A_241 = arith.mulf %get3A_239, %mul3A_240 : vector<16xf32>
          %swap3A_242 = arith.index_cast %add3A_212 : i32 to index
          %swap3A_243 = arith.constant 48 : index
          %swap3A_244 = tpu.vector_load %arg15[%swap3A_242, %swap3A_243] {strides = array<i32>} : memref<128x144xf32, #tpu.memory_space<vmem>>, vector<16xf32>,
          tpu.vector_store %arg15[%swap3A_242, %swap3A_243], %mul3A_241 {strides = array<i32>} : memref<128x144xf32, #tpu.memory_space<vmem>>, vector<16xf32>,
          %get3A_245 = arith.index_cast %add3A_212 : i32 to index
          %get3A_246 = arith.constant 64 : index
          %get3A_247 = tpu.vector_load %arg14[%get3A_245, %get3A_246] {strides = array<i32>} : memref<128x128xf32, #tpu.memory_space<vmem>>, vector<16xf32>,
          %mul3A_248 = vector.broadcast %squeeze3A_208 : f32 to vector<16xf32>
          %mul3A_249 = arith.mulf %get3A_247, %mul3A_248 : vector<16xf32>
          %swap3A_250 = arith.index_cast %add3A_212 : i32 to index
          %swap3A_251 = arith.constant 64 : index
          %swap3A_252 = tpu.vector_load %arg15[%swap3A_250, %swap3A_251] {strides = array<i32>} : memref<128x144xf32, #tpu.memory_space<vmem>>, vector<16xf32>,
          tpu.vector_store %arg15[%swap3A_250, %swap3A_251], %mul3A_249 {strides = array<i32>} : memref<128x144xf32, #tpu.memory_space<vmem>>, vector<16xf32>,
          %get3A_253 = arith.index_cast %add3A_212 : i32 to index
          %get3A_254 = arith.constant 80 : index
          %get3A_255 = tpu.vector_load %arg14[%get3A_253, %get3A_254] {strides = array<i32>} : memref<128x128xf32, #tpu.memory_space<vmem>>, vector<16xf32>,
          %mul3A_256 = vector.broadcast %squeeze3A_208 : f32 to vector<16xf32>
          %mul3A_257 = arith.mulf %get3A_255, %mul3A_256 : vector<16xf32>
          %swap3A_258 = arith.index_cast %add3A_212 : i32 to index
          %swap3A_259 = arith.constant 80 : index
          %swap3A_260 = tpu.vector_load %arg15[%swap3A_258, %swap3A_259] {strides = array<i32>} : memref<128x144xf32, #tpu.memory_space<vmem>>, vector<16xf32>,
          tpu.vector_store %arg15[%swap3A_258, %swap3A_259], %mul3A_257 {strides = array<i32>} : memref<128x144xf32, #tpu.memory_space<vmem>>, vector<16xf32>,
          %get3A_261 = arith.index_cast %add3A_212 : i32 to index
          %get3A_262 = arith.constant 96 : index
          %get3A_263 = tpu.vector_load %arg14[%get3A_261, %get3A_262] {strides = array<i32>} : memref<128x128xf32, #tpu.memory_space<vmem>>, vector<16xf32>,
          %mul3A_264 = vector.broadcast %squeeze3A_208 : f32 to vector<16xf32>
          %mul3A_265 = arith.mulf %get3A_263, %mul3A_264 : vector<16xf32>
          %swap3A_266 = arith.index_cast %add3A_212 : i32 to index
          %swap3A_267 = arith.constant 96 : index
          %swap3A_268 = tpu.vector_load %arg15[%swap3A_266, %swap3A_267] {strides = array<i32>} : memref<128x144xf32, #tpu.memory_space<vmem>>, vector<16xf32>,
          tpu.vector_store %arg15[%swap3A_266, %swap3A_267], %mul3A_265 {strides = array<i32>} : memref<128x144xf32, #tpu.memory_space<vmem>>, vector<16xf32>,
          %get3A_269 = arith.index_cast %add3A_212 : i32 to index
          %get3A_270 = arith.constant 112 : index
          %get3A_271 = tpu.vector_load %arg14[%get3A_269, %get3A_270] {strides = array<i32>} : memref<128x128xf32, #tpu.memory_space<vmem>>, vector<16xf32>,
          %mul3A_272 = vector.broadcast %squeeze3A_208 : f32 to vector<16xf32>
          %mul3A_273 = arith.mulf %get3A_271, %mul3A_272 : vector<16xf32>
          %swap3A_274 = arith.index_cast %add3A_212 : i32 to index
          %swap3A_275 = arith.constant 112 : index
          %swap3A_276 = tpu.vector_load %arg15[%swap3A_274, %swap3A_275] {strides = array<i32>} : memref<128x144xf32, #tpu.memory_space<vmem>>, vector<16xf32>,
          tpu.vector_store %arg15[%swap3A_274, %swap3A_275], %mul3A_273 {strides = array<i32>} : memref<128x144xf32, #tpu.memory_space<vmem>>, vector<16xf32>,
          %mul3A_277 = vector.broadcast %squeeze3A_208 : f32 to vector<16xf32>
          %mul3A_278 = arith.mulf %select_n3A, %mul3A_277 : vector<16xf32>
          %swap3A_279 = arith.index_cast %add3A_212 : i32 to index
          %swap3A_280 = arith.constant 128 : index
          %swap3A_281 = tpu.vector_load %arg15[%swap3A_279, %swap3A_280] {strides = array<i32>} : memref<128x144xf32, #tpu.memory_space<vmem>>, vector<16xf32>,
          tpu.vector_store %arg15[%swap3A_279, %swap3A_280], %mul3A_278 {strides = array<i32>} : memref<128x144xf32, #tpu.memory_space<vmem>>, vector<16xf32>,
          %slice3A_282 = vector.extract_strided_slice %get3A_134 {offsets = [2], sizes = [1], strides = [1]} : vector<16xf32> to vector<1xf32>
          %squeeze3A_283 = vector.extract %slice3A_282[0] : f32 from vector<1xf32>
          %mul3A_284 = arith.constant 16 : i32
          %mul3A_285 = arith.muli %scan3A_129, %mul3A_284 : i32
          %add3A_286 = arith.constant 2 : i32
          %add3A_287 = arith.addi %mul3A_285, %add3A_286 : i32
          %get3A_288 = arith.index_cast %add3A_287 : i32 to index
          %get3A_289 = arith.constant 0 : index
          %get3A_290 = tpu.vector_load %arg14[%get3A_288, %get3A_289] {strides = array<i32>} : memref<128x128xf32, #tpu.memory_space<vmem>>, vector<16xf32>,
          %mul3A_291 = vector.broadcast %squeeze3A_283 : f32 to vector<16xf32>
          %mul3A_292 = arith.mulf %get3A_290, %mul3A_291 : vector<16xf32>
          %swap3A_293 = arith.index_cast %add3A_287 : i32 to index
          %swap3A_294 = arith.constant 0 : index
          %swap3A_295 = tpu.vector_load %arg15[%swap3A_293, %swap3A_294] {strides = array<i32>} : memref<128x144xf32, #tpu.memory_space<vmem>>, vector<16xf32>,
          tpu.vector_store %arg15[%swap3A_293, %swap3A_294], %mul3A_292 {strides = array<i32>} : memref<128x144xf32, #tpu.memory_space<vmem>>, vector<16xf32>,
          %get3A_296 = arith.index_cast %add3A_287 : i32 to index
          %get3A_297 = arith.constant 16 : index
          %get3A_298 = tpu.vector_load %arg14[%get3A_296, %get3A_297] {strides = array<i32>} : memref<128x128xf32, #tpu.memory_space<vmem>>, vector<16xf32>,
          %mul3A_299 = vector.broadcast %squeeze3A_283 : f32 to vector<16xf32>
          %mul3A_300 = arith.mulf %get3A_298, %mul3A_299 : vector<16xf32>
          %swap3A_301 = arith.index_cast %add3A_287 : i32 to index
          %swap3A_302 = arith.constant 16 : index
          %swap3A_303 = tpu.vector_load %arg15[%swap3A_301, %swap3A_302] {strides = array<i32>} : memref<128x144xf32, #tpu.memory_space<vmem>>, vector<16xf32>,
          tpu.vector_store %arg15[%swap3A_301, %swap3A_302], %mul3A_300 {strides = array<i32>} : memref<128x144xf32, #tpu.memory_space<vmem>>, vector<16xf32>,
          %get3A_304 = arith.index_cast %add3A_287 : i32 to index
          %get3A_305 = arith.constant 32 : index
          %get3A_306 = tpu.vector_load %arg14[%get3A_304, %get3A_305] {strides = array<i32>} : memref<128x128xf32, #tpu.memory_space<vmem>>, vector<16xf32>,
          %mul3A_307 = vector.broadcast %squeeze3A_283 : f32 to vector<16xf32>
          %mul3A_308 = arith.mulf %get3A_306, %mul3A_307 : vector<16xf32>
          %swap3A_309 = arith.index_cast %add3A_287 : i32 to index
          %swap3A_310 = arith.constant 32 : index
          %swap3A_311 = tpu.vector_load %arg15[%swap3A_309, %swap3A_310] {strides = array<i32>} : memref<128x144xf32, #tpu.memory_space<vmem>>, vector<16xf32>,
          tpu.vector_store %arg15[%swap3A_309, %swap3A_310], %mul3A_308 {strides = array<i32>} : memref<128x144xf32, #tpu.memory_space<vmem>>, vector<16xf32>,
          %get3A_312 = arith.index_cast %add3A_287 : i32 to index
          %get3A_313 = arith.constant 48 : index
          %get3A_314 = tpu.vector_load %arg14[%get3A_312, %get3A_313] {strides = array<i32>} : memref<128x128xf32, #tpu.memory_space<vmem>>, vector<16xf32>,
          %mul3A_315 = vector.broadcast %squeeze3A_283 : f32 to vector<16xf32>
          %mul3A_316 = arith.mulf %get3A_314, %mul3A_315 : vector<16xf32>
          %swap3A_317 = arith.index_cast %add3A_287 : i32 to index
          %swap3A_318 = arith.constant 48 : index
          %swap3A_319 = tpu.vector_load %arg15[%swap3A_317, %swap3A_318] {strides = array<i32>} : memref<128x144xf32, #tpu.memory_space<vmem>>, vector<16xf32>,
          tpu.vector_store %arg15[%swap3A_317, %swap3A_318], %mul3A_316 {strides = array<i32>} : memref<128x144xf32, #tpu.memory_space<vmem>>, vector<16xf32>,
          %get3A_320 = arith.index_cast %add3A_287 : i32 to index
          %get3A_321 = arith.constant 64 : index
          %get3A_322 = tpu.vector_load %arg14[%get3A_320, %get3A_321] {strides = array<i32>} : memref<128x128xf32, #tpu.memory_space<vmem>>, vector<16xf32>,
          %mul3A_323 = vector.broadcast %squeeze3A_283 : f32 to vector<16xf32>
          %mul3A_324 = arith.mulf %get3A_322, %mul3A_323 : vector<16xf32>
          %swap3A_325 = arith.index_cast %add3A_287 : i32 to index
          %swap3A_326 = arith.constant 64 : index
          %swap3A_327 = tpu.vector_load %arg15[%swap3A_325, %swap3A_326] {strides = array<i32>} : memref<128x144xf32, #tpu.memory_space<vmem>>, vector<16xf32>,
          tpu.vector_store %arg15[%swap3A_325, %swap3A_326], %mul3A_324 {strides = array<i32>} : memref<128x144xf32, #tpu.memory_space<vmem>>, vector<16xf32>,
          %get3A_328 = arith.index_cast %add3A_287 : i32 to index
          %get3A_329 = arith.constant 80 : index
          %get3A_330 = tpu.vector_load %arg14[%get3A_328, %get3A_329] {strides = array<i32>} : memref<128x128xf32, #tpu.memory_space<vmem>>, vector<16xf32>,
          %mul3A_331 = vector.broadcast %squeeze3A_283 : f32 to vector<16xf32>
          %mul3A_332 = arith.mulf %get3A_330, %mul3A_331 : vector<16xf32>
          %swap3A_333 = arith.index_cast %add3A_287 : i32 to index
          %swap3A_334 = arith.constant 80 : index
          %swap3A_335 = tpu.vector_load %arg15[%swap3A_333, %swap3A_334] {strides = array<i32>} : memref<128x144xf32, #tpu.memory_space<vmem>>, vector<16xf32>,
          tpu.vector_store %arg15[%swap3A_333, %swap3A_334], %mul3A_332 {strides = array<i32>} : memref<128x144xf32, #tpu.memory_space<vmem>>, vector<16xf32>,
          %get3A_336 = arith.index_cast %add3A_287 : i32 to index
          %get3A_337 = arith.constant 96 : index
          %get3A_338 = tpu.vector_load %arg14[%get3A_336, %get3A_337] {strides = array<i32>} : memref<128x128xf32, #tpu.memory_space<vmem>>, vector<16xf32>,
          %mul3A_339 = vector.broadcast %squeeze3A_283 : f32 to vector<16xf32>
          %mul3A_340 = arith.mulf %get3A_338, %mul3A_339 : vector<16xf32>
          %swap3A_341 = arith.index_cast %add3A_287 : i32 to index
          %swap3A_342 = arith.constant 96 : index
          %swap3A_343 = tpu.vector_load %arg15[%swap3A_341, %swap3A_342] {strides = array<i32>} : memref<128x144xf32, #tpu.memory_space<vmem>>, vector<16xf32>,
          tpu.vector_store %arg15[%swap3A_341, %swap3A_342], %mul3A_340 {strides = array<i32>} : memref<128x144xf32, #tpu.memory_space<vmem>>, vector<16xf32>,
          %get3A_344 = arith.index_cast %add3A_287 : i32 to index
          %get3A_345 = arith.constant 112 : index
          %get3A_346 = tpu.vector_load %arg14[%get3A_344, %get3A_345] {strides = array<i32>} : memref<128x128xf32, #tpu.memory_space<vmem>>, vector<16xf32>,
          %mul3A_347 = vector.broadcast %squeeze3A_283 : f32 to vector<16xf32>
          %mul3A_348 = arith.mulf %get3A_346, %mul3A_347 : vector<16xf32>
          %swap3A_349 = arith.index_cast %add3A_287 : i32 to index
          %swap3A_350 = arith.constant 112 : index
          %swap3A_351 = tpu.vector_load %arg15[%swap3A_349, %swap3A_350] {strides = array<i32>} : memref<128x144xf32, #tpu.memory_space<vmem>>, vector<16xf32>,
          tpu.vector_store %arg15[%swap3A_349, %swap3A_350], %mul3A_348 {strides = array<i32>} : memref<128x144xf32, #tpu.memory_space<vmem>>, vector<16xf32>,
          %mul3A_352 = vector.broadcast %squeeze3A_283 : f32 to vector<16xf32>
          %mul3A_353 = arith.mulf %select_n3A, %mul3A_352 : vector<16xf32>
          %swap3A_354 = arith.index_cast %add3A_287 : i32 to index
          %swap3A_355 = arith.constant 128 : index
          %swap3A_356 = tpu.vector_load %arg15[%swap3A_354, %swap3A_355] {strides = array<i32>} : memref<128x144xf32, #tpu.memory_space<vmem>>, vector<16xf32>,
          tpu.vector_store %arg15[%swap3A_354, %swap3A_355], %mul3A_353 {strides = array<i32>} : memref<128x144xf32, #tpu.memory_space<vmem>>, vector<16xf32>,
          %slice3A_357 = vector.extract_strided_slice %get3A_134 {offsets = [3], sizes = [1], strides = [1]} : vector<16xf32> to vector<1xf32>
          %squeeze3A_358 = vector.extract %slice3A_357[0] : f32 from vector<1xf32>
          %mul3A_359 = arith.constant 16 : i32
          %mul3A_360 = arith.muli %scan3A_129, %mul3A_359 : i32
          %add3A_361 = arith.constant 3 : i32
          %add3A_362 = arith.addi %mul3A_360, %add3A_361 : i32
          %get3A_363 = arith.index_cast %add3A_362 : i32 to index
          %get3A_364 = arith.constant 0 : index
          %get3A_365 = tpu.vector_load %arg14[%get3A_363, %get3A_364] {strides = array<i32>} : memref<128x128xf32, #tpu.memory_space<vmem>>, vector<16xf32>,
          %mul3A_366 = vector.broadcast %squeeze3A_358 : f32 to vector<16xf32>
          %mul3A_367 = arith.mulf %get3A_365, %mul3A_366 : vector<16xf32>
          %swap3A_368 = arith.index_cast %add3A_362 : i32 to index
          %swap3A_369 = arith.constant 0 : index
          %swap3A_370 = tpu.vector_load %arg15[%swap3A_368, %swap3A_369] {strides = array<i32>} : memref<128x144xf32, #tpu.memory_space<vmem>>, vector<16xf32>,
          tpu.vector_store %arg15[%swap3A_368, %swap3A_369], %mul3A_367 {strides = array<i32>} : memref<128x144xf32, #tpu.memory_space<vmem>>, vector<16xf32>,
          %get3A_371 = arith.index_cast %add3A_362 : i32 to index
          %get3A_372 = arith.constant 16 : index
          %get3A_373 = tpu.vector_load %arg14[%get3A_371, %get3A_372] {strides = array<i32>} : memref<128x128xf32, #tpu.memory_space<vmem>>, vector<16xf32>,
          %mul3A_374 = vector.broadcast %squeeze3A_358 : f32 to vector<16xf32>
          %mul3A_375 = arith.mulf %get3A_373, %mul3A_374 : vector<16xf32>
          %swap3A_376 = arith.index_cast %add3A_362 : i32 to index
          %swap3A_377 = arith.constant 16 : index
          %swap3A_378 = tpu.vector_load %arg15[%swap3A_376, %swap3A_377] {strides = array<i32>} : memref<128x144xf32, #tpu.memory_space<vmem>>, vector<16xf32>,
          tpu.vector_store %arg15[%swap3A_376, %swap3A_377], %mul3A_375 {strides = array<i32>} : memref<128x144xf32, #tpu.memory_space<vmem>>, vector<16xf32>,
          %get3A_379 = arith.index_cast %add3A_362 : i32 to index
          %get3A_380 = arith.constant 32 : index
          %get3A_381 = tpu.vector_load %arg14[%get3A_379, %get3A_380] {strides = array<i32>} : memref<128x128xf32, #tpu.memory_space<vmem>>, vector<16xf32>,
          %mul3A_382 = vector.broadcast %squeeze3A_358 : f32 to vector<16xf32>
          %mul3A_383 = arith.mulf %get3A_381, %mul3A_382 : vector<16xf32>
          %swap3A_384 = arith.index_cast %add3A_362 : i32 to index
          %swap3A_385 = arith.constant 32 : index
          %swap3A_386 = tpu.vector_load %arg15[%swap3A_384, %swap3A_385] {strides = array<i32>} : memref<128x144xf32, #tpu.memory_space<vmem>>, vector<16xf32>,
          tpu.vector_store %arg15[%swap3A_384, %swap3A_385], %mul3A_383 {strides = array<i32>} : memref<128x144xf32, #tpu.memory_space<vmem>>, vector<16xf32>,
          %get3A_387 = arith.index_cast %add3A_362 : i32 to index
          %get3A_388 = arith.constant 48 : index
          %get3A_389 = tpu.vector_load %arg14[%get3A_387, %get3A_388] {strides = array<i32>} : memref<128x128xf32, #tpu.memory_space<vmem>>, vector<16xf32>,
          %mul3A_390 = vector.broadcast %squeeze3A_358 : f32 to vector<16xf32>
          %mul3A_391 = arith.mulf %get3A_389, %mul3A_390 : vector<16xf32>
          %swap3A_392 = arith.index_cast %add3A_362 : i32 to index
          %swap3A_393 = arith.constant 48 : index
          %swap3A_394 = tpu.vector_load %arg15[%swap3A_392, %swap3A_393] {strides = array<i32>} : memref<128x144xf32, #tpu.memory_space<vmem>>, vector<16xf32>,
          tpu.vector_store %arg15[%swap3A_392, %swap3A_393], %mul3A_391 {strides = array<i32>} : memref<128x144xf32, #tpu.memory_space<vmem>>, vector<16xf32>,
          %get3A_395 = arith.index_cast %add3A_362 : i32 to index
          %get3A_396 = arith.constant 64 : index
          %get3A_397 = tpu.vector_load %arg14[%get3A_395, %get3A_396] {strides = array<i32>} : memref<128x128xf32, #tpu.memory_space<vmem>>, vector<16xf32>,
          %mul3A_398 = vector.broadcast %squeeze3A_358 : f32 to vector<16xf32>
          %mul3A_399 = arith.mulf %get3A_397, %mul3A_398 : vector<16xf32>
          %swap3A_400 = arith.index_cast %add3A_362 : i32 to index
          %swap3A_401 = arith.constant 64 : index
          %swap3A_402 = tpu.vector_load %arg15[%swap3A_400, %swap3A_401] {strides = array<i32>} : memref<128x144xf32, #tpu.memory_space<vmem>>, vector<16xf32>,
          tpu.vector_store %arg15[%swap3A_400, %swap3A_401], %mul3A_399 {strides = array<i32>} : memref<128x144xf32, #tpu.memory_space<vmem>>, vector<16xf32>,
          %get3A_403 = arith.index_cast %add3A_362 : i32 to index
          %get3A_404 = arith.constant 80 : index
          %get3A_405 = tpu.vector_load %arg14[%get3A_403, %get3A_404] {strides = array<i32>} : memref<128x128xf32, #tpu.memory_space<vmem>>, vector<16xf32>,
          %mul3A_406 = vector.broadcast %squeeze3A_358 : f32 to vector<16xf32>
          %mul3A_407 = arith.mulf %get3A_405, %mul3A_406 : vector<16xf32>
          %swap3A_408 = arith.index_cast %add3A_362 : i32 to index
          %swap3A_409 = arith.constant 80 : index
          %swap3A_410 = tpu.vector_load %arg15[%swap3A_408, %swap3A_409] {strides = array<i32>} : memref<128x144xf32, #tpu.memory_space<vmem>>, vector<16xf32>,
          tpu.vector_store %arg15[%swap3A_408, %swap3A_409], %mul3A_407 {strides = array<i32>} : memref<128x144xf32, #tpu.memory_space<vmem>>, vector<16xf32>,
          %get3A_411 = arith.index_cast %add3A_362 : i32 to index
          %get3A_412 = arith.constant 96 : index
          %get3A_413 = tpu.vector_load %arg14[%get3A_411, %get3A_412] {strides = array<i32>} : memref<128x128xf32, #tpu.memory_space<vmem>>, vector<16xf32>,
          %mul3A_414 = vector.broadcast %squeeze3A_358 : f32 to vector<16xf32>
          %mul3A_415 = arith.mulf %get3A_413, %mul3A_414 : vector<16xf32>
          %swap3A_416 = arith.index_cast %add3A_362 : i32 to index
          %swap3A_417 = arith.constant 96 : index
          %swap3A_418 = tpu.vector_load %arg15[%swap3A_416, %swap3A_417] {strides = array<i32>} : memref<128x144xf32, #tpu.memory_space<vmem>>, vector<16xf32>,
          tpu.vector_store %arg15[%swap3A_416, %swap3A_417], %mul3A_415 {strides = array<i32>} : memref<128x144xf32, #tpu.memory_space<vmem>>, vector<16xf32>,
          %get3A_419 = arith.index_cast %add3A_362 : i32 to index
          %get3A_420 = arith.constant 112 : index
          %get3A_421 = tpu.vector_load %arg14[%get3A_419, %get3A_420] {strides = array<i32>} : memref<128x128xf32, #tpu.memory_space<vmem>>, vector<16xf32>,
          %mul3A_422 = vector.broadcast %squeeze3A_358 : f32 to vector<16xf32>
          %mul3A_423 = arith.mulf %get3A_421, %mul3A_422 : vector<16xf32>
          %swap3A_424 = arith.index_cast %add3A_362 : i32 to index
          %swap3A_425 = arith.constant 112 : index
          %swap3A_426 = tpu.vector_load %arg15[%swap3A_424, %swap3A_425] {strides = array<i32>} : memref<128x144xf32, #tpu.memory_space<vmem>>, vector<16xf32>,
          tpu.vector_store %arg15[%swap3A_424, %swap3A_425], %mul3A_423 {strides = array<i32>} : memref<128x144xf32, #tpu.memory_space<vmem>>, vector<16xf32>,
          %mul3A_427 = vector.broadcast %squeeze3A_358 : f32 to vector<16xf32>
          %mul3A_428 = arith.mulf %select_n3A, %mul3A_427 : vector<16xf32>
          %swap3A_429 = arith.index_cast %add3A_362 : i32 to index
          %swap3A_430 = arith.constant 128 : index
          %swap3A_431 = tpu.vector_load %arg15[%swap3A_429, %swap3A_430] {strides = array<i32>} : memref<128x144xf32, #tpu.memory_space<vmem>>, vector<16xf32>,
          tpu.vector_store %arg15[%swap3A_429, %swap3A_430], %mul3A_428 {strides = array<i32>} : memref<128x144xf32, #tpu.memory_space<vmem>>, vector<16xf32>,
          %slice3A_432 = vector.extract_strided_slice %get3A_134 {offsets = [4], sizes = [1], strides = [1]} : vector<16xf32> to vector<1xf32>
          %squeeze3A_433 = vector.extract %slice3A_432[0] : f32 from vector<1xf32>
          %mul3A_434 = arith.constant 16 : i32
          %mul3A_435 = arith.muli %scan3A_129, %mul3A_434 : i32
          %add3A_436 = arith.constant 4 : i32
          %add3A_437 = arith.addi %mul3A_435, %add3A_436 : i32
          %get3A_438 = arith.index_cast %add3A_437 : i32 to index
          %get3A_439 = arith.constant 0 : index
          %get3A_440 = tpu.vector_load %arg14[%get3A_438, %get3A_439] {strides = array<i32>} : memref<128x128xf32, #tpu.memory_space<vmem>>, vector<16xf32>,
          %mul3A_441 = vector.broadcast %squeeze3A_433 : f32 to vector<16xf32>
          %mul3A_442 = arith.mulf %get3A_440, %mul3A_441 : vector<16xf32>
          %swap3A_443 = arith.index_cast %add3A_437 : i32 to index
          %swap3A_444 = arith.constant 0 : index
          %swap3A_445 = tpu.vector_load %arg15[%swap3A_443, %swap3A_444] {strides = array<i32>} : memref<128x144xf32, #tpu.memory_space<vmem>>, vector<16xf32>,
          tpu.vector_store %arg15[%swap3A_443, %swap3A_444], %mul3A_442 {strides = array<i32>} : memref<128x144xf32, #tpu.memory_space<vmem>>, vector<16xf32>,
          %get3A_446 = arith.index_cast %add3A_437 : i32 to index
          %get3A_447 = arith.constant 16 : index
          %get3A_448 = tpu.vector_load %arg14[%get3A_446, %get3A_447] {strides = array<i32>} : memref<128x128xf32, #tpu.memory_space<vmem>>, vector<16xf32>,
          %mul3A_449 = vector.broadcast %squeeze3A_433 : f32 to vector<16xf32>
          %mul3A_450 = arith.mulf %get3A_448, %mul3A_449 : vector<16xf32>
          %swap3A_451 = arith.index_cast %add3A_437 : i32 to index
          %swap3A_452 = arith.constant 16 : index
          %swap3A_453 = tpu.vector_load %arg15[%swap3A_451, %swap3A_452] {strides = array<i32>} : memref<128x144xf32, #tpu.memory_space<vmem>>, vector<16xf32>,
          tpu.vector_store %arg15[%swap3A_451, %swap3A_452], %mul3A_450 {strides = array<i32>} : memref<128x144xf32, #tpu.memory_space<vmem>>, vector<16xf32>,
          %get3A_454 = arith.index_cast %add3A_437 : i32 to index
          %get3A_455 = arith.constant 32 : index
          %get3A_456 = tpu.vector_load %arg14[%get3A_454, %get3A_455] {strides = array<i32>} : memref<128x128xf32, #tpu.memory_space<vmem>>, vector<16xf32>,
          %mul3A_457 = vector.broadcast %squeeze3A_433 : f32 to vector<16xf32>
          %mul3A_458 = arith.mulf %get3A_456, %mul3A_457 : vector<16xf32>
          %swap3A_459 = arith.index_cast %add3A_437 : i32 to index
          %swap3A_460 = arith.constant 32 : index
          %swap3A_461 = tpu.vector_load %arg15[%swap3A_459, %swap3A_460] {strides = array<i32>} : memref<128x144xf32, #tpu.memory_space<vmem>>, vector<16xf32>,
          tpu.vector_store %arg15[%swap3A_459, %swap3A_460], %mul3A_458 {strides = array<i32>} : memref<128x144xf32, #tpu.memory_space<vmem>>, vector<16xf32>,
          %get3A_462 = arith.index_cast %add3A_437 : i32 to index
          %get3A_463 = arith.constant 48 : index
          %get3A_464 = tpu.vector_load %arg14[%get3A_462, %get3A_463] {strides = array<i32>} : memref<128x128xf32, #tpu.memory_space<vmem>>, vector<16xf32>,
          %mul3A_465 = vector.broadcast %squeeze3A_433 : f32 to vector<16xf32>
          %mul3A_466 = arith.mulf %get3A_464, %mul3A_465 : vector<16xf32>
          %swap3A_467 = arith.index_cast %add3A_437 : i32 to index
          %swap3A_468 = arith.constant 48 : index
          %swap3A_469 = tpu.vector_load %arg15[%swap3A_467, %swap3A_468] {strides = array<i32>} : memref<128x144xf32, #tpu.memory_space<vmem>>, vector<16xf32>,
          tpu.vector_store %arg15[%swap3A_467, %swap3A_468], %mul3A_466 {strides = array<i32>} : memref<128x144xf32, #tpu.memory_space<vmem>>, vector<16xf32>,
          %get3A_470 = arith.index_cast %add3A_437 : i32 to index
          %get3A_471 = arith.constant 64 : index
          %get3A_472 = tpu.vector_load %arg14[%get3A_470, %get3A_471] {strides = array<i32>} : memref<128x128xf32, #tpu.memory_space<vmem>>, vector<16xf32>,
          %mul3A_473 = vector.broadcast %squeeze3A_433 : f32 to vector<16xf32>
          %mul3A_474 = arith.mulf %get3A_472, %mul3A_473 : vector<16xf32>
          %swap3A_475 = arith.index_cast %add3A_437 : i32 to index
          %swap3A_476 = arith.constant 64 : index
          %swap3A_477 = tpu.vector_load %arg15[%swap3A_475, %swap3A_476] {strides = array<i32>} : memref<128x144xf32, #tpu.memory_space<vmem>>, vector<16xf32>,
          tpu.vector_store %arg15[%swap3A_475, %swap3A_476], %mul3A_474 {strides = array<i32>} : memref<128x144xf32, #tpu.memory_space<vmem>>, vector<16xf32>,
          %get3A_478 = arith.index_cast %add3A_437 : i32 to index
          %get3A_479 = arith.constant 80 : index
          %get3A_480 = tpu.vector_load %arg14[%get3A_478, %get3A_479] {strides = array<i32>} : memref<128x128xf32, #tpu.memory_space<vmem>>, vector<16xf32>,
          %mul3A_481 = vector.broadcast %squeeze3A_433 : f32 to vector<16xf32>
          %mul3A_482 = arith.mulf %get3A_480, %mul3A_481 : vector<16xf32>
          %swap3A_483 = arith.index_cast %add3A_437 : i32 to index
          %swap3A_484 = arith.constant 80 : index
          %swap3A_485 = tpu.vector_load %arg15[%swap3A_483, %swap3A_484] {strides = array<i32>} : memref<128x144xf32, #tpu.memory_space<vmem>>, vector<16xf32>,
          tpu.vector_store %arg15[%swap3A_483, %swap3A_484], %mul3A_482 {strides = array<i32>} : memref<128x144xf32, #tpu.memory_space<vmem>>, vector<16xf32>,
          %get3A_486 = arith.index_cast %add3A_437 : i32 to index
          %get3A_487 = arith.constant 96 : index
          %get3A_488 = tpu.vector_load %arg14[%get3A_486, %get3A_487] {strides = array<i32>} : memref<128x128xf32, #tpu.memory_space<vmem>>, vector<16xf32>,
          %mul3A_489 = vector.broadcast %squeeze3A_433 : f32 to vector<16xf32>
          %mul3A_490 = arith.mulf %get3A_488, %mul3A_489 : vector<16xf32>
          %swap3A_491 = arith.index_cast %add3A_437 : i32 to index
          %swap3A_492 = arith.constant 96 : index
          %swap3A_493 = tpu.vector_load %arg15[%swap3A_491, %swap3A_492] {strides = array<i32>} : memref<128x144xf32, #tpu.memory_space<vmem>>, vector<16xf32>,
          tpu.vector_store %arg15[%swap3A_491, %swap3A_492], %mul3A_490 {strides = array<i32>} : memref<128x144xf32, #tpu.memory_space<vmem>>, vector<16xf32>,
          %get3A_494 = arith.index_cast %add3A_437 : i32 to index
          %get3A_495 = arith.constant 112 : index
          %get3A_496 = tpu.vector_load %arg14[%get3A_494, %get3A_495] {strides = array<i32>} : memref<128x128xf32, #tpu.memory_space<vmem>>, vector<16xf32>,
          %mul3A_497 = vector.broadcast %squeeze3A_433 : f32 to vector<16xf32>
          %mul3A_498 = arith.mulf %get3A_496, %mul3A_497 : vector<16xf32>
          %swap3A_499 = arith.index_cast %add3A_437 : i32 to index
          %swap3A_500 = arith.constant 112 : index
          %swap3A_501 = tpu.vector_load %arg15[%swap3A_499, %swap3A_500] {strides = array<i32>} : memref<128x144xf32, #tpu.memory_space<vmem>>, vector<16xf32>,
          tpu.vector_store %arg15[%swap3A_499, %swap3A_500], %mul3A_498 {strides = array<i32>} : memref<128x144xf32, #tpu.memory_space<vmem>>, vector<16xf32>,
          %mul3A_502 = vector.broadcast %squeeze3A_433 : f32 to vector<16xf32>
          %mul3A_503 = arith.mulf %select_n3A, %mul3A_502 : vector<16xf32>
          %swap3A_504 = arith.index_cast %add3A_437 : i32 to index
          %swap3A_505 = arith.constant 128 : index
          %swap3A_506 = tpu.vector_load %arg15[%swap3A_504, %swap3A_505] {strides = array<i32>} : memref<128x144xf32, #tpu.memory_space<vmem>>, vector<16xf32>,
          tpu.vector_store %arg15[%swap3A_504, %swap3A_505], %mul3A_503 {strides = array<i32>} : memref<128x144xf32, #tpu.memory_space<vmem>>, vector<16xf32>,
          %slice3A_507 = vector.extract_strided_slice %get3A_134 {offsets = [5], sizes = [1], strides = [1]} : vector<16xf32> to vector<1xf32>
          %squeeze3A_508 = vector.extract %slice3A_507[0] : f32 from vector<1xf32>
          %mul3A_509 = arith.constant 16 : i32
          %mul3A_510 = arith.muli %scan3A_129, %mul3A_509 : i32
          %add3A_511 = arith.constant 5 : i32
          %add3A_512 = arith.addi %mul3A_510, %add3A_511 : i32
          %get3A_513 = arith.index_cast %add3A_512 : i32 to index
          %get3A_514 = arith.constant 0 : index
          %get3A_515 = tpu.vector_load %arg14[%get3A_513, %get3A_514] {strides = array<i32>} : memref<128x128xf32, #tpu.memory_space<vmem>>, vector<16xf32>,
          %mul3A_516 = vector.broadcast %squeeze3A_508 : f32 to vector<16xf32>
          %mul3A_517 = arith.mulf %get3A_515, %mul3A_516 : vector<16xf32>
          %swap3A_518 = arith.index_cast %add3A_512 : i32 to index
          %swap3A_519 = arith.constant 0 : index
          %swap3A_520 = tpu.vector_load %arg15[%swap3A_518, %swap3A_519] {strides = array<i32>} : memref<128x144xf32, #tpu.memory_space<vmem>>, vector<16xf32>,
          tpu.vector_store %arg15[%swap3A_518, %swap3A_519], %mul3A_517 {strides = array<i32>} : memref<128x144xf32, #tpu.memory_space<vmem>>, vector<16xf32>,
          %get3A_521 = arith.index_cast %add3A_512 : i32 to index
          %get3A_522 = arith.constant 16 : index
          %get3A_523 = tpu.vector_load %arg14[%get3A_521, %get3A_522] {strides = array<i32>} : memref<128x128xf32, #tpu.memory_space<vmem>>, vector<16xf32>,
          %mul3A_524 = vector.broadcast %squeeze3A_508 : f32 to vector<16xf32>
          %mul3A_525 = arith.mulf %get3A_523, %mul3A_524 : vector<16xf32>
          %swap3A_526 = arith.index_cast %add3A_512 : i32 to index
          %swap3A_527 = arith.constant 16 : index
          %swap3A_528 = tpu.vector_load %arg15[%swap3A_526, %swap3A_527] {strides = array<i32>} : memref<128x144xf32, #tpu.memory_space<vmem>>, vector<16xf32>,
          tpu.vector_store %arg15[%swap3A_526, %swap3A_527], %mul3A_525 {strides = array<i32>} : memref<128x144xf32, #tpu.memory_space<vmem>>, vector<16xf32>,
          %get3A_529 = arith.index_cast %add3A_512 : i32 to index
          %get3A_530 = arith.constant 32 : index
          %get3A_531 = tpu.vector_load %arg14[%get3A_529, %get3A_530] {strides = array<i32>} : memref<128x128xf32, #tpu.memory_space<vmem>>, vector<16xf32>,
          %mul3A_532 = vector.broadcast %squeeze3A_508 : f32 to vector<16xf32>
          %mul3A_533 = arith.mulf %get3A_531, %mul3A_532 : vector<16xf32>
          %swap3A_534 = arith.index_cast %add3A_512 : i32 to index
          %swap3A_535 = arith.constant 32 : index
          %swap3A_536 = tpu.vector_load %arg15[%swap3A_534, %swap3A_535] {strides = array<i32>} : memref<128x144xf32, #tpu.memory_space<vmem>>, vector<16xf32>,
          tpu.vector_store %arg15[%swap3A_534, %swap3A_535], %mul3A_533 {strides = array<i32>} : memref<128x144xf32, #tpu.memory_space<vmem>>, vector<16xf32>,
          %get3A_537 = arith.index_cast %add3A_512 : i32 to index
          %get3A_538 = arith.constant 48 : index
          %get3A_539 = tpu.vector_load %arg14[%get3A_537, %get3A_538] {strides = array<i32>} : memref<128x128xf32, #tpu.memory_space<vmem>>, vector<16xf32>,
          %mul3A_540 = vector.broadcast %squeeze3A_508 : f32 to vector<16xf32>
          %mul3A_541 = arith.mulf %get3A_539, %mul3A_540 : vector<16xf32>
          %swap3A_542 = arith.index_cast %add3A_512 : i32 to index
          %swap3A_543 = arith.constant 48 : index
          %swap3A_544 = tpu.vector_load %arg15[%swap3A_542, %swap3A_543] {strides = array<i32>} : memref<128x144xf32, #tpu.memory_space<vmem>>, vector<16xf32>,
          tpu.vector_store %arg15[%swap3A_542, %swap3A_543], %mul3A_541 {strides = array<i32>} : memref<128x144xf32, #tpu.memory_space<vmem>>, vector<16xf32>,
          %get3A_545 = arith.index_cast %add3A_512 : i32 to index
          %get3A_546 = arith.constant 64 : index
          %get3A_547 = tpu.vector_load %arg14[%get3A_545, %get3A_546] {strides = array<i32>} : memref<128x128xf32, #tpu.memory_space<vmem>>, vector<16xf32>,
          %mul3A_548 = vector.broadcast %squeeze3A_508 : f32 to vector<16xf32>
          %mul3A_549 = arith.mulf %get3A_547, %mul3A_548 : vector<16xf32>
          %swap3A_550 = arith.index_cast %add3A_512 : i32 to index
          %swap3A_551 = arith.constant 64 : index
          %swap3A_552 = tpu.vector_load %arg15[%swap3A_550, %swap3A_551] {strides = array<i32>} : memref<128x144xf32, #tpu.memory_space<vmem>>, vector<16xf32>,
          tpu.vector_store %arg15[%swap3A_550, %swap3A_551], %mul3A_549 {strides = array<i32>} : memref<128x144xf32, #tpu.memory_space<vmem>>, vector<16xf32>,
          %get3A_553 = arith.index_cast %add3A_512 : i32 to index
          %get3A_554 = arith.constant 80 : index
          %get3A_555 = tpu.vector_load %arg14[%get3A_553, %get3A_554] {strides = array<i32>} : memref<128x128xf32, #tpu.memory_space<vmem>>, vector<16xf32>,
          %mul3A_556 = vector.broadcast %squeeze3A_508 : f32 to vector<16xf32>
          %mul3A_557 = arith.mulf %get3A_555, %mul3A_556 : vector<16xf32>
          %swap3A_558 = arith.index_cast %add3A_512 : i32 to index
          %swap3A_559 = arith.constant 80 : index
          %swap3A_560 = tpu.vector_load %arg15[%swap3A_558, %swap3A_559] {strides = array<i32>} : memref<128x144xf32, #tpu.memory_space<vmem>>, vector<16xf32>,
          tpu.vector_store %arg15[%swap3A_558, %swap3A_559], %mul3A_557 {strides = array<i32>} : memref<128x144xf32, #tpu.memory_space<vmem>>, vector<16xf32>,
          %get3A_561 = arith.index_cast %add3A_512 : i32 to index
          %get3A_562 = arith.constant 96 : index
          %get3A_563 = tpu.vector_load %arg14[%get3A_561, %get3A_562] {strides = array<i32>} : memref<128x128xf32, #tpu.memory_space<vmem>>, vector<16xf32>,
          %mul3A_564 = vector.broadcast %squeeze3A_508 : f32 to vector<16xf32>
          %mul3A_565 = arith.mulf %get3A_563, %mul3A_564 : vector<16xf32>
          %swap3A_566 = arith.index_cast %add3A_512 : i32 to index
          %swap3A_567 = arith.constant 96 : index
          %swap3A_568 = tpu.vector_load %arg15[%swap3A_566, %swap3A_567] {strides = array<i32>} : memref<128x144xf32, #tpu.memory_space<vmem>>, vector<16xf32>,
          tpu.vector_store %arg15[%swap3A_566, %swap3A_567], %mul3A_565 {strides = array<i32>} : memref<128x144xf32, #tpu.memory_space<vmem>>, vector<16xf32>,
          %get3A_569 = arith.index_cast %add3A_512 : i32 to index
          %get3A_570 = arith.constant 112 : index
          %get3A_571 = tpu.vector_load %arg14[%get3A_569, %get3A_570] {strides = array<i32>} : memref<128x128xf32, #tpu.memory_space<vmem>>, vector<16xf32>,
          %mul3A_572 = vector.broadcast %squeeze3A_508 : f32 to vector<16xf32>
          %mul3A_573 = arith.mulf %get3A_571, %mul3A_572 : vector<16xf32>
          %swap3A_574 = arith.index_cast %add3A_512 : i32 to index
          %swap3A_575 = arith.constant 112 : index
          %swap3A_576 = tpu.vector_load %arg15[%swap3A_574, %swap3A_575] {strides = array<i32>} : memref<128x144xf32, #tpu.memory_space<vmem>>, vector<16xf32>,
          tpu.vector_store %arg15[%swap3A_574, %swap3A_575], %mul3A_573 {strides = array<i32>} : memref<128x144xf32, #tpu.memory_space<vmem>>, vector<16xf32>,
          %mul3A_577 = vector.broadcast %squeeze3A_508 : f32 to vector<16xf32>
          %mul3A_578 = arith.mulf %select_n3A, %mul3A_577 : vector<16xf32>
          %swap3A_579 = arith.index_cast %add3A_512 : i32 to index
          %swap3A_580 = arith.constant 128 : index
          %swap3A_581 = tpu.vector_load %arg15[%swap3A_579, %swap3A_580] {strides = array<i32>} : memref<128x144xf32, #tpu.memory_space<vmem>>, vector<16xf32>,
          tpu.vector_store %arg15[%swap3A_579, %swap3A_580], %mul3A_578 {strides = array<i32>} : memref<128x144xf32, #tpu.memory_space<vmem>>, vector<16xf32>,
          %slice3A_582 = vector.extract_strided_slice %get3A_134 {offsets = [6], sizes = [1], strides = [1]} : vector<16xf32> to vector<1xf32>
          %squeeze3A_583 = vector.extract %slice3A_582[0] : f32 from vector<1xf32>
          %mul3A_584 = arith.constant 16 : i32
          %mul3A_585 = arith.muli %scan3A_129, %mul3A_584 : i32
          %add3A_586 = arith.constant 6 : i32
          %add3A_587 = arith.addi %mul3A_585, %add3A_586 : i32
          %get3A_588 = arith.index_cast %add3A_587 : i32 to index
          %get3A_589 = arith.constant 0 : index
          %get3A_590 = tpu.vector_load %arg14[%get3A_588, %get3A_589] {strides = array<i32>} : memref<128x128xf32, #tpu.memory_space<vmem>>, vector<16xf32>,
          %mul3A_591 = vector.broadcast %squeeze3A_583 : f32 to vector<16xf32>
          %mul3A_592 = arith.mulf %get3A_590, %mul3A_591 : vector<16xf32>
          %swap3A_593 = arith.index_cast %add3A_587 : i32 to index
          %swap3A_594 = arith.constant 0 : index
          %swap3A_595 = tpu.vector_load %arg15[%swap3A_593, %swap3A_594] {strides = array<i32>} : memref<128x144xf32, #tpu.memory_space<vmem>>, vector<16xf32>,
          tpu.vector_store %arg15[%swap3A_593, %swap3A_594], %mul3A_592 {strides = array<i32>} : memref<128x144xf32, #tpu.memory_space<vmem>>, vector<16xf32>,
          %get3A_596 = arith.index_cast %add3A_587 : i32 to index
          %get3A_597 = arith.constant 16 : index
          %get3A_598 = tpu.vector_load %arg14[%get3A_596, %get3A_597] {strides = array<i32>} : memref<128x128xf32, #tpu.memory_space<vmem>>, vector<16xf32>,
          %mul3A_599 = vector.broadcast %squeeze3A_583 : f32 to vector<16xf32>
          %mul3A_600 = arith.mulf %get3A_598, %mul3A_599 : vector<16xf32>
          %swap3A_601 = arith.index_cast %add3A_587 : i32 to index
          %swap3A_602 = arith.constant 16 : index
          %swap3A_603 = tpu.vector_load %arg15[%swap3A_601, %swap3A_602] {strides = array<i32>} : memref<128x144xf32, #tpu.memory_space<vmem>>, vector<16xf32>,
          tpu.vector_store %arg15[%swap3A_601, %swap3A_602], %mul3A_600 {strides = array<i32>} : memref<128x144xf32, #tpu.memory_space<vmem>>, vector<16xf32>,
          %get3A_604 = arith.index_cast %add3A_587 : i32 to index
          %get3A_605 = arith.constant 32 : index
          %get3A_606 = tpu.vector_load %arg14[%get3A_604, %get3A_605] {strides = array<i32>} : memref<128x128xf32, #tpu.memory_space<vmem>>, vector<16xf32>,
          %mul3A_607 = vector.broadcast %squeeze3A_583 : f32 to vector<16xf32>
          %mul3A_608 = arith.mulf %get3A_606, %mul3A_607 : vector<16xf32>
          %swap3A_609 = arith.index_cast %add3A_587 : i32 to index
          %swap3A_610 = arith.constant 32 : index
          %swap3A_611 = tpu.vector_load %arg15[%swap3A_609, %swap3A_610] {strides = array<i32>} : memref<128x144xf32, #tpu.memory_space<vmem>>, vector<16xf32>,
          tpu.vector_store %arg15[%swap3A_609, %swap3A_610], %mul3A_608 {strides = array<i32>} : memref<128x144xf32, #tpu.memory_space<vmem>>, vector<16xf32>,
          %get3A_612 = arith.index_cast %add3A_587 : i32 to index
          %get3A_613 = arith.constant 48 : index
          %get3A_614 = tpu.vector_load %arg14[%get3A_612, %get3A_613] {strides = array<i32>} : memref<128x128xf32, #tpu.memory_space<vmem>>, vector<16xf32>,
          %mul3A_615 = vector.broadcast %squeeze3A_583 : f32 to vector<16xf32>
          %mul3A_616 = arith.mulf %get3A_614, %mul3A_615 : vector<16xf32>
          %swap3A_617 = arith.index_cast %add3A_587 : i32 to index
          %swap3A_618 = arith.constant 48 : index
          %swap3A_619 = tpu.vector_load %arg15[%swap3A_617, %swap3A_618] {strides = array<i32>} : memref<128x144xf32, #tpu.memory_space<vmem>>, vector<16xf32>,
          tpu.vector_store %arg15[%swap3A_617, %swap3A_618], %mul3A_616 {strides = array<i32>} : memref<128x144xf32, #tpu.memory_space<vmem>>, vector<16xf32>,
          %get3A_620 = arith.index_cast %add3A_587 : i32 to index
          %get3A_621 = arith.constant 64 : index
          %get3A_622 = tpu.vector_load %arg14[%get3A_620, %get3A_621] {strides = array<i32>} : memref<128x128xf32, #tpu.memory_space<vmem>>, vector<16xf32>,
          %mul3A_623 = vector.broadcast %squeeze3A_583 : f32 to vector<16xf32>
          %mul3A_624 = arith.mulf %get3A_622, %mul3A_623 : vector<16xf32>
          %swap3A_625 = arith.index_cast %add3A_587 : i32 to index
          %swap3A_626 = arith.constant 64 : index
          %swap3A_627 = tpu.vector_load %arg15[%swap3A_625, %swap3A_626] {strides = array<i32>} : memref<128x144xf32, #tpu.memory_space<vmem>>, vector<16xf32>,
          tpu.vector_store %arg15[%swap3A_625, %swap3A_626], %mul3A_624 {strides = array<i32>} : memref<128x144xf32, #tpu.memory_space<vmem>>, vector<16xf32>,
          %get3A_628 = arith.index_cast %add3A_587 : i32 to index
          %get3A_629 = arith.constant 80 : index
          %get3A_630 = tpu.vector_load %arg14[%get3A_628, %get3A_629] {strides = array<i32>} : memref<128x128xf32, #tpu.memory_space<vmem>>, vector<16xf32>,
          %mul3A_631 = vector.broadcast %squeeze3A_583 : f32 to vector<16xf32>
          %mul3A_632 = arith.mulf %get3A_630, %mul3A_631 : vector<16xf32>
          %swap3A_633 = arith.index_cast %add3A_587 : i32 to index
          %swap3A_634 = arith.constant 80 : index
          %swap3A_635 = tpu.vector_load %arg15[%swap3A_633, %swap3A_634] {strides = array<i32>} : memref<128x144xf32, #tpu.memory_space<vmem>>, vector<16xf32>,
          tpu.vector_store %arg15[%swap3A_633, %swap3A_634], %mul3A_632 {strides = array<i32>} : memref<128x144xf32, #tpu.memory_space<vmem>>, vector<16xf32>,
          %get3A_636 = arith.index_cast %add3A_587 : i32 to index
          %get3A_637 = arith.constant 96 : index
          %get3A_638 = tpu.vector_load %arg14[%get3A_636, %get3A_637] {strides = array<i32>} : memref<128x128xf32, #tpu.memory_space<vmem>>, vector<16xf32>,
          %mul3A_639 = vector.broadcast %squeeze3A_583 : f32 to vector<16xf32>
          %mul3A_640 = arith.mulf %get3A_638, %mul3A_639 : vector<16xf32>
          %swap3A_641 = arith.index_cast %add3A_587 : i32 to index
          %swap3A_642 = arith.constant 96 : index
          %swap3A_643 = tpu.vector_load %arg15[%swap3A_641, %swap3A_642] {strides = array<i32>} : memref<128x144xf32, #tpu.memory_space<vmem>>, vector<16xf32>,
          tpu.vector_store %arg15[%swap3A_641, %swap3A_642], %mul3A_640 {strides = array<i32>} : memref<128x144xf32, #tpu.memory_space<vmem>>, vector<16xf32>,
          %get3A_644 = arith.index_cast %add3A_587 : i32 to index
          %get3A_645 = arith.constant 112 : index
          %get3A_646 = tpu.vector_load %arg14[%get3A_644, %get3A_645] {strides = array<i32>} : memref<128x128xf32, #tpu.memory_space<vmem>>, vector<16xf32>,
          %mul3A_647 = vector.broadcast %squeeze3A_583 : f32 to vector<16xf32>
          %mul3A_648 = arith.mulf %get3A_646, %mul3A_647 : vector<16xf32>
          %swap3A_649 = arith.index_cast %add3A_587 : i32 to index
          %swap3A_650 = arith.constant 112 : index
          %swap3A_651 = tpu.vector_load %arg15[%swap3A_649, %swap3A_650] {strides = array<i32>} : memref<128x144xf32, #tpu.memory_space<vmem>>, vector<16xf32>,
          tpu.vector_store %arg15[%swap3A_649, %swap3A_650], %mul3A_648 {strides = array<i32>} : memref<128x144xf32, #tpu.memory_space<vmem>>, vector<16xf32>,
          %mul3A_652 = vector.broadcast %squeeze3A_583 : f32 to vector<16xf32>
          %mul3A_653 = arith.mulf %select_n3A, %mul3A_652 : vector<16xf32>
          %swap3A_654 = arith.index_cast %add3A_587 : i32 to index
          %swap3A_655 = arith.constant 128 : index
          %swap3A_656 = tpu.vector_load %arg15[%swap3A_654, %swap3A_655] {strides = array<i32>} : memref<128x144xf32, #tpu.memory_space<vmem>>, vector<16xf32>,
          tpu.vector_store %arg15[%swap3A_654, %swap3A_655], %mul3A_653 {strides = array<i32>} : memref<128x144xf32, #tpu.memory_space<vmem>>, vector<16xf32>,
          %slice3A_657 = vector.extract_strided_slice %get3A_134 {offsets = [7], sizes = [1], strides = [1]} : vector<16xf32> to vector<1xf32>
          %squeeze3A_658 = vector.extract %slice3A_657[0] : f32 from vector<1xf32>
          %mul3A_659 = arith.constant 16 : i32
          %mul3A_660 = arith.muli %scan3A_129, %mul3A_659 : i32
          %add3A_661 = arith.constant 7 : i32
          %add3A_662 = arith.addi %mul3A_660, %add3A_661 : i32
          %get3A_663 = arith.index_cast %add3A_662 : i32 to index
          %get3A_664 = arith.constant 0 : index
          %get3A_665 = tpu.vector_load %arg14[%get3A_663, %get3A_664] {strides = array<i32>} : memref<128x128xf32, #tpu.memory_space<vmem>>, vector<16xf32>,
          %mul3A_666 = vector.broadcast %squeeze3A_658 : f32 to vector<16xf32>
          %mul3A_667 = arith.mulf %get3A_665, %mul3A_666 : vector<16xf32>
          %swap3A_668 = arith.index_cast %add3A_662 : i32 to index
          %swap3A_669 = arith.constant 0 : index
          %swap3A_670 = tpu.vector_load %arg15[%swap3A_668, %swap3A_669] {strides = array<i32>} : memref<128x144xf32, #tpu.memory_space<vmem>>, vector<16xf32>,
          tpu.vector_store %arg15[%swap3A_668, %swap3A_669], %mul3A_667 {strides = array<i32>} : memref<128x144xf32, #tpu.memory_space<vmem>>, vector<16xf32>,
          %get3A_671 = arith.index_cast %add3A_662 : i32 to index
          %get3A_672 = arith.constant 16 : index
          %get3A_673 = tpu.vector_load %arg14[%get3A_671, %get3A_672] {strides = array<i32>} : memref<128x128xf32, #tpu.memory_space<vmem>>, vector<16xf32>,
          %mul3A_674 = vector.broadcast %squeeze3A_658 : f32 to vector<16xf32>
          %mul3A_675 = arith.mulf %get3A_673, %mul3A_674 : vector<16xf32>
          %swap3A_676 = arith.index_cast %add3A_662 : i32 to index
          %swap3A_677 = arith.constant 16 : index
          %swap3A_678 = tpu.vector_load %arg15[%swap3A_676, %swap3A_677] {strides = array<i32>} : memref<128x144xf32, #tpu.memory_space<vmem>>, vector<16xf32>,
          tpu.vector_store %arg15[%swap3A_676, %swap3A_677], %mul3A_675 {strides = array<i32>} : memref<128x144xf32, #tpu.memory_space<vmem>>, vector<16xf32>,
          %get3A_679 = arith.index_cast %add3A_662 : i32 to index
          %get3A_680 = arith.constant 32 : index
          %get3A_681 = tpu.vector_load %arg14[%get3A_679, %get3A_680] {strides = array<i32>} : memref<128x128xf32, #tpu.memory_space<vmem>>, vector<16xf32>,
          %mul3A_682 = vector.broadcast %squeeze3A_658 : f32 to vector<16xf32>
          %mul3A_683 = arith.mulf %get3A_681, %mul3A_682 : vector<16xf32>
          %swap3A_684 = arith.index_cast %add3A_662 : i32 to index
          %swap3A_685 = arith.constant 32 : index
          %swap3A_686 = tpu.vector_load %arg15[%swap3A_684, %swap3A_685] {strides = array<i32>} : memref<128x144xf32, #tpu.memory_space<vmem>>, vector<16xf32>,
          tpu.vector_store %arg15[%swap3A_684, %swap3A_685], %mul3A_683 {strides = array<i32>} : memref<128x144xf32, #tpu.memory_space<vmem>>, vector<16xf32>,
          %get3A_687 = arith.index_cast %add3A_662 : i32 to index
          %get3A_688 = arith.constant 48 : index
          %get3A_689 = tpu.vector_load %arg14[%get3A_687, %get3A_688] {strides = array<i32>} : memref<128x128xf32, #tpu.memory_space<vmem>>, vector<16xf32>,
          %mul3A_690 = vector.broadcast %squeeze3A_658 : f32 to vector<16xf32>
          %mul3A_691 = arith.mulf %get3A_689, %mul3A_690 : vector<16xf32>
          %swap3A_692 = arith.index_cast %add3A_662 : i32 to index
          %swap3A_693 = arith.constant 48 : index
          %swap3A_694 = tpu.vector_load %arg15[%swap3A_692, %swap3A_693] {strides = array<i32>} : memref<128x144xf32, #tpu.memory_space<vmem>>, vector<16xf32>,
          tpu.vector_store %arg15[%swap3A_692, %swap3A_693], %mul3A_691 {strides = array<i32>} : memref<128x144xf32, #tpu.memory_space<vmem>>, vector<16xf32>,
          %get3A_695 = arith.index_cast %add3A_662 : i32 to index
          %get3A_696 = arith.constant 64 : index
          %get3A_697 = tpu.vector_load %arg14[%get3A_695, %get3A_696] {strides = array<i32>} : memref<128x128xf32, #tpu.memory_space<vmem>>, vector<16xf32>,
          %mul3A_698 = vector.broadcast %squeeze3A_658 : f32 to vector<16xf32>
          %mul3A_699 = arith.mulf %get3A_697, %mul3A_698 : vector<16xf32>
          %swap3A_700 = arith.index_cast %add3A_662 : i32 to index
          %swap3A_701 = arith.constant 64 : index
          %swap3A_702 = tpu.vector_load %arg15[%swap3A_700, %swap3A_701] {strides = array<i32>} : memref<128x144xf32, #tpu.memory_space<vmem>>, vector<16xf32>,
          tpu.vector_store %arg15[%swap3A_700, %swap3A_701], %mul3A_699 {strides = array<i32>} : memref<128x144xf32, #tpu.memory_space<vmem>>, vector<16xf32>,
          %get3A_703 = arith.index_cast %add3A_662 : i32 to index
          %get3A_704 = arith.constant 80 : index
          %get3A_705 = tpu.vector_load %arg14[%get3A_703, %get3A_704] {strides = array<i32>} : memref<128x128xf32, #tpu.memory_space<vmem>>, vector<16xf32>,
          %mul3A_706 = vector.broadcast %squeeze3A_658 : f32 to vector<16xf32>
          %mul3A_707 = arith.mulf %get3A_705, %mul3A_706 : vector<16xf32>
          %swap3A_708 = arith.index_cast %add3A_662 : i32 to index
          %swap3A_709 = arith.constant 80 : index
          %swap3A_710 = tpu.vector_load %arg15[%swap3A_708, %swap3A_709] {strides = array<i32>} : memref<128x144xf32, #tpu.memory_space<vmem>>, vector<16xf32>,
          tpu.vector_store %arg15[%swap3A_708, %swap3A_709], %mul3A_707 {strides = array<i32>} : memref<128x144xf32, #tpu.memory_space<vmem>>, vector<16xf32>,
          %get3A_711 = arith.index_cast %add3A_662 : i32 to index
          %get3A_712 = arith.constant 96 : index
          %get3A_713 = tpu.vector_load %arg14[%get3A_711, %get3A_712] {strides = array<i32>} : memref<128x128xf32, #tpu.memory_space<vmem>>, vector<16xf32>,
          %mul3A_714 = vector.broadcast %squeeze3A_658 : f32 to vector<16xf32>
          %mul3A_715 = arith.mulf %get3A_713, %mul3A_714 : vector<16xf32>
          %swap3A_716 = arith.index_cast %add3A_662 : i32 to index
          %swap3A_717 = arith.constant 96 : index
          %swap3A_718 = tpu.vector_load %arg15[%swap3A_716, %swap3A_717] {strides = array<i32>} : memref<128x144xf32, #tpu.memory_space<vmem>>, vector<16xf32>,
          tpu.vector_store %arg15[%swap3A_716, %swap3A_717], %mul3A_715 {strides = array<i32>} : memref<128x144xf32, #tpu.memory_space<vmem>>, vector<16xf32>,
          %get3A_719 = arith.index_cast %add3A_662 : i32 to index
          %get3A_720 = arith.constant 112 : index
          %get3A_721 = tpu.vector_load %arg14[%get3A_719, %get3A_720] {strides = array<i32>} : memref<128x128xf32, #tpu.memory_space<vmem>>, vector<16xf32>,
          %mul3A_722 = vector.broadcast %squeeze3A_658 : f32 to vector<16xf32>
          %mul3A_723 = arith.mulf %get3A_721, %mul3A_722 : vector<16xf32>
          %swap3A_724 = arith.index_cast %add3A_662 : i32 to index
          %swap3A_725 = arith.constant 112 : index
          %swap3A_726 = tpu.vector_load %arg15[%swap3A_724, %swap3A_725] {strides = array<i32>} : memref<128x144xf32, #tpu.memory_space<vmem>>, vector<16xf32>,
          tpu.vector_store %arg15[%swap3A_724, %swap3A_725], %mul3A_723 {strides = array<i32>} : memref<128x144xf32, #tpu.memory_space<vmem>>, vector<16xf32>,
          %mul3A_727 = vector.broadcast %squeeze3A_658 : f32 to vector<16xf32>
          %mul3A_728 = arith.mulf %select_n3A, %mul3A_727 : vector<16xf32>
          %swap3A_729 = arith.index_cast %add3A_662 : i32 to index
          %swap3A_730 = arith.constant 128 : index
          %swap3A_731 = tpu.vector_load %arg15[%swap3A_729, %swap3A_730] {strides = array<i32>} : memref<128x144xf32, #tpu.memory_space<vmem>>, vector<16xf32>,
          tpu.vector_store %arg15[%swap3A_729, %swap3A_730], %mul3A_728 {strides = array<i32>} : memref<128x144xf32, #tpu.memory_space<vmem>>, vector<16xf32>,
          %slice3A_732 = vector.extract_strided_slice %get3A_134 {offsets = [8], sizes = [1], strides = [1]} : vector<16xf32> to vector<1xf32>
          %squeeze3A_733 = vector.extract %slice3A_732[0] : f32 from vector<1xf32>
          %mul3A_734 = arith.constant 16 : i32
          %mul3A_735 = arith.muli %scan3A_129, %mul3A_734 : i32
          %add3A_736 = arith.constant 8 : i32
          %add3A_737 = arith.addi %mul3A_735, %add3A_736 : i32
          %get3A_738 = arith.index_cast %add3A_737 : i32 to index
          %get3A_739 = arith.constant 0 : index
          %get3A_740 = tpu.vector_load %arg14[%get3A_738, %get3A_739] {strides = array<i32>} : memref<128x128xf32, #tpu.memory_space<vmem>>, vector<16xf32>,
          %mul3A_741 = vector.broadcast %squeeze3A_733 : f32 to vector<16xf32>
          %mul3A_742 = arith.mulf %get3A_740, %mul3A_741 : vector<16xf32>
          %swap3A_743 = arith.index_cast %add3A_737 : i32 to index
          %swap3A_744 = arith.constant 0 : index
          %swap3A_745 = tpu.vector_load %arg15[%swap3A_743, %swap3A_744] {strides = array<i32>} : memref<128x144xf32, #tpu.memory_space<vmem>>, vector<16xf32>,
          tpu.vector_store %arg15[%swap3A_743, %swap3A_744], %mul3A_742 {strides = array<i32>} : memref<128x144xf32, #tpu.memory_space<vmem>>, vector<16xf32>,
          %get3A_746 = arith.index_cast %add3A_737 : i32 to index
          %get3A_747 = arith.constant 16 : index
          %get3A_748 = tpu.vector_load %arg14[%get3A_746, %get3A_747] {strides = array<i32>} : memref<128x128xf32, #tpu.memory_space<vmem>>, vector<16xf32>,
          %mul3A_749 = vector.broadcast %squeeze3A_733 : f32 to vector<16xf32>
          %mul3A_750 = arith.mulf %get3A_748, %mul3A_749 : vector<16xf32>
          %swap3A_751 = arith.index_cast %add3A_737 : i32 to index
          %swap3A_752 = arith.constant 16 : index
          %swap3A_753 = tpu.vector_load %arg15[%swap3A_751, %swap3A_752] {strides = array<i32>} : memref<128x144xf32, #tpu.memory_space<vmem>>, vector<16xf32>,
          tpu.vector_store %arg15[%swap3A_751, %swap3A_752], %mul3A_750 {strides = array<i32>} : memref<128x144xf32, #tpu.memory_space<vmem>>, vector<16xf32>,
          %get3A_754 = arith.index_cast %add3A_737 : i32 to index
          %get3A_755 = arith.constant 32 : index
          %get3A_756 = tpu.vector_load %arg14[%get3A_754, %get3A_755] {strides = array<i32>} : memref<128x128xf32, #tpu.memory_space<vmem>>, vector<16xf32>,
          %mul3A_757 = vector.broadcast %squeeze3A_733 : f32 to vector<16xf32>
          %mul3A_758 = arith.mulf %get3A_756, %mul3A_757 : vector<16xf32>
          %swap3A_759 = arith.index_cast %add3A_737 : i32 to index
          %swap3A_760 = arith.constant 32 : index
          %swap3A_761 = tpu.vector_load %arg15[%swap3A_759, %swap3A_760] {strides = array<i32>} : memref<128x144xf32, #tpu.memory_space<vmem>>, vector<16xf32>,
          tpu.vector_store %arg15[%swap3A_759, %swap3A_760], %mul3A_758 {strides = array<i32>} : memref<128x144xf32, #tpu.memory_space<vmem>>, vector<16xf32>,
          %get3A_762 = arith.index_cast %add3A_737 : i32 to index
          %get3A_763 = arith.constant 48 : index
          %get3A_764 = tpu.vector_load %arg14[%get3A_762, %get3A_763] {strides = array<i32>} : memref<128x128xf32, #tpu.memory_space<vmem>>, vector<16xf32>,
          %mul3A_765 = vector.broadcast %squeeze3A_733 : f32 to vector<16xf32>
          %mul3A_766 = arith.mulf %get3A_764, %mul3A_765 : vector<16xf32>
          %swap3A_767 = arith.index_cast %add3A_737 : i32 to index
          %swap3A_768 = arith.constant 48 : index
          %swap3A_769 = tpu.vector_load %arg15[%swap3A_767, %swap3A_768] {strides = array<i32>} : memref<128x144xf32, #tpu.memory_space<vmem>>, vector<16xf32>,
          tpu.vector_store %arg15[%swap3A_767, %swap3A_768], %mul3A_766 {strides = array<i32>} : memref<128x144xf32, #tpu.memory_space<vmem>>, vector<16xf32>,
          %get3A_770 = arith.index_cast %add3A_737 : i32 to index
          %get3A_771 = arith.constant 64 : index
          %get3A_772 = tpu.vector_load %arg14[%get3A_770, %get3A_771] {strides = array<i32>} : memref<128x128xf32, #tpu.memory_space<vmem>>, vector<16xf32>,
          %mul3A_773 = vector.broadcast %squeeze3A_733 : f32 to vector<16xf32>
          %mul3A_774 = arith.mulf %get3A_772, %mul3A_773 : vector<16xf32>
          %swap3A_775 = arith.index_cast %add3A_737 : i32 to index
          %swap3A_776 = arith.constant 64 : index
          %swap3A_777 = tpu.vector_load %arg15[%swap3A_775, %swap3A_776] {strides = array<i32>} : memref<128x144xf32, #tpu.memory_space<vmem>>, vector<16xf32>,
          tpu.vector_store %arg15[%swap3A_775, %swap3A_776], %mul3A_774 {strides = array<i32>} : memref<128x144xf32, #tpu.memory_space<vmem>>, vector<16xf32>,
          %get3A_778 = arith.index_cast %add3A_737 : i32 to index
          %get3A_779 = arith.constant 80 : index
          %get3A_780 = tpu.vector_load %arg14[%get3A_778, %get3A_779] {strides = array<i32>} : memref<128x128xf32, #tpu.memory_space<vmem>>, vector<16xf32>,
          %mul3A_781 = vector.broadcast %squeeze3A_733 : f32 to vector<16xf32>
          %mul3A_782 = arith.mulf %get3A_780, %mul3A_781 : vector<16xf32>
          %swap3A_783 = arith.index_cast %add3A_737 : i32 to index
          %swap3A_784 = arith.constant 80 : index
          %swap3A_785 = tpu.vector_load %arg15[%swap3A_783, %swap3A_784] {strides = array<i32>} : memref<128x144xf32, #tpu.memory_space<vmem>>, vector<16xf32>,
          tpu.vector_store %arg15[%swap3A_783, %swap3A_784], %mul3A_782 {strides = array<i32>} : memref<128x144xf32, #tpu.memory_space<vmem>>, vector<16xf32>,
          %get3A_786 = arith.index_cast %add3A_737 : i32 to index
          %get3A_787 = arith.constant 96 : index
          %get3A_788 = tpu.vector_load %arg14[%get3A_786, %get3A_787] {strides = array<i32>} : memref<128x128xf32, #tpu.memory_space<vmem>>, vector<16xf32>,
          %mul3A_789 = vector.broadcast %squeeze3A_733 : f32 to vector<16xf32>
          %mul3A_790 = arith.mulf %get3A_788, %mul3A_789 : vector<16xf32>
          %swap3A_791 = arith.index_cast %add3A_737 : i32 to index
          %swap3A_792 = arith.constant 96 : index
          %swap3A_793 = tpu.vector_load %arg15[%swap3A_791, %swap3A_792] {strides = array<i32>} : memref<128x144xf32, #tpu.memory_space<vmem>>, vector<16xf32>,
          tpu.vector_store %arg15[%swap3A_791, %swap3A_792], %mul3A_790 {strides = array<i32>} : memref<128x144xf32, #tpu.memory_space<vmem>>, vector<16xf32>,
          %get3A_794 = arith.index_cast %add3A_737 : i32 to index
          %get3A_795 = arith.constant 112 : index
          %get3A_796 = tpu.vector_load %arg14[%get3A_794, %get3A_795] {strides = array<i32>} : memref<128x128xf32, #tpu.memory_space<vmem>>, vector<16xf32>,
          %mul3A_797 = vector.broadcast %squeeze3A_733 : f32 to vector<16xf32>
          %mul3A_798 = arith.mulf %get3A_796, %mul3A_797 : vector<16xf32>
          %swap3A_799 = arith.index_cast %add3A_737 : i32 to index
          %swap3A_800 = arith.constant 112 : index
          %swap3A_801 = tpu.vector_load %arg15[%swap3A_799, %swap3A_800] {strides = array<i32>} : memref<128x144xf32, #tpu.memory_space<vmem>>, vector<16xf32>,
          tpu.vector_store %arg15[%swap3A_799, %swap3A_800], %mul3A_798 {strides = array<i32>} : memref<128x144xf32, #tpu.memory_space<vmem>>, vector<16xf32>,
          %mul3A_802 = vector.broadcast %squeeze3A_733 : f32 to vector<16xf32>
          %mul3A_803 = arith.mulf %select_n3A, %mul3A_802 : vector<16xf32>
          %swap3A_804 = arith.index_cast %add3A_737 : i32 to index
          %swap3A_805 = arith.constant 128 : index
          %swap3A_806 = tpu.vector_load %arg15[%swap3A_804, %swap3A_805] {strides = array<i32>} : memref<128x144xf32, #tpu.memory_space<vmem>>, vector<16xf32>,
          tpu.vector_store %arg15[%swap3A_804, %swap3A_805], %mul3A_803 {strides = array<i32>} : memref<128x144xf32, #tpu.memory_space<vmem>>, vector<16xf32>,
          %slice3A_807 = vector.extract_strided_slice %get3A_134 {offsets = [9], sizes = [1], strides = [1]} : vector<16xf32> to vector<1xf32>
          %squeeze3A_808 = vector.extract %slice3A_807[0] : f32 from vector<1xf32>
          %mul3A_809 = arith.constant 16 : i32
          %mul3A_810 = arith.muli %scan3A_129, %mul3A_809 : i32
          %add3A_811 = arith.constant 9 : i32
          %add3A_812 = arith.addi %mul3A_810, %add3A_811 : i32
          %get3A_813 = arith.index_cast %add3A_812 : i32 to index
          %get3A_814 = arith.constant 0 : index
          %get3A_815 = tpu.vector_load %arg14[%get3A_813, %get3A_814] {strides = array<i32>} : memref<128x128xf32, #tpu.memory_space<vmem>>, vector<16xf32>,
          %mul3A_816 = vector.broadcast %squeeze3A_808 : f32 to vector<16xf32>
          %mul3A_817 = arith.mulf %get3A_815, %mul3A_816 : vector<16xf32>
          %swap3A_818 = arith.index_cast %add3A_812 : i32 to index
          %swap3A_819 = arith.constant 0 : index
          %swap3A_820 = tpu.vector_load %arg15[%swap3A_818, %swap3A_819] {strides = array<i32>} : memref<128x144xf32, #tpu.memory_space<vmem>>, vector<16xf32>,
          tpu.vector_store %arg15[%swap3A_818, %swap3A_819], %mul3A_817 {strides = array<i32>} : memref<128x144xf32, #tpu.memory_space<vmem>>, vector<16xf32>,
          %get3A_821 = arith.index_cast %add3A_812 : i32 to index
          %get3A_822 = arith.constant 16 : index
          %get3A_823 = tpu.vector_load %arg14[%get3A_821, %get3A_822] {strides = array<i32>} : memref<128x128xf32, #tpu.memory_space<vmem>>, vector<16xf32>,
          %mul3A_824 = vector.broadcast %squeeze3A_808 : f32 to vector<16xf32>
          %mul3A_825 = arith.mulf %get3A_823, %mul3A_824 : vector<16xf32>
          %swap3A_826 = arith.index_cast %add3A_812 : i32 to index
          %swap3A_827 = arith.constant 16 : index
          %swap3A_828 = tpu.vector_load %arg15[%swap3A_826, %swap3A_827] {strides = array<i32>} : memref<128x144xf32, #tpu.memory_space<vmem>>, vector<16xf32>,
          tpu.vector_store %arg15[%swap3A_826, %swap3A_827], %mul3A_825 {strides = array<i32>} : memref<128x144xf32, #tpu.memory_space<vmem>>, vector<16xf32>,
          %get3A_829 = arith.index_cast %add3A_812 : i32 to index
          %get3A_830 = arith.constant 32 : index
          %get3A_831 = tpu.vector_load %arg14[%get3A_829, %get3A_830] {strides = array<i32>} : memref<128x128xf32, #tpu.memory_space<vmem>>, vector<16xf32>,
          %mul3A_832 = vector.broadcast %squeeze3A_808 : f32 to vector<16xf32>
          %mul3A_833 = arith.mulf %get3A_831, %mul3A_832 : vector<16xf32>
          %swap3A_834 = arith.index_cast %add3A_812 : i32 to index
          %swap3A_835 = arith.constant 32 : index
          %swap3A_836 = tpu.vector_load %arg15[%swap3A_834, %swap3A_835] {strides = array<i32>} : memref<128x144xf32, #tpu.memory_space<vmem>>, vector<16xf32>,
          tpu.vector_store %arg15[%swap3A_834, %swap3A_835], %mul3A_833 {strides = array<i32>} : memref<128x144xf32, #tpu.memory_space<vmem>>, vector<16xf32>,
          %get3A_837 = arith.index_cast %add3A_812 : i32 to index
          %get3A_838 = arith.constant 48 : index
          %get3A_839 = tpu.vector_load %arg14[%get3A_837, %get3A_838] {strides = array<i32>} : memref<128x128xf32, #tpu.memory_space<vmem>>, vector<16xf32>,
          %mul3A_840 = vector.broadcast %squeeze3A_808 : f32 to vector<16xf32>
          %mul3A_841 = arith.mulf %get3A_839, %mul3A_840 : vector<16xf32>
          %swap3A_842 = arith.index_cast %add3A_812 : i32 to index
          %swap3A_843 = arith.constant 48 : index
          %swap3A_844 = tpu.vector_load %arg15[%swap3A_842, %swap3A_843] {strides = array<i32>} : memref<128x144xf32, #tpu.memory_space<vmem>>, vector<16xf32>,
          tpu.vector_store %arg15[%swap3A_842, %swap3A_843], %mul3A_841 {strides = array<i32>} : memref<128x144xf32, #tpu.memory_space<vmem>>, vector<16xf32>,
          %get3A_845 = arith.index_cast %add3A_812 : i32 to index
          %get3A_846 = arith.constant 64 : index
          %get3A_847 = tpu.vector_load %arg14[%get3A_845, %get3A_846] {strides = array<i32>} : memref<128x128xf32, #tpu.memory_space<vmem>>, vector<16xf32>,
          %mul3A_848 = vector.broadcast %squeeze3A_808 : f32 to vector<16xf32>
          %mul3A_849 = arith.mulf %get3A_847, %mul3A_848 : vector<16xf32>
          %swap3A_850 = arith.index_cast %add3A_812 : i32 to index
          %swap3A_851 = arith.constant 64 : index
          %swap3A_852 = tpu.vector_load %arg15[%swap3A_850, %swap3A_851] {strides = array<i32>} : memref<128x144xf32, #tpu.memory_space<vmem>>, vector<16xf32>,
          tpu.vector_store %arg15[%swap3A_850, %swap3A_851], %mul3A_849 {strides = array<i32>} : memref<128x144xf32, #tpu.memory_space<vmem>>, vector<16xf32>,
          %get3A_853 = arith.index_cast %add3A_812 : i32 to index
          %get3A_854 = arith.constant 80 : index
          %get3A_855 = tpu.vector_load %arg14[%get3A_853, %get3A_854] {strides = array<i32>} : memref<128x128xf32, #tpu.memory_space<vmem>>, vector<16xf32>,
          %mul3A_856 = vector.broadcast %squeeze3A_808 : f32 to vector<16xf32>
          %mul3A_857 = arith.mulf %get3A_855, %mul3A_856 : vector<16xf32>
          %swap3A_858 = arith.index_cast %add3A_812 : i32 to index
          %swap3A_859 = arith.constant 80 : index
          %swap3A_860 = tpu.vector_load %arg15[%swap3A_858, %swap3A_859] {strides = array<i32>} : memref<128x144xf32, #tpu.memory_space<vmem>>, vector<16xf32>,
          tpu.vector_store %arg15[%swap3A_858, %swap3A_859], %mul3A_857 {strides = array<i32>} : memref<128x144xf32, #tpu.memory_space<vmem>>, vector<16xf32>,
          %get3A_861 = arith.index_cast %add3A_812 : i32 to index
          %get3A_862 = arith.constant 96 : index
          %get3A_863 = tpu.vector_load %arg14[%get3A_861, %get3A_862] {strides = array<i32>} : memref<128x128xf32, #tpu.memory_space<vmem>>, vector<16xf32>,
          %mul3A_864 = vector.broadcast %squeeze3A_808 : f32 to vector<16xf32>
          %mul3A_865 = arith.mulf %get3A_863, %mul3A_864 : vector<16xf32>
          %swap3A_866 = arith.index_cast %add3A_812 : i32 to index
          %swap3A_867 = arith.constant 96 : index
          %swap3A_868 = tpu.vector_load %arg15[%swap3A_866, %swap3A_867] {strides = array<i32>} : memref<128x144xf32, #tpu.memory_space<vmem>>, vector<16xf32>,
          tpu.vector_store %arg15[%swap3A_866, %swap3A_867], %mul3A_865 {strides = array<i32>} : memref<128x144xf32, #tpu.memory_space<vmem>>, vector<16xf32>,
          %get3A_869 = arith.index_cast %add3A_812 : i32 to index
          %get3A_870 = arith.constant 112 : index
          %get3A_871 = tpu.vector_load %arg14[%get3A_869, %get3A_870] {strides = array<i32>} : memref<128x128xf32, #tpu.memory_space<vmem>>, vector<16xf32>,
          %mul3A_872 = vector.broadcast %squeeze3A_808 : f32 to vector<16xf32>
          %mul3A_873 = arith.mulf %get3A_871, %mul3A_872 : vector<16xf32>
          %swap3A_874 = arith.index_cast %add3A_812 : i32 to index
          %swap3A_875 = arith.constant 112 : index
          %swap3A_876 = tpu.vector_load %arg15[%swap3A_874, %swap3A_875] {strides = array<i32>} : memref<128x144xf32, #tpu.memory_space<vmem>>, vector<16xf32>,
          tpu.vector_store %arg15[%swap3A_874, %swap3A_875], %mul3A_873 {strides = array<i32>} : memref<128x144xf32, #tpu.memory_space<vmem>>, vector<16xf32>,
          %mul3A_877 = vector.broadcast %squeeze3A_808 : f32 to vector<16xf32>
          %mul3A_878 = arith.mulf %select_n3A, %mul3A_877 : vector<16xf32>
          %swap3A_879 = arith.index_cast %add3A_812 : i32 to index
          %swap3A_880 = arith.constant 128 : index
          %swap3A_881 = tpu.vector_load %arg15[%swap3A_879, %swap3A_880] {strides = array<i32>} : memref<128x144xf32, #tpu.memory_space<vmem>>, vector<16xf32>,
          tpu.vector_store %arg15[%swap3A_879, %swap3A_880], %mul3A_878 {strides = array<i32>} : memref<128x144xf32, #tpu.memory_space<vmem>>, vector<16xf32>,
          %slice3A_882 = vector.extract_strided_slice %get3A_134 {offsets = [10], sizes = [1], strides = [1]} : vector<16xf32> to vector<1xf32>
          %squeeze3A_883 = vector.extract %slice3A_882[0] : f32 from vector<1xf32>
          %mul3A_884 = arith.constant 16 : i32
          %mul3A_885 = arith.muli %scan3A_129, %mul3A_884 : i32
          %add3A_886 = arith.constant 10 : i32
          %add3A_887 = arith.addi %mul3A_885, %add3A_886 : i32
          %get3A_888 = arith.index_cast %add3A_887 : i32 to index
          %get3A_889 = arith.constant 0 : index
          %get3A_890 = tpu.vector_load %arg14[%get3A_888, %get3A_889] {strides = array<i32>} : memref<128x128xf32, #tpu.memory_space<vmem>>, vector<16xf32>,
          %mul3A_891 = vector.broadcast %squeeze3A_883 : f32 to vector<16xf32>
          %mul3A_892 = arith.mulf %get3A_890, %mul3A_891 : vector<16xf32>
          %swap3A_893 = arith.index_cast %add3A_887 : i32 to index
          %swap3A_894 = arith.constant 0 : index
          %swap3A_895 = tpu.vector_load %arg15[%swap3A_893, %swap3A_894] {strides = array<i32>} : memref<128x144xf32, #tpu.memory_space<vmem>>, vector<16xf32>,
          tpu.vector_store %arg15[%swap3A_893, %swap3A_894], %mul3A_892 {strides = array<i32>} : memref<128x144xf32, #tpu.memory_space<vmem>>, vector<16xf32>,
          %get3A_896 = arith.index_cast %add3A_887 : i32 to index
          %get3A_897 = arith.constant 16 : index
          %get3A_898 = tpu.vector_load %arg14[%get3A_896, %get3A_897] {strides = array<i32>} : memref<128x128xf32, #tpu.memory_space<vmem>>, vector<16xf32>,
          %mul3A_899 = vector.broadcast %squeeze3A_883 : f32 to vector<16xf32>
          %mul3A_900 = arith.mulf %get3A_898, %mul3A_899 : vector<16xf32>
          %swap3A_901 = arith.index_cast %add3A_887 : i32 to index
          %swap3A_902 = arith.constant 16 : index
          %swap3A_903 = tpu.vector_load %arg15[%swap3A_901, %swap3A_902] {strides = array<i32>} : memref<128x144xf32, #tpu.memory_space<vmem>>, vector<16xf32>,
          tpu.vector_store %arg15[%swap3A_901, %swap3A_902], %mul3A_900 {strides = array<i32>} : memref<128x144xf32, #tpu.memory_space<vmem>>, vector<16xf32>,
          %get3A_904 = arith.index_cast %add3A_887 : i32 to index
          %get3A_905 = arith.constant 32 : index
          %get3A_906 = tpu.vector_load %arg14[%get3A_904, %get3A_905] {strides = array<i32>} : memref<128x128xf32, #tpu.memory_space<vmem>>, vector<16xf32>,
          %mul3A_907 = vector.broadcast %squeeze3A_883 : f32 to vector<16xf32>
          %mul3A_908 = arith.mulf %get3A_906, %mul3A_907 : vector<16xf32>
          %swap3A_909 = arith.index_cast %add3A_887 : i32 to index
          %swap3A_910 = arith.constant 32 : index
          %swap3A_911 = tpu.vector_load %arg15[%swap3A_909, %swap3A_910] {strides = array<i32>} : memref<128x144xf32, #tpu.memory_space<vmem>>, vector<16xf32>,
          tpu.vector_store %arg15[%swap3A_909, %swap3A_910], %mul3A_908 {strides = array<i32>} : memref<128x144xf32, #tpu.memory_space<vmem>>, vector<16xf32>,
          %get3A_912 = arith.index_cast %add3A_887 : i32 to index
          %get3A_913 = arith.constant 48 : index
          %get3A_914 = tpu.vector_load %arg14[%get3A_912, %get3A_913] {strides = array<i32>} : memref<128x128xf32, #tpu.memory_space<vmem>>, vector<16xf32>,
          %mul3A_915 = vector.broadcast %squeeze3A_883 : f32 to vector<16xf32>
          %mul3A_916 = arith.mulf %get3A_914, %mul3A_915 : vector<16xf32>
          %swap3A_917 = arith.index_cast %add3A_887 : i32 to index
          %swap3A_918 = arith.constant 48 : index
          %swap3A_919 = tpu.vector_load %arg15[%swap3A_917, %swap3A_918] {strides = array<i32>} : memref<128x144xf32, #tpu.memory_space<vmem>>, vector<16xf32>,
          tpu.vector_store %arg15[%swap3A_917, %swap3A_918], %mul3A_916 {strides = array<i32>} : memref<128x144xf32, #tpu.memory_space<vmem>>, vector<16xf32>,
          %get3A_920 = arith.index_cast %add3A_887 : i32 to index
          %get3A_921 = arith.constant 64 : index
          %get3A_922 = tpu.vector_load %arg14[%get3A_920, %get3A_921] {strides = array<i32>} : memref<128x128xf32, #tpu.memory_space<vmem>>, vector<16xf32>,
          %mul3A_923 = vector.broadcast %squeeze3A_883 : f32 to vector<16xf32>
          %mul3A_924 = arith.mulf %get3A_922, %mul3A_923 : vector<16xf32>
          %swap3A_925 = arith.index_cast %add3A_887 : i32 to index
          %swap3A_926 = arith.constant 64 : index
          %swap3A_927 = tpu.vector_load %arg15[%swap3A_925, %swap3A_926] {strides = array<i32>} : memref<128x144xf32, #tpu.memory_space<vmem>>, vector<16xf32>,
          tpu.vector_store %arg15[%swap3A_925, %swap3A_926], %mul3A_924 {strides = array<i32>} : memref<128x144xf32, #tpu.memory_space<vmem>>, vector<16xf32>,
          %get3A_928 = arith.index_cast %add3A_887 : i32 to index
          %get3A_929 = arith.constant 80 : index
          %get3A_930 = tpu.vector_load %arg14[%get3A_928, %get3A_929] {strides = array<i32>} : memref<128x128xf32, #tpu.memory_space<vmem>>, vector<16xf32>,
          %mul3A_931 = vector.broadcast %squeeze3A_883 : f32 to vector<16xf32>
          %mul3A_932 = arith.mulf %get3A_930, %mul3A_931 : vector<16xf32>
          %swap3A_933 = arith.index_cast %add3A_887 : i32 to index
          %swap3A_934 = arith.constant 80 : index
          %swap3A_935 = tpu.vector_load %arg15[%swap3A_933, %swap3A_934] {strides = array<i32>} : memref<128x144xf32, #tpu.memory_space<vmem>>, vector<16xf32>,
          tpu.vector_store %arg15[%swap3A_933, %swap3A_934], %mul3A_932 {strides = array<i32>} : memref<128x144xf32, #tpu.memory_space<vmem>>, vector<16xf32>,
          %get3A_936 = arith.index_cast %add3A_887 : i32 to index
          %get3A_937 = arith.constant 96 : index
          %get3A_938 = tpu.vector_load %arg14[%get3A_936, %get3A_937] {strides = array<i32>} : memref<128x128xf32, #tpu.memory_space<vmem>>, vector<16xf32>,
          %mul3A_939 = vector.broadcast %squeeze3A_883 : f32 to vector<16xf32>
          %mul3A_940 = arith.mulf %get3A_938, %mul3A_939 : vector<16xf32>
          %swap3A_941 = arith.index_cast %add3A_887 : i32 to index
          %swap3A_942 = arith.constant 96 : index
          %swap3A_943 = tpu.vector_load %arg15[%swap3A_941, %swap3A_942] {strides = array<i32>} : memref<128x144xf32, #tpu.memory_space<vmem>>, vector<16xf32>,
          tpu.vector_store %arg15[%swap3A_941, %swap3A_942], %mul3A_940 {strides = array<i32>} : memref<128x144xf32, #tpu.memory_space<vmem>>, vector<16xf32>,
          %get3A_944 = arith.index_cast %add3A_887 : i32 to index
          %get3A_945 = arith.constant 112 : index
          %get3A_946 = tpu.vector_load %arg14[%get3A_944, %get3A_945] {strides = array<i32>} : memref<128x128xf32, #tpu.memory_space<vmem>>, vector<16xf32>,
          %mul3A_947 = vector.broadcast %squeeze3A_883 : f32 to vector<16xf32>
          %mul3A_948 = arith.mulf %get3A_946, %mul3A_947 : vector<16xf32>
          %swap3A_949 = arith.index_cast %add3A_887 : i32 to index
          %swap3A_950 = arith.constant 112 : index
          %swap3A_951 = tpu.vector_load %arg15[%swap3A_949, %swap3A_950] {strides = array<i32>} : memref<128x144xf32, #tpu.memory_space<vmem>>, vector<16xf32>,
          tpu.vector_store %arg15[%swap3A_949, %swap3A_950], %mul3A_948 {strides = array<i32>} : memref<128x144xf32, #tpu.memory_space<vmem>>, vector<16xf32>,
          %mul3A_952 = vector.broadcast %squeeze3A_883 : f32 to vector<16xf32>
          %mul3A_953 = arith.mulf %select_n3A, %mul3A_952 : vector<16xf32>
          %swap3A_954 = arith.index_cast %add3A_887 : i32 to index
          %swap3A_955 = arith.constant 128 : index
          %swap3A_956 = tpu.vector_load %arg15[%swap3A_954, %swap3A_955] {strides = array<i32>} : memref<128x144xf32, #tpu.memory_space<vmem>>, vector<16xf32>,
          tpu.vector_store %arg15[%swap3A_954, %swap3A_955], %mul3A_953 {strides = array<i32>} : memref<128x144xf32, #tpu.memory_space<vmem>>, vector<16xf32>,
          %slice3A_957 = vector.extract_strided_slice %get3A_134 {offsets = [11], sizes = [1], strides = [1]} : vector<16xf32> to vector<1xf32>
          %squeeze3A_958 = vector.extract %slice3A_957[0] : f32 from vector<1xf32>
          %mul3A_959 = arith.constant 16 : i32
          %mul3A_960 = arith.muli %scan3A_129, %mul3A_959 : i32
          %add3A_961 = arith.constant 11 : i32
          %add3A_962 = arith.addi %mul3A_960, %add3A_961 : i32
          %get3A_963 = arith.index_cast %add3A_962 : i32 to index
          %get3A_964 = arith.constant 0 : index
          %get3A_965 = tpu.vector_load %arg14[%get3A_963, %get3A_964] {strides = array<i32>} : memref<128x128xf32, #tpu.memory_space<vmem>>, vector<16xf32>,
          %mul3A_966 = vector.broadcast %squeeze3A_958 : f32 to vector<16xf32>
          %mul3A_967 = arith.mulf %get3A_965, %mul3A_966 : vector<16xf32>
          %swap3A_968 = arith.index_cast %add3A_962 : i32 to index
          %swap3A_969 = arith.constant 0 : index
          %swap3A_970 = tpu.vector_load %arg15[%swap3A_968, %swap3A_969] {strides = array<i32>} : memref<128x144xf32, #tpu.memory_space<vmem>>, vector<16xf32>,
          tpu.vector_store %arg15[%swap3A_968, %swap3A_969], %mul3A_967 {strides = array<i32>} : memref<128x144xf32, #tpu.memory_space<vmem>>, vector<16xf32>,
          %get3A_971 = arith.index_cast %add3A_962 : i32 to index
          %get3A_972 = arith.constant 16 : index
          %get3A_973 = tpu.vector_load %arg14[%get3A_971, %get3A_972] {strides = array<i32>} : memref<128x128xf32, #tpu.memory_space<vmem>>, vector<16xf32>,
          %mul3A_974 = vector.broadcast %squeeze3A_958 : f32 to vector<16xf32>
          %mul3A_975 = arith.mulf %get3A_973, %mul3A_974 : vector<16xf32>
          %swap3A_976 = arith.index_cast %add3A_962 : i32 to index
          %swap3A_977 = arith.constant 16 : index
          %swap3A_978 = tpu.vector_load %arg15[%swap3A_976, %swap3A_977] {strides = array<i32>} : memref<128x144xf32, #tpu.memory_space<vmem>>, vector<16xf32>,
          tpu.vector_store %arg15[%swap3A_976, %swap3A_977], %mul3A_975 {strides = array<i32>} : memref<128x144xf32, #tpu.memory_space<vmem>>, vector<16xf32>,
          %get3A_979 = arith.index_cast %add3A_962 : i32 to index
          %get3A_980 = arith.constant 32 : index
          %get3A_981 = tpu.vector_load %arg14[%get3A_979, %get3A_980] {strides = array<i32>} : memref<128x128xf32, #tpu.memory_space<vmem>>, vector<16xf32>,
          %mul3A_982 = vector.broadcast %squeeze3A_958 : f32 to vector<16xf32>
          %mul3A_983 = arith.mulf %get3A_981, %mul3A_982 : vector<16xf32>
          %swap3A_984 = arith.index_cast %add3A_962 : i32 to index
          %swap3A_985 = arith.constant 32 : index
          %swap3A_986 = tpu.vector_load %arg15[%swap3A_984, %swap3A_985] {strides = array<i32>} : memref<128x144xf32, #tpu.memory_space<vmem>>, vector<16xf32>,
          tpu.vector_store %arg15[%swap3A_984, %swap3A_985], %mul3A_983 {strides = array<i32>} : memref<128x144xf32, #tpu.memory_space<vmem>>, vector<16xf32>,
          %get3A_987 = arith.index_cast %add3A_962 : i32 to index
          %get3A_988 = arith.constant 48 : index
          %get3A_989 = tpu.vector_load %arg14[%get3A_987, %get3A_988] {strides = array<i32>} : memref<128x128xf32, #tpu.memory_space<vmem>>, vector<16xf32>,
          %mul3A_990 = vector.broadcast %squeeze3A_958 : f32 to vector<16xf32>
          %mul3A_991 = arith.mulf %get3A_989, %mul3A_990 : vector<16xf32>
          %swap3A_992 = arith.index_cast %add3A_962 : i32 to index
          %swap3A_993 = arith.constant 48 : index
          %swap3A_994 = tpu.vector_load %arg15[%swap3A_992, %swap3A_993] {strides = array<i32>} : memref<128x144xf32, #tpu.memory_space<vmem>>, vector<16xf32>,
          tpu.vector_store %arg15[%swap3A_992, %swap3A_993], %mul3A_991 {strides = array<i32>} : memref<128x144xf32, #tpu.memory_space<vmem>>, vector<16xf32>,
          %get3A_995 = arith.index_cast %add3A_962 : i32 to index
          %get3A_996 = arith.constant 64 : index
          %get3A_997 = tpu.vector_load %arg14[%get3A_995, %get3A_996] {strides = array<i32>} : memref<128x128xf32, #tpu.memory_space<vmem>>, vector<16xf32>,
          %mul3A_998 = vector.broadcast %squeeze3A_958 : f32 to vector<16xf32>
          %mul3A_999 = arith.mulf %get3A_997, %mul3A_998 : vector<16xf32>
          %swap3A_1000 = arith.index_cast %add3A_962 : i32 to index
          %swap3A_1001 = arith.constant 64 : index
          %swap3A_1002 = tpu.vector_load %arg15[%swap3A_1000, %swap3A_1001] {strides = array<i32>} : memref<128x144xf32, #tpu.memory_space<vmem>>, vector<16xf32>,
          tpu.vector_store %arg15[%swap3A_1000, %swap3A_1001], %mul3A_999 {strides = array<i32>} : memref<128x144xf32, #tpu.memory_space<vmem>>, vector<16xf32>,
          %get3A_1003 = arith.index_cast %add3A_962 : i32 to index
          %get3A_1004 = arith.constant 80 : index
          %get3A_1005 = tpu.vector_load %arg14[%get3A_1003, %get3A_1004] {strides = array<i32>} : memref<128x128xf32, #tpu.memory_space<vmem>>, vector<16xf32>,
          %mul3A_1006 = vector.broadcast %squeeze3A_958 : f32 to vector<16xf32>
          %mul3A_1007 = arith.mulf %get3A_1005, %mul3A_1006 : vector<16xf32>
          %swap3A_1008 = arith.index_cast %add3A_962 : i32 to index
          %swap3A_1009 = arith.constant 80 : index
          %swap3A_1010 = tpu.vector_load %arg15[%swap3A_1008, %swap3A_1009] {strides = array<i32>} : memref<128x144xf32, #tpu.memory_space<vmem>>, vector<16xf32>,
          tpu.vector_store %arg15[%swap3A_1008, %swap3A_1009], %mul3A_1007 {strides = array<i32>} : memref<128x144xf32, #tpu.memory_space<vmem>>, vector<16xf32>,
          %get3A_1011 = arith.index_cast %add3A_962 : i32 to index
          %get3A_1012 = arith.constant 96 : index
          %get3A_1013 = tpu.vector_load %arg14[%get3A_1011, %get3A_1012] {strides = array<i32>} : memref<128x128xf32, #tpu.memory_space<vmem>>, vector<16xf32>,
          %mul3A_1014 = vector.broadcast %squeeze3A_958 : f32 to vector<16xf32>
          %mul3A_1015 = arith.mulf %get3A_1013, %mul3A_1014 : vector<16xf32>
          %swap3A_1016 = arith.index_cast %add3A_962 : i32 to index
          %swap3A_1017 = arith.constant 96 : index
          %swap3A_1018 = tpu.vector_load %arg15[%swap3A_1016, %swap3A_1017] {strides = array<i32>} : memref<128x144xf32, #tpu.memory_space<vmem>>, vector<16xf32>,
          tpu.vector_store %arg15[%swap3A_1016, %swap3A_1017], %mul3A_1015 {strides = array<i32>} : memref<128x144xf32, #tpu.memory_space<vmem>>, vector<16xf32>,
          %get3A_1019 = arith.index_cast %add3A_962 : i32 to index
          %get3A_1020 = arith.constant 112 : index
          %get3A_1021 = tpu.vector_load %arg14[%get3A_1019, %get3A_1020] {strides = array<i32>} : memref<128x128xf32, #tpu.memory_space<vmem>>, vector<16xf32>,
          %mul3A_1022 = vector.broadcast %squeeze3A_958 : f32 to vector<16xf32>
          %mul3A_1023 = arith.mulf %get3A_1021, %mul3A_1022 : vector<16xf32>
          %swap3A_1024 = arith.index_cast %add3A_962 : i32 to index
          %swap3A_1025 = arith.constant 112 : index
          %swap3A_1026 = tpu.vector_load %arg15[%swap3A_1024, %swap3A_1025] {strides = array<i32>} : memref<128x144xf32, #tpu.memory_space<vmem>>, vector<16xf32>,
          tpu.vector_store %arg15[%swap3A_1024, %swap3A_1025], %mul3A_1023 {strides = array<i32>} : memref<128x144xf32, #tpu.memory_space<vmem>>, vector<16xf32>,
          %mul3A_1027 = vector.broadcast %squeeze3A_958 : f32 to vector<16xf32>
          %mul3A_1028 = arith.mulf %select_n3A, %mul3A_1027 : vector<16xf32>
          %swap3A_1029 = arith.index_cast %add3A_962 : i32 to index
          %swap3A_1030 = arith.constant 128 : index
          %swap3A_1031 = tpu.vector_load %arg15[%swap3A_1029, %swap3A_1030] {strides = array<i32>} : memref<128x144xf32, #tpu.memory_space<vmem>>, vector<16xf32>,
          tpu.vector_store %arg15[%swap3A_1029, %swap3A_1030], %mul3A_1028 {strides = array<i32>} : memref<128x144xf32, #tpu.memory_space<vmem>>, vector<16xf32>,
          %slice3A_1032 = vector.extract_strided_slice %get3A_134 {offsets = [12], sizes = [1], strides = [1]} : vector<16xf32> to vector<1xf32>
          %squeeze3A_1033 = vector.extract %slice3A_1032[0] : f32 from vector<1xf32>
          %mul3A_1034 = arith.constant 16 : i32
          %mul3A_1035 = arith.muli %scan3A_129, %mul3A_1034 : i32
          %add3A_1036 = arith.constant 12 : i32
          %add3A_1037 = arith.addi %mul3A_1035, %add3A_1036 : i32
          %get3A_1038 = arith.index_cast %add3A_1037 : i32 to index
          %get3A_1039 = arith.constant 0 : index
          %get3A_1040 = tpu.vector_load %arg14[%get3A_1038, %get3A_1039] {strides = array<i32>} : memref<128x128xf32, #tpu.memory_space<vmem>>, vector<16xf32>,
          %mul3A_1041 = vector.broadcast %squeeze3A_1033 : f32 to vector<16xf32>
          %mul3A_1042 = arith.mulf %get3A_1040, %mul3A_1041 : vector<16xf32>
          %swap3A_1043 = arith.index_cast %add3A_1037 : i32 to index
          %swap3A_1044 = arith.constant 0 : index
          %swap3A_1045 = tpu.vector_load %arg15[%swap3A_1043, %swap3A_1044] {strides = array<i32>} : memref<128x144xf32, #tpu.memory_space<vmem>>, vector<16xf32>,
          tpu.vector_store %arg15[%swap3A_1043, %swap3A_1044], %mul3A_1042 {strides = array<i32>} : memref<128x144xf32, #tpu.memory_space<vmem>>, vector<16xf32>,
          %get3A_1046 = arith.index_cast %add3A_1037 : i32 to index
          %get3A_1047 = arith.constant 16 : index
          %get3A_1048 = tpu.vector_load %arg14[%get3A_1046, %get3A_1047] {strides = array<i32>} : memref<128x128xf32, #tpu.memory_space<vmem>>, vector<16xf32>,
          %mul3A_1049 = vector.broadcast %squeeze3A_1033 : f32 to vector<16xf32>
          %mul3A_1050 = arith.mulf %get3A_1048, %mul3A_1049 : vector<16xf32>
          %swap3A_1051 = arith.index_cast %add3A_1037 : i32 to index
          %swap3A_1052 = arith.constant 16 : index
          %swap3A_1053 = tpu.vector_load %arg15[%swap3A_1051, %swap3A_1052] {strides = array<i32>} : memref<128x144xf32, #tpu.memory_space<vmem>>, vector<16xf32>,
          tpu.vector_store %arg15[%swap3A_1051, %swap3A_1052], %mul3A_1050 {strides = array<i32>} : memref<128x144xf32, #tpu.memory_space<vmem>>, vector<16xf32>,
          %get3A_1054 = arith.index_cast %add3A_1037 : i32 to index
          %get3A_1055 = arith.constant 32 : index
          %get3A_1056 = tpu.vector_load %arg14[%get3A_1054, %get3A_1055] {strides = array<i32>} : memref<128x128xf32, #tpu.memory_space<vmem>>, vector<16xf32>,
          %mul3A_1057 = vector.broadcast %squeeze3A_1033 : f32 to vector<16xf32>
          %mul3A_1058 = arith.mulf %get3A_1056, %mul3A_1057 : vector<16xf32>
          %swap3A_1059 = arith.index_cast %add3A_1037 : i32 to index
          %swap3A_1060 = arith.constant 32 : index
          %swap3A_1061 = tpu.vector_load %arg15[%swap3A_1059, %swap3A_1060] {strides = array<i32>} : memref<128x144xf32, #tpu.memory_space<vmem>>, vector<16xf32>,
          tpu.vector_store %arg15[%swap3A_1059, %swap3A_1060], %mul3A_1058 {strides = array<i32>} : memref<128x144xf32, #tpu.memory_space<vmem>>, vector<16xf32>,
          %get3A_1062 = arith.index_cast %add3A_1037 : i32 to index
          %get3A_1063 = arith.constant 48 : index
          %get3A_1064 = tpu.vector_load %arg14[%get3A_1062, %get3A_1063] {strides = array<i32>} : memref<128x128xf32, #tpu.memory_space<vmem>>, vector<16xf32>,
          %mul3A_1065 = vector.broadcast %squeeze3A_1033 : f32 to vector<16xf32>
          %mul3A_1066 = arith.mulf %get3A_1064, %mul3A_1065 : vector<16xf32>
          %swap3A_1067 = arith.index_cast %add3A_1037 : i32 to index
          %swap3A_1068 = arith.constant 48 : index
          %swap3A_1069 = tpu.vector_load %arg15[%swap3A_1067, %swap3A_1068] {strides = array<i32>} : memref<128x144xf32, #tpu.memory_space<vmem>>, vector<16xf32>,
          tpu.vector_store %arg15[%swap3A_1067, %swap3A_1068], %mul3A_1066 {strides = array<i32>} : memref<128x144xf32, #tpu.memory_space<vmem>>, vector<16xf32>,
          %get3A_1070 = arith.index_cast %add3A_1037 : i32 to index
          %get3A_1071 = arith.constant 64 : index
          %get3A_1072 = tpu.vector_load %arg14[%get3A_1070, %get3A_1071] {strides = array<i32>} : memref<128x128xf32, #tpu.memory_space<vmem>>, vector<16xf32>,
          %mul3A_1073 = vector.broadcast %squeeze3A_1033 : f32 to vector<16xf32>
          %mul3A_1074 = arith.mulf %get3A_1072, %mul3A_1073 : vector<16xf32>
          %swap3A_1075 = arith.index_cast %add3A_1037 : i32 to index
          %swap3A_1076 = arith.constant 64 : index
          %swap3A_1077 = tpu.vector_load %arg15[%swap3A_1075, %swap3A_1076] {strides = array<i32>} : memref<128x144xf32, #tpu.memory_space<vmem>>, vector<16xf32>,
          tpu.vector_store %arg15[%swap3A_1075, %swap3A_1076], %mul3A_1074 {strides = array<i32>} : memref<128x144xf32, #tpu.memory_space<vmem>>, vector<16xf32>,
          %get3A_1078 = arith.index_cast %add3A_1037 : i32 to index
          %get3A_1079 = arith.constant 80 : index
          %get3A_1080 = tpu.vector_load %arg14[%get3A_1078, %get3A_1079] {strides = array<i32>} : memref<128x128xf32, #tpu.memory_space<vmem>>, vector<16xf32>,
          %mul3A_1081 = vector.broadcast %squeeze3A_1033 : f32 to vector<16xf32>
          %mul3A_1082 = arith.mulf %get3A_1080, %mul3A_1081 : vector<16xf32>
          %swap3A_1083 = arith.index_cast %add3A_1037 : i32 to index
          %swap3A_1084 = arith.constant 80 : index
          %swap3A_1085 = tpu.vector_load %arg15[%swap3A_1083, %swap3A_1084] {strides = array<i32>} : memref<128x144xf32, #tpu.memory_space<vmem>>, vector<16xf32>,
          tpu.vector_store %arg15[%swap3A_1083, %swap3A_1084], %mul3A_1082 {strides = array<i32>} : memref<128x144xf32, #tpu.memory_space<vmem>>, vector<16xf32>,
          %get3A_1086 = arith.index_cast %add3A_1037 : i32 to index
          %get3A_1087 = arith.constant 96 : index
          %get3A_1088 = tpu.vector_load %arg14[%get3A_1086, %get3A_1087] {strides = array<i32>} : memref<128x128xf32, #tpu.memory_space<vmem>>, vector<16xf32>,
          %mul3A_1089 = vector.broadcast %squeeze3A_1033 : f32 to vector<16xf32>
          %mul3A_1090 = arith.mulf %get3A_1088, %mul3A_1089 : vector<16xf32>
          %swap3A_1091 = arith.index_cast %add3A_1037 : i32 to index
          %swap3A_1092 = arith.constant 96 : index
          %swap3A_1093 = tpu.vector_load %arg15[%swap3A_1091, %swap3A_1092] {strides = array<i32>} : memref<128x144xf32, #tpu.memory_space<vmem>>, vector<16xf32>,
          tpu.vector_store %arg15[%swap3A_1091, %swap3A_1092], %mul3A_1090 {strides = array<i32>} : memref<128x144xf32, #tpu.memory_space<vmem>>, vector<16xf32>,
          %get3A_1094 = arith.index_cast %add3A_1037 : i32 to index
          %get3A_1095 = arith.constant 112 : index
          %get3A_1096 = tpu.vector_load %arg14[%get3A_1094, %get3A_1095] {strides = array<i32>} : memref<128x128xf32, #tpu.memory_space<vmem>>, vector<16xf32>,
          %mul3A_1097 = vector.broadcast %squeeze3A_1033 : f32 to vector<16xf32>
          %mul3A_1098 = arith.mulf %get3A_1096, %mul3A_1097 : vector<16xf32>
          %swap3A_1099 = arith.index_cast %add3A_1037 : i32 to index
          %swap3A_1100 = arith.constant 112 : index
          %swap3A_1101 = tpu.vector_load %arg15[%swap3A_1099, %swap3A_1100] {strides = array<i32>} : memref<128x144xf32, #tpu.memory_space<vmem>>, vector<16xf32>,
          tpu.vector_store %arg15[%swap3A_1099, %swap3A_1100], %mul3A_1098 {strides = array<i32>} : memref<128x144xf32, #tpu.memory_space<vmem>>, vector<16xf32>,
          %mul3A_1102 = vector.broadcast %squeeze3A_1033 : f32 to vector<16xf32>
          %mul3A_1103 = arith.mulf %select_n3A, %mul3A_1102 : vector<16xf32>
          %swap3A_1104 = arith.index_cast %add3A_1037 : i32 to index
          %swap3A_1105 = arith.constant 128 : index
          %swap3A_1106 = tpu.vector_load %arg15[%swap3A_1104, %swap3A_1105] {strides = array<i32>} : memref<128x144xf32, #tpu.memory_space<vmem>>, vector<16xf32>,
          tpu.vector_store %arg15[%swap3A_1104, %swap3A_1105], %mul3A_1103 {strides = array<i32>} : memref<128x144xf32, #tpu.memory_space<vmem>>, vector<16xf32>,
          %slice3A_1107 = vector.extract_strided_slice %get3A_134 {offsets = [13], sizes = [1], strides = [1]} : vector<16xf32> to vector<1xf32>
          %squeeze3A_1108 = vector.extract %slice3A_1107[0] : f32 from vector<1xf32>
          %mul3A_1109 = arith.constant 16 : i32
          %mul3A_1110 = arith.muli %scan3A_129, %mul3A_1109 : i32
          %add3A_1111 = arith.constant 13 : i32
          %add3A_1112 = arith.addi %mul3A_1110, %add3A_1111 : i32
          %get3A_1113 = arith.index_cast %add3A_1112 : i32 to index
          %get3A_1114 = arith.constant 0 : index
          %get3A_1115 = tpu.vector_load %arg14[%get3A_1113, %get3A_1114] {strides = array<i32>} : memref<128x128xf32, #tpu.memory_space<vmem>>, vector<16xf32>,
          %mul3A_1116 = vector.broadcast %squeeze3A_1108 : f32 to vector<16xf32>
          %mul3A_1117 = arith.mulf %get3A_1115, %mul3A_1116 : vector<16xf32>
          %swap3A_1118 = arith.index_cast %add3A_1112 : i32 to index
          %swap3A_1119 = arith.constant 0 : index
          %swap3A_1120 = tpu.vector_load %arg15[%swap3A_1118, %swap3A_1119] {strides = array<i32>} : memref<128x144xf32, #tpu.memory_space<vmem>>, vector<16xf32>,
          tpu.vector_store %arg15[%swap3A_1118, %swap3A_1119], %mul3A_1117 {strides = array<i32>} : memref<128x144xf32, #tpu.memory_space<vmem>>, vector<16xf32>,
          %get3A_1121 = arith.index_cast %add3A_1112 : i32 to index
          %get3A_1122 = arith.constant 16 : index
          %get3A_1123 = tpu.vector_load %arg14[%get3A_1121, %get3A_1122] {strides = array<i32>} : memref<128x128xf32, #tpu.memory_space<vmem>>, vector<16xf32>,
          %mul3A_1124 = vector.broadcast %squeeze3A_1108 : f32 to vector<16xf32>
          %mul3A_1125 = arith.mulf %get3A_1123, %mul3A_1124 : vector<16xf32>
          %swap3A_1126 = arith.index_cast %add3A_1112 : i32 to index
          %swap3A_1127 = arith.constant 16 : index
          %swap3A_1128 = tpu.vector_load %arg15[%swap3A_1126, %swap3A_1127] {strides = array<i32>} : memref<128x144xf32, #tpu.memory_space<vmem>>, vector<16xf32>,
          tpu.vector_store %arg15[%swap3A_1126, %swap3A_1127], %mul3A_1125 {strides = array<i32>} : memref<128x144xf32, #tpu.memory_space<vmem>>, vector<16xf32>,
          %get3A_1129 = arith.index_cast %add3A_1112 : i32 to index
          %get3A_1130 = arith.constant 32 : index
          %get3A_1131 = tpu.vector_load %arg14[%get3A_1129, %get3A_1130] {strides = array<i32>} : memref<128x128xf32, #tpu.memory_space<vmem>>, vector<16xf32>,
          %mul3A_1132 = vector.broadcast %squeeze3A_1108 : f32 to vector<16xf32>
          %mul3A_1133 = arith.mulf %get3A_1131, %mul3A_1132 : vector<16xf32>
          %swap3A_1134 = arith.index_cast %add3A_1112 : i32 to index
          %swap3A_1135 = arith.constant 32 : index
          %swap3A_1136 = tpu.vector_load %arg15[%swap3A_1134, %swap3A_1135] {strides = array<i32>} : memref<128x144xf32, #tpu.memory_space<vmem>>, vector<16xf32>,
          tpu.vector_store %arg15[%swap3A_1134, %swap3A_1135], %mul3A_1133 {strides = array<i32>} : memref<128x144xf32, #tpu.memory_space<vmem>>, vector<16xf32>,
          %get3A_1137 = arith.index_cast %add3A_1112 : i32 to index
          %get3A_1138 = arith.constant 48 : index
          %get3A_1139 = tpu.vector_load %arg14[%get3A_1137, %get3A_1138] {strides = array<i32>} : memref<128x128xf32, #tpu.memory_space<vmem>>, vector<16xf32>,
          %mul3A_1140 = vector.broadcast %squeeze3A_1108 : f32 to vector<16xf32>
          %mul3A_1141 = arith.mulf %get3A_1139, %mul3A_1140 : vector<16xf32>
          %swap3A_1142 = arith.index_cast %add3A_1112 : i32 to index
          %swap3A_1143 = arith.constant 48 : index
          %swap3A_1144 = tpu.vector_load %arg15[%swap3A_1142, %swap3A_1143] {strides = array<i32>} : memref<128x144xf32, #tpu.memory_space<vmem>>, vector<16xf32>,
          tpu.vector_store %arg15[%swap3A_1142, %swap3A_1143], %mul3A_1141 {strides = array<i32>} : memref<128x144xf32, #tpu.memory_space<vmem>>, vector<16xf32>,
          %get3A_1145 = arith.index_cast %add3A_1112 : i32 to index
          %get3A_1146 = arith.constant 64 : index
          %get3A_1147 = tpu.vector_load %arg14[%get3A_1145, %get3A_1146] {strides = array<i32>} : memref<128x128xf32, #tpu.memory_space<vmem>>, vector<16xf32>,
          %mul3A_1148 = vector.broadcast %squeeze3A_1108 : f32 to vector<16xf32>
          %mul3A_1149 = arith.mulf %get3A_1147, %mul3A_1148 : vector<16xf32>
          %swap3A_1150 = arith.index_cast %add3A_1112 : i32 to index
          %swap3A_1151 = arith.constant 64 : index
          %swap3A_1152 = tpu.vector_load %arg15[%swap3A_1150, %swap3A_1151] {strides = array<i32>} : memref<128x144xf32, #tpu.memory_space<vmem>>, vector<16xf32>,
          tpu.vector_store %arg15[%swap3A_1150, %swap3A_1151], %mul3A_1149 {strides = array<i32>} : memref<128x144xf32, #tpu.memory_space<vmem>>, vector<16xf32>,
          %get3A_1153 = arith.index_cast %add3A_1112 : i32 to index
          %get3A_1154 = arith.constant 80 : index
          %get3A_1155 = tpu.vector_load %arg14[%get3A_1153, %get3A_1154] {strides = array<i32>} : memref<128x128xf32, #tpu.memory_space<vmem>>, vector<16xf32>,
          %mul3A_1156 = vector.broadcast %squeeze3A_1108 : f32 to vector<16xf32>
          %mul3A_1157 = arith.mulf %get3A_1155, %mul3A_1156 : vector<16xf32>
          %swap3A_1158 = arith.index_cast %add3A_1112 : i32 to index
          %swap3A_1159 = arith.constant 80 : index
          %swap3A_1160 = tpu.vector_load %arg15[%swap3A_1158, %swap3A_1159] {strides = array<i32>} : memref<128x144xf32, #tpu.memory_space<vmem>>, vector<16xf32>,
          tpu.vector_store %arg15[%swap3A_1158, %swap3A_1159], %mul3A_1157 {strides = array<i32>} : memref<128x144xf32, #tpu.memory_space<vmem>>, vector<16xf32>,
          %get3A_1161 = arith.index_cast %add3A_1112 : i32 to index
          %get3A_1162 = arith.constant 96 : index
          %get3A_1163 = tpu.vector_load %arg14[%get3A_1161, %get3A_1162] {strides = array<i32>} : memref<128x128xf32, #tpu.memory_space<vmem>>, vector<16xf32>,
          %mul3A_1164 = vector.broadcast %squeeze3A_1108 : f32 to vector<16xf32>
          %mul3A_1165 = arith.mulf %get3A_1163, %mul3A_1164 : vector<16xf32>
          %swap3A_1166 = arith.index_cast %add3A_1112 : i32 to index
          %swap3A_1167 = arith.constant 96 : index
          %swap3A_1168 = tpu.vector_load %arg15[%swap3A_1166, %swap3A_1167] {strides = array<i32>} : memref<128x144xf32, #tpu.memory_space<vmem>>, vector<16xf32>,
          tpu.vector_store %arg15[%swap3A_1166, %swap3A_1167], %mul3A_1165 {strides = array<i32>} : memref<128x144xf32, #tpu.memory_space<vmem>>, vector<16xf32>,
          %get3A_1169 = arith.index_cast %add3A_1112 : i32 to index
          %get3A_1170 = arith.constant 112 : index
          %get3A_1171 = tpu.vector_load %arg14[%get3A_1169, %get3A_1170] {strides = array<i32>} : memref<128x128xf32, #tpu.memory_space<vmem>>, vector<16xf32>,
          %mul3A_1172 = vector.broadcast %squeeze3A_1108 : f32 to vector<16xf32>
          %mul3A_1173 = arith.mulf %get3A_1171, %mul3A_1172 : vector<16xf32>
          %swap3A_1174 = arith.index_cast %add3A_1112 : i32 to index
          %swap3A_1175 = arith.constant 112 : index
          %swap3A_1176 = tpu.vector_load %arg15[%swap3A_1174, %swap3A_1175] {strides = array<i32>} : memref<128x144xf32, #tpu.memory_space<vmem>>, vector<16xf32>,
          tpu.vector_store %arg15[%swap3A_1174, %swap3A_1175], %mul3A_1173 {strides = array<i32>} : memref<128x144xf32, #tpu.memory_space<vmem>>, vector<16xf32>,
          %mul3A_1177 = vector.broadcast %squeeze3A_1108 : f32 to vector<16xf32>
          %mul3A_1178 = arith.mulf %select_n3A, %mul3A_1177 : vector<16xf32>
          %swap3A_1179 = arith.index_cast %add3A_1112 : i32 to index
          %swap3A_1180 = arith.constant 128 : index
          %swap3A_1181 = tpu.vector_load %arg15[%swap3A_1179, %swap3A_1180] {strides = array<i32>} : memref<128x144xf32, #tpu.memory_space<vmem>>, vector<16xf32>,
          tpu.vector_store %arg15[%swap3A_1179, %swap3A_1180], %mul3A_1178 {strides = array<i32>} : memref<128x144xf32, #tpu.memory_space<vmem>>, vector<16xf32>,
          %slice3A_1182 = vector.extract_strided_slice %get3A_134 {offsets = [14], sizes = [1], strides = [1]} : vector<16xf32> to vector<1xf32>
          %squeeze3A_1183 = vector.extract %slice3A_1182[0] : f32 from vector<1xf32>
          %mul3A_1184 = arith.constant 16 : i32
          %mul3A_1185 = arith.muli %scan3A_129, %mul3A_1184 : i32
          %add3A_1186 = arith.constant 14 : i32
          %add3A_1187 = arith.addi %mul3A_1185, %add3A_1186 : i32
          %get3A_1188 = arith.index_cast %add3A_1187 : i32 to index
          %get3A_1189 = arith.constant 0 : index
          %get3A_1190 = tpu.vector_load %arg14[%get3A_1188, %get3A_1189] {strides = array<i32>} : memref<128x128xf32, #tpu.memory_space<vmem>>, vector<16xf32>,
          %mul3A_1191 = vector.broadcast %squeeze3A_1183 : f32 to vector<16xf32>
          %mul3A_1192 = arith.mulf %get3A_1190, %mul3A_1191 : vector<16xf32>
          %swap3A_1193 = arith.index_cast %add3A_1187 : i32 to index
          %swap3A_1194 = arith.constant 0 : index
          %swap3A_1195 = tpu.vector_load %arg15[%swap3A_1193, %swap3A_1194] {strides = array<i32>} : memref<128x144xf32, #tpu.memory_space<vmem>>, vector<16xf32>,
          tpu.vector_store %arg15[%swap3A_1193, %swap3A_1194], %mul3A_1192 {strides = array<i32>} : memref<128x144xf32, #tpu.memory_space<vmem>>, vector<16xf32>,
          %get3A_1196 = arith.index_cast %add3A_1187 : i32 to index
          %get3A_1197 = arith.constant 16 : index
          %get3A_1198 = tpu.vector_load %arg14[%get3A_1196, %get3A_1197] {strides = array<i32>} : memref<128x128xf32, #tpu.memory_space<vmem>>, vector<16xf32>,
          %mul3A_1199 = vector.broadcast %squeeze3A_1183 : f32 to vector<16xf32>
          %mul3A_1200 = arith.mulf %get3A_1198, %mul3A_1199 : vector<16xf32>
          %swap3A_1201 = arith.index_cast %add3A_1187 : i32 to index
          %swap3A_1202 = arith.constant 16 : index
          %swap3A_1203 = tpu.vector_load %arg15[%swap3A_1201, %swap3A_1202] {strides = array<i32>} : memref<128x144xf32, #tpu.memory_space<vmem>>, vector<16xf32>,
          tpu.vector_store %arg15[%swap3A_1201, %swap3A_1202], %mul3A_1200 {strides = array<i32>} : memref<128x144xf32, #tpu.memory_space<vmem>>, vector<16xf32>,
          %get3A_1204 = arith.index_cast %add3A_1187 : i32 to index
          %get3A_1205 = arith.constant 32 : index
          %get3A_1206 = tpu.vector_load %arg14[%get3A_1204, %get3A_1205] {strides = array<i32>} : memref<128x128xf32, #tpu.memory_space<vmem>>, vector<16xf32>,
          %mul3A_1207 = vector.broadcast %squeeze3A_1183 : f32 to vector<16xf32>
          %mul3A_1208 = arith.mulf %get3A_1206, %mul3A_1207 : vector<16xf32>
          %swap3A_1209 = arith.index_cast %add3A_1187 : i32 to index
          %swap3A_1210 = arith.constant 32 : index
          %swap3A_1211 = tpu.vector_load %arg15[%swap3A_1209, %swap3A_1210] {strides = array<i32>} : memref<128x144xf32, #tpu.memory_space<vmem>>, vector<16xf32>,
          tpu.vector_store %arg15[%swap3A_1209, %swap3A_1210], %mul3A_1208 {strides = array<i32>} : memref<128x144xf32, #tpu.memory_space<vmem>>, vector<16xf32>,
          %get3A_1212 = arith.index_cast %add3A_1187 : i32 to index
          %get3A_1213 = arith.constant 48 : index
          %get3A_1214 = tpu.vector_load %arg14[%get3A_1212, %get3A_1213] {strides = array<i32>} : memref<128x128xf32, #tpu.memory_space<vmem>>, vector<16xf32>,
          %mul3A_1215 = vector.broadcast %squeeze3A_1183 : f32 to vector<16xf32>
          %mul3A_1216 = arith.mulf %get3A_1214, %mul3A_1215 : vector<16xf32>
          %swap3A_1217 = arith.index_cast %add3A_1187 : i32 to index
          %swap3A_1218 = arith.constant 48 : index
          %swap3A_1219 = tpu.vector_load %arg15[%swap3A_1217, %swap3A_1218] {strides = array<i32>} : memref<128x144xf32, #tpu.memory_space<vmem>>, vector<16xf32>,
          tpu.vector_store %arg15[%swap3A_1217, %swap3A_1218], %mul3A_1216 {strides = array<i32>} : memref<128x144xf32, #tpu.memory_space<vmem>>, vector<16xf32>,
          %get3A_1220 = arith.index_cast %add3A_1187 : i32 to index
          %get3A_1221 = arith.constant 64 : index
          %get3A_1222 = tpu.vector_load %arg14[%get3A_1220, %get3A_1221] {strides = array<i32>} : memref<128x128xf32, #tpu.memory_space<vmem>>, vector<16xf32>,
          %mul3A_1223 = vector.broadcast %squeeze3A_1183 : f32 to vector<16xf32>
          %mul3A_1224 = arith.mulf %get3A_1222, %mul3A_1223 : vector<16xf32>
          %swap3A_1225 = arith.index_cast %add3A_1187 : i32 to index
          %swap3A_1226 = arith.constant 64 : index
          %swap3A_1227 = tpu.vector_load %arg15[%swap3A_1225, %swap3A_1226] {strides = array<i32>} : memref<128x144xf32, #tpu.memory_space<vmem>>, vector<16xf32>,
          tpu.vector_store %arg15[%swap3A_1225, %swap3A_1226], %mul3A_1224 {strides = array<i32>} : memref<128x144xf32, #tpu.memory_space<vmem>>, vector<16xf32>,
          %get3A_1228 = arith.index_cast %add3A_1187 : i32 to index
          %get3A_1229 = arith.constant 80 : index
          %get3A_1230 = tpu.vector_load %arg14[%get3A_1228, %get3A_1229] {strides = array<i32>} : memref<128x128xf32, #tpu.memory_space<vmem>>, vector<16xf32>,
          %mul3A_1231 = vector.broadcast %squeeze3A_1183 : f32 to vector<16xf32>
          %mul3A_1232 = arith.mulf %get3A_1230, %mul3A_1231 : vector<16xf32>
          %swap3A_1233 = arith.index_cast %add3A_1187 : i32 to index
          %swap3A_1234 = arith.constant 80 : index
          %swap3A_1235 = tpu.vector_load %arg15[%swap3A_1233, %swap3A_1234] {strides = array<i32>} : memref<128x144xf32, #tpu.memory_space<vmem>>, vector<16xf32>,
          tpu.vector_store %arg15[%swap3A_1233, %swap3A_1234], %mul3A_1232 {strides = array<i32>} : memref<128x144xf32, #tpu.memory_space<vmem>>, vector<16xf32>,
          %get3A_1236 = arith.index_cast %add3A_1187 : i32 to index
          %get3A_1237 = arith.constant 96 : index
          %get3A_1238 = tpu.vector_load %arg14[%get3A_1236, %get3A_1237] {strides = array<i32>} : memref<128x128xf32, #tpu.memory_space<vmem>>, vector<16xf32>,
          %mul3A_1239 = vector.broadcast %squeeze3A_1183 : f32 to vector<16xf32>
          %mul3A_1240 = arith.mulf %get3A_1238, %mul3A_1239 : vector<16xf32>
          %swap3A_1241 = arith.index_cast %add3A_1187 : i32 to index
          %swap3A_1242 = arith.constant 96 : index
          %swap3A_1243 = tpu.vector_load %arg15[%swap3A_1241, %swap3A_1242] {strides = array<i32>} : memref<128x144xf32, #tpu.memory_space<vmem>>, vector<16xf32>,
          tpu.vector_store %arg15[%swap3A_1241, %swap3A_1242], %mul3A_1240 {strides = array<i32>} : memref<128x144xf32, #tpu.memory_space<vmem>>, vector<16xf32>,
          %get3A_1244 = arith.index_cast %add3A_1187 : i32 to index
          %get3A_1245 = arith.constant 112 : index
          %get3A_1246 = tpu.vector_load %arg14[%get3A_1244, %get3A_1245] {strides = array<i32>} : memref<128x128xf32, #tpu.memory_space<vmem>>, vector<16xf32>,
          %mul3A_1247 = vector.broadcast %squeeze3A_1183 : f32 to vector<16xf32>
          %mul3A_1248 = arith.mulf %get3A_1246, %mul3A_1247 : vector<16xf32>
          %swap3A_1249 = arith.index_cast %add3A_1187 : i32 to index
          %swap3A_1250 = arith.constant 112 : index
          %swap3A_1251 = tpu.vector_load %arg15[%swap3A_1249, %swap3A_1250] {strides = array<i32>} : memref<128x144xf32, #tpu.memory_space<vmem>>, vector<16xf32>,
          tpu.vector_store %arg15[%swap3A_1249, %swap3A_1250], %mul3A_1248 {strides = array<i32>} : memref<128x144xf32, #tpu.memory_space<vmem>>, vector<16xf32>,
          %mul3A_1252 = vector.broadcast %squeeze3A_1183 : f32 to vector<16xf32>
          %mul3A_1253 = arith.mulf %select_n3A, %mul3A_1252 : vector<16xf32>
          %swap3A_1254 = arith.index_cast %add3A_1187 : i32 to index
          %swap3A_1255 = arith.constant 128 : index
          %swap3A_1256 = tpu.vector_load %arg15[%swap3A_1254, %swap3A_1255] {strides = array<i32>} : memref<128x144xf32, #tpu.memory_space<vmem>>, vector<16xf32>,
          tpu.vector_store %arg15[%swap3A_1254, %swap3A_1255], %mul3A_1253 {strides = array<i32>} : memref<128x144xf32, #tpu.memory_space<vmem>>, vector<16xf32>,
          %slice3A_1257 = vector.extract_strided_slice %get3A_134 {offsets = [15], sizes = [1], strides = [1]} : vector<16xf32> to vector<1xf32>
          %squeeze3A_1258 = vector.extract %slice3A_1257[0] : f32 from vector<1xf32>
          %mul3A_1259 = arith.constant 16 : i32
          %mul3A_1260 = arith.muli %scan3A_129, %mul3A_1259 : i32
          %add3A_1261 = arith.constant 15 : i32
          %add3A_1262 = arith.addi %mul3A_1260, %add3A_1261 : i32
          %get3A_1263 = arith.index_cast %add3A_1262 : i32 to index
          %get3A_1264 = arith.constant 0 : index
          %get3A_1265 = tpu.vector_load %arg14[%get3A_1263, %get3A_1264] {strides = array<i32>} : memref<128x128xf32, #tpu.memory_space<vmem>>, vector<16xf32>,
          %mul3A_1266 = vector.broadcast %squeeze3A_1258 : f32 to vector<16xf32>
          %mul3A_1267 = arith.mulf %get3A_1265, %mul3A_1266 : vector<16xf32>
          %swap3A_1268 = arith.index_cast %add3A_1262 : i32 to index
          %swap3A_1269 = arith.constant 0 : index
          %swap3A_1270 = tpu.vector_load %arg15[%swap3A_1268, %swap3A_1269] {strides = array<i32>} : memref<128x144xf32, #tpu.memory_space<vmem>>, vector<16xf32>,
          tpu.vector_store %arg15[%swap3A_1268, %swap3A_1269], %mul3A_1267 {strides = array<i32>} : memref<128x144xf32, #tpu.memory_space<vmem>>, vector<16xf32>,
          %get3A_1271 = arith.index_cast %add3A_1262 : i32 to index
          %get3A_1272 = arith.constant 16 : index
          %get3A_1273 = tpu.vector_load %arg14[%get3A_1271, %get3A_1272] {strides = array<i32>} : memref<128x128xf32, #tpu.memory_space<vmem>>, vector<16xf32>,
          %mul3A_1274 = vector.broadcast %squeeze3A_1258 : f32 to vector<16xf32>
          %mul3A_1275 = arith.mulf %get3A_1273, %mul3A_1274 : vector<16xf32>
          %swap3A_1276 = arith.index_cast %add3A_1262 : i32 to index
          %swap3A_1277 = arith.constant 16 : index
          %swap3A_1278 = tpu.vector_load %arg15[%swap3A_1276, %swap3A_1277] {strides = array<i32>} : memref<128x144xf32, #tpu.memory_space<vmem>>, vector<16xf32>,
          tpu.vector_store %arg15[%swap3A_1276, %swap3A_1277], %mul3A_1275 {strides = array<i32>} : memref<128x144xf32, #tpu.memory_space<vmem>>, vector<16xf32>,
          %get3A_1279 = arith.index_cast %add3A_1262 : i32 to index
          %get3A_1280 = arith.constant 32 : index
          %get3A_1281 = tpu.vector_load %arg14[%get3A_1279, %get3A_1280] {strides = array<i32>} : memref<128x128xf32, #tpu.memory_space<vmem>>, vector<16xf32>,
          %mul3A_1282 = vector.broadcast %squeeze3A_1258 : f32 to vector<16xf32>
          %mul3A_1283 = arith.mulf %get3A_1281, %mul3A_1282 : vector<16xf32>
          %swap3A_1284 = arith.index_cast %add3A_1262 : i32 to index
          %swap3A_1285 = arith.constant 32 : index
          %swap3A_1286 = tpu.vector_load %arg15[%swap3A_1284, %swap3A_1285] {strides = array<i32>} : memref<128x144xf32, #tpu.memory_space<vmem>>, vector<16xf32>,
          tpu.vector_store %arg15[%swap3A_1284, %swap3A_1285], %mul3A_1283 {strides = array<i32>} : memref<128x144xf32, #tpu.memory_space<vmem>>, vector<16xf32>,
          %get3A_1287 = arith.index_cast %add3A_1262 : i32 to index
          %get3A_1288 = arith.constant 48 : index
          %get3A_1289 = tpu.vector_load %arg14[%get3A_1287, %get3A_1288] {strides = array<i32>} : memref<128x128xf32, #tpu.memory_space<vmem>>, vector<16xf32>,
          %mul3A_1290 = vector.broadcast %squeeze3A_1258 : f32 to vector<16xf32>
          %mul3A_1291 = arith.mulf %get3A_1289, %mul3A_1290 : vector<16xf32>
          %swap3A_1292 = arith.index_cast %add3A_1262 : i32 to index
          %swap3A_1293 = arith.constant 48 : index
          %swap3A_1294 = tpu.vector_load %arg15[%swap3A_1292, %swap3A_1293] {strides = array<i32>} : memref<128x144xf32, #tpu.memory_space<vmem>>, vector<16xf32>,
          tpu.vector_store %arg15[%swap3A_1292, %swap3A_1293], %mul3A_1291 {strides = array<i32>} : memref<128x144xf32, #tpu.memory_space<vmem>>, vector<16xf32>,
          %get3A_1295 = arith.index_cast %add3A_1262 : i32 to index
          %get3A_1296 = arith.constant 64 : index
          %get3A_1297 = tpu.vector_load %arg14[%get3A_1295, %get3A_1296] {strides = array<i32>} : memref<128x128xf32, #tpu.memory_space<vmem>>, vector<16xf32>,
          %mul3A_1298 = vector.broadcast %squeeze3A_1258 : f32 to vector<16xf32>
          %mul3A_1299 = arith.mulf %get3A_1297, %mul3A_1298 : vector<16xf32>
          %swap3A_1300 = arith.index_cast %add3A_1262 : i32 to index
          %swap3A_1301 = arith.constant 64 : index
          %swap3A_1302 = tpu.vector_load %arg15[%swap3A_1300, %swap3A_1301] {strides = array<i32>} : memref<128x144xf32, #tpu.memory_space<vmem>>, vector<16xf32>,
          tpu.vector_store %arg15[%swap3A_1300, %swap3A_1301], %mul3A_1299 {strides = array<i32>} : memref<128x144xf32, #tpu.memory_space<vmem>>, vector<16xf32>,
          %get3A_1303 = arith.index_cast %add3A_1262 : i32 to index
          %get3A_1304 = arith.constant 80 : index
          %get3A_1305 = tpu.vector_load %arg14[%get3A_1303, %get3A_1304] {strides = array<i32>} : memref<128x128xf32, #tpu.memory_space<vmem>>, vector<16xf32>,
          %mul3A_1306 = vector.broadcast %squeeze3A_1258 : f32 to vector<16xf32>
          %mul3A_1307 = arith.mulf %get3A_1305, %mul3A_1306 : vector<16xf32>
          %swap3A_1308 = arith.index_cast %add3A_1262 : i32 to index
          %swap3A_1309 = arith.constant 80 : index
          %swap3A_1310 = tpu.vector_load %arg15[%swap3A_1308, %swap3A_1309] {strides = array<i32>} : memref<128x144xf32, #tpu.memory_space<vmem>>, vector<16xf32>,
          tpu.vector_store %arg15[%swap3A_1308, %swap3A_1309], %mul3A_1307 {strides = array<i32>} : memref<128x144xf32, #tpu.memory_space<vmem>>, vector<16xf32>,
          %get3A_1311 = arith.index_cast %add3A_1262 : i32 to index
          %get3A_1312 = arith.constant 96 : index
          %get3A_1313 = tpu.vector_load %arg14[%get3A_1311, %get3A_1312] {strides = array<i32>} : memref<128x128xf32, #tpu.memory_space<vmem>>, vector<16xf32>,
          %mul3A_1314 = vector.broadcast %squeeze3A_1258 : f32 to vector<16xf32>
          %mul3A_1315 = arith.mulf %get3A_1313, %mul3A_1314 : vector<16xf32>
          %swap3A_1316 = arith.index_cast %add3A_1262 : i32 to index
          %swap3A_1317 = arith.constant 96 : index
          %swap3A_1318 = tpu.vector_load %arg15[%swap3A_1316, %swap3A_1317] {strides = array<i32>} : memref<128x144xf32, #tpu.memory_space<vmem>>, vector<16xf32>,
          tpu.vector_store %arg15[%swap3A_1316, %swap3A_1317], %mul3A_1315 {strides = array<i32>} : memref<128x144xf32, #tpu.memory_space<vmem>>, vector<16xf32>,
          %get3A_1319 = arith.index_cast %add3A_1262 : i32 to index
          %get3A_1320 = arith.constant 112 : index
          %get3A_1321 = tpu.vector_load %arg14[%get3A_1319, %get3A_1320] {strides = array<i32>} : memref<128x128xf32, #tpu.memory_space<vmem>>, vector<16xf32>,
          %mul3A_1322 = vector.broadcast %squeeze3A_1258 : f32 to vector<16xf32>
          %mul3A_1323 = arith.mulf %get3A_1321, %mul3A_1322 : vector<16xf32>
          %swap3A_1324 = arith.index_cast %add3A_1262 : i32 to index
          %swap3A_1325 = arith.constant 112 : index
          %swap3A_1326 = tpu.vector_load %arg15[%swap3A_1324, %swap3A_1325] {strides = array<i32>} : memref<128x144xf32, #tpu.memory_space<vmem>>, vector<16xf32>,
          tpu.vector_store %arg15[%swap3A_1324, %swap3A_1325], %mul3A_1323 {strides = array<i32>} : memref<128x144xf32, #tpu.memory_space<vmem>>, vector<16xf32>,
          %mul3A_1327 = vector.broadcast %squeeze3A_1258 : f32 to vector<16xf32>
          %mul3A_1328 = arith.mulf %select_n3A, %mul3A_1327 : vector<16xf32>
          %swap3A_1329 = arith.index_cast %add3A_1262 : i32 to index
          %swap3A_1330 = arith.constant 128 : index
          %swap3A_1331 = tpu.vector_load %arg15[%swap3A_1329, %swap3A_1330] {strides = array<i32>} : memref<128x144xf32, #tpu.memory_space<vmem>>, vector<16xf32>,
          tpu.vector_store %arg15[%swap3A_1329, %swap3A_1330], %mul3A_1328 {strides = array<i32>} : memref<128x144xf32, #tpu.memory_space<vmem>>, vector<16xf32>,
          %scan3A_1332 = arith.constant 0 : i32
          scf.yield %scan3A_1332 : i32
        }
        %scan3A_128 = arith.constant 8 : i32
        "tpu.region"() ({
          %run_scoped3A = tpu.sem_alloc : memref<!tpu.dma_semaphore, #tpu.memory_space<semaphore_mem>>
          %dma_start3A_129 = arith.constant 0 : i32
          %dma_start3A_130 = arith.constant 0 : i32
          %dma_start3A_131 = tpu.memref_slice %arg19[%dma_start3A_129, %dma_start3A_130] : memref<5120x144xf32, #tpu.memory_space<vmem_shared>> -> memref<5120x144xf32, #tpu.memory_space<vmem_shared>>
          tpu.enqueue_indirect_dma source(%arg15 : memref<128x144xf32, #tpu.memory_space<vmem>>) target(%dma_start3A_131 : memref<5120x144xf32, #tpu.memory_space<vmem_shared>>) offsets(%arg13 : memref<128xi32, #tpu.memory_space<vmem>>) semaphore(%run_scoped3A : memref<!tpu.dma_semaphore, #tpu.memory_space<semaphore_mem>>) {add = true}
          %dma_wait3A_132 = arith.constant 0 : i32
          %dma_wait3A_133 = arith.constant 0 : i32
          %dma_wait3A_134 = tpu.memref_slice %arg19[%dma_wait3A_132, %dma_wait3A_133] : memref<5120x144xf32, #tpu.memory_space<vmem_shared>> -> memref<5120x144xf32, #tpu.memory_space<vmem_shared>>
          tpu.wait_indirect_dma semaphore(%run_scoped3A : memref<!tpu.dma_semaphore, #tpu.memory_space<semaphore_mem>>) src(%arg15 : memref<128x144xf32, #tpu.memory_space<vmem>>) dst(%dma_wait3A_134 : memref<5120x144xf32, #tpu.memory_space<vmem_shared>>)
          tpu.yield
        }) : () -> ()
      } else {
      }
      %scan3A_108 = arith.constant 0 : i32
      scf.yield %scan3A_108 : i32
    }
    %scan3A_38 = arith.constant 157 : i32
    %barrier3A_39 = arith.constant 0 : index
    tpu.barrier barrier_id(%barrier3A_39)
    %mul3A = arith.constant 312 : i32
    %mul3A_40 = arith.muli %arg1, %mul3A : i32
    %multiple_of3A = tpu.assume_multiple %mul3A_40, 8 : i32
    %mul3A_41 = arith.constant 10000 : i32
    %mul3A_42 = arith.muli %arg0, %mul3A_41 : i32
    %add3A_43 = arith.constant 0 : i32
    %add3A_44 = arith.addi %mul3A_42, %add3A_43 : i32
    %add3A_45 = arith.addi %add3A_44, %multiple_of3A : i32
    %multiple_of3A_46 = tpu.assume_multiple %add3A_45, 8 : i32
    "tpu.region"() ({
      %run_scoped3A = tpu.sem_alloc : memref<!tpu.dma_semaphore, #tpu.memory_space<semaphore_mem>>
      %dma_start3A = arith.constant 0 : i32
      %dma_start3A_98 = tpu.memref_slice %arg7[%multiple_of3A_46, %dma_start3A] : memref<20000x144xf32, #tpu.memory_space<hbm>> -> memref<312x144xf32, #tpu.memory_space<hbm>>
      %dma_start3A_99 = arith.constant 0 : i32
      %dma_start3A_100 = tpu.memref_slice %arg19[%multiple_of3A, %dma_start3A_99] : memref<5120x144xf32, #tpu.memory_space<vmem_shared>> -> memref<312x144xf32, #tpu.memory_space<vmem_shared>>
      tpu.enqueue_dma source(%dma_start3A_100 : memref<312x144xf32, #tpu.memory_space<vmem_shared>>) target(%dma_start3A_98 : memref<312x144xf32, #tpu.memory_space<hbm>>) target_semaphore(%run_scoped3A : memref<!tpu.dma_semaphore, #tpu.memory_space<semaphore_mem>>)
      %dma_wait3A = arith.constant 0 : i32
      %dma_wait3A_101 = tpu.memref_slice %arg7[%multiple_of3A_46, %dma_wait3A] : memref<20000x144xf32, #tpu.memory_space<hbm>> -> memref<312x144xf32, #tpu.memory_space<hbm>>
      %dma_wait3A_102 = arith.constant 0 : i32
      %dma_wait3A_103 = tpu.memref_slice %arg19[%multiple_of3A, %dma_wait3A_102] : memref<5120x144xf32, #tpu.memory_space<vmem_shared>> -> memref<312x144xf32, #tpu.memory_space<vmem_shared>>
      tpu.wait_dma2 semaphore(%run_scoped3A : memref<!tpu.dma_semaphore, #tpu.memory_space<semaphore_mem>>) src(%dma_wait3A_103 : memref<312x144xf32, #tpu.memory_space<vmem_shared>>) dst(%dma_wait3A_101 : memref<312x144xf32, #tpu.memory_space<hbm>>)
      tpu.yield
    }) : () -> ()
    %eq3A_47 = arith.constant 0 : i32
    %eq3A_48 = arith.cmpi eq, %arg1, %eq3A_47 : i32
    %convert_element_type3A_49 = arith.extui %eq3A_48 : i1 to i32
    %cond3A_50 = arith.constant 0 : i32
    %cond3A_51 = arith.cmpi ne, %convert_element_type3A_49, %cond3A_50 : i32
    scf.if %cond3A_51 {
      %multiple_of3A_98 = arith.constant 4992 : i32
      %multiple_of3A_99 = tpu.assume_multiple %multiple_of3A_98, 8 : i32
      %mul3A_100 = arith.constant 10000 : i32
      %mul3A_101 = arith.muli %arg0, %mul3A_100 : i32
      %add3A_102 = arith.constant 0 : i32
      %add3A_103 = arith.addi %mul3A_101, %add3A_102 : i32
      %add3A_104 = arith.addi %add3A_103, %multiple_of3A_99 : i32
      %multiple_of3A_105 = tpu.assume_multiple %add3A_104, 8 : i32
      "tpu.region"() ({
        %run_scoped3A = tpu.sem_alloc : memref<!tpu.dma_semaphore, #tpu.memory_space<semaphore_mem>>
        %dma_start3A = arith.constant 0 : i32
        %dma_start3A_106 = tpu.memref_slice %arg7[%multiple_of3A_105, %dma_start3A] : memref<20000x144xf32, #tpu.memory_space<hbm>> -> memref<8x144xf32, #tpu.memory_space<hbm>>
        %dma_start3A_107 = arith.constant 0 : i32
        %dma_start3A_108 = tpu.memref_slice %arg19[%multiple_of3A_99, %dma_start3A_107] : memref<5120x144xf32, #tpu.memory_space<vmem_shared>> -> memref<8x144xf32, #tpu.memory_space<vmem_shared>>
        tpu.enqueue_dma source(%dma_start3A_108 : memref<8x144xf32, #tpu.memory_space<vmem_shared>>) target(%dma_start3A_106 : memref<8x144xf32, #tpu.memory_space<hbm>>) target_semaphore(%run_scoped3A : memref<!tpu.dma_semaphore, #tpu.memory_space<semaphore_mem>>)
        %dma_wait3A = arith.constant 0 : i32
        %dma_wait3A_109 = tpu.memref_slice %arg7[%multiple_of3A_105, %dma_wait3A] : memref<20000x144xf32, #tpu.memory_space<hbm>> -> memref<8x144xf32, #tpu.memory_space<hbm>>
        %dma_wait3A_110 = arith.constant 0 : i32
        %dma_wait3A_111 = tpu.memref_slice %arg19[%multiple_of3A_99, %dma_wait3A_110] : memref<5120x144xf32, #tpu.memory_space<vmem_shared>> -> memref<8x144xf32, #tpu.memory_space<vmem_shared>>
        tpu.wait_dma2 semaphore(%run_scoped3A : memref<!tpu.dma_semaphore, #tpu.memory_space<semaphore_mem>>) src(%dma_wait3A_111 : memref<8x144xf32, #tpu.memory_space<vmem_shared>>) dst(%dma_wait3A_109 : memref<8x144xf32, #tpu.memory_space<hbm>>)
        tpu.yield
      }) : () -> ()
    } else {
    }
    %barrier3A_52 = arith.constant 0 : index
    tpu.barrier barrier_id(%barrier3A_52)
    %add3A_53 = arith.constant 0 : i32
    %add3A_54 = arith.addi %arg1, %add3A_53 : i32
    %lt3A_55 = arith.constant 40 : i32
    %lt3A_56 = arith.cmpi slt, %add3A_54, %lt3A_55 : i32
    %convert_element_type3A_57 = arith.extui %lt3A_56 : i1 to i32
    %cond3A_58 = arith.constant 0 : i32
    %cond3A_59 = arith.cmpi ne, %convert_element_type3A_57, %cond3A_58 : i32
    scf.if %cond3A_59 {
      %mul3A_98 = arith.constant 128 : i32
      %mul3A_99 = arith.muli %add3A_54, %mul3A_98 : i32
      %multiple_of3A_100 = tpu.assume_multiple %mul3A_99, 8 : i32
      "tpu.region"() ({
        %run_scoped3A = tpu.sem_alloc : memref<!tpu.dma_semaphore, #tpu.memory_space<semaphore_mem>>
        %dma_start3A = arith.constant 0 : i32
        %dma_start3A_103 = tpu.memref_slice %arg19[%multiple_of3A_100, %dma_start3A] : memref<5120x144xf32, #tpu.memory_space<vmem_shared>> -> memref<64x144xf32, #tpu.memory_space<vmem_shared>>
        %dma_start3A_104 = arith.constant 0 : i32
        %dma_start3A_105 = tpu.memref_slice %arg19[%multiple_of3A_100, %dma_start3A_104] : memref<5120x144xf32, #tpu.memory_space<vmem_shared>> -> memref<64x144xf32, #tpu.memory_space<vmem_shared>>
        tpu.enqueue_dma source(%arg18 : memref<64x144xf32, #tpu.memory_space<vmem>>) target(%dma_start3A_105 : memref<64x144xf32, #tpu.memory_space<vmem_shared>>) target_semaphore(%run_scoped3A : memref<!tpu.dma_semaphore, #tpu.memory_space<semaphore_mem>>)
        %dma_wait3A = arith.constant 0 : i32
        %dma_wait3A_106 = tpu.memref_slice %arg19[%multiple_of3A_100, %dma_wait3A] : memref<5120x144xf32, #tpu.memory_space<vmem_shared>> -> memref<64x144xf32, #tpu.memory_space<vmem_shared>>
        %dma_wait3A_107 = arith.constant 0 : i32
        %dma_wait3A_108 = tpu.memref_slice %arg19[%multiple_of3A_100, %dma_wait3A_107] : memref<5120x144xf32, #tpu.memory_space<vmem_shared>> -> memref<64x144xf32, #tpu.memory_space<vmem_shared>>
        tpu.wait_dma2 semaphore(%run_scoped3A : memref<!tpu.dma_semaphore, #tpu.memory_space<semaphore_mem>>) src(%arg18 : memref<64x144xf32, #tpu.memory_space<vmem>>) dst(%dma_wait3A_108 : memref<64x144xf32, #tpu.memory_space<vmem_shared>>)
        tpu.yield
      }) : () -> ()
      %add3A_101 = arith.constant 64 : i32
      %add3A_102 = arith.addi %multiple_of3A_100, %add3A_101 : i32
      "tpu.region"() ({
        %run_scoped3A = tpu.sem_alloc : memref<!tpu.dma_semaphore, #tpu.memory_space<semaphore_mem>>
        %dma_start3A = arith.constant 0 : i32
        %dma_start3A_103 = tpu.memref_slice %arg19[%add3A_102, %dma_start3A] : memref<5120x144xf32, #tpu.memory_space<vmem_shared>> -> memref<64x144xf32, #tpu.memory_space<vmem_shared>>
        %dma_start3A_104 = arith.constant 0 : i32
        %dma_start3A_105 = tpu.memref_slice %arg19[%add3A_102, %dma_start3A_104] : memref<5120x144xf32, #tpu.memory_space<vmem_shared>> -> memref<64x144xf32, #tpu.memory_space<vmem_shared>>
        tpu.enqueue_dma source(%arg18 : memref<64x144xf32, #tpu.memory_space<vmem>>) target(%dma_start3A_105 : memref<64x144xf32, #tpu.memory_space<vmem_shared>>) target_semaphore(%run_scoped3A : memref<!tpu.dma_semaphore, #tpu.memory_space<semaphore_mem>>)
        %dma_wait3A = arith.constant 0 : i32
        %dma_wait3A_106 = tpu.memref_slice %arg19[%add3A_102, %dma_wait3A] : memref<5120x144xf32, #tpu.memory_space<vmem_shared>> -> memref<64x144xf32, #tpu.memory_space<vmem_shared>>
        %dma_wait3A_107 = arith.constant 0 : i32
        %dma_wait3A_108 = tpu.memref_slice %arg19[%add3A_102, %dma_wait3A_107] : memref<5120x144xf32, #tpu.memory_space<vmem_shared>> -> memref<64x144xf32, #tpu.memory_space<vmem_shared>>
        tpu.wait_dma2 semaphore(%run_scoped3A : memref<!tpu.dma_semaphore, #tpu.memory_space<semaphore_mem>>) src(%arg18 : memref<64x144xf32, #tpu.memory_space<vmem>>) dst(%dma_wait3A_108 : memref<64x144xf32, #tpu.memory_space<vmem_shared>>)
        tpu.yield
      }) : () -> ()
    } else {
    }
    %add3A_60 = arith.constant 16 : i32
    %add3A_61 = arith.addi %arg1, %add3A_60 : i32
    %lt3A_62 = arith.constant 40 : i32
    %lt3A_63 = arith.cmpi slt, %add3A_61, %lt3A_62 : i32
    %convert_element_type3A_64 = arith.extui %lt3A_63 : i1 to i32
    %cond3A_65 = arith.constant 0 : i32
    %cond3A_66 = arith.cmpi ne, %convert_element_type3A_64, %cond3A_65 : i32
    scf.if %cond3A_66 {
      %mul3A_98 = arith.constant 128 : i32
      %mul3A_99 = arith.muli %add3A_61, %mul3A_98 : i32
      %multiple_of3A_100 = tpu.assume_multiple %mul3A_99, 8 : i32
      "tpu.region"() ({
        %run_scoped3A = tpu.sem_alloc : memref<!tpu.dma_semaphore, #tpu.memory_space<semaphore_mem>>
        %dma_start3A = arith.constant 0 : i32
        %dma_start3A_103 = tpu.memref_slice %arg19[%multiple_of3A_100, %dma_start3A] : memref<5120x144xf32, #tpu.memory_space<vmem_shared>> -> memref<64x144xf32, #tpu.memory_space<vmem_shared>>
        %dma_start3A_104 = arith.constant 0 : i32
        %dma_start3A_105 = tpu.memref_slice %arg19[%multiple_of3A_100, %dma_start3A_104] : memref<5120x144xf32, #tpu.memory_space<vmem_shared>> -> memref<64x144xf32, #tpu.memory_space<vmem_shared>>
        tpu.enqueue_dma source(%arg18 : memref<64x144xf32, #tpu.memory_space<vmem>>) target(%dma_start3A_105 : memref<64x144xf32, #tpu.memory_space<vmem_shared>>) target_semaphore(%run_scoped3A : memref<!tpu.dma_semaphore, #tpu.memory_space<semaphore_mem>>)
        %dma_wait3A = arith.constant 0 : i32
        %dma_wait3A_106 = tpu.memref_slice %arg19[%multiple_of3A_100, %dma_wait3A] : memref<5120x144xf32, #tpu.memory_space<vmem_shared>> -> memref<64x144xf32, #tpu.memory_space<vmem_shared>>
        %dma_wait3A_107 = arith.constant 0 : i32
        %dma_wait3A_108 = tpu.memref_slice %arg19[%multiple_of3A_100, %dma_wait3A_107] : memref<5120x144xf32, #tpu.memory_space<vmem_shared>> -> memref<64x144xf32, #tpu.memory_space<vmem_shared>>
        tpu.wait_dma2 semaphore(%run_scoped3A : memref<!tpu.dma_semaphore, #tpu.memory_space<semaphore_mem>>) src(%arg18 : memref<64x144xf32, #tpu.memory_space<vmem>>) dst(%dma_wait3A_108 : memref<64x144xf32, #tpu.memory_space<vmem_shared>>)
        tpu.yield
      }) : () -> ()
      %add3A_101 = arith.constant 64 : i32
      %add3A_102 = arith.addi %multiple_of3A_100, %add3A_101 : i32
      "tpu.region"() ({
        %run_scoped3A = tpu.sem_alloc : memref<!tpu.dma_semaphore, #tpu.memory_space<semaphore_mem>>
        %dma_start3A = arith.constant 0 : i32
        %dma_start3A_103 = tpu.memref_slice %arg19[%add3A_102, %dma_start3A] : memref<5120x144xf32, #tpu.memory_space<vmem_shared>> -> memref<64x144xf32, #tpu.memory_space<vmem_shared>>
        %dma_start3A_104 = arith.constant 0 : i32
        %dma_start3A_105 = tpu.memref_slice %arg19[%add3A_102, %dma_start3A_104] : memref<5120x144xf32, #tpu.memory_space<vmem_shared>> -> memref<64x144xf32, #tpu.memory_space<vmem_shared>>
        tpu.enqueue_dma source(%arg18 : memref<64x144xf32, #tpu.memory_space<vmem>>) target(%dma_start3A_105 : memref<64x144xf32, #tpu.memory_space<vmem_shared>>) target_semaphore(%run_scoped3A : memref<!tpu.dma_semaphore, #tpu.memory_space<semaphore_mem>>)
        %dma_wait3A = arith.constant 0 : i32
        %dma_wait3A_106 = tpu.memref_slice %arg19[%add3A_102, %dma_wait3A] : memref<5120x144xf32, #tpu.memory_space<vmem_shared>> -> memref<64x144xf32, #tpu.memory_space<vmem_shared>>
        %dma_wait3A_107 = arith.constant 0 : i32
        %dma_wait3A_108 = tpu.memref_slice %arg19[%add3A_102, %dma_wait3A_107] : memref<5120x144xf32, #tpu.memory_space<vmem_shared>> -> memref<64x144xf32, #tpu.memory_space<vmem_shared>>
        tpu.wait_dma2 semaphore(%run_scoped3A : memref<!tpu.dma_semaphore, #tpu.memory_space<semaphore_mem>>) src(%arg18 : memref<64x144xf32, #tpu.memory_space<vmem>>) dst(%dma_wait3A_108 : memref<64x144xf32, #tpu.memory_space<vmem_shared>>)
        tpu.yield
      }) : () -> ()
    } else {
    }
    %add3A_67 = arith.constant 32 : i32
    %add3A_68 = arith.addi %arg1, %add3A_67 : i32
    %lt3A_69 = arith.constant 40 : i32
    %lt3A_70 = arith.cmpi slt, %add3A_68, %lt3A_69 : i32
    %convert_element_type3A_71 = arith.extui %lt3A_70 : i1 to i32
    %cond3A_72 = arith.constant 0 : i32
    %cond3A_73 = arith.cmpi ne, %convert_element_type3A_71, %cond3A_72 : i32
    scf.if %cond3A_73 {
      %mul3A_98 = arith.constant 128 : i32
      %mul3A_99 = arith.muli %add3A_68, %mul3A_98 : i32
      %multiple_of3A_100 = tpu.assume_multiple %mul3A_99, 8 : i32
      "tpu.region"() ({
        %run_scoped3A = tpu.sem_alloc : memref<!tpu.dma_semaphore, #tpu.memory_space<semaphore_mem>>
        %dma_start3A = arith.constant 0 : i32
        %dma_start3A_103 = tpu.memref_slice %arg19[%multiple_of3A_100, %dma_start3A] : memref<5120x144xf32, #tpu.memory_space<vmem_shared>> -> memref<64x144xf32, #tpu.memory_space<vmem_shared>>
        %dma_start3A_104 = arith.constant 0 : i32
        %dma_start3A_105 = tpu.memref_slice %arg19[%multiple_of3A_100, %dma_start3A_104] : memref<5120x144xf32, #tpu.memory_space<vmem_shared>> -> memref<64x144xf32, #tpu.memory_space<vmem_shared>>
        tpu.enqueue_dma source(%arg18 : memref<64x144xf32, #tpu.memory_space<vmem>>) target(%dma_start3A_105 : memref<64x144xf32, #tpu.memory_space<vmem_shared>>) target_semaphore(%run_scoped3A : memref<!tpu.dma_semaphore, #tpu.memory_space<semaphore_mem>>)
        %dma_wait3A = arith.constant 0 : i32
        %dma_wait3A_106 = tpu.memref_slice %arg19[%multiple_of3A_100, %dma_wait3A] : memref<5120x144xf32, #tpu.memory_space<vmem_shared>> -> memref<64x144xf32, #tpu.memory_space<vmem_shared>>
        %dma_wait3A_107 = arith.constant 0 : i32
        %dma_wait3A_108 = tpu.memref_slice %arg19[%multiple_of3A_100, %dma_wait3A_107] : memref<5120x144xf32, #tpu.memory_space<vmem_shared>> -> memref<64x144xf32, #tpu.memory_space<vmem_shared>>
        tpu.wait_dma2 semaphore(%run_scoped3A : memref<!tpu.dma_semaphore, #tpu.memory_space<semaphore_mem>>) src(%arg18 : memref<64x144xf32, #tpu.memory_space<vmem>>) dst(%dma_wait3A_108 : memref<64x144xf32, #tpu.memory_space<vmem_shared>>)
        tpu.yield
      }) : () -> ()
      %add3A_101 = arith.constant 64 : i32
      %add3A_102 = arith.addi %multiple_of3A_100, %add3A_101 : i32
      "tpu.region"() ({
        %run_scoped3A = tpu.sem_alloc : memref<!tpu.dma_semaphore, #tpu.memory_space<semaphore_mem>>
        %dma_start3A = arith.constant 0 : i32
        %dma_start3A_103 = tpu.memref_slice %arg19[%add3A_102, %dma_start3A] : memref<5120x144xf32, #tpu.memory_space<vmem_shared>> -> memref<64x144xf32, #tpu.memory_space<vmem_shared>>
        %dma_start3A_104 = arith.constant 0 : i32
        %dma_start3A_105 = tpu.memref_slice %arg19[%add3A_102, %dma_start3A_104] : memref<5120x144xf32, #tpu.memory_space<vmem_shared>> -> memref<64x144xf32, #tpu.memory_space<vmem_shared>>
        tpu.enqueue_dma source(%arg18 : memref<64x144xf32, #tpu.memory_space<vmem>>) target(%dma_start3A_105 : memref<64x144xf32, #tpu.memory_space<vmem_shared>>) target_semaphore(%run_scoped3A : memref<!tpu.dma_semaphore, #tpu.memory_space<semaphore_mem>>)
        %dma_wait3A = arith.constant 0 : i32
        %dma_wait3A_106 = tpu.memref_slice %arg19[%add3A_102, %dma_wait3A] : memref<5120x144xf32, #tpu.memory_space<vmem_shared>> -> memref<64x144xf32, #tpu.memory_space<vmem_shared>>
        %dma_wait3A_107 = arith.constant 0 : i32
        %dma_wait3A_108 = tpu.memref_slice %arg19[%add3A_102, %dma_wait3A_107] : memref<5120x144xf32, #tpu.memory_space<vmem_shared>> -> memref<64x144xf32, #tpu.memory_space<vmem_shared>>
        tpu.wait_dma2 semaphore(%run_scoped3A : memref<!tpu.dma_semaphore, #tpu.memory_space<semaphore_mem>>) src(%arg18 : memref<64x144xf32, #tpu.memory_space<vmem>>) dst(%dma_wait3A_108 : memref<64x144xf32, #tpu.memory_space<vmem_shared>>)
        tpu.yield
      }) : () -> ()
    } else {
    }
    %barrier3A_74 = arith.constant 0 : index
    tpu.barrier barrier_id(%barrier3A_74)
    %scan3A_75 = arith.constant 0 : i32
    %scan3A_76 = arith.constant 0 : i32
    %scan3A_77 = arith.constant 157 : i32
    %scan3A_78 = arith.addi %scan3A_76, %scan3A_77 : i32
    %scan3A_79 = arith.constant 1 : i32
    %scan3A_80 = scf.for %scan3A_98 = %scan3A_76 to %scan3A_78 step %scan3A_79 iter_args(%scan3A_99 = %scan3A_75) -> (i32)  : i32 {
      %mul3A_100 = arith.constant 16 : i32
      %mul3A_101 = arith.muli %mul3A_100, %scan3A_98 : i32
      %add3A_102 = arith.addi %arg1, %mul3A_101 : i32
      %lt3A_103 = arith.constant 2500 : i32
      %lt3A_104 = arith.cmpi slt, %add3A_102, %lt3A_103 : i32
      %convert_element_type3A_105 = arith.extui %lt3A_104 : i1 to i32
      %cond3A_106 = arith.constant 0 : i32
      %cond3A_107 = arith.cmpi ne, %convert_element_type3A_105, %cond3A_106 : i32
      scf.if %cond3A_107 {
        %mul3A_109 = arith.constant 128 : i32
        %mul3A_110 = arith.muli %add3A_102, %mul3A_109 : i32
        "tpu.region"() ({
          %run_scoped3A = tpu.sem_alloc : memref<!tpu.dma_semaphore, #tpu.memory_space<semaphore_mem>>
          %dma_start3A_129 = tpu.memref_slice %arg4[%mul3A_110] : memref<320000xi32, #tpu.memory_space<hbm>> -> memref<128xi32, #tpu.memory_space<hbm>>
          %dma_start3A_130 = tpu.memref_slice %arg4[%mul3A_110] : memref<320000xi32, #tpu.memory_space<hbm>> -> memref<128xi32, #tpu.memory_space<hbm>>
          tpu.enqueue_dma source(%dma_start3A_130 : memref<128xi32, #tpu.memory_space<hbm>>) target(%arg10 : memref<128xi32, #tpu.memory_space<vmem>>) target_semaphore(%run_scoped3A : memref<!tpu.dma_semaphore, #tpu.memory_space<semaphore_mem>>)
          %dma_wait3A_131 = tpu.memref_slice %arg4[%mul3A_110] : memref<320000xi32, #tpu.memory_space<hbm>> -> memref<128xi32, #tpu.memory_space<hbm>>
          %dma_wait3A_132 = tpu.memref_slice %arg4[%mul3A_110] : memref<320000xi32, #tpu.memory_space<hbm>> -> memref<128xi32, #tpu.memory_space<hbm>>
          tpu.wait_dma2 semaphore(%run_scoped3A : memref<!tpu.dma_semaphore, #tpu.memory_space<semaphore_mem>>) src(%dma_wait3A_132 : memref<128xi32, #tpu.memory_space<hbm>>) dst(%arg10 : memref<128xi32, #tpu.memory_space<vmem>>)
          tpu.yield
        }) : () -> ()
        "tpu.region"() ({
          %run_scoped3A = tpu.sem_alloc : memref<!tpu.dma_semaphore, #tpu.memory_space<semaphore_mem>>
          %dma_start3A_129 = tpu.memref_slice %arg5[%mul3A_110] : memref<320000xi32, #tpu.memory_space<hbm>> -> memref<128xi32, #tpu.memory_space<hbm>>
          %dma_start3A_130 = tpu.memref_slice %arg5[%mul3A_110] : memref<320000xi32, #tpu.memory_space<hbm>> -> memref<128xi32, #tpu.memory_space<hbm>>
          tpu.enqueue_dma source(%dma_start3A_130 : memref<128xi32, #tpu.memory_space<hbm>>) target(%arg11 : memref<128xi32, #tpu.memory_space<vmem>>) target_semaphore(%run_scoped3A : memref<!tpu.dma_semaphore, #tpu.memory_space<semaphore_mem>>)
          %dma_wait3A_131 = tpu.memref_slice %arg5[%mul3A_110] : memref<320000xi32, #tpu.memory_space<hbm>> -> memref<128xi32, #tpu.memory_space<hbm>>
          %dma_wait3A_132 = tpu.memref_slice %arg5[%mul3A_110] : memref<320000xi32, #tpu.memory_space<hbm>> -> memref<128xi32, #tpu.memory_space<hbm>>
          tpu.wait_dma2 semaphore(%run_scoped3A : memref<!tpu.dma_semaphore, #tpu.memory_space<semaphore_mem>>) src(%dma_wait3A_132 : memref<128xi32, #tpu.memory_space<hbm>>) dst(%arg11 : memref<128xi32, #tpu.memory_space<vmem>>)
          tpu.yield
        }) : () -> ()
        %scan3A_111 = arith.constant 0 : i32
        %scan3A_112 = arith.constant 0 : i32
        %scan3A_113 = arith.constant 8 : i32
        %scan3A_114 = arith.addi %scan3A_112, %scan3A_113 : i32
        %scan3A_115 = arith.constant 1 : i32
        %scan3A_116 = scf.for %scan3A_129 = %scan3A_112 to %scan3A_114 step %scan3A_115 iter_args(%scan3A_130 = %scan3A_111) -> (i32)  : i32 {
          %mul3A_131 = arith.constant 16 : i32
          %mul3A_132 = arith.muli %scan3A_129, %mul3A_131 : i32
          %get3A_133 = arith.index_cast %mul3A_132 : i32 to index
          %get3A_134 = tpu.vector_load %arg10[%get3A_133] {strides = array<i32>} : memref<128xi32, #tpu.memory_space<vmem>>, vector<16xi32>,
          %mul3A_135 = arith.constant 16 : i32
          %mul3A_136 = arith.muli %scan3A_129, %mul3A_135 : i32
          %get3A_137 = arith.index_cast %mul3A_136 : i32 to index
          %get3A_138 = tpu.vector_load %arg11[%get3A_137] {strides = array<i32>} : memref<128xi32, #tpu.memory_space<vmem>>, vector<16xi32>,
          %gather3A = tpu.vector_load_idx %arg8[%get3A_134] : memref<10000xf32, #tpu.memory_space<vmem>>[vector<16xi32>], vector<16xf32>,
          %gather3A_139 = tpu.vector_load_idx %arg9[%get3A_138] : memref<10000xf32, #tpu.memory_space<vmem>>[vector<16xi32>], vector<16xf32>,
          %add3A_140 = arith.addf %gather3A, %gather3A_139 : vector<16xf32>
          %mul3A_141 = arith.constant 2.000000e-01 : f32
          %mul3A_142 = vector.broadcast %mul3A_141 : f32 to vector<16xf32>
          %mul3A_143 = arith.mulf %mul3A_142, %add3A_140 : vector<16xf32>
          %max3A = arith.maximumf %add3A_140, %mul3A_143 : vector<16xf32>
          %sub3A = arith.subf %max3A, %get3A_1 : vector<16xf32>
          %exp3A = math.exp %sub3A : vector<16xf32>
          %mul3A_144 = arith.constant 16 : i32
          %mul3A_145 = arith.muli %scan3A_129, %mul3A_144 : i32
          %swap3A = arith.index_cast %mul3A_145 : i32 to index
          %swap3A_146 = tpu.vector_load %arg16[%swap3A] {strides = array<i32>} : memref<128xf32, #tpu.memory_space<vmem>>, vector<16xf32>,
          tpu.vector_store %arg16[%swap3A], %exp3A {strides = array<i32>} : memref<128xf32, #tpu.memory_space<vmem>>, vector<16xf32>,
          %mul3A_147 = arith.constant 10000 : i32
          %mul3A_148 = arith.muli %arg0, %mul3A_147 : i32
          %add3A_149 = vector.broadcast %mul3A_148 : i32 to vector<16xi32>
          %add3A_150 = arith.addi %get3A_134, %add3A_149 : vector<16xi32>
          %mul3A_151 = arith.constant 16 : i32
          %mul3A_152 = arith.muli %scan3A_129, %mul3A_151 : i32
          %swap3A_153 = arith.index_cast %mul3A_152 : i32 to index
          %swap3A_154 = tpu.vector_load %arg12[%swap3A_153] {strides = array<i32>} : memref<128xi32, #tpu.memory_space<vmem>>, vector<16xi32>,
          tpu.vector_store %arg12[%swap3A_153], %add3A_150 {strides = array<i32>} : memref<128xi32, #tpu.memory_space<vmem>>, vector<16xi32>,
          %sub3A_155 = arith.constant 5000 : i32
          %sub3A_156 = vector.broadcast %sub3A_155 : i32 to vector<16xi32>
          %sub3A_157 = arith.subi %get3A_138, %sub3A_156 : vector<16xi32>
          %ge3A = arith.constant 0 : i32
          %ge3A_158 = vector.broadcast %ge3A : i32 to vector<16xi32>
          %ge3A_159 = arith.cmpi sge, %sub3A_157, %ge3A_158 : vector<16xi32>
          %lt3A_160 = arith.constant 5000 : i32
          %lt3A_161 = vector.broadcast %lt3A_160 : i32 to vector<16xi32>
          %lt3A_162 = arith.cmpi slt, %sub3A_157, %lt3A_161 : vector<16xi32>
          %and3A = arith.andi %ge3A_159, %lt3A_162 : vector<16xi1>
          %jit3A_163 = arith.constant 5060 : i32
          %broadcast_in_dim3A_164 = vector.broadcast %jit3A_163 : i32 to vector<16xi32>
          %select_n3A_165 = arith.select %and3A, %sub3A_157, %broadcast_in_dim3A_164 : vector<16xi1>, vector<16xi32>
          %mul3A_166 = arith.constant 16 : i32
          %mul3A_167 = arith.muli %scan3A_129, %mul3A_166 : i32
          %swap3A_168 = arith.index_cast %mul3A_167 : i32 to index
          %swap3A_169 = tpu.vector_load %arg13[%swap3A_168] {strides = array<i32>} : memref<128xi32, #tpu.memory_space<vmem>>, vector<16xi32>,
          tpu.vector_store %arg13[%swap3A_168], %select_n3A_165 {strides = array<i32>} : memref<128xi32, #tpu.memory_space<vmem>>, vector<16xi32>,
          %scan3A_170 = arith.constant 0 : i32
          scf.yield %scan3A_170 : i32
        }
        %scan3A_117 = arith.constant 8 : i32
        %dma_start3A = arith.constant 0 : i32
        %dma_start3A_118 = arith.constant 0 : i32
        %dma_start3A_119 = tpu.memref_slice %arg2[%dma_start3A, %dma_start3A_118] : memref<20000x128xf32, #tpu.memory_space<hbm>> -> memref<20000x128xf32, #tpu.memory_space<hbm>>
        tpu.enqueue_indirect_dma source(%dma_start3A_119 : memref<20000x128xf32, #tpu.memory_space<hbm>>) target(%arg14 : memref<128x128xf32, #tpu.memory_space<vmem>>) offsets(%arg12 : memref<128xi32, #tpu.memory_space<vmem>>) semaphore(%arg20 : memref<!tpu.dma_semaphore, #tpu.memory_space<semaphore_mem>>)
        %dma_wait3A = arith.constant 0 : i32
        %dma_wait3A_120 = arith.constant 0 : i32
        %dma_wait3A_121 = tpu.memref_slice %arg2[%dma_wait3A, %dma_wait3A_120] : memref<20000x128xf32, #tpu.memory_space<hbm>> -> memref<20000x128xf32, #tpu.memory_space<hbm>>
        tpu.wait_indirect_dma semaphore(%arg20 : memref<!tpu.dma_semaphore, #tpu.memory_space<semaphore_mem>>) src(%dma_wait3A_121 : memref<20000x128xf32, #tpu.memory_space<hbm>>) dst(%arg14 : memref<128x128xf32, #tpu.memory_space<vmem>>)
        %scan3A_122 = arith.constant 0 : i32
        %scan3A_123 = arith.constant 0 : i32
        %scan3A_124 = arith.constant 8 : i32
        %scan3A_125 = arith.addi %scan3A_123, %scan3A_124 : i32
        %scan3A_126 = arith.constant 1 : i32
        %scan3A_127 = scf.for %scan3A_129 = %scan3A_123 to %scan3A_125 step %scan3A_126 iter_args(%scan3A_130 = %scan3A_122) -> (i32)  : i32 {
          %mul3A_131 = arith.constant 16 : i32
          %mul3A_132 = arith.muli %scan3A_129, %mul3A_131 : i32
          %get3A_133 = arith.index_cast %mul3A_132 : i32 to index
          %get3A_134 = tpu.vector_load %arg16[%get3A_133] {strides = array<i32>} : memref<128xf32, #tpu.memory_space<vmem>>, vector<16xf32>,
          %slice3A = vector.extract_strided_slice %get3A_134 {offsets = [0], sizes = [1], strides = [1]} : vector<16xf32> to vector<1xf32>
          %squeeze3A = vector.extract %slice3A[0] : f32 from vector<1xf32>
          %mul3A_135 = arith.constant 16 : i32
          %mul3A_136 = arith.muli %scan3A_129, %mul3A_135 : i32
          %add3A_137 = arith.constant 0 : i32
          %add3A_138 = arith.addi %mul3A_136, %add3A_137 : i32
          %get3A_139 = arith.index_cast %add3A_138 : i32 to index
          %get3A_140 = arith.constant 0 : index
          %get3A_141 = tpu.vector_load %arg14[%get3A_139, %get3A_140] {strides = array<i32>} : memref<128x128xf32, #tpu.memory_space<vmem>>, vector<16xf32>,
          %mul3A_142 = vector.broadcast %squeeze3A : f32 to vector<16xf32>
          %mul3A_143 = arith.mulf %get3A_141, %mul3A_142 : vector<16xf32>
          %swap3A = arith.index_cast %add3A_138 : i32 to index
          %swap3A_144 = arith.constant 0 : index
          %swap3A_145 = tpu.vector_load %arg15[%swap3A, %swap3A_144] {strides = array<i32>} : memref<128x144xf32, #tpu.memory_space<vmem>>, vector<16xf32>,
          tpu.vector_store %arg15[%swap3A, %swap3A_144], %mul3A_143 {strides = array<i32>} : memref<128x144xf32, #tpu.memory_space<vmem>>, vector<16xf32>,
          %get3A_146 = arith.index_cast %add3A_138 : i32 to index
          %get3A_147 = arith.constant 16 : index
          %get3A_148 = tpu.vector_load %arg14[%get3A_146, %get3A_147] {strides = array<i32>} : memref<128x128xf32, #tpu.memory_space<vmem>>, vector<16xf32>,
          %mul3A_149 = vector.broadcast %squeeze3A : f32 to vector<16xf32>
          %mul3A_150 = arith.mulf %get3A_148, %mul3A_149 : vector<16xf32>
          %swap3A_151 = arith.index_cast %add3A_138 : i32 to index
          %swap3A_152 = arith.constant 16 : index
          %swap3A_153 = tpu.vector_load %arg15[%swap3A_151, %swap3A_152] {strides = array<i32>} : memref<128x144xf32, #tpu.memory_space<vmem>>, vector<16xf32>,
          tpu.vector_store %arg15[%swap3A_151, %swap3A_152], %mul3A_150 {strides = array<i32>} : memref<128x144xf32, #tpu.memory_space<vmem>>, vector<16xf32>,
          %get3A_154 = arith.index_cast %add3A_138 : i32 to index
          %get3A_155 = arith.constant 32 : index
          %get3A_156 = tpu.vector_load %arg14[%get3A_154, %get3A_155] {strides = array<i32>} : memref<128x128xf32, #tpu.memory_space<vmem>>, vector<16xf32>,
          %mul3A_157 = vector.broadcast %squeeze3A : f32 to vector<16xf32>
          %mul3A_158 = arith.mulf %get3A_156, %mul3A_157 : vector<16xf32>
          %swap3A_159 = arith.index_cast %add3A_138 : i32 to index
          %swap3A_160 = arith.constant 32 : index
          %swap3A_161 = tpu.vector_load %arg15[%swap3A_159, %swap3A_160] {strides = array<i32>} : memref<128x144xf32, #tpu.memory_space<vmem>>, vector<16xf32>,
          tpu.vector_store %arg15[%swap3A_159, %swap3A_160], %mul3A_158 {strides = array<i32>} : memref<128x144xf32, #tpu.memory_space<vmem>>, vector<16xf32>,
          %get3A_162 = arith.index_cast %add3A_138 : i32 to index
          %get3A_163 = arith.constant 48 : index
          %get3A_164 = tpu.vector_load %arg14[%get3A_162, %get3A_163] {strides = array<i32>} : memref<128x128xf32, #tpu.memory_space<vmem>>, vector<16xf32>,
          %mul3A_165 = vector.broadcast %squeeze3A : f32 to vector<16xf32>
          %mul3A_166 = arith.mulf %get3A_164, %mul3A_165 : vector<16xf32>
          %swap3A_167 = arith.index_cast %add3A_138 : i32 to index
          %swap3A_168 = arith.constant 48 : index
          %swap3A_169 = tpu.vector_load %arg15[%swap3A_167, %swap3A_168] {strides = array<i32>} : memref<128x144xf32, #tpu.memory_space<vmem>>, vector<16xf32>,
          tpu.vector_store %arg15[%swap3A_167, %swap3A_168], %mul3A_166 {strides = array<i32>} : memref<128x144xf32, #tpu.memory_space<vmem>>, vector<16xf32>,
          %get3A_170 = arith.index_cast %add3A_138 : i32 to index
          %get3A_171 = arith.constant 64 : index
          %get3A_172 = tpu.vector_load %arg14[%get3A_170, %get3A_171] {strides = array<i32>} : memref<128x128xf32, #tpu.memory_space<vmem>>, vector<16xf32>,
          %mul3A_173 = vector.broadcast %squeeze3A : f32 to vector<16xf32>
          %mul3A_174 = arith.mulf %get3A_172, %mul3A_173 : vector<16xf32>
          %swap3A_175 = arith.index_cast %add3A_138 : i32 to index
          %swap3A_176 = arith.constant 64 : index
          %swap3A_177 = tpu.vector_load %arg15[%swap3A_175, %swap3A_176] {strides = array<i32>} : memref<128x144xf32, #tpu.memory_space<vmem>>, vector<16xf32>,
          tpu.vector_store %arg15[%swap3A_175, %swap3A_176], %mul3A_174 {strides = array<i32>} : memref<128x144xf32, #tpu.memory_space<vmem>>, vector<16xf32>,
          %get3A_178 = arith.index_cast %add3A_138 : i32 to index
          %get3A_179 = arith.constant 80 : index
          %get3A_180 = tpu.vector_load %arg14[%get3A_178, %get3A_179] {strides = array<i32>} : memref<128x128xf32, #tpu.memory_space<vmem>>, vector<16xf32>,
          %mul3A_181 = vector.broadcast %squeeze3A : f32 to vector<16xf32>
          %mul3A_182 = arith.mulf %get3A_180, %mul3A_181 : vector<16xf32>
          %swap3A_183 = arith.index_cast %add3A_138 : i32 to index
          %swap3A_184 = arith.constant 80 : index
          %swap3A_185 = tpu.vector_load %arg15[%swap3A_183, %swap3A_184] {strides = array<i32>} : memref<128x144xf32, #tpu.memory_space<vmem>>, vector<16xf32>,
          tpu.vector_store %arg15[%swap3A_183, %swap3A_184], %mul3A_182 {strides = array<i32>} : memref<128x144xf32, #tpu.memory_space<vmem>>, vector<16xf32>,
          %get3A_186 = arith.index_cast %add3A_138 : i32 to index
          %get3A_187 = arith.constant 96 : index
          %get3A_188 = tpu.vector_load %arg14[%get3A_186, %get3A_187] {strides = array<i32>} : memref<128x128xf32, #tpu.memory_space<vmem>>, vector<16xf32>,
          %mul3A_189 = vector.broadcast %squeeze3A : f32 to vector<16xf32>
          %mul3A_190 = arith.mulf %get3A_188, %mul3A_189 : vector<16xf32>
          %swap3A_191 = arith.index_cast %add3A_138 : i32 to index
          %swap3A_192 = arith.constant 96 : index
          %swap3A_193 = tpu.vector_load %arg15[%swap3A_191, %swap3A_192] {strides = array<i32>} : memref<128x144xf32, #tpu.memory_space<vmem>>, vector<16xf32>,
          tpu.vector_store %arg15[%swap3A_191, %swap3A_192], %mul3A_190 {strides = array<i32>} : memref<128x144xf32, #tpu.memory_space<vmem>>, vector<16xf32>,
          %get3A_194 = arith.index_cast %add3A_138 : i32 to index
          %get3A_195 = arith.constant 112 : index
          %get3A_196 = tpu.vector_load %arg14[%get3A_194, %get3A_195] {strides = array<i32>} : memref<128x128xf32, #tpu.memory_space<vmem>>, vector<16xf32>,
          %mul3A_197 = vector.broadcast %squeeze3A : f32 to vector<16xf32>
          %mul3A_198 = arith.mulf %get3A_196, %mul3A_197 : vector<16xf32>
          %swap3A_199 = arith.index_cast %add3A_138 : i32 to index
          %swap3A_200 = arith.constant 112 : index
          %swap3A_201 = tpu.vector_load %arg15[%swap3A_199, %swap3A_200] {strides = array<i32>} : memref<128x144xf32, #tpu.memory_space<vmem>>, vector<16xf32>,
          tpu.vector_store %arg15[%swap3A_199, %swap3A_200], %mul3A_198 {strides = array<i32>} : memref<128x144xf32, #tpu.memory_space<vmem>>, vector<16xf32>,
          %mul3A_202 = vector.broadcast %squeeze3A : f32 to vector<16xf32>
          %mul3A_203 = arith.mulf %select_n3A, %mul3A_202 : vector<16xf32>
          %swap3A_204 = arith.index_cast %add3A_138 : i32 to index
          %swap3A_205 = arith.constant 128 : index
          %swap3A_206 = tpu.vector_load %arg15[%swap3A_204, %swap3A_205] {strides = array<i32>} : memref<128x144xf32, #tpu.memory_space<vmem>>, vector<16xf32>,
          tpu.vector_store %arg15[%swap3A_204, %swap3A_205], %mul3A_203 {strides = array<i32>} : memref<128x144xf32, #tpu.memory_space<vmem>>, vector<16xf32>,
          %slice3A_207 = vector.extract_strided_slice %get3A_134 {offsets = [1], sizes = [1], strides = [1]} : vector<16xf32> to vector<1xf32>
          %squeeze3A_208 = vector.extract %slice3A_207[0] : f32 from vector<1xf32>
          %mul3A_209 = arith.constant 16 : i32
          %mul3A_210 = arith.muli %scan3A_129, %mul3A_209 : i32
          %add3A_211 = arith.constant 1 : i32
          %add3A_212 = arith.addi %mul3A_210, %add3A_211 : i32
          %get3A_213 = arith.index_cast %add3A_212 : i32 to index
          %get3A_214 = arith.constant 0 : index
          %get3A_215 = tpu.vector_load %arg14[%get3A_213, %get3A_214] {strides = array<i32>} : memref<128x128xf32, #tpu.memory_space<vmem>>, vector<16xf32>,
          %mul3A_216 = vector.broadcast %squeeze3A_208 : f32 to vector<16xf32>
          %mul3A_217 = arith.mulf %get3A_215, %mul3A_216 : vector<16xf32>
          %swap3A_218 = arith.index_cast %add3A_212 : i32 to index
          %swap3A_219 = arith.constant 0 : index
          %swap3A_220 = tpu.vector_load %arg15[%swap3A_218, %swap3A_219] {strides = array<i32>} : memref<128x144xf32, #tpu.memory_space<vmem>>, vector<16xf32>,
          tpu.vector_store %arg15[%swap3A_218, %swap3A_219], %mul3A_217 {strides = array<i32>} : memref<128x144xf32, #tpu.memory_space<vmem>>, vector<16xf32>,
          %get3A_221 = arith.index_cast %add3A_212 : i32 to index
          %get3A_222 = arith.constant 16 : index
          %get3A_223 = tpu.vector_load %arg14[%get3A_221, %get3A_222] {strides = array<i32>} : memref<128x128xf32, #tpu.memory_space<vmem>>, vector<16xf32>,
          %mul3A_224 = vector.broadcast %squeeze3A_208 : f32 to vector<16xf32>
          %mul3A_225 = arith.mulf %get3A_223, %mul3A_224 : vector<16xf32>
          %swap3A_226 = arith.index_cast %add3A_212 : i32 to index
          %swap3A_227 = arith.constant 16 : index
          %swap3A_228 = tpu.vector_load %arg15[%swap3A_226, %swap3A_227] {strides = array<i32>} : memref<128x144xf32, #tpu.memory_space<vmem>>, vector<16xf32>,
          tpu.vector_store %arg15[%swap3A_226, %swap3A_227], %mul3A_225 {strides = array<i32>} : memref<128x144xf32, #tpu.memory_space<vmem>>, vector<16xf32>,
          %get3A_229 = arith.index_cast %add3A_212 : i32 to index
          %get3A_230 = arith.constant 32 : index
          %get3A_231 = tpu.vector_load %arg14[%get3A_229, %get3A_230] {strides = array<i32>} : memref<128x128xf32, #tpu.memory_space<vmem>>, vector<16xf32>,
          %mul3A_232 = vector.broadcast %squeeze3A_208 : f32 to vector<16xf32>
          %mul3A_233 = arith.mulf %get3A_231, %mul3A_232 : vector<16xf32>
          %swap3A_234 = arith.index_cast %add3A_212 : i32 to index
          %swap3A_235 = arith.constant 32 : index
          %swap3A_236 = tpu.vector_load %arg15[%swap3A_234, %swap3A_235] {strides = array<i32>} : memref<128x144xf32, #tpu.memory_space<vmem>>, vector<16xf32>,
          tpu.vector_store %arg15[%swap3A_234, %swap3A_235], %mul3A_233 {strides = array<i32>} : memref<128x144xf32, #tpu.memory_space<vmem>>, vector<16xf32>,
          %get3A_237 = arith.index_cast %add3A_212 : i32 to index
          %get3A_238 = arith.constant 48 : index
          %get3A_239 = tpu.vector_load %arg14[%get3A_237, %get3A_238] {strides = array<i32>} : memref<128x128xf32, #tpu.memory_space<vmem>>, vector<16xf32>,
          %mul3A_240 = vector.broadcast %squeeze3A_208 : f32 to vector<16xf32>
          %mul3A_241 = arith.mulf %get3A_239, %mul3A_240 : vector<16xf32>
          %swap3A_242 = arith.index_cast %add3A_212 : i32 to index
          %swap3A_243 = arith.constant 48 : index
          %swap3A_244 = tpu.vector_load %arg15[%swap3A_242, %swap3A_243] {strides = array<i32>} : memref<128x144xf32, #tpu.memory_space<vmem>>, vector<16xf32>,
          tpu.vector_store %arg15[%swap3A_242, %swap3A_243], %mul3A_241 {strides = array<i32>} : memref<128x144xf32, #tpu.memory_space<vmem>>, vector<16xf32>,
          %get3A_245 = arith.index_cast %add3A_212 : i32 to index
          %get3A_246 = arith.constant 64 : index
          %get3A_247 = tpu.vector_load %arg14[%get3A_245, %get3A_246] {strides = array<i32>} : memref<128x128xf32, #tpu.memory_space<vmem>>, vector<16xf32>,
          %mul3A_248 = vector.broadcast %squeeze3A_208 : f32 to vector<16xf32>
          %mul3A_249 = arith.mulf %get3A_247, %mul3A_248 : vector<16xf32>
          %swap3A_250 = arith.index_cast %add3A_212 : i32 to index
          %swap3A_251 = arith.constant 64 : index
          %swap3A_252 = tpu.vector_load %arg15[%swap3A_250, %swap3A_251] {strides = array<i32>} : memref<128x144xf32, #tpu.memory_space<vmem>>, vector<16xf32>,
          tpu.vector_store %arg15[%swap3A_250, %swap3A_251], %mul3A_249 {strides = array<i32>} : memref<128x144xf32, #tpu.memory_space<vmem>>, vector<16xf32>,
          %get3A_253 = arith.index_cast %add3A_212 : i32 to index
          %get3A_254 = arith.constant 80 : index
          %get3A_255 = tpu.vector_load %arg14[%get3A_253, %get3A_254] {strides = array<i32>} : memref<128x128xf32, #tpu.memory_space<vmem>>, vector<16xf32>,
          %mul3A_256 = vector.broadcast %squeeze3A_208 : f32 to vector<16xf32>
          %mul3A_257 = arith.mulf %get3A_255, %mul3A_256 : vector<16xf32>
          %swap3A_258 = arith.index_cast %add3A_212 : i32 to index
          %swap3A_259 = arith.constant 80 : index
          %swap3A_260 = tpu.vector_load %arg15[%swap3A_258, %swap3A_259] {strides = array<i32>} : memref<128x144xf32, #tpu.memory_space<vmem>>, vector<16xf32>,
          tpu.vector_store %arg15[%swap3A_258, %swap3A_259], %mul3A_257 {strides = array<i32>} : memref<128x144xf32, #tpu.memory_space<vmem>>, vector<16xf32>,
          %get3A_261 = arith.index_cast %add3A_212 : i32 to index
          %get3A_262 = arith.constant 96 : index
          %get3A_263 = tpu.vector_load %arg14[%get3A_261, %get3A_262] {strides = array<i32>} : memref<128x128xf32, #tpu.memory_space<vmem>>, vector<16xf32>,
          %mul3A_264 = vector.broadcast %squeeze3A_208 : f32 to vector<16xf32>
          %mul3A_265 = arith.mulf %get3A_263, %mul3A_264 : vector<16xf32>
          %swap3A_266 = arith.index_cast %add3A_212 : i32 to index
          %swap3A_267 = arith.constant 96 : index
          %swap3A_268 = tpu.vector_load %arg15[%swap3A_266, %swap3A_267] {strides = array<i32>} : memref<128x144xf32, #tpu.memory_space<vmem>>, vector<16xf32>,
          tpu.vector_store %arg15[%swap3A_266, %swap3A_267], %mul3A_265 {strides = array<i32>} : memref<128x144xf32, #tpu.memory_space<vmem>>, vector<16xf32>,
          %get3A_269 = arith.index_cast %add3A_212 : i32 to index
          %get3A_270 = arith.constant 112 : index
          %get3A_271 = tpu.vector_load %arg14[%get3A_269, %get3A_270] {strides = array<i32>} : memref<128x128xf32, #tpu.memory_space<vmem>>, vector<16xf32>,
          %mul3A_272 = vector.broadcast %squeeze3A_208 : f32 to vector<16xf32>
          %mul3A_273 = arith.mulf %get3A_271, %mul3A_272 : vector<16xf32>
          %swap3A_274 = arith.index_cast %add3A_212 : i32 to index
          %swap3A_275 = arith.constant 112 : index
          %swap3A_276 = tpu.vector_load %arg15[%swap3A_274, %swap3A_275] {strides = array<i32>} : memref<128x144xf32, #tpu.memory_space<vmem>>, vector<16xf32>,
          tpu.vector_store %arg15[%swap3A_274, %swap3A_275], %mul3A_273 {strides = array<i32>} : memref<128x144xf32, #tpu.memory_space<vmem>>, vector<16xf32>,
          %mul3A_277 = vector.broadcast %squeeze3A_208 : f32 to vector<16xf32>
          %mul3A_278 = arith.mulf %select_n3A, %mul3A_277 : vector<16xf32>
          %swap3A_279 = arith.index_cast %add3A_212 : i32 to index
          %swap3A_280 = arith.constant 128 : index
          %swap3A_281 = tpu.vector_load %arg15[%swap3A_279, %swap3A_280] {strides = array<i32>} : memref<128x144xf32, #tpu.memory_space<vmem>>, vector<16xf32>,
          tpu.vector_store %arg15[%swap3A_279, %swap3A_280], %mul3A_278 {strides = array<i32>} : memref<128x144xf32, #tpu.memory_space<vmem>>, vector<16xf32>,
          %slice3A_282 = vector.extract_strided_slice %get3A_134 {offsets = [2], sizes = [1], strides = [1]} : vector<16xf32> to vector<1xf32>
          %squeeze3A_283 = vector.extract %slice3A_282[0] : f32 from vector<1xf32>
          %mul3A_284 = arith.constant 16 : i32
          %mul3A_285 = arith.muli %scan3A_129, %mul3A_284 : i32
          %add3A_286 = arith.constant 2 : i32
          %add3A_287 = arith.addi %mul3A_285, %add3A_286 : i32
          %get3A_288 = arith.index_cast %add3A_287 : i32 to index
          %get3A_289 = arith.constant 0 : index
          %get3A_290 = tpu.vector_load %arg14[%get3A_288, %get3A_289] {strides = array<i32>} : memref<128x128xf32, #tpu.memory_space<vmem>>, vector<16xf32>,
          %mul3A_291 = vector.broadcast %squeeze3A_283 : f32 to vector<16xf32>
          %mul3A_292 = arith.mulf %get3A_290, %mul3A_291 : vector<16xf32>
          %swap3A_293 = arith.index_cast %add3A_287 : i32 to index
          %swap3A_294 = arith.constant 0 : index
          %swap3A_295 = tpu.vector_load %arg15[%swap3A_293, %swap3A_294] {strides = array<i32>} : memref<128x144xf32, #tpu.memory_space<vmem>>, vector<16xf32>,
          tpu.vector_store %arg15[%swap3A_293, %swap3A_294], %mul3A_292 {strides = array<i32>} : memref<128x144xf32, #tpu.memory_space<vmem>>, vector<16xf32>,
          %get3A_296 = arith.index_cast %add3A_287 : i32 to index
          %get3A_297 = arith.constant 16 : index
          %get3A_298 = tpu.vector_load %arg14[%get3A_296, %get3A_297] {strides = array<i32>} : memref<128x128xf32, #tpu.memory_space<vmem>>, vector<16xf32>,
          %mul3A_299 = vector.broadcast %squeeze3A_283 : f32 to vector<16xf32>
          %mul3A_300 = arith.mulf %get3A_298, %mul3A_299 : vector<16xf32>
          %swap3A_301 = arith.index_cast %add3A_287 : i32 to index
          %swap3A_302 = arith.constant 16 : index
          %swap3A_303 = tpu.vector_load %arg15[%swap3A_301, %swap3A_302] {strides = array<i32>} : memref<128x144xf32, #tpu.memory_space<vmem>>, vector<16xf32>,
          tpu.vector_store %arg15[%swap3A_301, %swap3A_302], %mul3A_300 {strides = array<i32>} : memref<128x144xf32, #tpu.memory_space<vmem>>, vector<16xf32>,
          %get3A_304 = arith.index_cast %add3A_287 : i32 to index
          %get3A_305 = arith.constant 32 : index
          %get3A_306 = tpu.vector_load %arg14[%get3A_304, %get3A_305] {strides = array<i32>} : memref<128x128xf32, #tpu.memory_space<vmem>>, vector<16xf32>,
          %mul3A_307 = vector.broadcast %squeeze3A_283 : f32 to vector<16xf32>
          %mul3A_308 = arith.mulf %get3A_306, %mul3A_307 : vector<16xf32>
          %swap3A_309 = arith.index_cast %add3A_287 : i32 to index
          %swap3A_310 = arith.constant 32 : index
          %swap3A_311 = tpu.vector_load %arg15[%swap3A_309, %swap3A_310] {strides = array<i32>} : memref<128x144xf32, #tpu.memory_space<vmem>>, vector<16xf32>,
          tpu.vector_store %arg15[%swap3A_309, %swap3A_310], %mul3A_308 {strides = array<i32>} : memref<128x144xf32, #tpu.memory_space<vmem>>, vector<16xf32>,
          %get3A_312 = arith.index_cast %add3A_287 : i32 to index
          %get3A_313 = arith.constant 48 : index
          %get3A_314 = tpu.vector_load %arg14[%get3A_312, %get3A_313] {strides = array<i32>} : memref<128x128xf32, #tpu.memory_space<vmem>>, vector<16xf32>,
          %mul3A_315 = vector.broadcast %squeeze3A_283 : f32 to vector<16xf32>
          %mul3A_316 = arith.mulf %get3A_314, %mul3A_315 : vector<16xf32>
          %swap3A_317 = arith.index_cast %add3A_287 : i32 to index
          %swap3A_318 = arith.constant 48 : index
          %swap3A_319 = tpu.vector_load %arg15[%swap3A_317, %swap3A_318] {strides = array<i32>} : memref<128x144xf32, #tpu.memory_space<vmem>>, vector<16xf32>,
          tpu.vector_store %arg15[%swap3A_317, %swap3A_318], %mul3A_316 {strides = array<i32>} : memref<128x144xf32, #tpu.memory_space<vmem>>, vector<16xf32>,
          %get3A_320 = arith.index_cast %add3A_287 : i32 to index
          %get3A_321 = arith.constant 64 : index
          %get3A_322 = tpu.vector_load %arg14[%get3A_320, %get3A_321] {strides = array<i32>} : memref<128x128xf32, #tpu.memory_space<vmem>>, vector<16xf32>,
          %mul3A_323 = vector.broadcast %squeeze3A_283 : f32 to vector<16xf32>
          %mul3A_324 = arith.mulf %get3A_322, %mul3A_323 : vector<16xf32>
          %swap3A_325 = arith.index_cast %add3A_287 : i32 to index
          %swap3A_326 = arith.constant 64 : index
          %swap3A_327 = tpu.vector_load %arg15[%swap3A_325, %swap3A_326] {strides = array<i32>} : memref<128x144xf32, #tpu.memory_space<vmem>>, vector<16xf32>,
          tpu.vector_store %arg15[%swap3A_325, %swap3A_326], %mul3A_324 {strides = array<i32>} : memref<128x144xf32, #tpu.memory_space<vmem>>, vector<16xf32>,
          %get3A_328 = arith.index_cast %add3A_287 : i32 to index
          %get3A_329 = arith.constant 80 : index
          %get3A_330 = tpu.vector_load %arg14[%get3A_328, %get3A_329] {strides = array<i32>} : memref<128x128xf32, #tpu.memory_space<vmem>>, vector<16xf32>,
          %mul3A_331 = vector.broadcast %squeeze3A_283 : f32 to vector<16xf32>
          %mul3A_332 = arith.mulf %get3A_330, %mul3A_331 : vector<16xf32>
          %swap3A_333 = arith.index_cast %add3A_287 : i32 to index
          %swap3A_334 = arith.constant 80 : index
          %swap3A_335 = tpu.vector_load %arg15[%swap3A_333, %swap3A_334] {strides = array<i32>} : memref<128x144xf32, #tpu.memory_space<vmem>>, vector<16xf32>,
          tpu.vector_store %arg15[%swap3A_333, %swap3A_334], %mul3A_332 {strides = array<i32>} : memref<128x144xf32, #tpu.memory_space<vmem>>, vector<16xf32>,
          %get3A_336 = arith.index_cast %add3A_287 : i32 to index
          %get3A_337 = arith.constant 96 : index
          %get3A_338 = tpu.vector_load %arg14[%get3A_336, %get3A_337] {strides = array<i32>} : memref<128x128xf32, #tpu.memory_space<vmem>>, vector<16xf32>,
          %mul3A_339 = vector.broadcast %squeeze3A_283 : f32 to vector<16xf32>
          %mul3A_340 = arith.mulf %get3A_338, %mul3A_339 : vector<16xf32>
          %swap3A_341 = arith.index_cast %add3A_287 : i32 to index
          %swap3A_342 = arith.constant 96 : index
          %swap3A_343 = tpu.vector_load %arg15[%swap3A_341, %swap3A_342] {strides = array<i32>} : memref<128x144xf32, #tpu.memory_space<vmem>>, vector<16xf32>,
          tpu.vector_store %arg15[%swap3A_341, %swap3A_342], %mul3A_340 {strides = array<i32>} : memref<128x144xf32, #tpu.memory_space<vmem>>, vector<16xf32>,
          %get3A_344 = arith.index_cast %add3A_287 : i32 to index
          %get3A_345 = arith.constant 112 : index
          %get3A_346 = tpu.vector_load %arg14[%get3A_344, %get3A_345] {strides = array<i32>} : memref<128x128xf32, #tpu.memory_space<vmem>>, vector<16xf32>,
          %mul3A_347 = vector.broadcast %squeeze3A_283 : f32 to vector<16xf32>
          %mul3A_348 = arith.mulf %get3A_346, %mul3A_347 : vector<16xf32>
          %swap3A_349 = arith.index_cast %add3A_287 : i32 to index
          %swap3A_350 = arith.constant 112 : index
          %swap3A_351 = tpu.vector_load %arg15[%swap3A_349, %swap3A_350] {strides = array<i32>} : memref<128x144xf32, #tpu.memory_space<vmem>>, vector<16xf32>,
          tpu.vector_store %arg15[%swap3A_349, %swap3A_350], %mul3A_348 {strides = array<i32>} : memref<128x144xf32, #tpu.memory_space<vmem>>, vector<16xf32>,
          %mul3A_352 = vector.broadcast %squeeze3A_283 : f32 to vector<16xf32>
          %mul3A_353 = arith.mulf %select_n3A, %mul3A_352 : vector<16xf32>
          %swap3A_354 = arith.index_cast %add3A_287 : i32 to index
          %swap3A_355 = arith.constant 128 : index
          %swap3A_356 = tpu.vector_load %arg15[%swap3A_354, %swap3A_355] {strides = array<i32>} : memref<128x144xf32, #tpu.memory_space<vmem>>, vector<16xf32>,
          tpu.vector_store %arg15[%swap3A_354, %swap3A_355], %mul3A_353 {strides = array<i32>} : memref<128x144xf32, #tpu.memory_space<vmem>>, vector<16xf32>,
          %slice3A_357 = vector.extract_strided_slice %get3A_134 {offsets = [3], sizes = [1], strides = [1]} : vector<16xf32> to vector<1xf32>
          %squeeze3A_358 = vector.extract %slice3A_357[0] : f32 from vector<1xf32>
          %mul3A_359 = arith.constant 16 : i32
          %mul3A_360 = arith.muli %scan3A_129, %mul3A_359 : i32
          %add3A_361 = arith.constant 3 : i32
          %add3A_362 = arith.addi %mul3A_360, %add3A_361 : i32
          %get3A_363 = arith.index_cast %add3A_362 : i32 to index
          %get3A_364 = arith.constant 0 : index
          %get3A_365 = tpu.vector_load %arg14[%get3A_363, %get3A_364] {strides = array<i32>} : memref<128x128xf32, #tpu.memory_space<vmem>>, vector<16xf32>,
          %mul3A_366 = vector.broadcast %squeeze3A_358 : f32 to vector<16xf32>
          %mul3A_367 = arith.mulf %get3A_365, %mul3A_366 : vector<16xf32>
          %swap3A_368 = arith.index_cast %add3A_362 : i32 to index
          %swap3A_369 = arith.constant 0 : index
          %swap3A_370 = tpu.vector_load %arg15[%swap3A_368, %swap3A_369] {strides = array<i32>} : memref<128x144xf32, #tpu.memory_space<vmem>>, vector<16xf32>,
          tpu.vector_store %arg15[%swap3A_368, %swap3A_369], %mul3A_367 {strides = array<i32>} : memref<128x144xf32, #tpu.memory_space<vmem>>, vector<16xf32>,
          %get3A_371 = arith.index_cast %add3A_362 : i32 to index
          %get3A_372 = arith.constant 16 : index
          %get3A_373 = tpu.vector_load %arg14[%get3A_371, %get3A_372] {strides = array<i32>} : memref<128x128xf32, #tpu.memory_space<vmem>>, vector<16xf32>,
          %mul3A_374 = vector.broadcast %squeeze3A_358 : f32 to vector<16xf32>
          %mul3A_375 = arith.mulf %get3A_373, %mul3A_374 : vector<16xf32>
          %swap3A_376 = arith.index_cast %add3A_362 : i32 to index
          %swap3A_377 = arith.constant 16 : index
          %swap3A_378 = tpu.vector_load %arg15[%swap3A_376, %swap3A_377] {strides = array<i32>} : memref<128x144xf32, #tpu.memory_space<vmem>>, vector<16xf32>,
          tpu.vector_store %arg15[%swap3A_376, %swap3A_377], %mul3A_375 {strides = array<i32>} : memref<128x144xf32, #tpu.memory_space<vmem>>, vector<16xf32>,
          %get3A_379 = arith.index_cast %add3A_362 : i32 to index
          %get3A_380 = arith.constant 32 : index
          %get3A_381 = tpu.vector_load %arg14[%get3A_379, %get3A_380] {strides = array<i32>} : memref<128x128xf32, #tpu.memory_space<vmem>>, vector<16xf32>,
          %mul3A_382 = vector.broadcast %squeeze3A_358 : f32 to vector<16xf32>
          %mul3A_383 = arith.mulf %get3A_381, %mul3A_382 : vector<16xf32>
          %swap3A_384 = arith.index_cast %add3A_362 : i32 to index
          %swap3A_385 = arith.constant 32 : index
          %swap3A_386 = tpu.vector_load %arg15[%swap3A_384, %swap3A_385] {strides = array<i32>} : memref<128x144xf32, #tpu.memory_space<vmem>>, vector<16xf32>,
          tpu.vector_store %arg15[%swap3A_384, %swap3A_385], %mul3A_383 {strides = array<i32>} : memref<128x144xf32, #tpu.memory_space<vmem>>, vector<16xf32>,
          %get3A_387 = arith.index_cast %add3A_362 : i32 to index
          %get3A_388 = arith.constant 48 : index
          %get3A_389 = tpu.vector_load %arg14[%get3A_387, %get3A_388] {strides = array<i32>} : memref<128x128xf32, #tpu.memory_space<vmem>>, vector<16xf32>,
          %mul3A_390 = vector.broadcast %squeeze3A_358 : f32 to vector<16xf32>
          %mul3A_391 = arith.mulf %get3A_389, %mul3A_390 : vector<16xf32>
          %swap3A_392 = arith.index_cast %add3A_362 : i32 to index
          %swap3A_393 = arith.constant 48 : index
          %swap3A_394 = tpu.vector_load %arg15[%swap3A_392, %swap3A_393] {strides = array<i32>} : memref<128x144xf32, #tpu.memory_space<vmem>>, vector<16xf32>,
          tpu.vector_store %arg15[%swap3A_392, %swap3A_393], %mul3A_391 {strides = array<i32>} : memref<128x144xf32, #tpu.memory_space<vmem>>, vector<16xf32>,
          %get3A_395 = arith.index_cast %add3A_362 : i32 to index
          %get3A_396 = arith.constant 64 : index
          %get3A_397 = tpu.vector_load %arg14[%get3A_395, %get3A_396] {strides = array<i32>} : memref<128x128xf32, #tpu.memory_space<vmem>>, vector<16xf32>,
          %mul3A_398 = vector.broadcast %squeeze3A_358 : f32 to vector<16xf32>
          %mul3A_399 = arith.mulf %get3A_397, %mul3A_398 : vector<16xf32>
          %swap3A_400 = arith.index_cast %add3A_362 : i32 to index
          %swap3A_401 = arith.constant 64 : index
          %swap3A_402 = tpu.vector_load %arg15[%swap3A_400, %swap3A_401] {strides = array<i32>} : memref<128x144xf32, #tpu.memory_space<vmem>>, vector<16xf32>,
          tpu.vector_store %arg15[%swap3A_400, %swap3A_401], %mul3A_399 {strides = array<i32>} : memref<128x144xf32, #tpu.memory_space<vmem>>, vector<16xf32>,
          %get3A_403 = arith.index_cast %add3A_362 : i32 to index
          %get3A_404 = arith.constant 80 : index
          %get3A_405 = tpu.vector_load %arg14[%get3A_403, %get3A_404] {strides = array<i32>} : memref<128x128xf32, #tpu.memory_space<vmem>>, vector<16xf32>,
          %mul3A_406 = vector.broadcast %squeeze3A_358 : f32 to vector<16xf32>
          %mul3A_407 = arith.mulf %get3A_405, %mul3A_406 : vector<16xf32>
          %swap3A_408 = arith.index_cast %add3A_362 : i32 to index
          %swap3A_409 = arith.constant 80 : index
          %swap3A_410 = tpu.vector_load %arg15[%swap3A_408, %swap3A_409] {strides = array<i32>} : memref<128x144xf32, #tpu.memory_space<vmem>>, vector<16xf32>,
          tpu.vector_store %arg15[%swap3A_408, %swap3A_409], %mul3A_407 {strides = array<i32>} : memref<128x144xf32, #tpu.memory_space<vmem>>, vector<16xf32>,
          %get3A_411 = arith.index_cast %add3A_362 : i32 to index
          %get3A_412 = arith.constant 96 : index
          %get3A_413 = tpu.vector_load %arg14[%get3A_411, %get3A_412] {strides = array<i32>} : memref<128x128xf32, #tpu.memory_space<vmem>>, vector<16xf32>,
          %mul3A_414 = vector.broadcast %squeeze3A_358 : f32 to vector<16xf32>
          %mul3A_415 = arith.mulf %get3A_413, %mul3A_414 : vector<16xf32>
          %swap3A_416 = arith.index_cast %add3A_362 : i32 to index
          %swap3A_417 = arith.constant 96 : index
          %swap3A_418 = tpu.vector_load %arg15[%swap3A_416, %swap3A_417] {strides = array<i32>} : memref<128x144xf32, #tpu.memory_space<vmem>>, vector<16xf32>,
          tpu.vector_store %arg15[%swap3A_416, %swap3A_417], %mul3A_415 {strides = array<i32>} : memref<128x144xf32, #tpu.memory_space<vmem>>, vector<16xf32>,
          %get3A_419 = arith.index_cast %add3A_362 : i32 to index
          %get3A_420 = arith.constant 112 : index
          %get3A_421 = tpu.vector_load %arg14[%get3A_419, %get3A_420] {strides = array<i32>} : memref<128x128xf32, #tpu.memory_space<vmem>>, vector<16xf32>,
          %mul3A_422 = vector.broadcast %squeeze3A_358 : f32 to vector<16xf32>
          %mul3A_423 = arith.mulf %get3A_421, %mul3A_422 : vector<16xf32>
          %swap3A_424 = arith.index_cast %add3A_362 : i32 to index
          %swap3A_425 = arith.constant 112 : index
          %swap3A_426 = tpu.vector_load %arg15[%swap3A_424, %swap3A_425] {strides = array<i32>} : memref<128x144xf32, #tpu.memory_space<vmem>>, vector<16xf32>,
          tpu.vector_store %arg15[%swap3A_424, %swap3A_425], %mul3A_423 {strides = array<i32>} : memref<128x144xf32, #tpu.memory_space<vmem>>, vector<16xf32>,
          %mul3A_427 = vector.broadcast %squeeze3A_358 : f32 to vector<16xf32>
          %mul3A_428 = arith.mulf %select_n3A, %mul3A_427 : vector<16xf32>
          %swap3A_429 = arith.index_cast %add3A_362 : i32 to index
          %swap3A_430 = arith.constant 128 : index
          %swap3A_431 = tpu.vector_load %arg15[%swap3A_429, %swap3A_430] {strides = array<i32>} : memref<128x144xf32, #tpu.memory_space<vmem>>, vector<16xf32>,
          tpu.vector_store %arg15[%swap3A_429, %swap3A_430], %mul3A_428 {strides = array<i32>} : memref<128x144xf32, #tpu.memory_space<vmem>>, vector<16xf32>,
          %slice3A_432 = vector.extract_strided_slice %get3A_134 {offsets = [4], sizes = [1], strides = [1]} : vector<16xf32> to vector<1xf32>
          %squeeze3A_433 = vector.extract %slice3A_432[0] : f32 from vector<1xf32>
          %mul3A_434 = arith.constant 16 : i32
          %mul3A_435 = arith.muli %scan3A_129, %mul3A_434 : i32
          %add3A_436 = arith.constant 4 : i32
          %add3A_437 = arith.addi %mul3A_435, %add3A_436 : i32
          %get3A_438 = arith.index_cast %add3A_437 : i32 to index
          %get3A_439 = arith.constant 0 : index
          %get3A_440 = tpu.vector_load %arg14[%get3A_438, %get3A_439] {strides = array<i32>} : memref<128x128xf32, #tpu.memory_space<vmem>>, vector<16xf32>,
          %mul3A_441 = vector.broadcast %squeeze3A_433 : f32 to vector<16xf32>
          %mul3A_442 = arith.mulf %get3A_440, %mul3A_441 : vector<16xf32>
          %swap3A_443 = arith.index_cast %add3A_437 : i32 to index
          %swap3A_444 = arith.constant 0 : index
          %swap3A_445 = tpu.vector_load %arg15[%swap3A_443, %swap3A_444] {strides = array<i32>} : memref<128x144xf32, #tpu.memory_space<vmem>>, vector<16xf32>,
          tpu.vector_store %arg15[%swap3A_443, %swap3A_444], %mul3A_442 {strides = array<i32>} : memref<128x144xf32, #tpu.memory_space<vmem>>, vector<16xf32>,
          %get3A_446 = arith.index_cast %add3A_437 : i32 to index
          %get3A_447 = arith.constant 16 : index
          %get3A_448 = tpu.vector_load %arg14[%get3A_446, %get3A_447] {strides = array<i32>} : memref<128x128xf32, #tpu.memory_space<vmem>>, vector<16xf32>,
          %mul3A_449 = vector.broadcast %squeeze3A_433 : f32 to vector<16xf32>
          %mul3A_450 = arith.mulf %get3A_448, %mul3A_449 : vector<16xf32>
          %swap3A_451 = arith.index_cast %add3A_437 : i32 to index
          %swap3A_452 = arith.constant 16 : index
          %swap3A_453 = tpu.vector_load %arg15[%swap3A_451, %swap3A_452] {strides = array<i32>} : memref<128x144xf32, #tpu.memory_space<vmem>>, vector<16xf32>,
          tpu.vector_store %arg15[%swap3A_451, %swap3A_452], %mul3A_450 {strides = array<i32>} : memref<128x144xf32, #tpu.memory_space<vmem>>, vector<16xf32>,
          %get3A_454 = arith.index_cast %add3A_437 : i32 to index
          %get3A_455 = arith.constant 32 : index
          %get3A_456 = tpu.vector_load %arg14[%get3A_454, %get3A_455] {strides = array<i32>} : memref<128x128xf32, #tpu.memory_space<vmem>>, vector<16xf32>,
          %mul3A_457 = vector.broadcast %squeeze3A_433 : f32 to vector<16xf32>
          %mul3A_458 = arith.mulf %get3A_456, %mul3A_457 : vector<16xf32>
          %swap3A_459 = arith.index_cast %add3A_437 : i32 to index
          %swap3A_460 = arith.constant 32 : index
          %swap3A_461 = tpu.vector_load %arg15[%swap3A_459, %swap3A_460] {strides = array<i32>} : memref<128x144xf32, #tpu.memory_space<vmem>>, vector<16xf32>,
          tpu.vector_store %arg15[%swap3A_459, %swap3A_460], %mul3A_458 {strides = array<i32>} : memref<128x144xf32, #tpu.memory_space<vmem>>, vector<16xf32>,
          %get3A_462 = arith.index_cast %add3A_437 : i32 to index
          %get3A_463 = arith.constant 48 : index
          %get3A_464 = tpu.vector_load %arg14[%get3A_462, %get3A_463] {strides = array<i32>} : memref<128x128xf32, #tpu.memory_space<vmem>>, vector<16xf32>,
          %mul3A_465 = vector.broadcast %squeeze3A_433 : f32 to vector<16xf32>
          %mul3A_466 = arith.mulf %get3A_464, %mul3A_465 : vector<16xf32>
          %swap3A_467 = arith.index_cast %add3A_437 : i32 to index
          %swap3A_468 = arith.constant 48 : index
          %swap3A_469 = tpu.vector_load %arg15[%swap3A_467, %swap3A_468] {strides = array<i32>} : memref<128x144xf32, #tpu.memory_space<vmem>>, vector<16xf32>,
          tpu.vector_store %arg15[%swap3A_467, %swap3A_468], %mul3A_466 {strides = array<i32>} : memref<128x144xf32, #tpu.memory_space<vmem>>, vector<16xf32>,
          %get3A_470 = arith.index_cast %add3A_437 : i32 to index
          %get3A_471 = arith.constant 64 : index
          %get3A_472 = tpu.vector_load %arg14[%get3A_470, %get3A_471] {strides = array<i32>} : memref<128x128xf32, #tpu.memory_space<vmem>>, vector<16xf32>,
          %mul3A_473 = vector.broadcast %squeeze3A_433 : f32 to vector<16xf32>
          %mul3A_474 = arith.mulf %get3A_472, %mul3A_473 : vector<16xf32>
          %swap3A_475 = arith.index_cast %add3A_437 : i32 to index
          %swap3A_476 = arith.constant 64 : index
          %swap3A_477 = tpu.vector_load %arg15[%swap3A_475, %swap3A_476] {strides = array<i32>} : memref<128x144xf32, #tpu.memory_space<vmem>>, vector<16xf32>,
          tpu.vector_store %arg15[%swap3A_475, %swap3A_476], %mul3A_474 {strides = array<i32>} : memref<128x144xf32, #tpu.memory_space<vmem>>, vector<16xf32>,
          %get3A_478 = arith.index_cast %add3A_437 : i32 to index
          %get3A_479 = arith.constant 80 : index
          %get3A_480 = tpu.vector_load %arg14[%get3A_478, %get3A_479] {strides = array<i32>} : memref<128x128xf32, #tpu.memory_space<vmem>>, vector<16xf32>,
          %mul3A_481 = vector.broadcast %squeeze3A_433 : f32 to vector<16xf32>
          %mul3A_482 = arith.mulf %get3A_480, %mul3A_481 : vector<16xf32>
          %swap3A_483 = arith.index_cast %add3A_437 : i32 to index
          %swap3A_484 = arith.constant 80 : index
          %swap3A_485 = tpu.vector_load %arg15[%swap3A_483, %swap3A_484] {strides = array<i32>} : memref<128x144xf32, #tpu.memory_space<vmem>>, vector<16xf32>,
          tpu.vector_store %arg15[%swap3A_483, %swap3A_484], %mul3A_482 {strides = array<i32>} : memref<128x144xf32, #tpu.memory_space<vmem>>, vector<16xf32>,
          %get3A_486 = arith.index_cast %add3A_437 : i32 to index
          %get3A_487 = arith.constant 96 : index
          %get3A_488 = tpu.vector_load %arg14[%get3A_486, %get3A_487] {strides = array<i32>} : memref<128x128xf32, #tpu.memory_space<vmem>>, vector<16xf32>,
          %mul3A_489 = vector.broadcast %squeeze3A_433 : f32 to vector<16xf32>
          %mul3A_490 = arith.mulf %get3A_488, %mul3A_489 : vector<16xf32>
          %swap3A_491 = arith.index_cast %add3A_437 : i32 to index
          %swap3A_492 = arith.constant 96 : index
          %swap3A_493 = tpu.vector_load %arg15[%swap3A_491, %swap3A_492] {strides = array<i32>} : memref<128x144xf32, #tpu.memory_space<vmem>>, vector<16xf32>,
          tpu.vector_store %arg15[%swap3A_491, %swap3A_492], %mul3A_490 {strides = array<i32>} : memref<128x144xf32, #tpu.memory_space<vmem>>, vector<16xf32>,
          %get3A_494 = arith.index_cast %add3A_437 : i32 to index
          %get3A_495 = arith.constant 112 : index
          %get3A_496 = tpu.vector_load %arg14[%get3A_494, %get3A_495] {strides = array<i32>} : memref<128x128xf32, #tpu.memory_space<vmem>>, vector<16xf32>,
          %mul3A_497 = vector.broadcast %squeeze3A_433 : f32 to vector<16xf32>
          %mul3A_498 = arith.mulf %get3A_496, %mul3A_497 : vector<16xf32>
          %swap3A_499 = arith.index_cast %add3A_437 : i32 to index
          %swap3A_500 = arith.constant 112 : index
          %swap3A_501 = tpu.vector_load %arg15[%swap3A_499, %swap3A_500] {strides = array<i32>} : memref<128x144xf32, #tpu.memory_space<vmem>>, vector<16xf32>,
          tpu.vector_store %arg15[%swap3A_499, %swap3A_500], %mul3A_498 {strides = array<i32>} : memref<128x144xf32, #tpu.memory_space<vmem>>, vector<16xf32>,
          %mul3A_502 = vector.broadcast %squeeze3A_433 : f32 to vector<16xf32>
          %mul3A_503 = arith.mulf %select_n3A, %mul3A_502 : vector<16xf32>
          %swap3A_504 = arith.index_cast %add3A_437 : i32 to index
          %swap3A_505 = arith.constant 128 : index
          %swap3A_506 = tpu.vector_load %arg15[%swap3A_504, %swap3A_505] {strides = array<i32>} : memref<128x144xf32, #tpu.memory_space<vmem>>, vector<16xf32>,
          tpu.vector_store %arg15[%swap3A_504, %swap3A_505], %mul3A_503 {strides = array<i32>} : memref<128x144xf32, #tpu.memory_space<vmem>>, vector<16xf32>,
          %slice3A_507 = vector.extract_strided_slice %get3A_134 {offsets = [5], sizes = [1], strides = [1]} : vector<16xf32> to vector<1xf32>
          %squeeze3A_508 = vector.extract %slice3A_507[0] : f32 from vector<1xf32>
          %mul3A_509 = arith.constant 16 : i32
          %mul3A_510 = arith.muli %scan3A_129, %mul3A_509 : i32
          %add3A_511 = arith.constant 5 : i32
          %add3A_512 = arith.addi %mul3A_510, %add3A_511 : i32
          %get3A_513 = arith.index_cast %add3A_512 : i32 to index
          %get3A_514 = arith.constant 0 : index
          %get3A_515 = tpu.vector_load %arg14[%get3A_513, %get3A_514] {strides = array<i32>} : memref<128x128xf32, #tpu.memory_space<vmem>>, vector<16xf32>,
          %mul3A_516 = vector.broadcast %squeeze3A_508 : f32 to vector<16xf32>
          %mul3A_517 = arith.mulf %get3A_515, %mul3A_516 : vector<16xf32>
          %swap3A_518 = arith.index_cast %add3A_512 : i32 to index
          %swap3A_519 = arith.constant 0 : index
          %swap3A_520 = tpu.vector_load %arg15[%swap3A_518, %swap3A_519] {strides = array<i32>} : memref<128x144xf32, #tpu.memory_space<vmem>>, vector<16xf32>,
          tpu.vector_store %arg15[%swap3A_518, %swap3A_519], %mul3A_517 {strides = array<i32>} : memref<128x144xf32, #tpu.memory_space<vmem>>, vector<16xf32>,
          %get3A_521 = arith.index_cast %add3A_512 : i32 to index
          %get3A_522 = arith.constant 16 : index
          %get3A_523 = tpu.vector_load %arg14[%get3A_521, %get3A_522] {strides = array<i32>} : memref<128x128xf32, #tpu.memory_space<vmem>>, vector<16xf32>,
          %mul3A_524 = vector.broadcast %squeeze3A_508 : f32 to vector<16xf32>
          %mul3A_525 = arith.mulf %get3A_523, %mul3A_524 : vector<16xf32>
          %swap3A_526 = arith.index_cast %add3A_512 : i32 to index
          %swap3A_527 = arith.constant 16 : index
          %swap3A_528 = tpu.vector_load %arg15[%swap3A_526, %swap3A_527] {strides = array<i32>} : memref<128x144xf32, #tpu.memory_space<vmem>>, vector<16xf32>,
          tpu.vector_store %arg15[%swap3A_526, %swap3A_527], %mul3A_525 {strides = array<i32>} : memref<128x144xf32, #tpu.memory_space<vmem>>, vector<16xf32>,
          %get3A_529 = arith.index_cast %add3A_512 : i32 to index
          %get3A_530 = arith.constant 32 : index
          %get3A_531 = tpu.vector_load %arg14[%get3A_529, %get3A_530] {strides = array<i32>} : memref<128x128xf32, #tpu.memory_space<vmem>>, vector<16xf32>,
          %mul3A_532 = vector.broadcast %squeeze3A_508 : f32 to vector<16xf32>
          %mul3A_533 = arith.mulf %get3A_531, %mul3A_532 : vector<16xf32>
          %swap3A_534 = arith.index_cast %add3A_512 : i32 to index
          %swap3A_535 = arith.constant 32 : index
          %swap3A_536 = tpu.vector_load %arg15[%swap3A_534, %swap3A_535] {strides = array<i32>} : memref<128x144xf32, #tpu.memory_space<vmem>>, vector<16xf32>,
          tpu.vector_store %arg15[%swap3A_534, %swap3A_535], %mul3A_533 {strides = array<i32>} : memref<128x144xf32, #tpu.memory_space<vmem>>, vector<16xf32>,
          %get3A_537 = arith.index_cast %add3A_512 : i32 to index
          %get3A_538 = arith.constant 48 : index
          %get3A_539 = tpu.vector_load %arg14[%get3A_537, %get3A_538] {strides = array<i32>} : memref<128x128xf32, #tpu.memory_space<vmem>>, vector<16xf32>,
          %mul3A_540 = vector.broadcast %squeeze3A_508 : f32 to vector<16xf32>
          %mul3A_541 = arith.mulf %get3A_539, %mul3A_540 : vector<16xf32>
          %swap3A_542 = arith.index_cast %add3A_512 : i32 to index
          %swap3A_543 = arith.constant 48 : index
          %swap3A_544 = tpu.vector_load %arg15[%swap3A_542, %swap3A_543] {strides = array<i32>} : memref<128x144xf32, #tpu.memory_space<vmem>>, vector<16xf32>,
          tpu.vector_store %arg15[%swap3A_542, %swap3A_543], %mul3A_541 {strides = array<i32>} : memref<128x144xf32, #tpu.memory_space<vmem>>, vector<16xf32>,
          %get3A_545 = arith.index_cast %add3A_512 : i32 to index
          %get3A_546 = arith.constant 64 : index
          %get3A_547 = tpu.vector_load %arg14[%get3A_545, %get3A_546] {strides = array<i32>} : memref<128x128xf32, #tpu.memory_space<vmem>>, vector<16xf32>,
          %mul3A_548 = vector.broadcast %squeeze3A_508 : f32 to vector<16xf32>
          %mul3A_549 = arith.mulf %get3A_547, %mul3A_548 : vector<16xf32>
          %swap3A_550 = arith.index_cast %add3A_512 : i32 to index
          %swap3A_551 = arith.constant 64 : index
          %swap3A_552 = tpu.vector_load %arg15[%swap3A_550, %swap3A_551] {strides = array<i32>} : memref<128x144xf32, #tpu.memory_space<vmem>>, vector<16xf32>,
          tpu.vector_store %arg15[%swap3A_550, %swap3A_551], %mul3A_549 {strides = array<i32>} : memref<128x144xf32, #tpu.memory_space<vmem>>, vector<16xf32>,
          %get3A_553 = arith.index_cast %add3A_512 : i32 to index
          %get3A_554 = arith.constant 80 : index
          %get3A_555 = tpu.vector_load %arg14[%get3A_553, %get3A_554] {strides = array<i32>} : memref<128x128xf32, #tpu.memory_space<vmem>>, vector<16xf32>,
          %mul3A_556 = vector.broadcast %squeeze3A_508 : f32 to vector<16xf32>
          %mul3A_557 = arith.mulf %get3A_555, %mul3A_556 : vector<16xf32>
          %swap3A_558 = arith.index_cast %add3A_512 : i32 to index
          %swap3A_559 = arith.constant 80 : index
          %swap3A_560 = tpu.vector_load %arg15[%swap3A_558, %swap3A_559] {strides = array<i32>} : memref<128x144xf32, #tpu.memory_space<vmem>>, vector<16xf32>,
          tpu.vector_store %arg15[%swap3A_558, %swap3A_559], %mul3A_557 {strides = array<i32>} : memref<128x144xf32, #tpu.memory_space<vmem>>, vector<16xf32>,
          %get3A_561 = arith.index_cast %add3A_512 : i32 to index
          %get3A_562 = arith.constant 96 : index
          %get3A_563 = tpu.vector_load %arg14[%get3A_561, %get3A_562] {strides = array<i32>} : memref<128x128xf32, #tpu.memory_space<vmem>>, vector<16xf32>,
          %mul3A_564 = vector.broadcast %squeeze3A_508 : f32 to vector<16xf32>
          %mul3A_565 = arith.mulf %get3A_563, %mul3A_564 : vector<16xf32>
          %swap3A_566 = arith.index_cast %add3A_512 : i32 to index
          %swap3A_567 = arith.constant 96 : index
          %swap3A_568 = tpu.vector_load %arg15[%swap3A_566, %swap3A_567] {strides = array<i32>} : memref<128x144xf32, #tpu.memory_space<vmem>>, vector<16xf32>,
          tpu.vector_store %arg15[%swap3A_566, %swap3A_567], %mul3A_565 {strides = array<i32>} : memref<128x144xf32, #tpu.memory_space<vmem>>, vector<16xf32>,
          %get3A_569 = arith.index_cast %add3A_512 : i32 to index
          %get3A_570 = arith.constant 112 : index
          %get3A_571 = tpu.vector_load %arg14[%get3A_569, %get3A_570] {strides = array<i32>} : memref<128x128xf32, #tpu.memory_space<vmem>>, vector<16xf32>,
          %mul3A_572 = vector.broadcast %squeeze3A_508 : f32 to vector<16xf32>
          %mul3A_573 = arith.mulf %get3A_571, %mul3A_572 : vector<16xf32>
          %swap3A_574 = arith.index_cast %add3A_512 : i32 to index
          %swap3A_575 = arith.constant 112 : index
          %swap3A_576 = tpu.vector_load %arg15[%swap3A_574, %swap3A_575] {strides = array<i32>} : memref<128x144xf32, #tpu.memory_space<vmem>>, vector<16xf32>,
          tpu.vector_store %arg15[%swap3A_574, %swap3A_575], %mul3A_573 {strides = array<i32>} : memref<128x144xf32, #tpu.memory_space<vmem>>, vector<16xf32>,
          %mul3A_577 = vector.broadcast %squeeze3A_508 : f32 to vector<16xf32>
          %mul3A_578 = arith.mulf %select_n3A, %mul3A_577 : vector<16xf32>
          %swap3A_579 = arith.index_cast %add3A_512 : i32 to index
          %swap3A_580 = arith.constant 128 : index
          %swap3A_581 = tpu.vector_load %arg15[%swap3A_579, %swap3A_580] {strides = array<i32>} : memref<128x144xf32, #tpu.memory_space<vmem>>, vector<16xf32>,
          tpu.vector_store %arg15[%swap3A_579, %swap3A_580], %mul3A_578 {strides = array<i32>} : memref<128x144xf32, #tpu.memory_space<vmem>>, vector<16xf32>,
          %slice3A_582 = vector.extract_strided_slice %get3A_134 {offsets = [6], sizes = [1], strides = [1]} : vector<16xf32> to vector<1xf32>
          %squeeze3A_583 = vector.extract %slice3A_582[0] : f32 from vector<1xf32>
          %mul3A_584 = arith.constant 16 : i32
          %mul3A_585 = arith.muli %scan3A_129, %mul3A_584 : i32
          %add3A_586 = arith.constant 6 : i32
          %add3A_587 = arith.addi %mul3A_585, %add3A_586 : i32
          %get3A_588 = arith.index_cast %add3A_587 : i32 to index
          %get3A_589 = arith.constant 0 : index
          %get3A_590 = tpu.vector_load %arg14[%get3A_588, %get3A_589] {strides = array<i32>} : memref<128x128xf32, #tpu.memory_space<vmem>>, vector<16xf32>,
          %mul3A_591 = vector.broadcast %squeeze3A_583 : f32 to vector<16xf32>
          %mul3A_592 = arith.mulf %get3A_590, %mul3A_591 : vector<16xf32>
          %swap3A_593 = arith.index_cast %add3A_587 : i32 to index
          %swap3A_594 = arith.constant 0 : index
          %swap3A_595 = tpu.vector_load %arg15[%swap3A_593, %swap3A_594] {strides = array<i32>} : memref<128x144xf32, #tpu.memory_space<vmem>>, vector<16xf32>,
          tpu.vector_store %arg15[%swap3A_593, %swap3A_594], %mul3A_592 {strides = array<i32>} : memref<128x144xf32, #tpu.memory_space<vmem>>, vector<16xf32>,
          %get3A_596 = arith.index_cast %add3A_587 : i32 to index
          %get3A_597 = arith.constant 16 : index
          %get3A_598 = tpu.vector_load %arg14[%get3A_596, %get3A_597] {strides = array<i32>} : memref<128x128xf32, #tpu.memory_space<vmem>>, vector<16xf32>,
          %mul3A_599 = vector.broadcast %squeeze3A_583 : f32 to vector<16xf32>
          %mul3A_600 = arith.mulf %get3A_598, %mul3A_599 : vector<16xf32>
          %swap3A_601 = arith.index_cast %add3A_587 : i32 to index
          %swap3A_602 = arith.constant 16 : index
          %swap3A_603 = tpu.vector_load %arg15[%swap3A_601, %swap3A_602] {strides = array<i32>} : memref<128x144xf32, #tpu.memory_space<vmem>>, vector<16xf32>,
          tpu.vector_store %arg15[%swap3A_601, %swap3A_602], %mul3A_600 {strides = array<i32>} : memref<128x144xf32, #tpu.memory_space<vmem>>, vector<16xf32>,
          %get3A_604 = arith.index_cast %add3A_587 : i32 to index
          %get3A_605 = arith.constant 32 : index
          %get3A_606 = tpu.vector_load %arg14[%get3A_604, %get3A_605] {strides = array<i32>} : memref<128x128xf32, #tpu.memory_space<vmem>>, vector<16xf32>,
          %mul3A_607 = vector.broadcast %squeeze3A_583 : f32 to vector<16xf32>
          %mul3A_608 = arith.mulf %get3A_606, %mul3A_607 : vector<16xf32>
          %swap3A_609 = arith.index_cast %add3A_587 : i32 to index
          %swap3A_610 = arith.constant 32 : index
          %swap3A_611 = tpu.vector_load %arg15[%swap3A_609, %swap3A_610] {strides = array<i32>} : memref<128x144xf32, #tpu.memory_space<vmem>>, vector<16xf32>,
          tpu.vector_store %arg15[%swap3A_609, %swap3A_610], %mul3A_608 {strides = array<i32>} : memref<128x144xf32, #tpu.memory_space<vmem>>, vector<16xf32>,
          %get3A_612 = arith.index_cast %add3A_587 : i32 to index
          %get3A_613 = arith.constant 48 : index
          %get3A_614 = tpu.vector_load %arg14[%get3A_612, %get3A_613] {strides = array<i32>} : memref<128x128xf32, #tpu.memory_space<vmem>>, vector<16xf32>,
          %mul3A_615 = vector.broadcast %squeeze3A_583 : f32 to vector<16xf32>
          %mul3A_616 = arith.mulf %get3A_614, %mul3A_615 : vector<16xf32>
          %swap3A_617 = arith.index_cast %add3A_587 : i32 to index
          %swap3A_618 = arith.constant 48 : index
          %swap3A_619 = tpu.vector_load %arg15[%swap3A_617, %swap3A_618] {strides = array<i32>} : memref<128x144xf32, #tpu.memory_space<vmem>>, vector<16xf32>,
          tpu.vector_store %arg15[%swap3A_617, %swap3A_618], %mul3A_616 {strides = array<i32>} : memref<128x144xf32, #tpu.memory_space<vmem>>, vector<16xf32>,
          %get3A_620 = arith.index_cast %add3A_587 : i32 to index
          %get3A_621 = arith.constant 64 : index
          %get3A_622 = tpu.vector_load %arg14[%get3A_620, %get3A_621] {strides = array<i32>} : memref<128x128xf32, #tpu.memory_space<vmem>>, vector<16xf32>,
          %mul3A_623 = vector.broadcast %squeeze3A_583 : f32 to vector<16xf32>
          %mul3A_624 = arith.mulf %get3A_622, %mul3A_623 : vector<16xf32>
          %swap3A_625 = arith.index_cast %add3A_587 : i32 to index
          %swap3A_626 = arith.constant 64 : index
          %swap3A_627 = tpu.vector_load %arg15[%swap3A_625, %swap3A_626] {strides = array<i32>} : memref<128x144xf32, #tpu.memory_space<vmem>>, vector<16xf32>,
          tpu.vector_store %arg15[%swap3A_625, %swap3A_626], %mul3A_624 {strides = array<i32>} : memref<128x144xf32, #tpu.memory_space<vmem>>, vector<16xf32>,
          %get3A_628 = arith.index_cast %add3A_587 : i32 to index
          %get3A_629 = arith.constant 80 : index
          %get3A_630 = tpu.vector_load %arg14[%get3A_628, %get3A_629] {strides = array<i32>} : memref<128x128xf32, #tpu.memory_space<vmem>>, vector<16xf32>,
          %mul3A_631 = vector.broadcast %squeeze3A_583 : f32 to vector<16xf32>
          %mul3A_632 = arith.mulf %get3A_630, %mul3A_631 : vector<16xf32>
          %swap3A_633 = arith.index_cast %add3A_587 : i32 to index
          %swap3A_634 = arith.constant 80 : index
          %swap3A_635 = tpu.vector_load %arg15[%swap3A_633, %swap3A_634] {strides = array<i32>} : memref<128x144xf32, #tpu.memory_space<vmem>>, vector<16xf32>,
          tpu.vector_store %arg15[%swap3A_633, %swap3A_634], %mul3A_632 {strides = array<i32>} : memref<128x144xf32, #tpu.memory_space<vmem>>, vector<16xf32>,
          %get3A_636 = arith.index_cast %add3A_587 : i32 to index
          %get3A_637 = arith.constant 96 : index
          %get3A_638 = tpu.vector_load %arg14[%get3A_636, %get3A_637] {strides = array<i32>} : memref<128x128xf32, #tpu.memory_space<vmem>>, vector<16xf32>,
          %mul3A_639 = vector.broadcast %squeeze3A_583 : f32 to vector<16xf32>
          %mul3A_640 = arith.mulf %get3A_638, %mul3A_639 : vector<16xf32>
          %swap3A_641 = arith.index_cast %add3A_587 : i32 to index
          %swap3A_642 = arith.constant 96 : index
          %swap3A_643 = tpu.vector_load %arg15[%swap3A_641, %swap3A_642] {strides = array<i32>} : memref<128x144xf32, #tpu.memory_space<vmem>>, vector<16xf32>,
          tpu.vector_store %arg15[%swap3A_641, %swap3A_642], %mul3A_640 {strides = array<i32>} : memref<128x144xf32, #tpu.memory_space<vmem>>, vector<16xf32>,
          %get3A_644 = arith.index_cast %add3A_587 : i32 to index
          %get3A_645 = arith.constant 112 : index
          %get3A_646 = tpu.vector_load %arg14[%get3A_644, %get3A_645] {strides = array<i32>} : memref<128x128xf32, #tpu.memory_space<vmem>>, vector<16xf32>,
          %mul3A_647 = vector.broadcast %squeeze3A_583 : f32 to vector<16xf32>
          %mul3A_648 = arith.mulf %get3A_646, %mul3A_647 : vector<16xf32>
          %swap3A_649 = arith.index_cast %add3A_587 : i32 to index
          %swap3A_650 = arith.constant 112 : index
          %swap3A_651 = tpu.vector_load %arg15[%swap3A_649, %swap3A_650] {strides = array<i32>} : memref<128x144xf32, #tpu.memory_space<vmem>>, vector<16xf32>,
          tpu.vector_store %arg15[%swap3A_649, %swap3A_650], %mul3A_648 {strides = array<i32>} : memref<128x144xf32, #tpu.memory_space<vmem>>, vector<16xf32>,
          %mul3A_652 = vector.broadcast %squeeze3A_583 : f32 to vector<16xf32>
          %mul3A_653 = arith.mulf %select_n3A, %mul3A_652 : vector<16xf32>
          %swap3A_654 = arith.index_cast %add3A_587 : i32 to index
          %swap3A_655 = arith.constant 128 : index
          %swap3A_656 = tpu.vector_load %arg15[%swap3A_654, %swap3A_655] {strides = array<i32>} : memref<128x144xf32, #tpu.memory_space<vmem>>, vector<16xf32>,
          tpu.vector_store %arg15[%swap3A_654, %swap3A_655], %mul3A_653 {strides = array<i32>} : memref<128x144xf32, #tpu.memory_space<vmem>>, vector<16xf32>,
          %slice3A_657 = vector.extract_strided_slice %get3A_134 {offsets = [7], sizes = [1], strides = [1]} : vector<16xf32> to vector<1xf32>
          %squeeze3A_658 = vector.extract %slice3A_657[0] : f32 from vector<1xf32>
          %mul3A_659 = arith.constant 16 : i32
          %mul3A_660 = arith.muli %scan3A_129, %mul3A_659 : i32
          %add3A_661 = arith.constant 7 : i32
          %add3A_662 = arith.addi %mul3A_660, %add3A_661 : i32
          %get3A_663 = arith.index_cast %add3A_662 : i32 to index
          %get3A_664 = arith.constant 0 : index
          %get3A_665 = tpu.vector_load %arg14[%get3A_663, %get3A_664] {strides = array<i32>} : memref<128x128xf32, #tpu.memory_space<vmem>>, vector<16xf32>,
          %mul3A_666 = vector.broadcast %squeeze3A_658 : f32 to vector<16xf32>
          %mul3A_667 = arith.mulf %get3A_665, %mul3A_666 : vector<16xf32>
          %swap3A_668 = arith.index_cast %add3A_662 : i32 to index
          %swap3A_669 = arith.constant 0 : index
          %swap3A_670 = tpu.vector_load %arg15[%swap3A_668, %swap3A_669] {strides = array<i32>} : memref<128x144xf32, #tpu.memory_space<vmem>>, vector<16xf32>,
          tpu.vector_store %arg15[%swap3A_668, %swap3A_669], %mul3A_667 {strides = array<i32>} : memref<128x144xf32, #tpu.memory_space<vmem>>, vector<16xf32>,
          %get3A_671 = arith.index_cast %add3A_662 : i32 to index
          %get3A_672 = arith.constant 16 : index
          %get3A_673 = tpu.vector_load %arg14[%get3A_671, %get3A_672] {strides = array<i32>} : memref<128x128xf32, #tpu.memory_space<vmem>>, vector<16xf32>,
          %mul3A_674 = vector.broadcast %squeeze3A_658 : f32 to vector<16xf32>
          %mul3A_675 = arith.mulf %get3A_673, %mul3A_674 : vector<16xf32>
          %swap3A_676 = arith.index_cast %add3A_662 : i32 to index
          %swap3A_677 = arith.constant 16 : index
          %swap3A_678 = tpu.vector_load %arg15[%swap3A_676, %swap3A_677] {strides = array<i32>} : memref<128x144xf32, #tpu.memory_space<vmem>>, vector<16xf32>,
          tpu.vector_store %arg15[%swap3A_676, %swap3A_677], %mul3A_675 {strides = array<i32>} : memref<128x144xf32, #tpu.memory_space<vmem>>, vector<16xf32>,
          %get3A_679 = arith.index_cast %add3A_662 : i32 to index
          %get3A_680 = arith.constant 32 : index
          %get3A_681 = tpu.vector_load %arg14[%get3A_679, %get3A_680] {strides = array<i32>} : memref<128x128xf32, #tpu.memory_space<vmem>>, vector<16xf32>,
          %mul3A_682 = vector.broadcast %squeeze3A_658 : f32 to vector<16xf32>
          %mul3A_683 = arith.mulf %get3A_681, %mul3A_682 : vector<16xf32>
          %swap3A_684 = arith.index_cast %add3A_662 : i32 to index
          %swap3A_685 = arith.constant 32 : index
          %swap3A_686 = tpu.vector_load %arg15[%swap3A_684, %swap3A_685] {strides = array<i32>} : memref<128x144xf32, #tpu.memory_space<vmem>>, vector<16xf32>,
          tpu.vector_store %arg15[%swap3A_684, %swap3A_685], %mul3A_683 {strides = array<i32>} : memref<128x144xf32, #tpu.memory_space<vmem>>, vector<16xf32>,
          %get3A_687 = arith.index_cast %add3A_662 : i32 to index
          %get3A_688 = arith.constant 48 : index
          %get3A_689 = tpu.vector_load %arg14[%get3A_687, %get3A_688] {strides = array<i32>} : memref<128x128xf32, #tpu.memory_space<vmem>>, vector<16xf32>,
          %mul3A_690 = vector.broadcast %squeeze3A_658 : f32 to vector<16xf32>
          %mul3A_691 = arith.mulf %get3A_689, %mul3A_690 : vector<16xf32>
          %swap3A_692 = arith.index_cast %add3A_662 : i32 to index
          %swap3A_693 = arith.constant 48 : index
          %swap3A_694 = tpu.vector_load %arg15[%swap3A_692, %swap3A_693] {strides = array<i32>} : memref<128x144xf32, #tpu.memory_space<vmem>>, vector<16xf32>,
          tpu.vector_store %arg15[%swap3A_692, %swap3A_693], %mul3A_691 {strides = array<i32>} : memref<128x144xf32, #tpu.memory_space<vmem>>, vector<16xf32>,
          %get3A_695 = arith.index_cast %add3A_662 : i32 to index
          %get3A_696 = arith.constant 64 : index
          %get3A_697 = tpu.vector_load %arg14[%get3A_695, %get3A_696] {strides = array<i32>} : memref<128x128xf32, #tpu.memory_space<vmem>>, vector<16xf32>,
          %mul3A_698 = vector.broadcast %squeeze3A_658 : f32 to vector<16xf32>
          %mul3A_699 = arith.mulf %get3A_697, %mul3A_698 : vector<16xf32>
          %swap3A_700 = arith.index_cast %add3A_662 : i32 to index
          %swap3A_701 = arith.constant 64 : index
          %swap3A_702 = tpu.vector_load %arg15[%swap3A_700, %swap3A_701] {strides = array<i32>} : memref<128x144xf32, #tpu.memory_space<vmem>>, vector<16xf32>,
          tpu.vector_store %arg15[%swap3A_700, %swap3A_701], %mul3A_699 {strides = array<i32>} : memref<128x144xf32, #tpu.memory_space<vmem>>, vector<16xf32>,
          %get3A_703 = arith.index_cast %add3A_662 : i32 to index
          %get3A_704 = arith.constant 80 : index
          %get3A_705 = tpu.vector_load %arg14[%get3A_703, %get3A_704] {strides = array<i32>} : memref<128x128xf32, #tpu.memory_space<vmem>>, vector<16xf32>,
          %mul3A_706 = vector.broadcast %squeeze3A_658 : f32 to vector<16xf32>
          %mul3A_707 = arith.mulf %get3A_705, %mul3A_706 : vector<16xf32>
          %swap3A_708 = arith.index_cast %add3A_662 : i32 to index
          %swap3A_709 = arith.constant 80 : index
          %swap3A_710 = tpu.vector_load %arg15[%swap3A_708, %swap3A_709] {strides = array<i32>} : memref<128x144xf32, #tpu.memory_space<vmem>>, vector<16xf32>,
          tpu.vector_store %arg15[%swap3A_708, %swap3A_709], %mul3A_707 {strides = array<i32>} : memref<128x144xf32, #tpu.memory_space<vmem>>, vector<16xf32>,
          %get3A_711 = arith.index_cast %add3A_662 : i32 to index
          %get3A_712 = arith.constant 96 : index
          %get3A_713 = tpu.vector_load %arg14[%get3A_711, %get3A_712] {strides = array<i32>} : memref<128x128xf32, #tpu.memory_space<vmem>>, vector<16xf32>,
          %mul3A_714 = vector.broadcast %squeeze3A_658 : f32 to vector<16xf32>
          %mul3A_715 = arith.mulf %get3A_713, %mul3A_714 : vector<16xf32>
          %swap3A_716 = arith.index_cast %add3A_662 : i32 to index
          %swap3A_717 = arith.constant 96 : index
          %swap3A_718 = tpu.vector_load %arg15[%swap3A_716, %swap3A_717] {strides = array<i32>} : memref<128x144xf32, #tpu.memory_space<vmem>>, vector<16xf32>,
          tpu.vector_store %arg15[%swap3A_716, %swap3A_717], %mul3A_715 {strides = array<i32>} : memref<128x144xf32, #tpu.memory_space<vmem>>, vector<16xf32>,
          %get3A_719 = arith.index_cast %add3A_662 : i32 to index
          %get3A_720 = arith.constant 112 : index
          %get3A_721 = tpu.vector_load %arg14[%get3A_719, %get3A_720] {strides = array<i32>} : memref<128x128xf32, #tpu.memory_space<vmem>>, vector<16xf32>,
          %mul3A_722 = vector.broadcast %squeeze3A_658 : f32 to vector<16xf32>
          %mul3A_723 = arith.mulf %get3A_721, %mul3A_722 : vector<16xf32>
          %swap3A_724 = arith.index_cast %add3A_662 : i32 to index
          %swap3A_725 = arith.constant 112 : index
          %swap3A_726 = tpu.vector_load %arg15[%swap3A_724, %swap3A_725] {strides = array<i32>} : memref<128x144xf32, #tpu.memory_space<vmem>>, vector<16xf32>,
          tpu.vector_store %arg15[%swap3A_724, %swap3A_725], %mul3A_723 {strides = array<i32>} : memref<128x144xf32, #tpu.memory_space<vmem>>, vector<16xf32>,
          %mul3A_727 = vector.broadcast %squeeze3A_658 : f32 to vector<16xf32>
          %mul3A_728 = arith.mulf %select_n3A, %mul3A_727 : vector<16xf32>
          %swap3A_729 = arith.index_cast %add3A_662 : i32 to index
          %swap3A_730 = arith.constant 128 : index
          %swap3A_731 = tpu.vector_load %arg15[%swap3A_729, %swap3A_730] {strides = array<i32>} : memref<128x144xf32, #tpu.memory_space<vmem>>, vector<16xf32>,
          tpu.vector_store %arg15[%swap3A_729, %swap3A_730], %mul3A_728 {strides = array<i32>} : memref<128x144xf32, #tpu.memory_space<vmem>>, vector<16xf32>,
          %slice3A_732 = vector.extract_strided_slice %get3A_134 {offsets = [8], sizes = [1], strides = [1]} : vector<16xf32> to vector<1xf32>
          %squeeze3A_733 = vector.extract %slice3A_732[0] : f32 from vector<1xf32>
          %mul3A_734 = arith.constant 16 : i32
          %mul3A_735 = arith.muli %scan3A_129, %mul3A_734 : i32
          %add3A_736 = arith.constant 8 : i32
          %add3A_737 = arith.addi %mul3A_735, %add3A_736 : i32
          %get3A_738 = arith.index_cast %add3A_737 : i32 to index
          %get3A_739 = arith.constant 0 : index
          %get3A_740 = tpu.vector_load %arg14[%get3A_738, %get3A_739] {strides = array<i32>} : memref<128x128xf32, #tpu.memory_space<vmem>>, vector<16xf32>,
          %mul3A_741 = vector.broadcast %squeeze3A_733 : f32 to vector<16xf32>
          %mul3A_742 = arith.mulf %get3A_740, %mul3A_741 : vector<16xf32>
          %swap3A_743 = arith.index_cast %add3A_737 : i32 to index
          %swap3A_744 = arith.constant 0 : index
          %swap3A_745 = tpu.vector_load %arg15[%swap3A_743, %swap3A_744] {strides = array<i32>} : memref<128x144xf32, #tpu.memory_space<vmem>>, vector<16xf32>,
          tpu.vector_store %arg15[%swap3A_743, %swap3A_744], %mul3A_742 {strides = array<i32>} : memref<128x144xf32, #tpu.memory_space<vmem>>, vector<16xf32>,
          %get3A_746 = arith.index_cast %add3A_737 : i32 to index
          %get3A_747 = arith.constant 16 : index
          %get3A_748 = tpu.vector_load %arg14[%get3A_746, %get3A_747] {strides = array<i32>} : memref<128x128xf32, #tpu.memory_space<vmem>>, vector<16xf32>,
          %mul3A_749 = vector.broadcast %squeeze3A_733 : f32 to vector<16xf32>
          %mul3A_750 = arith.mulf %get3A_748, %mul3A_749 : vector<16xf32>
          %swap3A_751 = arith.index_cast %add3A_737 : i32 to index
          %swap3A_752 = arith.constant 16 : index
          %swap3A_753 = tpu.vector_load %arg15[%swap3A_751, %swap3A_752] {strides = array<i32>} : memref<128x144xf32, #tpu.memory_space<vmem>>, vector<16xf32>,
          tpu.vector_store %arg15[%swap3A_751, %swap3A_752], %mul3A_750 {strides = array<i32>} : memref<128x144xf32, #tpu.memory_space<vmem>>, vector<16xf32>,
          %get3A_754 = arith.index_cast %add3A_737 : i32 to index
          %get3A_755 = arith.constant 32 : index
          %get3A_756 = tpu.vector_load %arg14[%get3A_754, %get3A_755] {strides = array<i32>} : memref<128x128xf32, #tpu.memory_space<vmem>>, vector<16xf32>,
          %mul3A_757 = vector.broadcast %squeeze3A_733 : f32 to vector<16xf32>
          %mul3A_758 = arith.mulf %get3A_756, %mul3A_757 : vector<16xf32>
          %swap3A_759 = arith.index_cast %add3A_737 : i32 to index
          %swap3A_760 = arith.constant 32 : index
          %swap3A_761 = tpu.vector_load %arg15[%swap3A_759, %swap3A_760] {strides = array<i32>} : memref<128x144xf32, #tpu.memory_space<vmem>>, vector<16xf32>,
          tpu.vector_store %arg15[%swap3A_759, %swap3A_760], %mul3A_758 {strides = array<i32>} : memref<128x144xf32, #tpu.memory_space<vmem>>, vector<16xf32>,
          %get3A_762 = arith.index_cast %add3A_737 : i32 to index
          %get3A_763 = arith.constant 48 : index
          %get3A_764 = tpu.vector_load %arg14[%get3A_762, %get3A_763] {strides = array<i32>} : memref<128x128xf32, #tpu.memory_space<vmem>>, vector<16xf32>,
          %mul3A_765 = vector.broadcast %squeeze3A_733 : f32 to vector<16xf32>
          %mul3A_766 = arith.mulf %get3A_764, %mul3A_765 : vector<16xf32>
          %swap3A_767 = arith.index_cast %add3A_737 : i32 to index
          %swap3A_768 = arith.constant 48 : index
          %swap3A_769 = tpu.vector_load %arg15[%swap3A_767, %swap3A_768] {strides = array<i32>} : memref<128x144xf32, #tpu.memory_space<vmem>>, vector<16xf32>,
          tpu.vector_store %arg15[%swap3A_767, %swap3A_768], %mul3A_766 {strides = array<i32>} : memref<128x144xf32, #tpu.memory_space<vmem>>, vector<16xf32>,
          %get3A_770 = arith.index_cast %add3A_737 : i32 to index
          %get3A_771 = arith.constant 64 : index
          %get3A_772 = tpu.vector_load %arg14[%get3A_770, %get3A_771] {strides = array<i32>} : memref<128x128xf32, #tpu.memory_space<vmem>>, vector<16xf32>,
          %mul3A_773 = vector.broadcast %squeeze3A_733 : f32 to vector<16xf32>
          %mul3A_774 = arith.mulf %get3A_772, %mul3A_773 : vector<16xf32>
          %swap3A_775 = arith.index_cast %add3A_737 : i32 to index
          %swap3A_776 = arith.constant 64 : index
          %swap3A_777 = tpu.vector_load %arg15[%swap3A_775, %swap3A_776] {strides = array<i32>} : memref<128x144xf32, #tpu.memory_space<vmem>>, vector<16xf32>,
          tpu.vector_store %arg15[%swap3A_775, %swap3A_776], %mul3A_774 {strides = array<i32>} : memref<128x144xf32, #tpu.memory_space<vmem>>, vector<16xf32>,
          %get3A_778 = arith.index_cast %add3A_737 : i32 to index
          %get3A_779 = arith.constant 80 : index
          %get3A_780 = tpu.vector_load %arg14[%get3A_778, %get3A_779] {strides = array<i32>} : memref<128x128xf32, #tpu.memory_space<vmem>>, vector<16xf32>,
          %mul3A_781 = vector.broadcast %squeeze3A_733 : f32 to vector<16xf32>
          %mul3A_782 = arith.mulf %get3A_780, %mul3A_781 : vector<16xf32>
          %swap3A_783 = arith.index_cast %add3A_737 : i32 to index
          %swap3A_784 = arith.constant 80 : index
          %swap3A_785 = tpu.vector_load %arg15[%swap3A_783, %swap3A_784] {strides = array<i32>} : memref<128x144xf32, #tpu.memory_space<vmem>>, vector<16xf32>,
          tpu.vector_store %arg15[%swap3A_783, %swap3A_784], %mul3A_782 {strides = array<i32>} : memref<128x144xf32, #tpu.memory_space<vmem>>, vector<16xf32>,
          %get3A_786 = arith.index_cast %add3A_737 : i32 to index
          %get3A_787 = arith.constant 96 : index
          %get3A_788 = tpu.vector_load %arg14[%get3A_786, %get3A_787] {strides = array<i32>} : memref<128x128xf32, #tpu.memory_space<vmem>>, vector<16xf32>,
          %mul3A_789 = vector.broadcast %squeeze3A_733 : f32 to vector<16xf32>
          %mul3A_790 = arith.mulf %get3A_788, %mul3A_789 : vector<16xf32>
          %swap3A_791 = arith.index_cast %add3A_737 : i32 to index
          %swap3A_792 = arith.constant 96 : index
          %swap3A_793 = tpu.vector_load %arg15[%swap3A_791, %swap3A_792] {strides = array<i32>} : memref<128x144xf32, #tpu.memory_space<vmem>>, vector<16xf32>,
          tpu.vector_store %arg15[%swap3A_791, %swap3A_792], %mul3A_790 {strides = array<i32>} : memref<128x144xf32, #tpu.memory_space<vmem>>, vector<16xf32>,
          %get3A_794 = arith.index_cast %add3A_737 : i32 to index
          %get3A_795 = arith.constant 112 : index
          %get3A_796 = tpu.vector_load %arg14[%get3A_794, %get3A_795] {strides = array<i32>} : memref<128x128xf32, #tpu.memory_space<vmem>>, vector<16xf32>,
          %mul3A_797 = vector.broadcast %squeeze3A_733 : f32 to vector<16xf32>
          %mul3A_798 = arith.mulf %get3A_796, %mul3A_797 : vector<16xf32>
          %swap3A_799 = arith.index_cast %add3A_737 : i32 to index
          %swap3A_800 = arith.constant 112 : index
          %swap3A_801 = tpu.vector_load %arg15[%swap3A_799, %swap3A_800] {strides = array<i32>} : memref<128x144xf32, #tpu.memory_space<vmem>>, vector<16xf32>,
          tpu.vector_store %arg15[%swap3A_799, %swap3A_800], %mul3A_798 {strides = array<i32>} : memref<128x144xf32, #tpu.memory_space<vmem>>, vector<16xf32>,
          %mul3A_802 = vector.broadcast %squeeze3A_733 : f32 to vector<16xf32>
          %mul3A_803 = arith.mulf %select_n3A, %mul3A_802 : vector<16xf32>
          %swap3A_804 = arith.index_cast %add3A_737 : i32 to index
          %swap3A_805 = arith.constant 128 : index
          %swap3A_806 = tpu.vector_load %arg15[%swap3A_804, %swap3A_805] {strides = array<i32>} : memref<128x144xf32, #tpu.memory_space<vmem>>, vector<16xf32>,
          tpu.vector_store %arg15[%swap3A_804, %swap3A_805], %mul3A_803 {strides = array<i32>} : memref<128x144xf32, #tpu.memory_space<vmem>>, vector<16xf32>,
          %slice3A_807 = vector.extract_strided_slice %get3A_134 {offsets = [9], sizes = [1], strides = [1]} : vector<16xf32> to vector<1xf32>
          %squeeze3A_808 = vector.extract %slice3A_807[0] : f32 from vector<1xf32>
          %mul3A_809 = arith.constant 16 : i32
          %mul3A_810 = arith.muli %scan3A_129, %mul3A_809 : i32
          %add3A_811 = arith.constant 9 : i32
          %add3A_812 = arith.addi %mul3A_810, %add3A_811 : i32
          %get3A_813 = arith.index_cast %add3A_812 : i32 to index
          %get3A_814 = arith.constant 0 : index
          %get3A_815 = tpu.vector_load %arg14[%get3A_813, %get3A_814] {strides = array<i32>} : memref<128x128xf32, #tpu.memory_space<vmem>>, vector<16xf32>,
          %mul3A_816 = vector.broadcast %squeeze3A_808 : f32 to vector<16xf32>
          %mul3A_817 = arith.mulf %get3A_815, %mul3A_816 : vector<16xf32>
          %swap3A_818 = arith.index_cast %add3A_812 : i32 to index
          %swap3A_819 = arith.constant 0 : index
          %swap3A_820 = tpu.vector_load %arg15[%swap3A_818, %swap3A_819] {strides = array<i32>} : memref<128x144xf32, #tpu.memory_space<vmem>>, vector<16xf32>,
          tpu.vector_store %arg15[%swap3A_818, %swap3A_819], %mul3A_817 {strides = array<i32>} : memref<128x144xf32, #tpu.memory_space<vmem>>, vector<16xf32>,
          %get3A_821 = arith.index_cast %add3A_812 : i32 to index
          %get3A_822 = arith.constant 16 : index
          %get3A_823 = tpu.vector_load %arg14[%get3A_821, %get3A_822] {strides = array<i32>} : memref<128x128xf32, #tpu.memory_space<vmem>>, vector<16xf32>,
          %mul3A_824 = vector.broadcast %squeeze3A_808 : f32 to vector<16xf32>
          %mul3A_825 = arith.mulf %get3A_823, %mul3A_824 : vector<16xf32>
          %swap3A_826 = arith.index_cast %add3A_812 : i32 to index
          %swap3A_827 = arith.constant 16 : index
          %swap3A_828 = tpu.vector_load %arg15[%swap3A_826, %swap3A_827] {strides = array<i32>} : memref<128x144xf32, #tpu.memory_space<vmem>>, vector<16xf32>,
          tpu.vector_store %arg15[%swap3A_826, %swap3A_827], %mul3A_825 {strides = array<i32>} : memref<128x144xf32, #tpu.memory_space<vmem>>, vector<16xf32>,
          %get3A_829 = arith.index_cast %add3A_812 : i32 to index
          %get3A_830 = arith.constant 32 : index
          %get3A_831 = tpu.vector_load %arg14[%get3A_829, %get3A_830] {strides = array<i32>} : memref<128x128xf32, #tpu.memory_space<vmem>>, vector<16xf32>,
          %mul3A_832 = vector.broadcast %squeeze3A_808 : f32 to vector<16xf32>
          %mul3A_833 = arith.mulf %get3A_831, %mul3A_832 : vector<16xf32>
          %swap3A_834 = arith.index_cast %add3A_812 : i32 to index
          %swap3A_835 = arith.constant 32 : index
          %swap3A_836 = tpu.vector_load %arg15[%swap3A_834, %swap3A_835] {strides = array<i32>} : memref<128x144xf32, #tpu.memory_space<vmem>>, vector<16xf32>,
          tpu.vector_store %arg15[%swap3A_834, %swap3A_835], %mul3A_833 {strides = array<i32>} : memref<128x144xf32, #tpu.memory_space<vmem>>, vector<16xf32>,
          %get3A_837 = arith.index_cast %add3A_812 : i32 to index
          %get3A_838 = arith.constant 48 : index
          %get3A_839 = tpu.vector_load %arg14[%get3A_837, %get3A_838] {strides = array<i32>} : memref<128x128xf32, #tpu.memory_space<vmem>>, vector<16xf32>,
          %mul3A_840 = vector.broadcast %squeeze3A_808 : f32 to vector<16xf32>
          %mul3A_841 = arith.mulf %get3A_839, %mul3A_840 : vector<16xf32>
          %swap3A_842 = arith.index_cast %add3A_812 : i32 to index
          %swap3A_843 = arith.constant 48 : index
          %swap3A_844 = tpu.vector_load %arg15[%swap3A_842, %swap3A_843] {strides = array<i32>} : memref<128x144xf32, #tpu.memory_space<vmem>>, vector<16xf32>,
          tpu.vector_store %arg15[%swap3A_842, %swap3A_843], %mul3A_841 {strides = array<i32>} : memref<128x144xf32, #tpu.memory_space<vmem>>, vector<16xf32>,
          %get3A_845 = arith.index_cast %add3A_812 : i32 to index
          %get3A_846 = arith.constant 64 : index
          %get3A_847 = tpu.vector_load %arg14[%get3A_845, %get3A_846] {strides = array<i32>} : memref<128x128xf32, #tpu.memory_space<vmem>>, vector<16xf32>,
          %mul3A_848 = vector.broadcast %squeeze3A_808 : f32 to vector<16xf32>
          %mul3A_849 = arith.mulf %get3A_847, %mul3A_848 : vector<16xf32>
          %swap3A_850 = arith.index_cast %add3A_812 : i32 to index
          %swap3A_851 = arith.constant 64 : index
          %swap3A_852 = tpu.vector_load %arg15[%swap3A_850, %swap3A_851] {strides = array<i32>} : memref<128x144xf32, #tpu.memory_space<vmem>>, vector<16xf32>,
          tpu.vector_store %arg15[%swap3A_850, %swap3A_851], %mul3A_849 {strides = array<i32>} : memref<128x144xf32, #tpu.memory_space<vmem>>, vector<16xf32>,
          %get3A_853 = arith.index_cast %add3A_812 : i32 to index
          %get3A_854 = arith.constant 80 : index
          %get3A_855 = tpu.vector_load %arg14[%get3A_853, %get3A_854] {strides = array<i32>} : memref<128x128xf32, #tpu.memory_space<vmem>>, vector<16xf32>,
          %mul3A_856 = vector.broadcast %squeeze3A_808 : f32 to vector<16xf32>
          %mul3A_857 = arith.mulf %get3A_855, %mul3A_856 : vector<16xf32>
          %swap3A_858 = arith.index_cast %add3A_812 : i32 to index
          %swap3A_859 = arith.constant 80 : index
          %swap3A_860 = tpu.vector_load %arg15[%swap3A_858, %swap3A_859] {strides = array<i32>} : memref<128x144xf32, #tpu.memory_space<vmem>>, vector<16xf32>,
          tpu.vector_store %arg15[%swap3A_858, %swap3A_859], %mul3A_857 {strides = array<i32>} : memref<128x144xf32, #tpu.memory_space<vmem>>, vector<16xf32>,
          %get3A_861 = arith.index_cast %add3A_812 : i32 to index
          %get3A_862 = arith.constant 96 : index
          %get3A_863 = tpu.vector_load %arg14[%get3A_861, %get3A_862] {strides = array<i32>} : memref<128x128xf32, #tpu.memory_space<vmem>>, vector<16xf32>,
          %mul3A_864 = vector.broadcast %squeeze3A_808 : f32 to vector<16xf32>
          %mul3A_865 = arith.mulf %get3A_863, %mul3A_864 : vector<16xf32>
          %swap3A_866 = arith.index_cast %add3A_812 : i32 to index
          %swap3A_867 = arith.constant 96 : index
          %swap3A_868 = tpu.vector_load %arg15[%swap3A_866, %swap3A_867] {strides = array<i32>} : memref<128x144xf32, #tpu.memory_space<vmem>>, vector<16xf32>,
          tpu.vector_store %arg15[%swap3A_866, %swap3A_867], %mul3A_865 {strides = array<i32>} : memref<128x144xf32, #tpu.memory_space<vmem>>, vector<16xf32>,
          %get3A_869 = arith.index_cast %add3A_812 : i32 to index
          %get3A_870 = arith.constant 112 : index
          %get3A_871 = tpu.vector_load %arg14[%get3A_869, %get3A_870] {strides = array<i32>} : memref<128x128xf32, #tpu.memory_space<vmem>>, vector<16xf32>,
          %mul3A_872 = vector.broadcast %squeeze3A_808 : f32 to vector<16xf32>
          %mul3A_873 = arith.mulf %get3A_871, %mul3A_872 : vector<16xf32>
          %swap3A_874 = arith.index_cast %add3A_812 : i32 to index
          %swap3A_875 = arith.constant 112 : index
          %swap3A_876 = tpu.vector_load %arg15[%swap3A_874, %swap3A_875] {strides = array<i32>} : memref<128x144xf32, #tpu.memory_space<vmem>>, vector<16xf32>,
          tpu.vector_store %arg15[%swap3A_874, %swap3A_875], %mul3A_873 {strides = array<i32>} : memref<128x144xf32, #tpu.memory_space<vmem>>, vector<16xf32>,
          %mul3A_877 = vector.broadcast %squeeze3A_808 : f32 to vector<16xf32>
          %mul3A_878 = arith.mulf %select_n3A, %mul3A_877 : vector<16xf32>
          %swap3A_879 = arith.index_cast %add3A_812 : i32 to index
          %swap3A_880 = arith.constant 128 : index
          %swap3A_881 = tpu.vector_load %arg15[%swap3A_879, %swap3A_880] {strides = array<i32>} : memref<128x144xf32, #tpu.memory_space<vmem>>, vector<16xf32>,
          tpu.vector_store %arg15[%swap3A_879, %swap3A_880], %mul3A_878 {strides = array<i32>} : memref<128x144xf32, #tpu.memory_space<vmem>>, vector<16xf32>,
          %slice3A_882 = vector.extract_strided_slice %get3A_134 {offsets = [10], sizes = [1], strides = [1]} : vector<16xf32> to vector<1xf32>
          %squeeze3A_883 = vector.extract %slice3A_882[0] : f32 from vector<1xf32>
          %mul3A_884 = arith.constant 16 : i32
          %mul3A_885 = arith.muli %scan3A_129, %mul3A_884 : i32
          %add3A_886 = arith.constant 10 : i32
          %add3A_887 = arith.addi %mul3A_885, %add3A_886 : i32
          %get3A_888 = arith.index_cast %add3A_887 : i32 to index
          %get3A_889 = arith.constant 0 : index
          %get3A_890 = tpu.vector_load %arg14[%get3A_888, %get3A_889] {strides = array<i32>} : memref<128x128xf32, #tpu.memory_space<vmem>>, vector<16xf32>,
          %mul3A_891 = vector.broadcast %squeeze3A_883 : f32 to vector<16xf32>
          %mul3A_892 = arith.mulf %get3A_890, %mul3A_891 : vector<16xf32>
          %swap3A_893 = arith.index_cast %add3A_887 : i32 to index
          %swap3A_894 = arith.constant 0 : index
          %swap3A_895 = tpu.vector_load %arg15[%swap3A_893, %swap3A_894] {strides = array<i32>} : memref<128x144xf32, #tpu.memory_space<vmem>>, vector<16xf32>,
          tpu.vector_store %arg15[%swap3A_893, %swap3A_894], %mul3A_892 {strides = array<i32>} : memref<128x144xf32, #tpu.memory_space<vmem>>, vector<16xf32>,
          %get3A_896 = arith.index_cast %add3A_887 : i32 to index
          %get3A_897 = arith.constant 16 : index
          %get3A_898 = tpu.vector_load %arg14[%get3A_896, %get3A_897] {strides = array<i32>} : memref<128x128xf32, #tpu.memory_space<vmem>>, vector<16xf32>,
          %mul3A_899 = vector.broadcast %squeeze3A_883 : f32 to vector<16xf32>
          %mul3A_900 = arith.mulf %get3A_898, %mul3A_899 : vector<16xf32>
          %swap3A_901 = arith.index_cast %add3A_887 : i32 to index
          %swap3A_902 = arith.constant 16 : index
          %swap3A_903 = tpu.vector_load %arg15[%swap3A_901, %swap3A_902] {strides = array<i32>} : memref<128x144xf32, #tpu.memory_space<vmem>>, vector<16xf32>,
          tpu.vector_store %arg15[%swap3A_901, %swap3A_902], %mul3A_900 {strides = array<i32>} : memref<128x144xf32, #tpu.memory_space<vmem>>, vector<16xf32>,
          %get3A_904 = arith.index_cast %add3A_887 : i32 to index
          %get3A_905 = arith.constant 32 : index
          %get3A_906 = tpu.vector_load %arg14[%get3A_904, %get3A_905] {strides = array<i32>} : memref<128x128xf32, #tpu.memory_space<vmem>>, vector<16xf32>,
          %mul3A_907 = vector.broadcast %squeeze3A_883 : f32 to vector<16xf32>
          %mul3A_908 = arith.mulf %get3A_906, %mul3A_907 : vector<16xf32>
          %swap3A_909 = arith.index_cast %add3A_887 : i32 to index
          %swap3A_910 = arith.constant 32 : index
          %swap3A_911 = tpu.vector_load %arg15[%swap3A_909, %swap3A_910] {strides = array<i32>} : memref<128x144xf32, #tpu.memory_space<vmem>>, vector<16xf32>,
          tpu.vector_store %arg15[%swap3A_909, %swap3A_910], %mul3A_908 {strides = array<i32>} : memref<128x144xf32, #tpu.memory_space<vmem>>, vector<16xf32>,
          %get3A_912 = arith.index_cast %add3A_887 : i32 to index
          %get3A_913 = arith.constant 48 : index
          %get3A_914 = tpu.vector_load %arg14[%get3A_912, %get3A_913] {strides = array<i32>} : memref<128x128xf32, #tpu.memory_space<vmem>>, vector<16xf32>,
          %mul3A_915 = vector.broadcast %squeeze3A_883 : f32 to vector<16xf32>
          %mul3A_916 = arith.mulf %get3A_914, %mul3A_915 : vector<16xf32>
          %swap3A_917 = arith.index_cast %add3A_887 : i32 to index
          %swap3A_918 = arith.constant 48 : index
          %swap3A_919 = tpu.vector_load %arg15[%swap3A_917, %swap3A_918] {strides = array<i32>} : memref<128x144xf32, #tpu.memory_space<vmem>>, vector<16xf32>,
          tpu.vector_store %arg15[%swap3A_917, %swap3A_918], %mul3A_916 {strides = array<i32>} : memref<128x144xf32, #tpu.memory_space<vmem>>, vector<16xf32>,
          %get3A_920 = arith.index_cast %add3A_887 : i32 to index
          %get3A_921 = arith.constant 64 : index
          %get3A_922 = tpu.vector_load %arg14[%get3A_920, %get3A_921] {strides = array<i32>} : memref<128x128xf32, #tpu.memory_space<vmem>>, vector<16xf32>,
          %mul3A_923 = vector.broadcast %squeeze3A_883 : f32 to vector<16xf32>
          %mul3A_924 = arith.mulf %get3A_922, %mul3A_923 : vector<16xf32>
          %swap3A_925 = arith.index_cast %add3A_887 : i32 to index
          %swap3A_926 = arith.constant 64 : index
          %swap3A_927 = tpu.vector_load %arg15[%swap3A_925, %swap3A_926] {strides = array<i32>} : memref<128x144xf32, #tpu.memory_space<vmem>>, vector<16xf32>,
          tpu.vector_store %arg15[%swap3A_925, %swap3A_926], %mul3A_924 {strides = array<i32>} : memref<128x144xf32, #tpu.memory_space<vmem>>, vector<16xf32>,
          %get3A_928 = arith.index_cast %add3A_887 : i32 to index
          %get3A_929 = arith.constant 80 : index
          %get3A_930 = tpu.vector_load %arg14[%get3A_928, %get3A_929] {strides = array<i32>} : memref<128x128xf32, #tpu.memory_space<vmem>>, vector<16xf32>,
          %mul3A_931 = vector.broadcast %squeeze3A_883 : f32 to vector<16xf32>
          %mul3A_932 = arith.mulf %get3A_930, %mul3A_931 : vector<16xf32>
          %swap3A_933 = arith.index_cast %add3A_887 : i32 to index
          %swap3A_934 = arith.constant 80 : index
          %swap3A_935 = tpu.vector_load %arg15[%swap3A_933, %swap3A_934] {strides = array<i32>} : memref<128x144xf32, #tpu.memory_space<vmem>>, vector<16xf32>,
          tpu.vector_store %arg15[%swap3A_933, %swap3A_934], %mul3A_932 {strides = array<i32>} : memref<128x144xf32, #tpu.memory_space<vmem>>, vector<16xf32>,
          %get3A_936 = arith.index_cast %add3A_887 : i32 to index
          %get3A_937 = arith.constant 96 : index
          %get3A_938 = tpu.vector_load %arg14[%get3A_936, %get3A_937] {strides = array<i32>} : memref<128x128xf32, #tpu.memory_space<vmem>>, vector<16xf32>,
          %mul3A_939 = vector.broadcast %squeeze3A_883 : f32 to vector<16xf32>
          %mul3A_940 = arith.mulf %get3A_938, %mul3A_939 : vector<16xf32>
          %swap3A_941 = arith.index_cast %add3A_887 : i32 to index
          %swap3A_942 = arith.constant 96 : index
          %swap3A_943 = tpu.vector_load %arg15[%swap3A_941, %swap3A_942] {strides = array<i32>} : memref<128x144xf32, #tpu.memory_space<vmem>>, vector<16xf32>,
          tpu.vector_store %arg15[%swap3A_941, %swap3A_942], %mul3A_940 {strides = array<i32>} : memref<128x144xf32, #tpu.memory_space<vmem>>, vector<16xf32>,
          %get3A_944 = arith.index_cast %add3A_887 : i32 to index
          %get3A_945 = arith.constant 112 : index
          %get3A_946 = tpu.vector_load %arg14[%get3A_944, %get3A_945] {strides = array<i32>} : memref<128x128xf32, #tpu.memory_space<vmem>>, vector<16xf32>,
          %mul3A_947 = vector.broadcast %squeeze3A_883 : f32 to vector<16xf32>
          %mul3A_948 = arith.mulf %get3A_946, %mul3A_947 : vector<16xf32>
          %swap3A_949 = arith.index_cast %add3A_887 : i32 to index
          %swap3A_950 = arith.constant 112 : index
          %swap3A_951 = tpu.vector_load %arg15[%swap3A_949, %swap3A_950] {strides = array<i32>} : memref<128x144xf32, #tpu.memory_space<vmem>>, vector<16xf32>,
          tpu.vector_store %arg15[%swap3A_949, %swap3A_950], %mul3A_948 {strides = array<i32>} : memref<128x144xf32, #tpu.memory_space<vmem>>, vector<16xf32>,
          %mul3A_952 = vector.broadcast %squeeze3A_883 : f32 to vector<16xf32>
          %mul3A_953 = arith.mulf %select_n3A, %mul3A_952 : vector<16xf32>
          %swap3A_954 = arith.index_cast %add3A_887 : i32 to index
          %swap3A_955 = arith.constant 128 : index
          %swap3A_956 = tpu.vector_load %arg15[%swap3A_954, %swap3A_955] {strides = array<i32>} : memref<128x144xf32, #tpu.memory_space<vmem>>, vector<16xf32>,
          tpu.vector_store %arg15[%swap3A_954, %swap3A_955], %mul3A_953 {strides = array<i32>} : memref<128x144xf32, #tpu.memory_space<vmem>>, vector<16xf32>,
          %slice3A_957 = vector.extract_strided_slice %get3A_134 {offsets = [11], sizes = [1], strides = [1]} : vector<16xf32> to vector<1xf32>
          %squeeze3A_958 = vector.extract %slice3A_957[0] : f32 from vector<1xf32>
          %mul3A_959 = arith.constant 16 : i32
          %mul3A_960 = arith.muli %scan3A_129, %mul3A_959 : i32
          %add3A_961 = arith.constant 11 : i32
          %add3A_962 = arith.addi %mul3A_960, %add3A_961 : i32
          %get3A_963 = arith.index_cast %add3A_962 : i32 to index
          %get3A_964 = arith.constant 0 : index
          %get3A_965 = tpu.vector_load %arg14[%get3A_963, %get3A_964] {strides = array<i32>} : memref<128x128xf32, #tpu.memory_space<vmem>>, vector<16xf32>,
          %mul3A_966 = vector.broadcast %squeeze3A_958 : f32 to vector<16xf32>
          %mul3A_967 = arith.mulf %get3A_965, %mul3A_966 : vector<16xf32>
          %swap3A_968 = arith.index_cast %add3A_962 : i32 to index
          %swap3A_969 = arith.constant 0 : index
          %swap3A_970 = tpu.vector_load %arg15[%swap3A_968, %swap3A_969] {strides = array<i32>} : memref<128x144xf32, #tpu.memory_space<vmem>>, vector<16xf32>,
          tpu.vector_store %arg15[%swap3A_968, %swap3A_969], %mul3A_967 {strides = array<i32>} : memref<128x144xf32, #tpu.memory_space<vmem>>, vector<16xf32>,
          %get3A_971 = arith.index_cast %add3A_962 : i32 to index
          %get3A_972 = arith.constant 16 : index
          %get3A_973 = tpu.vector_load %arg14[%get3A_971, %get3A_972] {strides = array<i32>} : memref<128x128xf32, #tpu.memory_space<vmem>>, vector<16xf32>,
          %mul3A_974 = vector.broadcast %squeeze3A_958 : f32 to vector<16xf32>
          %mul3A_975 = arith.mulf %get3A_973, %mul3A_974 : vector<16xf32>
          %swap3A_976 = arith.index_cast %add3A_962 : i32 to index
          %swap3A_977 = arith.constant 16 : index
          %swap3A_978 = tpu.vector_load %arg15[%swap3A_976, %swap3A_977] {strides = array<i32>} : memref<128x144xf32, #tpu.memory_space<vmem>>, vector<16xf32>,
          tpu.vector_store %arg15[%swap3A_976, %swap3A_977], %mul3A_975 {strides = array<i32>} : memref<128x144xf32, #tpu.memory_space<vmem>>, vector<16xf32>,
          %get3A_979 = arith.index_cast %add3A_962 : i32 to index
          %get3A_980 = arith.constant 32 : index
          %get3A_981 = tpu.vector_load %arg14[%get3A_979, %get3A_980] {strides = array<i32>} : memref<128x128xf32, #tpu.memory_space<vmem>>, vector<16xf32>,
          %mul3A_982 = vector.broadcast %squeeze3A_958 : f32 to vector<16xf32>
          %mul3A_983 = arith.mulf %get3A_981, %mul3A_982 : vector<16xf32>
          %swap3A_984 = arith.index_cast %add3A_962 : i32 to index
          %swap3A_985 = arith.constant 32 : index
          %swap3A_986 = tpu.vector_load %arg15[%swap3A_984, %swap3A_985] {strides = array<i32>} : memref<128x144xf32, #tpu.memory_space<vmem>>, vector<16xf32>,
          tpu.vector_store %arg15[%swap3A_984, %swap3A_985], %mul3A_983 {strides = array<i32>} : memref<128x144xf32, #tpu.memory_space<vmem>>, vector<16xf32>,
          %get3A_987 = arith.index_cast %add3A_962 : i32 to index
          %get3A_988 = arith.constant 48 : index
          %get3A_989 = tpu.vector_load %arg14[%get3A_987, %get3A_988] {strides = array<i32>} : memref<128x128xf32, #tpu.memory_space<vmem>>, vector<16xf32>,
          %mul3A_990 = vector.broadcast %squeeze3A_958 : f32 to vector<16xf32>
          %mul3A_991 = arith.mulf %get3A_989, %mul3A_990 : vector<16xf32>
          %swap3A_992 = arith.index_cast %add3A_962 : i32 to index
          %swap3A_993 = arith.constant 48 : index
          %swap3A_994 = tpu.vector_load %arg15[%swap3A_992, %swap3A_993] {strides = array<i32>} : memref<128x144xf32, #tpu.memory_space<vmem>>, vector<16xf32>,
          tpu.vector_store %arg15[%swap3A_992, %swap3A_993], %mul3A_991 {strides = array<i32>} : memref<128x144xf32, #tpu.memory_space<vmem>>, vector<16xf32>,
          %get3A_995 = arith.index_cast %add3A_962 : i32 to index
          %get3A_996 = arith.constant 64 : index
          %get3A_997 = tpu.vector_load %arg14[%get3A_995, %get3A_996] {strides = array<i32>} : memref<128x128xf32, #tpu.memory_space<vmem>>, vector<16xf32>,
          %mul3A_998 = vector.broadcast %squeeze3A_958 : f32 to vector<16xf32>
          %mul3A_999 = arith.mulf %get3A_997, %mul3A_998 : vector<16xf32>
          %swap3A_1000 = arith.index_cast %add3A_962 : i32 to index
          %swap3A_1001 = arith.constant 64 : index
          %swap3A_1002 = tpu.vector_load %arg15[%swap3A_1000, %swap3A_1001] {strides = array<i32>} : memref<128x144xf32, #tpu.memory_space<vmem>>, vector<16xf32>,
          tpu.vector_store %arg15[%swap3A_1000, %swap3A_1001], %mul3A_999 {strides = array<i32>} : memref<128x144xf32, #tpu.memory_space<vmem>>, vector<16xf32>,
          %get3A_1003 = arith.index_cast %add3A_962 : i32 to index
          %get3A_1004 = arith.constant 80 : index
          %get3A_1005 = tpu.vector_load %arg14[%get3A_1003, %get3A_1004] {strides = array<i32>} : memref<128x128xf32, #tpu.memory_space<vmem>>, vector<16xf32>,
          %mul3A_1006 = vector.broadcast %squeeze3A_958 : f32 to vector<16xf32>
          %mul3A_1007 = arith.mulf %get3A_1005, %mul3A_1006 : vector<16xf32>
          %swap3A_1008 = arith.index_cast %add3A_962 : i32 to index
          %swap3A_1009 = arith.constant 80 : index
          %swap3A_1010 = tpu.vector_load %arg15[%swap3A_1008, %swap3A_1009] {strides = array<i32>} : memref<128x144xf32, #tpu.memory_space<vmem>>, vector<16xf32>,
          tpu.vector_store %arg15[%swap3A_1008, %swap3A_1009], %mul3A_1007 {strides = array<i32>} : memref<128x144xf32, #tpu.memory_space<vmem>>, vector<16xf32>,
          %get3A_1011 = arith.index_cast %add3A_962 : i32 to index
          %get3A_1012 = arith.constant 96 : index
          %get3A_1013 = tpu.vector_load %arg14[%get3A_1011, %get3A_1012] {strides = array<i32>} : memref<128x128xf32, #tpu.memory_space<vmem>>, vector<16xf32>,
          %mul3A_1014 = vector.broadcast %squeeze3A_958 : f32 to vector<16xf32>
          %mul3A_1015 = arith.mulf %get3A_1013, %mul3A_1014 : vector<16xf32>
          %swap3A_1016 = arith.index_cast %add3A_962 : i32 to index
          %swap3A_1017 = arith.constant 96 : index
          %swap3A_1018 = tpu.vector_load %arg15[%swap3A_1016, %swap3A_1017] {strides = array<i32>} : memref<128x144xf32, #tpu.memory_space<vmem>>, vector<16xf32>,
          tpu.vector_store %arg15[%swap3A_1016, %swap3A_1017], %mul3A_1015 {strides = array<i32>} : memref<128x144xf32, #tpu.memory_space<vmem>>, vector<16xf32>,
          %get3A_1019 = arith.index_cast %add3A_962 : i32 to index
          %get3A_1020 = arith.constant 112 : index
          %get3A_1021 = tpu.vector_load %arg14[%get3A_1019, %get3A_1020] {strides = array<i32>} : memref<128x128xf32, #tpu.memory_space<vmem>>, vector<16xf32>,
          %mul3A_1022 = vector.broadcast %squeeze3A_958 : f32 to vector<16xf32>
          %mul3A_1023 = arith.mulf %get3A_1021, %mul3A_1022 : vector<16xf32>
          %swap3A_1024 = arith.index_cast %add3A_962 : i32 to index
          %swap3A_1025 = arith.constant 112 : index
          %swap3A_1026 = tpu.vector_load %arg15[%swap3A_1024, %swap3A_1025] {strides = array<i32>} : memref<128x144xf32, #tpu.memory_space<vmem>>, vector<16xf32>,
          tpu.vector_store %arg15[%swap3A_1024, %swap3A_1025], %mul3A_1023 {strides = array<i32>} : memref<128x144xf32, #tpu.memory_space<vmem>>, vector<16xf32>,
          %mul3A_1027 = vector.broadcast %squeeze3A_958 : f32 to vector<16xf32>
          %mul3A_1028 = arith.mulf %select_n3A, %mul3A_1027 : vector<16xf32>
          %swap3A_1029 = arith.index_cast %add3A_962 : i32 to index
          %swap3A_1030 = arith.constant 128 : index
          %swap3A_1031 = tpu.vector_load %arg15[%swap3A_1029, %swap3A_1030] {strides = array<i32>} : memref<128x144xf32, #tpu.memory_space<vmem>>, vector<16xf32>,
          tpu.vector_store %arg15[%swap3A_1029, %swap3A_1030], %mul3A_1028 {strides = array<i32>} : memref<128x144xf32, #tpu.memory_space<vmem>>, vector<16xf32>,
          %slice3A_1032 = vector.extract_strided_slice %get3A_134 {offsets = [12], sizes = [1], strides = [1]} : vector<16xf32> to vector<1xf32>
          %squeeze3A_1033 = vector.extract %slice3A_1032[0] : f32 from vector<1xf32>
          %mul3A_1034 = arith.constant 16 : i32
          %mul3A_1035 = arith.muli %scan3A_129, %mul3A_1034 : i32
          %add3A_1036 = arith.constant 12 : i32
          %add3A_1037 = arith.addi %mul3A_1035, %add3A_1036 : i32
          %get3A_1038 = arith.index_cast %add3A_1037 : i32 to index
          %get3A_1039 = arith.constant 0 : index
          %get3A_1040 = tpu.vector_load %arg14[%get3A_1038, %get3A_1039] {strides = array<i32>} : memref<128x128xf32, #tpu.memory_space<vmem>>, vector<16xf32>,
          %mul3A_1041 = vector.broadcast %squeeze3A_1033 : f32 to vector<16xf32>
          %mul3A_1042 = arith.mulf %get3A_1040, %mul3A_1041 : vector<16xf32>
          %swap3A_1043 = arith.index_cast %add3A_1037 : i32 to index
          %swap3A_1044 = arith.constant 0 : index
          %swap3A_1045 = tpu.vector_load %arg15[%swap3A_1043, %swap3A_1044] {strides = array<i32>} : memref<128x144xf32, #tpu.memory_space<vmem>>, vector<16xf32>,
          tpu.vector_store %arg15[%swap3A_1043, %swap3A_1044], %mul3A_1042 {strides = array<i32>} : memref<128x144xf32, #tpu.memory_space<vmem>>, vector<16xf32>,
          %get3A_1046 = arith.index_cast %add3A_1037 : i32 to index
          %get3A_1047 = arith.constant 16 : index
          %get3A_1048 = tpu.vector_load %arg14[%get3A_1046, %get3A_1047] {strides = array<i32>} : memref<128x128xf32, #tpu.memory_space<vmem>>, vector<16xf32>,
          %mul3A_1049 = vector.broadcast %squeeze3A_1033 : f32 to vector<16xf32>
          %mul3A_1050 = arith.mulf %get3A_1048, %mul3A_1049 : vector<16xf32>
          %swap3A_1051 = arith.index_cast %add3A_1037 : i32 to index
          %swap3A_1052 = arith.constant 16 : index
          %swap3A_1053 = tpu.vector_load %arg15[%swap3A_1051, %swap3A_1052] {strides = array<i32>} : memref<128x144xf32, #tpu.memory_space<vmem>>, vector<16xf32>,
          tpu.vector_store %arg15[%swap3A_1051, %swap3A_1052], %mul3A_1050 {strides = array<i32>} : memref<128x144xf32, #tpu.memory_space<vmem>>, vector<16xf32>,
          %get3A_1054 = arith.index_cast %add3A_1037 : i32 to index
          %get3A_1055 = arith.constant 32 : index
          %get3A_1056 = tpu.vector_load %arg14[%get3A_1054, %get3A_1055] {strides = array<i32>} : memref<128x128xf32, #tpu.memory_space<vmem>>, vector<16xf32>,
          %mul3A_1057 = vector.broadcast %squeeze3A_1033 : f32 to vector<16xf32>
          %mul3A_1058 = arith.mulf %get3A_1056, %mul3A_1057 : vector<16xf32>
          %swap3A_1059 = arith.index_cast %add3A_1037 : i32 to index
          %swap3A_1060 = arith.constant 32 : index
          %swap3A_1061 = tpu.vector_load %arg15[%swap3A_1059, %swap3A_1060] {strides = array<i32>} : memref<128x144xf32, #tpu.memory_space<vmem>>, vector<16xf32>,
          tpu.vector_store %arg15[%swap3A_1059, %swap3A_1060], %mul3A_1058 {strides = array<i32>} : memref<128x144xf32, #tpu.memory_space<vmem>>, vector<16xf32>,
          %get3A_1062 = arith.index_cast %add3A_1037 : i32 to index
          %get3A_1063 = arith.constant 48 : index
          %get3A_1064 = tpu.vector_load %arg14[%get3A_1062, %get3A_1063] {strides = array<i32>} : memref<128x128xf32, #tpu.memory_space<vmem>>, vector<16xf32>,
          %mul3A_1065 = vector.broadcast %squeeze3A_1033 : f32 to vector<16xf32>
          %mul3A_1066 = arith.mulf %get3A_1064, %mul3A_1065 : vector<16xf32>
          %swap3A_1067 = arith.index_cast %add3A_1037 : i32 to index
          %swap3A_1068 = arith.constant 48 : index
          %swap3A_1069 = tpu.vector_load %arg15[%swap3A_1067, %swap3A_1068] {strides = array<i32>} : memref<128x144xf32, #tpu.memory_space<vmem>>, vector<16xf32>,
          tpu.vector_store %arg15[%swap3A_1067, %swap3A_1068], %mul3A_1066 {strides = array<i32>} : memref<128x144xf32, #tpu.memory_space<vmem>>, vector<16xf32>,
          %get3A_1070 = arith.index_cast %add3A_1037 : i32 to index
          %get3A_1071 = arith.constant 64 : index
          %get3A_1072 = tpu.vector_load %arg14[%get3A_1070, %get3A_1071] {strides = array<i32>} : memref<128x128xf32, #tpu.memory_space<vmem>>, vector<16xf32>,
          %mul3A_1073 = vector.broadcast %squeeze3A_1033 : f32 to vector<16xf32>
          %mul3A_1074 = arith.mulf %get3A_1072, %mul3A_1073 : vector<16xf32>
          %swap3A_1075 = arith.index_cast %add3A_1037 : i32 to index
          %swap3A_1076 = arith.constant 64 : index
          %swap3A_1077 = tpu.vector_load %arg15[%swap3A_1075, %swap3A_1076] {strides = array<i32>} : memref<128x144xf32, #tpu.memory_space<vmem>>, vector<16xf32>,
          tpu.vector_store %arg15[%swap3A_1075, %swap3A_1076], %mul3A_1074 {strides = array<i32>} : memref<128x144xf32, #tpu.memory_space<vmem>>, vector<16xf32>,
          %get3A_1078 = arith.index_cast %add3A_1037 : i32 to index
          %get3A_1079 = arith.constant 80 : index
          %get3A_1080 = tpu.vector_load %arg14[%get3A_1078, %get3A_1079] {strides = array<i32>} : memref<128x128xf32, #tpu.memory_space<vmem>>, vector<16xf32>,
          %mul3A_1081 = vector.broadcast %squeeze3A_1033 : f32 to vector<16xf32>
          %mul3A_1082 = arith.mulf %get3A_1080, %mul3A_1081 : vector<16xf32>
          %swap3A_1083 = arith.index_cast %add3A_1037 : i32 to index
          %swap3A_1084 = arith.constant 80 : index
          %swap3A_1085 = tpu.vector_load %arg15[%swap3A_1083, %swap3A_1084] {strides = array<i32>} : memref<128x144xf32, #tpu.memory_space<vmem>>, vector<16xf32>,
          tpu.vector_store %arg15[%swap3A_1083, %swap3A_1084], %mul3A_1082 {strides = array<i32>} : memref<128x144xf32, #tpu.memory_space<vmem>>, vector<16xf32>,
          %get3A_1086 = arith.index_cast %add3A_1037 : i32 to index
          %get3A_1087 = arith.constant 96 : index
          %get3A_1088 = tpu.vector_load %arg14[%get3A_1086, %get3A_1087] {strides = array<i32>} : memref<128x128xf32, #tpu.memory_space<vmem>>, vector<16xf32>,
          %mul3A_1089 = vector.broadcast %squeeze3A_1033 : f32 to vector<16xf32>
          %mul3A_1090 = arith.mulf %get3A_1088, %mul3A_1089 : vector<16xf32>
          %swap3A_1091 = arith.index_cast %add3A_1037 : i32 to index
          %swap3A_1092 = arith.constant 96 : index
          %swap3A_1093 = tpu.vector_load %arg15[%swap3A_1091, %swap3A_1092] {strides = array<i32>} : memref<128x144xf32, #tpu.memory_space<vmem>>, vector<16xf32>,
          tpu.vector_store %arg15[%swap3A_1091, %swap3A_1092], %mul3A_1090 {strides = array<i32>} : memref<128x144xf32, #tpu.memory_space<vmem>>, vector<16xf32>,
          %get3A_1094 = arith.index_cast %add3A_1037 : i32 to index
          %get3A_1095 = arith.constant 112 : index
          %get3A_1096 = tpu.vector_load %arg14[%get3A_1094, %get3A_1095] {strides = array<i32>} : memref<128x128xf32, #tpu.memory_space<vmem>>, vector<16xf32>,
          %mul3A_1097 = vector.broadcast %squeeze3A_1033 : f32 to vector<16xf32>
          %mul3A_1098 = arith.mulf %get3A_1096, %mul3A_1097 : vector<16xf32>
          %swap3A_1099 = arith.index_cast %add3A_1037 : i32 to index
          %swap3A_1100 = arith.constant 112 : index
          %swap3A_1101 = tpu.vector_load %arg15[%swap3A_1099, %swap3A_1100] {strides = array<i32>} : memref<128x144xf32, #tpu.memory_space<vmem>>, vector<16xf32>,
          tpu.vector_store %arg15[%swap3A_1099, %swap3A_1100], %mul3A_1098 {strides = array<i32>} : memref<128x144xf32, #tpu.memory_space<vmem>>, vector<16xf32>,
          %mul3A_1102 = vector.broadcast %squeeze3A_1033 : f32 to vector<16xf32>
          %mul3A_1103 = arith.mulf %select_n3A, %mul3A_1102 : vector<16xf32>
          %swap3A_1104 = arith.index_cast %add3A_1037 : i32 to index
          %swap3A_1105 = arith.constant 128 : index
          %swap3A_1106 = tpu.vector_load %arg15[%swap3A_1104, %swap3A_1105] {strides = array<i32>} : memref<128x144xf32, #tpu.memory_space<vmem>>, vector<16xf32>,
          tpu.vector_store %arg15[%swap3A_1104, %swap3A_1105], %mul3A_1103 {strides = array<i32>} : memref<128x144xf32, #tpu.memory_space<vmem>>, vector<16xf32>,
          %slice3A_1107 = vector.extract_strided_slice %get3A_134 {offsets = [13], sizes = [1], strides = [1]} : vector<16xf32> to vector<1xf32>
          %squeeze3A_1108 = vector.extract %slice3A_1107[0] : f32 from vector<1xf32>
          %mul3A_1109 = arith.constant 16 : i32
          %mul3A_1110 = arith.muli %scan3A_129, %mul3A_1109 : i32
          %add3A_1111 = arith.constant 13 : i32
          %add3A_1112 = arith.addi %mul3A_1110, %add3A_1111 : i32
          %get3A_1113 = arith.index_cast %add3A_1112 : i32 to index
          %get3A_1114 = arith.constant 0 : index
          %get3A_1115 = tpu.vector_load %arg14[%get3A_1113, %get3A_1114] {strides = array<i32>} : memref<128x128xf32, #tpu.memory_space<vmem>>, vector<16xf32>,
          %mul3A_1116 = vector.broadcast %squeeze3A_1108 : f32 to vector<16xf32>
          %mul3A_1117 = arith.mulf %get3A_1115, %mul3A_1116 : vector<16xf32>
          %swap3A_1118 = arith.index_cast %add3A_1112 : i32 to index
          %swap3A_1119 = arith.constant 0 : index
          %swap3A_1120 = tpu.vector_load %arg15[%swap3A_1118, %swap3A_1119] {strides = array<i32>} : memref<128x144xf32, #tpu.memory_space<vmem>>, vector<16xf32>,
          tpu.vector_store %arg15[%swap3A_1118, %swap3A_1119], %mul3A_1117 {strides = array<i32>} : memref<128x144xf32, #tpu.memory_space<vmem>>, vector<16xf32>,
          %get3A_1121 = arith.index_cast %add3A_1112 : i32 to index
          %get3A_1122 = arith.constant 16 : index
          %get3A_1123 = tpu.vector_load %arg14[%get3A_1121, %get3A_1122] {strides = array<i32>} : memref<128x128xf32, #tpu.memory_space<vmem>>, vector<16xf32>,
          %mul3A_1124 = vector.broadcast %squeeze3A_1108 : f32 to vector<16xf32>
          %mul3A_1125 = arith.mulf %get3A_1123, %mul3A_1124 : vector<16xf32>
          %swap3A_1126 = arith.index_cast %add3A_1112 : i32 to index
          %swap3A_1127 = arith.constant 16 : index
          %swap3A_1128 = tpu.vector_load %arg15[%swap3A_1126, %swap3A_1127] {strides = array<i32>} : memref<128x144xf32, #tpu.memory_space<vmem>>, vector<16xf32>,
          tpu.vector_store %arg15[%swap3A_1126, %swap3A_1127], %mul3A_1125 {strides = array<i32>} : memref<128x144xf32, #tpu.memory_space<vmem>>, vector<16xf32>,
          %get3A_1129 = arith.index_cast %add3A_1112 : i32 to index
          %get3A_1130 = arith.constant 32 : index
          %get3A_1131 = tpu.vector_load %arg14[%get3A_1129, %get3A_1130] {strides = array<i32>} : memref<128x128xf32, #tpu.memory_space<vmem>>, vector<16xf32>,
          %mul3A_1132 = vector.broadcast %squeeze3A_1108 : f32 to vector<16xf32>
          %mul3A_1133 = arith.mulf %get3A_1131, %mul3A_1132 : vector<16xf32>
          %swap3A_1134 = arith.index_cast %add3A_1112 : i32 to index
          %swap3A_1135 = arith.constant 32 : index
          %swap3A_1136 = tpu.vector_load %arg15[%swap3A_1134, %swap3A_1135] {strides = array<i32>} : memref<128x144xf32, #tpu.memory_space<vmem>>, vector<16xf32>,
          tpu.vector_store %arg15[%swap3A_1134, %swap3A_1135], %mul3A_1133 {strides = array<i32>} : memref<128x144xf32, #tpu.memory_space<vmem>>, vector<16xf32>,
          %get3A_1137 = arith.index_cast %add3A_1112 : i32 to index
          %get3A_1138 = arith.constant 48 : index
          %get3A_1139 = tpu.vector_load %arg14[%get3A_1137, %get3A_1138] {strides = array<i32>} : memref<128x128xf32, #tpu.memory_space<vmem>>, vector<16xf32>,
          %mul3A_1140 = vector.broadcast %squeeze3A_1108 : f32 to vector<16xf32>
          %mul3A_1141 = arith.mulf %get3A_1139, %mul3A_1140 : vector<16xf32>
          %swap3A_1142 = arith.index_cast %add3A_1112 : i32 to index
          %swap3A_1143 = arith.constant 48 : index
          %swap3A_1144 = tpu.vector_load %arg15[%swap3A_1142, %swap3A_1143] {strides = array<i32>} : memref<128x144xf32, #tpu.memory_space<vmem>>, vector<16xf32>,
          tpu.vector_store %arg15[%swap3A_1142, %swap3A_1143], %mul3A_1141 {strides = array<i32>} : memref<128x144xf32, #tpu.memory_space<vmem>>, vector<16xf32>,
          %get3A_1145 = arith.index_cast %add3A_1112 : i32 to index
          %get3A_1146 = arith.constant 64 : index
          %get3A_1147 = tpu.vector_load %arg14[%get3A_1145, %get3A_1146] {strides = array<i32>} : memref<128x128xf32, #tpu.memory_space<vmem>>, vector<16xf32>,
          %mul3A_1148 = vector.broadcast %squeeze3A_1108 : f32 to vector<16xf32>
          %mul3A_1149 = arith.mulf %get3A_1147, %mul3A_1148 : vector<16xf32>
          %swap3A_1150 = arith.index_cast %add3A_1112 : i32 to index
          %swap3A_1151 = arith.constant 64 : index
          %swap3A_1152 = tpu.vector_load %arg15[%swap3A_1150, %swap3A_1151] {strides = array<i32>} : memref<128x144xf32, #tpu.memory_space<vmem>>, vector<16xf32>,
          tpu.vector_store %arg15[%swap3A_1150, %swap3A_1151], %mul3A_1149 {strides = array<i32>} : memref<128x144xf32, #tpu.memory_space<vmem>>, vector<16xf32>,
          %get3A_1153 = arith.index_cast %add3A_1112 : i32 to index
          %get3A_1154 = arith.constant 80 : index
          %get3A_1155 = tpu.vector_load %arg14[%get3A_1153, %get3A_1154] {strides = array<i32>} : memref<128x128xf32, #tpu.memory_space<vmem>>, vector<16xf32>,
          %mul3A_1156 = vector.broadcast %squeeze3A_1108 : f32 to vector<16xf32>
          %mul3A_1157 = arith.mulf %get3A_1155, %mul3A_1156 : vector<16xf32>
          %swap3A_1158 = arith.index_cast %add3A_1112 : i32 to index
          %swap3A_1159 = arith.constant 80 : index
          %swap3A_1160 = tpu.vector_load %arg15[%swap3A_1158, %swap3A_1159] {strides = array<i32>} : memref<128x144xf32, #tpu.memory_space<vmem>>, vector<16xf32>,
          tpu.vector_store %arg15[%swap3A_1158, %swap3A_1159], %mul3A_1157 {strides = array<i32>} : memref<128x144xf32, #tpu.memory_space<vmem>>, vector<16xf32>,
          %get3A_1161 = arith.index_cast %add3A_1112 : i32 to index
          %get3A_1162 = arith.constant 96 : index
          %get3A_1163 = tpu.vector_load %arg14[%get3A_1161, %get3A_1162] {strides = array<i32>} : memref<128x128xf32, #tpu.memory_space<vmem>>, vector<16xf32>,
          %mul3A_1164 = vector.broadcast %squeeze3A_1108 : f32 to vector<16xf32>
          %mul3A_1165 = arith.mulf %get3A_1163, %mul3A_1164 : vector<16xf32>
          %swap3A_1166 = arith.index_cast %add3A_1112 : i32 to index
          %swap3A_1167 = arith.constant 96 : index
          %swap3A_1168 = tpu.vector_load %arg15[%swap3A_1166, %swap3A_1167] {strides = array<i32>} : memref<128x144xf32, #tpu.memory_space<vmem>>, vector<16xf32>,
          tpu.vector_store %arg15[%swap3A_1166, %swap3A_1167], %mul3A_1165 {strides = array<i32>} : memref<128x144xf32, #tpu.memory_space<vmem>>, vector<16xf32>,
          %get3A_1169 = arith.index_cast %add3A_1112 : i32 to index
          %get3A_1170 = arith.constant 112 : index
          %get3A_1171 = tpu.vector_load %arg14[%get3A_1169, %get3A_1170] {strides = array<i32>} : memref<128x128xf32, #tpu.memory_space<vmem>>, vector<16xf32>,
          %mul3A_1172 = vector.broadcast %squeeze3A_1108 : f32 to vector<16xf32>
          %mul3A_1173 = arith.mulf %get3A_1171, %mul3A_1172 : vector<16xf32>
          %swap3A_1174 = arith.index_cast %add3A_1112 : i32 to index
          %swap3A_1175 = arith.constant 112 : index
          %swap3A_1176 = tpu.vector_load %arg15[%swap3A_1174, %swap3A_1175] {strides = array<i32>} : memref<128x144xf32, #tpu.memory_space<vmem>>, vector<16xf32>,
          tpu.vector_store %arg15[%swap3A_1174, %swap3A_1175], %mul3A_1173 {strides = array<i32>} : memref<128x144xf32, #tpu.memory_space<vmem>>, vector<16xf32>,
          %mul3A_1177 = vector.broadcast %squeeze3A_1108 : f32 to vector<16xf32>
          %mul3A_1178 = arith.mulf %select_n3A, %mul3A_1177 : vector<16xf32>
          %swap3A_1179 = arith.index_cast %add3A_1112 : i32 to index
          %swap3A_1180 = arith.constant 128 : index
          %swap3A_1181 = tpu.vector_load %arg15[%swap3A_1179, %swap3A_1180] {strides = array<i32>} : memref<128x144xf32, #tpu.memory_space<vmem>>, vector<16xf32>,
          tpu.vector_store %arg15[%swap3A_1179, %swap3A_1180], %mul3A_1178 {strides = array<i32>} : memref<128x144xf32, #tpu.memory_space<vmem>>, vector<16xf32>,
          %slice3A_1182 = vector.extract_strided_slice %get3A_134 {offsets = [14], sizes = [1], strides = [1]} : vector<16xf32> to vector<1xf32>
          %squeeze3A_1183 = vector.extract %slice3A_1182[0] : f32 from vector<1xf32>
          %mul3A_1184 = arith.constant 16 : i32
          %mul3A_1185 = arith.muli %scan3A_129, %mul3A_1184 : i32
          %add3A_1186 = arith.constant 14 : i32
          %add3A_1187 = arith.addi %mul3A_1185, %add3A_1186 : i32
          %get3A_1188 = arith.index_cast %add3A_1187 : i32 to index
          %get3A_1189 = arith.constant 0 : index
          %get3A_1190 = tpu.vector_load %arg14[%get3A_1188, %get3A_1189] {strides = array<i32>} : memref<128x128xf32, #tpu.memory_space<vmem>>, vector<16xf32>,
          %mul3A_1191 = vector.broadcast %squeeze3A_1183 : f32 to vector<16xf32>
          %mul3A_1192 = arith.mulf %get3A_1190, %mul3A_1191 : vector<16xf32>
          %swap3A_1193 = arith.index_cast %add3A_1187 : i32 to index
          %swap3A_1194 = arith.constant 0 : index
          %swap3A_1195 = tpu.vector_load %arg15[%swap3A_1193, %swap3A_1194] {strides = array<i32>} : memref<128x144xf32, #tpu.memory_space<vmem>>, vector<16xf32>,
          tpu.vector_store %arg15[%swap3A_1193, %swap3A_1194], %mul3A_1192 {strides = array<i32>} : memref<128x144xf32, #tpu.memory_space<vmem>>, vector<16xf32>,
          %get3A_1196 = arith.index_cast %add3A_1187 : i32 to index
          %get3A_1197 = arith.constant 16 : index
          %get3A_1198 = tpu.vector_load %arg14[%get3A_1196, %get3A_1197] {strides = array<i32>} : memref<128x128xf32, #tpu.memory_space<vmem>>, vector<16xf32>,
          %mul3A_1199 = vector.broadcast %squeeze3A_1183 : f32 to vector<16xf32>
          %mul3A_1200 = arith.mulf %get3A_1198, %mul3A_1199 : vector<16xf32>
          %swap3A_1201 = arith.index_cast %add3A_1187 : i32 to index
          %swap3A_1202 = arith.constant 16 : index
          %swap3A_1203 = tpu.vector_load %arg15[%swap3A_1201, %swap3A_1202] {strides = array<i32>} : memref<128x144xf32, #tpu.memory_space<vmem>>, vector<16xf32>,
          tpu.vector_store %arg15[%swap3A_1201, %swap3A_1202], %mul3A_1200 {strides = array<i32>} : memref<128x144xf32, #tpu.memory_space<vmem>>, vector<16xf32>,
          %get3A_1204 = arith.index_cast %add3A_1187 : i32 to index
          %get3A_1205 = arith.constant 32 : index
          %get3A_1206 = tpu.vector_load %arg14[%get3A_1204, %get3A_1205] {strides = array<i32>} : memref<128x128xf32, #tpu.memory_space<vmem>>, vector<16xf32>,
          %mul3A_1207 = vector.broadcast %squeeze3A_1183 : f32 to vector<16xf32>
          %mul3A_1208 = arith.mulf %get3A_1206, %mul3A_1207 : vector<16xf32>
          %swap3A_1209 = arith.index_cast %add3A_1187 : i32 to index
          %swap3A_1210 = arith.constant 32 : index
          %swap3A_1211 = tpu.vector_load %arg15[%swap3A_1209, %swap3A_1210] {strides = array<i32>} : memref<128x144xf32, #tpu.memory_space<vmem>>, vector<16xf32>,
          tpu.vector_store %arg15[%swap3A_1209, %swap3A_1210], %mul3A_1208 {strides = array<i32>} : memref<128x144xf32, #tpu.memory_space<vmem>>, vector<16xf32>,
          %get3A_1212 = arith.index_cast %add3A_1187 : i32 to index
          %get3A_1213 = arith.constant 48 : index
          %get3A_1214 = tpu.vector_load %arg14[%get3A_1212, %get3A_1213] {strides = array<i32>} : memref<128x128xf32, #tpu.memory_space<vmem>>, vector<16xf32>,
          %mul3A_1215 = vector.broadcast %squeeze3A_1183 : f32 to vector<16xf32>
          %mul3A_1216 = arith.mulf %get3A_1214, %mul3A_1215 : vector<16xf32>
          %swap3A_1217 = arith.index_cast %add3A_1187 : i32 to index
          %swap3A_1218 = arith.constant 48 : index
          %swap3A_1219 = tpu.vector_load %arg15[%swap3A_1217, %swap3A_1218] {strides = array<i32>} : memref<128x144xf32, #tpu.memory_space<vmem>>, vector<16xf32>,
          tpu.vector_store %arg15[%swap3A_1217, %swap3A_1218], %mul3A_1216 {strides = array<i32>} : memref<128x144xf32, #tpu.memory_space<vmem>>, vector<16xf32>,
          %get3A_1220 = arith.index_cast %add3A_1187 : i32 to index
          %get3A_1221 = arith.constant 64 : index
          %get3A_1222 = tpu.vector_load %arg14[%get3A_1220, %get3A_1221] {strides = array<i32>} : memref<128x128xf32, #tpu.memory_space<vmem>>, vector<16xf32>,
          %mul3A_1223 = vector.broadcast %squeeze3A_1183 : f32 to vector<16xf32>
          %mul3A_1224 = arith.mulf %get3A_1222, %mul3A_1223 : vector<16xf32>
          %swap3A_1225 = arith.index_cast %add3A_1187 : i32 to index
          %swap3A_1226 = arith.constant 64 : index
          %swap3A_1227 = tpu.vector_load %arg15[%swap3A_1225, %swap3A_1226] {strides = array<i32>} : memref<128x144xf32, #tpu.memory_space<vmem>>, vector<16xf32>,
          tpu.vector_store %arg15[%swap3A_1225, %swap3A_1226], %mul3A_1224 {strides = array<i32>} : memref<128x144xf32, #tpu.memory_space<vmem>>, vector<16xf32>,
          %get3A_1228 = arith.index_cast %add3A_1187 : i32 to index
          %get3A_1229 = arith.constant 80 : index
          %get3A_1230 = tpu.vector_load %arg14[%get3A_1228, %get3A_1229] {strides = array<i32>} : memref<128x128xf32, #tpu.memory_space<vmem>>, vector<16xf32>,
          %mul3A_1231 = vector.broadcast %squeeze3A_1183 : f32 to vector<16xf32>
          %mul3A_1232 = arith.mulf %get3A_1230, %mul3A_1231 : vector<16xf32>
          %swap3A_1233 = arith.index_cast %add3A_1187 : i32 to index
          %swap3A_1234 = arith.constant 80 : index
          %swap3A_1235 = tpu.vector_load %arg15[%swap3A_1233, %swap3A_1234] {strides = array<i32>} : memref<128x144xf32, #tpu.memory_space<vmem>>, vector<16xf32>,
          tpu.vector_store %arg15[%swap3A_1233, %swap3A_1234], %mul3A_1232 {strides = array<i32>} : memref<128x144xf32, #tpu.memory_space<vmem>>, vector<16xf32>,
          %get3A_1236 = arith.index_cast %add3A_1187 : i32 to index
          %get3A_1237 = arith.constant 96 : index
          %get3A_1238 = tpu.vector_load %arg14[%get3A_1236, %get3A_1237] {strides = array<i32>} : memref<128x128xf32, #tpu.memory_space<vmem>>, vector<16xf32>,
          %mul3A_1239 = vector.broadcast %squeeze3A_1183 : f32 to vector<16xf32>
          %mul3A_1240 = arith.mulf %get3A_1238, %mul3A_1239 : vector<16xf32>
          %swap3A_1241 = arith.index_cast %add3A_1187 : i32 to index
          %swap3A_1242 = arith.constant 96 : index
          %swap3A_1243 = tpu.vector_load %arg15[%swap3A_1241, %swap3A_1242] {strides = array<i32>} : memref<128x144xf32, #tpu.memory_space<vmem>>, vector<16xf32>,
          tpu.vector_store %arg15[%swap3A_1241, %swap3A_1242], %mul3A_1240 {strides = array<i32>} : memref<128x144xf32, #tpu.memory_space<vmem>>, vector<16xf32>,
          %get3A_1244 = arith.index_cast %add3A_1187 : i32 to index
          %get3A_1245 = arith.constant 112 : index
          %get3A_1246 = tpu.vector_load %arg14[%get3A_1244, %get3A_1245] {strides = array<i32>} : memref<128x128xf32, #tpu.memory_space<vmem>>, vector<16xf32>,
          %mul3A_1247 = vector.broadcast %squeeze3A_1183 : f32 to vector<16xf32>
          %mul3A_1248 = arith.mulf %get3A_1246, %mul3A_1247 : vector<16xf32>
          %swap3A_1249 = arith.index_cast %add3A_1187 : i32 to index
          %swap3A_1250 = arith.constant 112 : index
          %swap3A_1251 = tpu.vector_load %arg15[%swap3A_1249, %swap3A_1250] {strides = array<i32>} : memref<128x144xf32, #tpu.memory_space<vmem>>, vector<16xf32>,
          tpu.vector_store %arg15[%swap3A_1249, %swap3A_1250], %mul3A_1248 {strides = array<i32>} : memref<128x144xf32, #tpu.memory_space<vmem>>, vector<16xf32>,
          %mul3A_1252 = vector.broadcast %squeeze3A_1183 : f32 to vector<16xf32>
          %mul3A_1253 = arith.mulf %select_n3A, %mul3A_1252 : vector<16xf32>
          %swap3A_1254 = arith.index_cast %add3A_1187 : i32 to index
          %swap3A_1255 = arith.constant 128 : index
          %swap3A_1256 = tpu.vector_load %arg15[%swap3A_1254, %swap3A_1255] {strides = array<i32>} : memref<128x144xf32, #tpu.memory_space<vmem>>, vector<16xf32>,
          tpu.vector_store %arg15[%swap3A_1254, %swap3A_1255], %mul3A_1253 {strides = array<i32>} : memref<128x144xf32, #tpu.memory_space<vmem>>, vector<16xf32>,
          %slice3A_1257 = vector.extract_strided_slice %get3A_134 {offsets = [15], sizes = [1], strides = [1]} : vector<16xf32> to vector<1xf32>
          %squeeze3A_1258 = vector.extract %slice3A_1257[0] : f32 from vector<1xf32>
          %mul3A_1259 = arith.constant 16 : i32
          %mul3A_1260 = arith.muli %scan3A_129, %mul3A_1259 : i32
          %add3A_1261 = arith.constant 15 : i32
          %add3A_1262 = arith.addi %mul3A_1260, %add3A_1261 : i32
          %get3A_1263 = arith.index_cast %add3A_1262 : i32 to index
          %get3A_1264 = arith.constant 0 : index
          %get3A_1265 = tpu.vector_load %arg14[%get3A_1263, %get3A_1264] {strides = array<i32>} : memref<128x128xf32, #tpu.memory_space<vmem>>, vector<16xf32>,
          %mul3A_1266 = vector.broadcast %squeeze3A_1258 : f32 to vector<16xf32>
          %mul3A_1267 = arith.mulf %get3A_1265, %mul3A_1266 : vector<16xf32>
          %swap3A_1268 = arith.index_cast %add3A_1262 : i32 to index
          %swap3A_1269 = arith.constant 0 : index
          %swap3A_1270 = tpu.vector_load %arg15[%swap3A_1268, %swap3A_1269] {strides = array<i32>} : memref<128x144xf32, #tpu.memory_space<vmem>>, vector<16xf32>,
          tpu.vector_store %arg15[%swap3A_1268, %swap3A_1269], %mul3A_1267 {strides = array<i32>} : memref<128x144xf32, #tpu.memory_space<vmem>>, vector<16xf32>,
          %get3A_1271 = arith.index_cast %add3A_1262 : i32 to index
          %get3A_1272 = arith.constant 16 : index
          %get3A_1273 = tpu.vector_load %arg14[%get3A_1271, %get3A_1272] {strides = array<i32>} : memref<128x128xf32, #tpu.memory_space<vmem>>, vector<16xf32>,
          %mul3A_1274 = vector.broadcast %squeeze3A_1258 : f32 to vector<16xf32>
          %mul3A_1275 = arith.mulf %get3A_1273, %mul3A_1274 : vector<16xf32>
          %swap3A_1276 = arith.index_cast %add3A_1262 : i32 to index
          %swap3A_1277 = arith.constant 16 : index
          %swap3A_1278 = tpu.vector_load %arg15[%swap3A_1276, %swap3A_1277] {strides = array<i32>} : memref<128x144xf32, #tpu.memory_space<vmem>>, vector<16xf32>,
          tpu.vector_store %arg15[%swap3A_1276, %swap3A_1277], %mul3A_1275 {strides = array<i32>} : memref<128x144xf32, #tpu.memory_space<vmem>>, vector<16xf32>,
          %get3A_1279 = arith.index_cast %add3A_1262 : i32 to index
          %get3A_1280 = arith.constant 32 : index
          %get3A_1281 = tpu.vector_load %arg14[%get3A_1279, %get3A_1280] {strides = array<i32>} : memref<128x128xf32, #tpu.memory_space<vmem>>, vector<16xf32>,
          %mul3A_1282 = vector.broadcast %squeeze3A_1258 : f32 to vector<16xf32>
          %mul3A_1283 = arith.mulf %get3A_1281, %mul3A_1282 : vector<16xf32>
          %swap3A_1284 = arith.index_cast %add3A_1262 : i32 to index
          %swap3A_1285 = arith.constant 32 : index
          %swap3A_1286 = tpu.vector_load %arg15[%swap3A_1284, %swap3A_1285] {strides = array<i32>} : memref<128x144xf32, #tpu.memory_space<vmem>>, vector<16xf32>,
          tpu.vector_store %arg15[%swap3A_1284, %swap3A_1285], %mul3A_1283 {strides = array<i32>} : memref<128x144xf32, #tpu.memory_space<vmem>>, vector<16xf32>,
          %get3A_1287 = arith.index_cast %add3A_1262 : i32 to index
          %get3A_1288 = arith.constant 48 : index
          %get3A_1289 = tpu.vector_load %arg14[%get3A_1287, %get3A_1288] {strides = array<i32>} : memref<128x128xf32, #tpu.memory_space<vmem>>, vector<16xf32>,
          %mul3A_1290 = vector.broadcast %squeeze3A_1258 : f32 to vector<16xf32>
          %mul3A_1291 = arith.mulf %get3A_1289, %mul3A_1290 : vector<16xf32>
          %swap3A_1292 = arith.index_cast %add3A_1262 : i32 to index
          %swap3A_1293 = arith.constant 48 : index
          %swap3A_1294 = tpu.vector_load %arg15[%swap3A_1292, %swap3A_1293] {strides = array<i32>} : memref<128x144xf32, #tpu.memory_space<vmem>>, vector<16xf32>,
          tpu.vector_store %arg15[%swap3A_1292, %swap3A_1293], %mul3A_1291 {strides = array<i32>} : memref<128x144xf32, #tpu.memory_space<vmem>>, vector<16xf32>,
          %get3A_1295 = arith.index_cast %add3A_1262 : i32 to index
          %get3A_1296 = arith.constant 64 : index
          %get3A_1297 = tpu.vector_load %arg14[%get3A_1295, %get3A_1296] {strides = array<i32>} : memref<128x128xf32, #tpu.memory_space<vmem>>, vector<16xf32>,
          %mul3A_1298 = vector.broadcast %squeeze3A_1258 : f32 to vector<16xf32>
          %mul3A_1299 = arith.mulf %get3A_1297, %mul3A_1298 : vector<16xf32>
          %swap3A_1300 = arith.index_cast %add3A_1262 : i32 to index
          %swap3A_1301 = arith.constant 64 : index
          %swap3A_1302 = tpu.vector_load %arg15[%swap3A_1300, %swap3A_1301] {strides = array<i32>} : memref<128x144xf32, #tpu.memory_space<vmem>>, vector<16xf32>,
          tpu.vector_store %arg15[%swap3A_1300, %swap3A_1301], %mul3A_1299 {strides = array<i32>} : memref<128x144xf32, #tpu.memory_space<vmem>>, vector<16xf32>,
          %get3A_1303 = arith.index_cast %add3A_1262 : i32 to index
          %get3A_1304 = arith.constant 80 : index
          %get3A_1305 = tpu.vector_load %arg14[%get3A_1303, %get3A_1304] {strides = array<i32>} : memref<128x128xf32, #tpu.memory_space<vmem>>, vector<16xf32>,
          %mul3A_1306 = vector.broadcast %squeeze3A_1258 : f32 to vector<16xf32>
          %mul3A_1307 = arith.mulf %get3A_1305, %mul3A_1306 : vector<16xf32>
          %swap3A_1308 = arith.index_cast %add3A_1262 : i32 to index
          %swap3A_1309 = arith.constant 80 : index
          %swap3A_1310 = tpu.vector_load %arg15[%swap3A_1308, %swap3A_1309] {strides = array<i32>} : memref<128x144xf32, #tpu.memory_space<vmem>>, vector<16xf32>,
          tpu.vector_store %arg15[%swap3A_1308, %swap3A_1309], %mul3A_1307 {strides = array<i32>} : memref<128x144xf32, #tpu.memory_space<vmem>>, vector<16xf32>,
          %get3A_1311 = arith.index_cast %add3A_1262 : i32 to index
          %get3A_1312 = arith.constant 96 : index
          %get3A_1313 = tpu.vector_load %arg14[%get3A_1311, %get3A_1312] {strides = array<i32>} : memref<128x128xf32, #tpu.memory_space<vmem>>, vector<16xf32>,
          %mul3A_1314 = vector.broadcast %squeeze3A_1258 : f32 to vector<16xf32>
          %mul3A_1315 = arith.mulf %get3A_1313, %mul3A_1314 : vector<16xf32>
          %swap3A_1316 = arith.index_cast %add3A_1262 : i32 to index
          %swap3A_1317 = arith.constant 96 : index
          %swap3A_1318 = tpu.vector_load %arg15[%swap3A_1316, %swap3A_1317] {strides = array<i32>} : memref<128x144xf32, #tpu.memory_space<vmem>>, vector<16xf32>,
          tpu.vector_store %arg15[%swap3A_1316, %swap3A_1317], %mul3A_1315 {strides = array<i32>} : memref<128x144xf32, #tpu.memory_space<vmem>>, vector<16xf32>,
          %get3A_1319 = arith.index_cast %add3A_1262 : i32 to index
          %get3A_1320 = arith.constant 112 : index
          %get3A_1321 = tpu.vector_load %arg14[%get3A_1319, %get3A_1320] {strides = array<i32>} : memref<128x128xf32, #tpu.memory_space<vmem>>, vector<16xf32>,
          %mul3A_1322 = vector.broadcast %squeeze3A_1258 : f32 to vector<16xf32>
          %mul3A_1323 = arith.mulf %get3A_1321, %mul3A_1322 : vector<16xf32>
          %swap3A_1324 = arith.index_cast %add3A_1262 : i32 to index
          %swap3A_1325 = arith.constant 112 : index
          %swap3A_1326 = tpu.vector_load %arg15[%swap3A_1324, %swap3A_1325] {strides = array<i32>} : memref<128x144xf32, #tpu.memory_space<vmem>>, vector<16xf32>,
          tpu.vector_store %arg15[%swap3A_1324, %swap3A_1325], %mul3A_1323 {strides = array<i32>} : memref<128x144xf32, #tpu.memory_space<vmem>>, vector<16xf32>,
          %mul3A_1327 = vector.broadcast %squeeze3A_1258 : f32 to vector<16xf32>
          %mul3A_1328 = arith.mulf %select_n3A, %mul3A_1327 : vector<16xf32>
          %swap3A_1329 = arith.index_cast %add3A_1262 : i32 to index
          %swap3A_1330 = arith.constant 128 : index
          %swap3A_1331 = tpu.vector_load %arg15[%swap3A_1329, %swap3A_1330] {strides = array<i32>} : memref<128x144xf32, #tpu.memory_space<vmem>>, vector<16xf32>,
          tpu.vector_store %arg15[%swap3A_1329, %swap3A_1330], %mul3A_1328 {strides = array<i32>} : memref<128x144xf32, #tpu.memory_space<vmem>>, vector<16xf32>,
          %scan3A_1332 = arith.constant 0 : i32
          scf.yield %scan3A_1332 : i32
        }
        %scan3A_128 = arith.constant 8 : i32
        "tpu.region"() ({
          %run_scoped3A = tpu.sem_alloc : memref<!tpu.dma_semaphore, #tpu.memory_space<semaphore_mem>>
          %dma_start3A_129 = arith.constant 0 : i32
          %dma_start3A_130 = arith.constant 0 : i32
          %dma_start3A_131 = tpu.memref_slice %arg19[%dma_start3A_129, %dma_start3A_130] : memref<5120x144xf32, #tpu.memory_space<vmem_shared>> -> memref<5120x144xf32, #tpu.memory_space<vmem_shared>>
          tpu.enqueue_indirect_dma source(%arg15 : memref<128x144xf32, #tpu.memory_space<vmem>>) target(%dma_start3A_131 : memref<5120x144xf32, #tpu.memory_space<vmem_shared>>) offsets(%arg13 : memref<128xi32, #tpu.memory_space<vmem>>) semaphore(%run_scoped3A : memref<!tpu.dma_semaphore, #tpu.memory_space<semaphore_mem>>) {add = true}
          %dma_wait3A_132 = arith.constant 0 : i32
          %dma_wait3A_133 = arith.constant 0 : i32
          %dma_wait3A_134 = tpu.memref_slice %arg19[%dma_wait3A_132, %dma_wait3A_133] : memref<5120x144xf32, #tpu.memory_space<vmem_shared>> -> memref<5120x144xf32, #tpu.memory_space<vmem_shared>>
          tpu.wait_indirect_dma semaphore(%run_scoped3A : memref<!tpu.dma_semaphore, #tpu.memory_space<semaphore_mem>>) src(%arg15 : memref<128x144xf32, #tpu.memory_space<vmem>>) dst(%dma_wait3A_134 : memref<5120x144xf32, #tpu.memory_space<vmem_shared>>)
          tpu.yield
        }) : () -> ()
      } else {
      }
      %scan3A_108 = arith.constant 0 : i32
      scf.yield %scan3A_108 : i32
    }
    %scan3A_81 = arith.constant 157 : i32
    %barrier3A_82 = arith.constant 0 : index
    tpu.barrier barrier_id(%barrier3A_82)
    %mul3A_83 = arith.constant 312 : i32
    %mul3A_84 = arith.muli %arg1, %mul3A_83 : i32
    %multiple_of3A_85 = tpu.assume_multiple %mul3A_84, 8 : i32
    %mul3A_86 = arith.constant 10000 : i32
    %mul3A_87 = arith.muli %arg0, %mul3A_86 : i32
    %add3A_88 = arith.constant 5000 : i32
    %add3A_89 = arith.addi %mul3A_87, %add3A_88 : i32
    %add3A_90 = arith.addi %add3A_89, %multiple_of3A_85 : i32
    %multiple_of3A_91 = tpu.assume_multiple %add3A_90, 8 : i32
    "tpu.region"() ({
      %run_scoped3A = tpu.sem_alloc : memref<!tpu.dma_semaphore, #tpu.memory_space<semaphore_mem>>
      %dma_start3A = arith.constant 0 : i32
      %dma_start3A_98 = tpu.memref_slice %arg7[%multiple_of3A_91, %dma_start3A] : memref<20000x144xf32, #tpu.memory_space<hbm>> -> memref<312x144xf32, #tpu.memory_space<hbm>>
      %dma_start3A_99 = arith.constant 0 : i32
      %dma_start3A_100 = tpu.memref_slice %arg19[%multiple_of3A_85, %dma_start3A_99] : memref<5120x144xf32, #tpu.memory_space<vmem_shared>> -> memref<312x144xf32, #tpu.memory_space<vmem_shared>>
      tpu.enqueue_dma source(%dma_start3A_100 : memref<312x144xf32, #tpu.memory_space<vmem_shared>>) target(%dma_start3A_98 : memref<312x144xf32, #tpu.memory_space<hbm>>) target_semaphore(%run_scoped3A : memref<!tpu.dma_semaphore, #tpu.memory_space<semaphore_mem>>)
      %dma_wait3A = arith.constant 0 : i32
      %dma_wait3A_101 = tpu.memref_slice %arg7[%multiple_of3A_91, %dma_wait3A] : memref<20000x144xf32, #tpu.memory_space<hbm>> -> memref<312x144xf32, #tpu.memory_space<hbm>>
      %dma_wait3A_102 = arith.constant 0 : i32
      %dma_wait3A_103 = tpu.memref_slice %arg19[%multiple_of3A_85, %dma_wait3A_102] : memref<5120x144xf32, #tpu.memory_space<vmem_shared>> -> memref<312x144xf32, #tpu.memory_space<vmem_shared>>
      tpu.wait_dma2 semaphore(%run_scoped3A : memref<!tpu.dma_semaphore, #tpu.memory_space<semaphore_mem>>) src(%dma_wait3A_103 : memref<312x144xf32, #tpu.memory_space<vmem_shared>>) dst(%dma_wait3A_101 : memref<312x144xf32, #tpu.memory_space<hbm>>)
      tpu.yield
    }) : () -> ()
    %eq3A_92 = arith.constant 0 : i32
    %eq3A_93 = arith.cmpi eq, %arg1, %eq3A_92 : i32
    %convert_element_type3A_94 = arith.extui %eq3A_93 : i1 to i32
    %cond3A_95 = arith.constant 0 : i32
    %cond3A_96 = arith.cmpi ne, %convert_element_type3A_94, %cond3A_95 : i32
    scf.if %cond3A_96 {
      %multiple_of3A_98 = arith.constant 4992 : i32
      %multiple_of3A_99 = tpu.assume_multiple %multiple_of3A_98, 8 : i32
      %mul3A_100 = arith.constant 10000 : i32
      %mul3A_101 = arith.muli %arg0, %mul3A_100 : i32
      %add3A_102 = arith.constant 5000 : i32
      %add3A_103 = arith.addi %mul3A_101, %add3A_102 : i32
      %add3A_104 = arith.addi %add3A_103, %multiple_of3A_99 : i32
      %multiple_of3A_105 = tpu.assume_multiple %add3A_104, 8 : i32
      "tpu.region"() ({
        %run_scoped3A = tpu.sem_alloc : memref<!tpu.dma_semaphore, #tpu.memory_space<semaphore_mem>>
        %dma_start3A = arith.constant 0 : i32
        %dma_start3A_106 = tpu.memref_slice %arg7[%multiple_of3A_105, %dma_start3A] : memref<20000x144xf32, #tpu.memory_space<hbm>> -> memref<8x144xf32, #tpu.memory_space<hbm>>
        %dma_start3A_107 = arith.constant 0 : i32
        %dma_start3A_108 = tpu.memref_slice %arg19[%multiple_of3A_99, %dma_start3A_107] : memref<5120x144xf32, #tpu.memory_space<vmem_shared>> -> memref<8x144xf32, #tpu.memory_space<vmem_shared>>
        tpu.enqueue_dma source(%dma_start3A_108 : memref<8x144xf32, #tpu.memory_space<vmem_shared>>) target(%dma_start3A_106 : memref<8x144xf32, #tpu.memory_space<hbm>>) target_semaphore(%run_scoped3A : memref<!tpu.dma_semaphore, #tpu.memory_space<semaphore_mem>>)
        %dma_wait3A = arith.constant 0 : i32
        %dma_wait3A_109 = tpu.memref_slice %arg7[%multiple_of3A_105, %dma_wait3A] : memref<20000x144xf32, #tpu.memory_space<hbm>> -> memref<8x144xf32, #tpu.memory_space<hbm>>
        %dma_wait3A_110 = arith.constant 0 : i32
        %dma_wait3A_111 = tpu.memref_slice %arg19[%multiple_of3A_99, %dma_wait3A_110] : memref<5120x144xf32, #tpu.memory_space<vmem_shared>> -> memref<8x144xf32, #tpu.memory_space<vmem_shared>>
        tpu.wait_dma2 semaphore(%run_scoped3A : memref<!tpu.dma_semaphore, #tpu.memory_space<semaphore_mem>>) src(%dma_wait3A_111 : memref<8x144xf32, #tpu.memory_space<vmem_shared>>) dst(%dma_wait3A_109 : memref<8x144xf32, #tpu.memory_space<hbm>>)
        tpu.yield
      }) : () -> ()
    } else {
    }
    %barrier3A_97 = arith.constant 0 : index
    tpu.barrier barrier_id(%barrier3A_97)
    return
  }
}

module attributes {stable_mosaic.version = 14 : i64} {
  func.func @_tc1_body(%arg0: i32, %arg1: memref<1000x128xf32, #tpu.memory_space<vmem>>, %arg2: memref<256x128xf32, #tpu.memory_space<vmem>>, %arg3: memref<2x128xf32, #tpu.memory_space<vmem>>, %arg4: memref<2x128xf32, #tpu.memory_space<vmem>>, %arg5: memref<2x1000x128xf32, #tpu.memory_space<vmem>>, %arg6: memref<1000x4xf32, #tpu.memory_space<vmem>>, %arg7: memref<1x4xf32, #tpu.memory_space<vmem>>) attributes {dimension_semantics = [#tpu.dimension_semantics<arbitrary>], iteration_bounds = array<i64: 10>, scalar_prefetch = 0 : i64, scratch_operands = 0 : i64, tpu.core_type = #tpu.core_type<tc>, window_params = [{transform_indices = @transform_0, window_bounds = array<i64: 1000, 128>}, {pipeline_mode = #tpu.pipeline_mode<synchronous>, transform_indices = @transform_1, window_bounds = array<i64: 256, 128>}, {pipeline_mode = #tpu.pipeline_mode<synchronous>, transform_indices = @transform_2, window_bounds = array<i64: 2, 128>}, {pipeline_mode = #tpu.pipeline_mode<synchronous>, transform_indices = @transform_3, window_bounds = array<i64: 2, 128>}, {transform_indices = @transform_4, window_bounds = array<i64: 2, 1000, 128>}, {transform_indices = @transform_5, window_bounds = array<i64: 1000, 4>}, {pipeline_mode = #tpu.pipeline_mode<synchronous>, transform_indices = @transform_6, window_bounds = array<i64: 1, 4>}]} {
    %get3A = arith.constant 0 : index
    %get3A_0 = arith.constant 0 : index
    %get3A_1 = vector.load %arg1[%get3A, %get3A_0] : memref<1000x128xf32, #tpu.memory_space<vmem>>, vector<1000x128xf32>
    %get3A_2 = arith.constant 0 : index
    %get3A_3 = arith.constant 0 : index
    %get3A_4 = vector.load %arg2[%get3A_2, %get3A_3] : memref<256x128xf32, #tpu.memory_space<vmem>>, vector<256x128xf32>
    %slice3A = vector.extract_strided_slice %get3A_4 {offsets = [0, 0], sizes = [128, 128], strides = [1, 1]} : vector<256x128xf32> to vector<128x128xf32>
    %dot_general3A = arith.constant dense<0.000000e+00> : vector<1000x128xf32>
    %dot_general3A_5 = tpu.matmul %get3A_1, %slice3A, %dot_general3A {dimension_numbers = #tpu.dot_dimension_numbers<[1], [1], [0], [0], [0, 0, 1, 0], [], []>, transpose_lhs_hint = false} : vector<1000x128xf32>, vector<128x128xf32>, vector<1000x128xf32> -> vector<1000x128xf32>
    %swap3A = arith.constant 0 : index
    %swap3A_6 = arith.constant 0 : index
    %swap3A_7 = arith.constant 0 : index
    %swap3A_8 = vector.load %arg5[%swap3A, %swap3A_6, %swap3A_7] : memref<2x1000x128xf32, #tpu.memory_space<vmem>>, vector<1x1000x128xf32>
    %swap3A_9 = vector.shape_cast %swap3A_8 : vector<1x1000x128xf32> to vector<1000x128xf32>
    %swap3A_10 = vector.shape_cast %dot_general3A_5 : vector<1000x128xf32> to vector<1x1000x128xf32>
    tpu.vector_store %arg5[%swap3A, %swap3A_6, %swap3A_7], %swap3A_10 {strides = array<i32>} : memref<2x1000x128xf32, #tpu.memory_space<vmem>>, vector<1x1000x128xf32>,
    %get3A_11 = arith.constant 0 : index
    %get3A_12 = arith.constant 0 : index
    %get3A_13 = vector.load %arg3[%get3A_11, %get3A_12] : memref<2x128xf32, #tpu.memory_space<vmem>>, vector<2x128xf32>
    %slice3A_14 = vector.extract_strided_slice %get3A_13 {offsets = [0, 0], sizes = [1, 128], strides = [1, 1]} : vector<2x128xf32> to vector<1x128xf32>
    %squeeze3A = vector.shape_cast %slice3A_14 : vector<1x128xf32> to vector<128xf32>
    %broadcast_in_dim3A = vector.shape_cast %squeeze3A : vector<128xf32> to vector<1x128xf32>
    %get3A_15 = arith.constant 0 : index
    %get3A_16 = arith.constant 0 : index
    %get3A_17 = vector.load %arg4[%get3A_15, %get3A_16] : memref<2x128xf32, #tpu.memory_space<vmem>>, vector<2x128xf32>
    %slice3A_18 = vector.extract_strided_slice %get3A_17 {offsets = [0, 0], sizes = [1, 128], strides = [1, 1]} : vector<2x128xf32> to vector<1x128xf32>
    %squeeze3A_19 = vector.shape_cast %slice3A_18 : vector<1x128xf32> to vector<128xf32>
    %broadcast_in_dim3A_20 = vector.shape_cast %squeeze3A_19 : vector<128xf32> to vector<1x128xf32>
    %mul3A = vector.broadcast %broadcast_in_dim3A : vector<1x128xf32> to vector<1000x128xf32>
    %mul3A_21 = arith.mulf %dot_general3A_5, %mul3A : vector<1000x128xf32>
    %reduce_sum3A = arith.constant dense<0.000000e+00> : vector<1000xf32>
    %reduce_sum3A_22 = vector.multi_reduction <add>, %mul3A_21, %reduce_sum3A [1] : vector<1000x128xf32> to vector<1000xf32>
    %broadcast_in_dim3A_23 = vector.shape_cast %reduce_sum3A_22 : vector<1000xf32> to vector<1000x1xf32>
    %mul3A_24 = vector.broadcast %broadcast_in_dim3A_20 : vector<1x128xf32> to vector<1000x128xf32>
    %mul3A_25 = arith.mulf %dot_general3A_5, %mul3A_24 : vector<1000x128xf32>
    %reduce_sum3A_26 = arith.constant dense<0.000000e+00> : vector<1000xf32>
    %reduce_sum3A_27 = vector.multi_reduction <add>, %mul3A_25, %reduce_sum3A_26 [1] : vector<1000x128xf32> to vector<1000xf32>
    %broadcast_in_dim3A_28 = vector.shape_cast %reduce_sum3A_27 : vector<1000xf32> to vector<1000x1xf32>
    %slice3A_29 = vector.extract_strided_slice %get3A_4 {offsets = [128, 0], sizes = [128, 128], strides = [1, 1]} : vector<256x128xf32> to vector<128x128xf32>
    %dot_general3A_30 = arith.constant dense<0.000000e+00> : vector<1000x128xf32>
    %dot_general3A_31 = tpu.matmul %get3A_1, %slice3A_29, %dot_general3A_30 {dimension_numbers = #tpu.dot_dimension_numbers<[1], [1], [0], [0], [0, 0, 1, 0], [], []>, transpose_lhs_hint = false} : vector<1000x128xf32>, vector<128x128xf32>, vector<1000x128xf32> -> vector<1000x128xf32>
    %swap3A_32 = arith.constant 1 : index
    %swap3A_33 = arith.constant 0 : index
    %swap3A_34 = arith.constant 0 : index
    %swap3A_35 = vector.load %arg5[%swap3A_32, %swap3A_33, %swap3A_34] : memref<2x1000x128xf32, #tpu.memory_space<vmem>>, vector<1x1000x128xf32>
    %swap3A_36 = vector.shape_cast %swap3A_35 : vector<1x1000x128xf32> to vector<1000x128xf32>
    %swap3A_37 = vector.shape_cast %dot_general3A_31 : vector<1000x128xf32> to vector<1x1000x128xf32>
    tpu.vector_store %arg5[%swap3A_32, %swap3A_33, %swap3A_34], %swap3A_37 {strides = array<i32>} : memref<2x1000x128xf32, #tpu.memory_space<vmem>>, vector<1x1000x128xf32>,
    %get3A_38 = arith.constant 0 : index
    %get3A_39 = arith.constant 0 : index
    %get3A_40 = vector.load %arg3[%get3A_38, %get3A_39] : memref<2x128xf32, #tpu.memory_space<vmem>>, vector<2x128xf32>
    %slice3A_41 = vector.extract_strided_slice %get3A_40 {offsets = [1, 0], sizes = [1, 128], strides = [1, 1]} : vector<2x128xf32> to vector<1x128xf32>
    %squeeze3A_42 = vector.shape_cast %slice3A_41 : vector<1x128xf32> to vector<128xf32>
    %broadcast_in_dim3A_43 = vector.shape_cast %squeeze3A_42 : vector<128xf32> to vector<1x128xf32>
    %get3A_44 = arith.constant 0 : index
    %get3A_45 = arith.constant 0 : index
    %get3A_46 = vector.load %arg4[%get3A_44, %get3A_45] : memref<2x128xf32, #tpu.memory_space<vmem>>, vector<2x128xf32>
    %slice3A_47 = vector.extract_strided_slice %get3A_46 {offsets = [1, 0], sizes = [1, 128], strides = [1, 1]} : vector<2x128xf32> to vector<1x128xf32>
    %squeeze3A_48 = vector.shape_cast %slice3A_47 : vector<1x128xf32> to vector<128xf32>
    %broadcast_in_dim3A_49 = vector.shape_cast %squeeze3A_48 : vector<128xf32> to vector<1x128xf32>
    %mul3A_50 = vector.broadcast %broadcast_in_dim3A_43 : vector<1x128xf32> to vector<1000x128xf32>
    %mul3A_51 = arith.mulf %dot_general3A_31, %mul3A_50 : vector<1000x128xf32>
    %reduce_sum3A_52 = arith.constant dense<0.000000e+00> : vector<1000xf32>
    %reduce_sum3A_53 = vector.multi_reduction <add>, %mul3A_51, %reduce_sum3A_52 [1] : vector<1000x128xf32> to vector<1000xf32>
    %broadcast_in_dim3A_54 = vector.shape_cast %reduce_sum3A_53 : vector<1000xf32> to vector<1000x1xf32>
    %mul3A_55 = vector.broadcast %broadcast_in_dim3A_49 : vector<1x128xf32> to vector<1000x128xf32>
    %mul3A_56 = arith.mulf %dot_general3A_31, %mul3A_55 : vector<1000x128xf32>
    %reduce_sum3A_57 = arith.constant dense<0.000000e+00> : vector<1000xf32>
    %reduce_sum3A_58 = vector.multi_reduction <add>, %mul3A_56, %reduce_sum3A_57 [1] : vector<1000x128xf32> to vector<1000xf32>
    %broadcast_in_dim3A_59 = vector.shape_cast %reduce_sum3A_58 : vector<1000xf32> to vector<1000x1xf32>
    %concatenate3A = tpu.concatenate %broadcast_in_dim3A_23, %broadcast_in_dim3A_54, %broadcast_in_dim3A_28, %broadcast_in_dim3A_59 in 1 : vector<1000x1xf32>, vector<1000x1xf32>, vector<1000x1xf32>, vector<1000x1xf32> -> vector<1000x4xf32>
    %swap3A_60 = arith.constant 0 : index
    %swap3A_61 = arith.constant 0 : index
    %swap3A_62 = vector.load %arg6[%swap3A_60, %swap3A_61] : memref<1000x4xf32, #tpu.memory_space<vmem>>, vector<1000x4xf32>
    tpu.vector_store %arg6[%swap3A_60, %swap3A_61], %concatenate3A {strides = array<i32>} : memref<1000x4xf32, #tpu.memory_space<vmem>>, vector<1000x4xf32>,
    %reduce_max3A = arith.constant dense<0xFF800000> : vector<4xf32>
    %reduce_max3A_63 = vector.multi_reduction <maximumf>, %concatenate3A, %reduce_max3A [0] : vector<1000x4xf32> to vector<4xf32>
    %broadcast_in_dim3A_64 = vector.shape_cast %reduce_max3A_63 : vector<4xf32> to vector<1x4xf32>
    %eq3A = arith.constant 0 : i32
    %eq3A_65 = arith.cmpi eq, %arg0, %eq3A : i32
    %broadcast_in_dim3A_66 = arith.constant 0xFF800000 : f32
    %broadcast_in_dim3A_67 = vector.broadcast %broadcast_in_dim3A_66 : f32 to vector<1x4xf32>
    %get3A_68 = arith.constant 0 : index
    %get3A_69 = arith.constant 0 : index
    %get3A_70 = vector.load %arg7[%get3A_68, %get3A_69] : memref<1x4xf32, #tpu.memory_space<vmem>>, vector<1x4xf32>
    %select_n3A = arith.select %eq3A_65, %broadcast_in_dim3A_67, %get3A_70 : vector<1x4xf32>
    %max3A = arith.maximumf %select_n3A, %broadcast_in_dim3A_64 : vector<1x4xf32>
    %swap3A_71 = arith.constant 0 : index
    %swap3A_72 = arith.constant 0 : index
    %swap3A_73 = vector.load %arg7[%swap3A_71, %swap3A_72] : memref<1x4xf32, #tpu.memory_space<vmem>>, vector<1x4xf32>
    tpu.vector_store %arg7[%swap3A_71, %swap3A_72], %max3A {strides = array<i32>} : memref<1x4xf32, #tpu.memory_space<vmem>>, vector<1x4xf32>,
    return
  }
  func.func @transform_0(%arg0: i32) -> (i32, i32) {
    %c0_i32 = arith.constant 0 : i32
    %c0_i32_0 = arith.constant 0 : i32
    return %arg0, %c0_i32 : i32, i32
  }
  func.func @transform_1(%arg0: i32) -> (i32, i32) {
    %c0_i32 = arith.constant 0 : i32
    %c0_i32_0 = arith.constant 0 : i32
    %c0_i32_1 = arith.constant 0 : i32
    return %c0_i32, %c0_i32_0 : i32, i32
  }
  func.func @transform_2(%arg0: i32) -> (i32, i32) {
    %c0_i32 = arith.constant 0 : i32
    %c0_i32_0 = arith.constant 0 : i32
    %c0_i32_1 = arith.constant 0 : i32
    return %c0_i32, %c0_i32_0 : i32, i32
  }
  func.func @transform_3(%arg0: i32) -> (i32, i32) {
    %c0_i32 = arith.constant 0 : i32
    %c0_i32_0 = arith.constant 0 : i32
    %c0_i32_1 = arith.constant 0 : i32
    return %c0_i32, %c0_i32_0 : i32, i32
  }
  func.func @transform_4(%arg0: i32) -> (i32, i32, i32) {
    %c0_i32 = arith.constant 0 : i32
    %c0_i32_0 = arith.constant 0 : i32
    %c0_i32_1 = arith.constant 0 : i32
    return %c0_i32, %arg0, %c0_i32_0 : i32, i32, i32
  }
  func.func @transform_5(%arg0: i32) -> (i32, i32) {
    %c0_i32 = arith.constant 0 : i32
    %c0_i32_0 = arith.constant 0 : i32
    return %arg0, %c0_i32 : i32, i32
  }
  func.func @transform_6(%arg0: i32) -> (i32, i32) {
    %c0_i32 = arith.constant 0 : i32
    %c0_i32_0 = arith.constant 0 : i32
    %c0_i32_1 = arith.constant 0 : i32
    return %c0_i32, %c0_i32_0 : i32, i32
  }
}

module attributes {stable_mosaic.version = 14 : i64} {
  func.func @_tc2_body(%arg0: i32, %arg1: memref<2x1000x144xf32, #tpu.memory_space<vmem>>, %arg2: memref<2x1000x128xf32, #tpu.memory_space<vmem>>, %arg3: memref<1000x4xf32, #tpu.memory_space<vmem>>, %arg4: memref<1x2xf32, #tpu.memory_space<vmem>>, %arg5: memref<1000x128xf32, #tpu.memory_space<vmem>>, %arg6: memref<384x256xf32, #tpu.memory_space<vmem>>, %arg7: memref<384x128xf32, #tpu.memory_space<vmem>>, %arg8: memref<1x384xf32, #tpu.memory_space<vmem>>, %arg9: memref<1x384xf32, #tpu.memory_space<vmem>>, %arg10: memref<1x256xf32, #tpu.memory_space<vmem>>, %arg11: memref<1000x128xf32, #tpu.memory_space<vmem>>) attributes {dimension_semantics = [#tpu.dimension_semantics<arbitrary>], iteration_bounds = array<i64: 10>, scalar_prefetch = 0 : i64, scratch_operands = 0 : i64, tpu.core_type = #tpu.core_type<tc>, window_params = [{transform_indices = @transform_0, window_bounds = array<i64: 2, 1000, 144>}, {transform_indices = @transform_1, window_bounds = array<i64: 2, 1000, 128>}, {transform_indices = @transform_2, window_bounds = array<i64: 1000, 4>}, {pipeline_mode = #tpu.pipeline_mode<synchronous>, transform_indices = @transform_3, window_bounds = array<i64: 1, 2>}, {transform_indices = @transform_4, window_bounds = array<i64: 1000, 128>}, {pipeline_mode = #tpu.pipeline_mode<synchronous>, transform_indices = @transform_5, window_bounds = array<i64: 384, 256>}, {pipeline_mode = #tpu.pipeline_mode<synchronous>, transform_indices = @transform_6, window_bounds = array<i64: 384, 128>}, {pipeline_mode = #tpu.pipeline_mode<synchronous>, transform_indices = @transform_7, window_bounds = array<i64: 1, 384>}, {pipeline_mode = #tpu.pipeline_mode<synchronous>, transform_indices = @transform_8, window_bounds = array<i64: 1, 384>}, {pipeline_mode = #tpu.pipeline_mode<synchronous>, transform_indices = @transform_9, window_bounds = array<i64: 1, 256>}, {transform_indices = @transform_10, window_bounds = array<i64: 1000, 128>}]} {
    %get3A = arith.constant 0 : index
    %get3A_0 = arith.constant 0 : index
    %get3A_1 = vector.load %arg3[%get3A, %get3A_0] : memref<1000x4xf32, #tpu.memory_space<vmem>>, vector<1000x1xf32>
    %get3A_2 = arith.constant 0 : index
    %get3A_3 = arith.constant 2 : index
    %get3A_4 = vector.load %arg3[%get3A_2, %get3A_3] : memref<1000x4xf32, #tpu.memory_space<vmem>>, vector<1000x1xf32>
    %add3A = arith.addf %get3A_1, %get3A_4 : vector<1000x1xf32>
    %mul3A = arith.constant 2.000000e-01 : f32
    %mul3A_5 = vector.broadcast %mul3A : f32 to vector<1000x1xf32>
    %mul3A_6 = arith.mulf %mul3A_5, %add3A : vector<1000x1xf32>
    %max3A = arith.maximumf %add3A, %mul3A_6 : vector<1000x1xf32>
    %get3A_7 = arith.constant 0 : index
    %get3A_8 = arith.constant 0 : index
    %get3A_9 = vector.load %arg4[%get3A_7, %get3A_8] : memref<1x2xf32, #tpu.memory_space<vmem>>, vector<1x1xf32>
    %get3A_10 = vector.extract %get3A_9[0, 0] : f32 from vector<1x1xf32>
    %sub3A = vector.broadcast %get3A_10 : f32 to vector<1000x1xf32>
    %sub3A_11 = arith.subf %max3A, %sub3A : vector<1000x1xf32>
    %exp3A = math.exp %sub3A_11 : vector<1000x1xf32>
    %get3A_12 = arith.constant 0 : index
    %get3A_13 = arith.constant 0 : index
    %get3A_14 = arith.constant 0 : index
    %get3A_15 = vector.load %arg1[%get3A_12, %get3A_13, %get3A_14] : memref<2x1000x144xf32, #tpu.memory_space<vmem>>, vector<1x1000x144xf32>
    %get3A_16 = vector.shape_cast %get3A_15 : vector<1x1000x144xf32> to vector<1000x144xf32>
    %slice3A = vector.extract_strided_slice %get3A_16 {offsets = [0, 0], sizes = [1000, 128], strides = [1, 1]} : vector<1000x144xf32> to vector<1000x128xf32>
    %get3A_17 = arith.constant 0 : index
    %get3A_18 = arith.constant 0 : index
    %get3A_19 = arith.constant 0 : index
    %get3A_20 = vector.load %arg1[%get3A_17, %get3A_18, %get3A_19] : memref<2x1000x144xf32, #tpu.memory_space<vmem>>, vector<1x1000x144xf32>
    %get3A_21 = vector.shape_cast %get3A_20 : vector<1x1000x144xf32> to vector<1000x144xf32>
    %slice3A_22 = vector.extract_strided_slice %get3A_21 {offsets = [0, 128], sizes = [1000, 1], strides = [1, 1]} : vector<1000x144xf32> to vector<1000x1xf32>
    %get3A_23 = arith.constant 0 : index
    %get3A_24 = arith.constant 0 : index
    %get3A_25 = arith.constant 0 : index
    %get3A_26 = vector.load %arg2[%get3A_23, %get3A_24, %get3A_25] : memref<2x1000x128xf32, #tpu.memory_space<vmem>>, vector<1x1000x128xf32>
    %get3A_27 = vector.shape_cast %get3A_26 : vector<1x1000x128xf32> to vector<1000x128xf32>
    %mul3A_28 = vector.broadcast %exp3A : vector<1000x1xf32> to vector<1000x128xf32>
    %mul3A_29 = arith.mulf %mul3A_28, %get3A_27 : vector<1000x128xf32>
    %add3A_30 = arith.addf %slice3A, %mul3A_29 : vector<1000x128xf32>
    %add3A_31 = arith.addf %slice3A_22, %exp3A : vector<1000x1xf32>
    %div3A = vector.broadcast %add3A_31 : vector<1000x1xf32> to vector<1000x128xf32>
    %div3A_32 = arith.divf %add3A_30, %div3A : vector<1000x128xf32>
    %get3A_33 = arith.constant 0 : index
    %get3A_34 = arith.constant 1 : index
    %get3A_35 = vector.load %arg3[%get3A_33, %get3A_34] : memref<1000x4xf32, #tpu.memory_space<vmem>>, vector<1000x1xf32>
    %get3A_36 = arith.constant 0 : index
    %get3A_37 = arith.constant 3 : index
    %get3A_38 = vector.load %arg3[%get3A_36, %get3A_37] : memref<1000x4xf32, #tpu.memory_space<vmem>>, vector<1000x1xf32>
    %add3A_39 = arith.addf %get3A_35, %get3A_38 : vector<1000x1xf32>
    %mul3A_40 = arith.constant 2.000000e-01 : f32
    %mul3A_41 = vector.broadcast %mul3A_40 : f32 to vector<1000x1xf32>
    %mul3A_42 = arith.mulf %mul3A_41, %add3A_39 : vector<1000x1xf32>
    %max3A_43 = arith.maximumf %add3A_39, %mul3A_42 : vector<1000x1xf32>
    %get3A_44 = arith.constant 0 : index
    %get3A_45 = arith.constant 1 : index
    %get3A_46 = vector.load %arg4[%get3A_44, %get3A_45] : memref<1x2xf32, #tpu.memory_space<vmem>>, vector<1x1xf32>
    %get3A_47 = vector.extract %get3A_46[0, 0] : f32 from vector<1x1xf32>
    %sub3A_48 = vector.broadcast %get3A_47 : f32 to vector<1000x1xf32>
    %sub3A_49 = arith.subf %max3A_43, %sub3A_48 : vector<1000x1xf32>
    %exp3A_50 = math.exp %sub3A_49 : vector<1000x1xf32>
    %get3A_51 = arith.constant 1 : index
    %get3A_52 = arith.constant 0 : index
    %get3A_53 = arith.constant 0 : index
    %get3A_54 = vector.load %arg1[%get3A_51, %get3A_52, %get3A_53] : memref<2x1000x144xf32, #tpu.memory_space<vmem>>, vector<1x1000x144xf32>
    %get3A_55 = vector.shape_cast %get3A_54 : vector<1x1000x144xf32> to vector<1000x144xf32>
    %slice3A_56 = vector.extract_strided_slice %get3A_55 {offsets = [0, 0], sizes = [1000, 128], strides = [1, 1]} : vector<1000x144xf32> to vector<1000x128xf32>
    %get3A_57 = arith.constant 1 : index
    %get3A_58 = arith.constant 0 : index
    %get3A_59 = arith.constant 0 : index
    %get3A_60 = vector.load %arg1[%get3A_57, %get3A_58, %get3A_59] : memref<2x1000x144xf32, #tpu.memory_space<vmem>>, vector<1x1000x144xf32>
    %get3A_61 = vector.shape_cast %get3A_60 : vector<1x1000x144xf32> to vector<1000x144xf32>
    %slice3A_62 = vector.extract_strided_slice %get3A_61 {offsets = [0, 128], sizes = [1000, 1], strides = [1, 1]} : vector<1000x144xf32> to vector<1000x1xf32>
    %get3A_63 = arith.constant 1 : index
    %get3A_64 = arith.constant 0 : index
    %get3A_65 = arith.constant 0 : index
    %get3A_66 = vector.load %arg2[%get3A_63, %get3A_64, %get3A_65] : memref<2x1000x128xf32, #tpu.memory_space<vmem>>, vector<1x1000x128xf32>
    %get3A_67 = vector.shape_cast %get3A_66 : vector<1x1000x128xf32> to vector<1000x128xf32>
    %mul3A_68 = vector.broadcast %exp3A_50 : vector<1000x1xf32> to vector<1000x128xf32>
    %mul3A_69 = arith.mulf %mul3A_68, %get3A_67 : vector<1000x128xf32>
    %add3A_70 = arith.addf %slice3A_56, %mul3A_69 : vector<1000x128xf32>
    %add3A_71 = arith.addf %slice3A_62, %exp3A_50 : vector<1000x1xf32>
    %div3A_72 = vector.broadcast %add3A_71 : vector<1000x1xf32> to vector<1000x128xf32>
    %div3A_73 = arith.divf %add3A_70, %div3A_72 : vector<1000x128xf32>
    %concatenate3A = tpu.concatenate %div3A_32, %div3A_73 in 1 : vector<1000x128xf32>, vector<1000x128xf32> -> vector<1000x256xf32>
    %get3A_74 = arith.constant 0 : index
    %get3A_75 = arith.constant 0 : index
    %get3A_76 = vector.load %arg10[%get3A_74, %get3A_75] : memref<1x256xf32, #tpu.memory_space<vmem>>, vector<1x256xf32>
    %add3A_77 = vector.broadcast %get3A_76 : vector<1x256xf32> to vector<1000x256xf32>
    %add3A_78 = arith.addf %concatenate3A, %add3A_77 : vector<1000x256xf32>
    %get3A_79 = arith.constant 0 : index
    %get3A_80 = arith.constant 0 : index
    %get3A_81 = vector.load %arg6[%get3A_79, %get3A_80] : memref<384x256xf32, #tpu.memory_space<vmem>>, vector<384x256xf32>
    %dot_general3A = arith.constant dense<0.000000e+00> : vector<1000x384xf32>
    %dot_general3A_82 = tpu.matmul %add3A_78, %get3A_81, %dot_general3A {dimension_numbers = #tpu.dot_dimension_numbers<[1], [1], [0], [0], [0, 0, 1, 0], [], []>, transpose_lhs_hint = false} : vector<1000x256xf32>, vector<384x256xf32>, vector<1000x384xf32> -> vector<1000x384xf32>
    %get3A_83 = arith.constant 0 : index
    %get3A_84 = arith.constant 0 : index
    %get3A_85 = vector.load %arg8[%get3A_83, %get3A_84] : memref<1x384xf32, #tpu.memory_space<vmem>>, vector<1x384xf32>
    %add3A_86 = vector.broadcast %get3A_85 : vector<1x384xf32> to vector<1000x384xf32>
    %add3A_87 = arith.addf %dot_general3A_82, %add3A_86 : vector<1000x384xf32>
    %get3A_88 = arith.constant 0 : index
    %get3A_89 = arith.constant 0 : index
    %get3A_90 = vector.load %arg5[%get3A_88, %get3A_89] : memref<1000x128xf32, #tpu.memory_space<vmem>>, vector<1000x128xf32>
    %get3A_91 = arith.constant 0 : index
    %get3A_92 = arith.constant 0 : index
    %get3A_93 = vector.load %arg7[%get3A_91, %get3A_92] : memref<384x128xf32, #tpu.memory_space<vmem>>, vector<384x128xf32>
    %dot_general3A_94 = arith.constant dense<0.000000e+00> : vector<1000x384xf32>
    %dot_general3A_95 = tpu.matmul %get3A_90, %get3A_93, %dot_general3A_94 {dimension_numbers = #tpu.dot_dimension_numbers<[1], [1], [0], [0], [0, 0, 1, 0], [], []>, transpose_lhs_hint = false} : vector<1000x128xf32>, vector<384x128xf32>, vector<1000x384xf32> -> vector<1000x384xf32>
    %get3A_96 = arith.constant 0 : index
    %get3A_97 = arith.constant 0 : index
    %get3A_98 = vector.load %arg9[%get3A_96, %get3A_97] : memref<1x384xf32, #tpu.memory_space<vmem>>, vector<1x384xf32>
    %add3A_99 = vector.broadcast %get3A_98 : vector<1x384xf32> to vector<1000x384xf32>
    %add3A_100 = arith.addf %dot_general3A_95, %add3A_99 : vector<1000x384xf32>
    %slice3A_101 = vector.extract_strided_slice %add3A_87 {offsets = [0, 0], sizes = [1000, 128], strides = [1, 1]} : vector<1000x384xf32> to vector<1000x128xf32>
    %slice3A_102 = vector.extract_strided_slice %add3A_100 {offsets = [0, 0], sizes = [1000, 128], strides = [1, 1]} : vector<1000x384xf32> to vector<1000x128xf32>
    %add3A_103 = arith.addf %slice3A_101, %slice3A_102 : vector<1000x128xf32>
    %logistic3A = arith.negf %add3A_103 : vector<1000x128xf32>
    %logistic3A_104 = math.exp %logistic3A : vector<1000x128xf32>
    %logistic3A_105 = arith.constant 1.000000e+00 : f32
    %logistic3A_106 = vector.broadcast %logistic3A_105 : f32 to vector<1000x128xf32>
    %logistic3A_107 = arith.addf %logistic3A_106, %logistic3A_104 : vector<1000x128xf32>
    %logistic3A_108 = arith.divf %logistic3A_106, %logistic3A_107 : vector<1000x128xf32>
    %slice3A_109 = vector.extract_strided_slice %add3A_87 {offsets = [0, 128], sizes = [1000, 128], strides = [1, 1]} : vector<1000x384xf32> to vector<1000x128xf32>
    %slice3A_110 = vector.extract_strided_slice %add3A_100 {offsets = [0, 128], sizes = [1000, 128], strides = [1, 1]} : vector<1000x384xf32> to vector<1000x128xf32>
    %add3A_111 = arith.addf %slice3A_109, %slice3A_110 : vector<1000x128xf32>
    %logistic3A_112 = arith.negf %add3A_111 : vector<1000x128xf32>
    %logistic3A_113 = math.exp %logistic3A_112 : vector<1000x128xf32>
    %logistic3A_114 = arith.constant 1.000000e+00 : f32
    %logistic3A_115 = vector.broadcast %logistic3A_114 : f32 to vector<1000x128xf32>
    %logistic3A_116 = arith.addf %logistic3A_115, %logistic3A_113 : vector<1000x128xf32>
    %logistic3A_117 = arith.divf %logistic3A_115, %logistic3A_116 : vector<1000x128xf32>
    %slice3A_118 = vector.extract_strided_slice %add3A_87 {offsets = [0, 256], sizes = [1000, 128], strides = [1, 1]} : vector<1000x384xf32> to vector<1000x128xf32>
    %slice3A_119 = vector.extract_strided_slice %add3A_100 {offsets = [0, 256], sizes = [1000, 128], strides = [1, 1]} : vector<1000x384xf32> to vector<1000x128xf32>
    %mul3A_120 = arith.mulf %logistic3A_108, %slice3A_119 : vector<1000x128xf32>
    %add3A_121 = arith.addf %slice3A_118, %mul3A_120 : vector<1000x128xf32>
    %tanh3A = math.tanh %add3A_121 : vector<1000x128xf32>
    %sub3A_122 = arith.constant 1.000000e+00 : f32
    %sub3A_123 = vector.broadcast %sub3A_122 : f32 to vector<1000x128xf32>
    %sub3A_124 = arith.subf %sub3A_123, %logistic3A_117 : vector<1000x128xf32>
    %mul3A_125 = arith.mulf %sub3A_124, %tanh3A : vector<1000x128xf32>
    %get3A_126 = arith.constant 0 : index
    %get3A_127 = arith.constant 0 : index
    %get3A_128 = vector.load %arg5[%get3A_126, %get3A_127] : memref<1000x128xf32, #tpu.memory_space<vmem>>, vector<1000x128xf32>
    %mul3A_129 = arith.mulf %logistic3A_117, %get3A_128 : vector<1000x128xf32>
    %add3A_130 = arith.addf %mul3A_125, %mul3A_129 : vector<1000x128xf32>
    %swap3A = arith.constant 0 : index
    %swap3A_131 = arith.constant 0 : index
    %swap3A_132 = vector.load %arg11[%swap3A, %swap3A_131] : memref<1000x128xf32, #tpu.memory_space<vmem>>, vector<1000x128xf32>
    tpu.vector_store %arg11[%swap3A, %swap3A_131], %add3A_130 {strides = array<i32>} : memref<1000x128xf32, #tpu.memory_space<vmem>>, vector<1000x128xf32>,
    return
  }
  func.func @transform_0(%arg0: i32) -> (i32, i32, i32) {
    %c0_i32 = arith.constant 0 : i32
    %c0_i32_0 = arith.constant 0 : i32
    %c0_i32_1 = arith.constant 0 : i32
    return %c0_i32, %arg0, %c0_i32_0 : i32, i32, i32
  }
  func.func @transform_1(%arg0: i32) -> (i32, i32, i32) {
    %c0_i32 = arith.constant 0 : i32
    %c0_i32_0 = arith.constant 0 : i32
    %c0_i32_1 = arith.constant 0 : i32
    return %c0_i32, %arg0, %c0_i32_0 : i32, i32, i32
  }
  func.func @transform_2(%arg0: i32) -> (i32, i32) {
    %c0_i32 = arith.constant 0 : i32
    %c0_i32_0 = arith.constant 0 : i32
    return %arg0, %c0_i32 : i32, i32
  }
  func.func @transform_3(%arg0: i32) -> (i32, i32) {
    %c0_i32 = arith.constant 0 : i32
    %c0_i32_0 = arith.constant 0 : i32
    %c0_i32_1 = arith.constant 0 : i32
    return %c0_i32, %c0_i32_0 : i32, i32
  }
  func.func @transform_4(%arg0: i32) -> (i32, i32) {
    %c0_i32 = arith.constant 0 : i32
    %c0_i32_0 = arith.constant 0 : i32
    return %arg0, %c0_i32 : i32, i32
  }
  func.func @transform_5(%arg0: i32) -> (i32, i32) {
    %c0_i32 = arith.constant 0 : i32
    %c0_i32_0 = arith.constant 0 : i32
    %c0_i32_1 = arith.constant 0 : i32
    return %c0_i32, %c0_i32_0 : i32, i32
  }
  func.func @transform_6(%arg0: i32) -> (i32, i32) {
    %c0_i32 = arith.constant 0 : i32
    %c0_i32_0 = arith.constant 0 : i32
    %c0_i32_1 = arith.constant 0 : i32
    return %c0_i32, %c0_i32_0 : i32, i32
  }
  func.func @transform_7(%arg0: i32) -> (i32, i32) {
    %c0_i32 = arith.constant 0 : i32
    %c0_i32_0 = arith.constant 0 : i32
    %c0_i32_1 = arith.constant 0 : i32
    return %c0_i32, %c0_i32_0 : i32, i32
  }
  func.func @transform_8(%arg0: i32) -> (i32, i32) {
    %c0_i32 = arith.constant 0 : i32
    %c0_i32_0 = arith.constant 0 : i32
    %c0_i32_1 = arith.constant 0 : i32
    return %c0_i32, %c0_i32_0 : i32, i32
  }
  func.func @transform_9(%arg0: i32) -> (i32, i32) {
    %c0_i32 = arith.constant 0 : i32
    %c0_i32_0 = arith.constant 0 : i32
    %c0_i32_1 = arith.constant 0 : i32
    return %c0_i32, %c0_i32_0 : i32, i32
  }
  func.func @transform_10(%arg0: i32) -> (i32, i32) {
    %c0_i32 = arith.constant 0 : i32
    %c0_i32_0 = arith.constant 0 : i32
    return %arg0, %c0_i32 : i32, i32
  }
}

</mosaic_0001>

<sc_bundles>
// kernel: kernel.5.cloned.1.call-start
scs
__scs_entry_jumppad:
0x0: {  	(pc) =	sbr.rel $0x88, $3  }
0x1: {  	(tag) =	ssettag $0x0;
	lr =	simm.s32 $0x1  }
0x2: {  	[smem:$0x3F96] =	sst lr;
	_ =	strace $0xD0000000  }
0x3: {  	_ = 	snop  }
0x4: {  	_ = 	snop  }
0x5: {  	_ = 	snop  }
0x6: {  	_ = 	snop  }
0x7: {  	_ = 	snop  }
__scs_overlays_trampoline_lowered:
0x8: {  	[smem:$0x3FA5] =	sst s0  }
0x9: {  	[smem:$0x3FA6] =	sst s1  }
0xa: {  	[smem:$0x3FA7] =	sst s2  }
0xb: {  	[smem:$0x3FA8] =	sst s3  }
0xc: {  	[smem:$0x3FA9] =	sst s4  }
0xd: {  	[smem:$0x3FAA] =	sst s5  }
0xe: {  	[smem:$0x3FAB] =	sst s6  }
0xf: {  	[smem:$0x3FAC] =	sst s7  }
0x10: {  	[smem:$0x3FAD] =	sst s8  }
0x11: {  	[smem:$0x3FAE] =	sst s9;
	s0 =	simm.s32 @!p0 $0x0  }
0x12: {  	s1 =	sld [smem:$0x3F94];
	s0 =	simm.s32 @p0 $0x1  }
0x13: {  	[smem:$0x3FAF] =	sst s0;
	s0 =	simm.s32 @!p1 $0x0  }
0x14: {  	s2 =	sld [smem:$0x3F93];
	s0 =	simm.s32 @p1 $0x1  }
0x15: {  	[smem:$0x3FB0] =	sst s0;
	s0 =	simm.s32 @!p2 $0x0  }
0x16: {  	s3 =	sld [smem:$0x3FDB];
	s0 =	simm.s32 @p2 $0x1  }
0x17: {  	s4 =	simm.s32 $0x1BF5;
	[smem:$0x3FB2] =	sst s0  }
0x18: {  	s0 =	sld [smem:$0x3F95];
	_ =	swait.ge [sflag:s4], $0x0  }
0x19: {  	s7 =	sld [smem:$0x3F96]  }
0x1a: {  	s8 =	sadd.s32 $0xFFFFE003, lr  }
0x1b: {  	s9 =	sadd.s32 $0xFFFFFEF7, lr;
	s5 =	simm.s32 $0xFFFFFFFF;
	p2 =	slt.u32 s8, $0xFFFFF086  }
0x1c: {  	p1 =	slt.u32 s9, $0xF7A;
	s5 =	simm.s32 @!p2 $0x0  }
0x1d: {  	s5 =	simm.s32 @p1 $0x1;
	p0 =	seq.s32 s7, s2  }
0x1e: {  	s7 =	smul.u32 @!p0 $0xF7A, s2;
	p2 =	seq.s32 @!p0 s5, $0x0  }
0x1f: {  	s9 =	smul.u32 $0xF7A, s1;
	s8 =	simm.s32 @!p0 $0x1BF5;
	p2 =	por !p2, p0  }
0x20: {  	[sflag:s8] =	ssyncset.s32 @!p0 $0xFFFFF086;
	s6 =	sadd.s32 @!p0 s3, s7;
	s7 =	simm.s32 @!p0 $0x108  }
0x21: {  	s3 =	sadd.s32 s3, s9;
	s6 =	sadd.s32 @!p0 $0x88, s6;
	s7 =	simm.s32 @p2 $0x1082  }
0x22: {  	[simem:s7], [sflag:s8] =	dma.local @!p0 [hbm:s6], $0xF7A  }
0x23: {  	s9 =	sor.u32 $0xD0000000, s2;
	s6 =	simm.s32 $0x108;
	_ =	swait.ge @!p0 [sflag:s8], $0x0  }
0x24: {  	s3 =	sadd.s32 $0x88, s3;
	s6 =	simm.s32 @!p1 $0x1082;
	[sflag:s4] =	ssyncset.s32 $0xFFFFF086  }
0x25: {  	[simem:s6], [sflag:s4] =	dma.local [hbm:s3], $0xF7A  }
0x26: {  	[smem:$0x3F96] =	sst s1;
	(tag) =	ssettag s2;
	_ =	strace s9  }
0x27: {  	s1 =	sld [smem:$0x3FA6]  }
0x28: {  	s2 =	sld [smem:$0x3FA7]  }
0x29: {  	s4 =	sld [smem:$0x3FA9]  }
0x2a: {  	p0 =	seq.s32 s5, $0x0;
	s5 =	sld [smem:$0x3FAA]  }
0x2b: {  	s6 =	sld [smem:$0x3FAB]  }
0x2c: {  	s7 =	sld [smem:$0x3FAC]  }
0x2d: {  	s3 =	simm.s32 $0x108;
	s8 =	sld [smem:$0x3FAD]  }
0x2e: {  	s3 =	simm.s32 @!p0 $0x1082;
	s9 =	sld [smem:$0x3FAE]  }
0x2f: {  	lr =	sadd.s32 s0, s3;
	s0 =	sld [smem:$0x3FA5]  }
0x30: {  	s3 =	sld [smem:$0x3FA8]  }
0x31: {  	[smem:$0x3FB1] =	sst s10  }
0x32: {  	s10 =	sld [smem:$0x3FAF];
	_ =	sdelay $0x3  }
0x33: {  	p0 =	seq.s32 s10, $0x1;
	s10 =	sld [smem:$0x3FB1];
	_ =	sdelay $0x3  }
0x34: {  	[smem:$0x3FB1] =	sst s10  }
0x35: {  	s10 =	sld [smem:$0x3FB0];
	_ =	sdelay $0x3  }
0x36: {  	p1 =	seq.s32 s10, $0x1;
	s10 =	sld [smem:$0x3FB1];
	_ =	sdelay $0x3  }
0x37: {  	[smem:$0x3FB1] =	sst s10  }
0x38: {  	s10 =	sld [smem:$0x3FB2]  }
0x39: {  	_ = 	snop;
	(pc) =	sbr.ind lr, $3  }
0x3a: {  	_ = 	snop  }
0x3b: {  	_ = 	snop  }
0x3c: {  	p2 =	seq.s32 s10, $0x1;
	s10 =	sld [smem:$0x3FB1]  }
0x3d: {  	_ =	shalt  }
0x3e: {  	_ =	shalt  }
0x3f: {  	_ =	shalt  }
0x40: {  	_ =	shalt  }
0x41: {  	_ =	shalt  }
0x42: {  	_ =	shalt  }
0x43: {  	_ =	shalt  }
0x44: {  	_ =	shalt  }
0x45: {  	_ =	shalt  }
0x46: {  	_ =	shalt  }
0x47: {  	_ =	shalt  }
0x48: {  	_ =	shalt  }
0x49: {  	_ =	shalt  }
0x4a: {  	_ =	shalt  }
0x4b: {  	_ =	shalt  }
0x4c: {  	_ =	shalt  }
0x4d: {  	_ =	shalt  }
0x4e: {  	_ =	shalt  }
0x4f: {  	_ =	shalt  }
0x50: {  	_ =	shalt  }
0x51: {  	_ =	shalt  }
0x52: {  	_ =	shalt  }
0x53: {  	_ =	shalt  }
0x54: {  	_ =	shalt  }
0x55: {  	_ =	shalt  }
0x56: {  	_ =	shalt  }
0x57: {  	_ =	shalt  }
0x58: {  	_ =	shalt  }
0x59: {  	_ =	shalt  }
0x5a: {  	_ =	shalt  }
0x5b: {  	_ =	shalt  }
0x5c: {  	_ =	shalt  }
0x5d: {  	_ =	shalt  }
0x5e: {  	_ =	shalt  }
0x5f: {  	_ =	shalt  }
0x60: {  	_ =	shalt  }
0x61: {  	_ =	shalt  }
0x62: {  	_ =	shalt  }
0x63: {  	_ =	shalt  }
0x64: {  	_ =	shalt  }
0x65: {  	_ =	shalt  }
0x66: {  	_ =	shalt  }
0x67: {  	_ =	shalt  }
0x68: {  	_ =	shalt  }
0x69: {  	_ =	shalt  }
0x6a: {  	_ =	shalt  }
0x6b: {  	_ =	shalt  }
0x6c: {  	_ =	shalt  }
0x6d: {  	_ =	shalt  }
0x6e: {  	_ =	shalt  }
0x6f: {  	_ =	shalt  }
0x70: {  	_ =	shalt  }
0x71: {  	_ =	shalt  }
0x72: {  	_ =	shalt  }
0x73: {  	_ =	shalt  }
0x74: {  	_ =	shalt  }
0x75: {  	_ =	shalt  }
0x76: {  	_ =	shalt  }
0x77: {  	_ =	shalt  }
0x78: {  	_ =	shalt  }
0x79: {  	_ =	shalt  }
0x7a: {  	_ =	shalt  }
0x7b: {  	_ =	shalt  }
0x7c: {  	_ =	shalt  }
0x7d: {  	_ =	shalt  }
0x7e: {  	_ =	shalt  }
0x7f: {  	_ =	shalt  }
0x80: {  	_ =	shalt  }
0x81: {  	_ =	shalt  }
0x82: {  	_ =	shalt  }
0x83: {  	_ =	shalt  }
0x84: {  	_ =	shalt  }
0x85: {  	_ =	shalt  }
0x86: {  	_ =	shalt  }
0x87: {  	_ =	shalt  }
.Lfunc_end0:
.L_simem_size_0:
called_computation_lowered:
.L_overlay_start_0:
0x88: {  	s2 =	sld [smem:$0x3FD9]  }
0x89: {  	s3 =	sld [smem:$0x3FFE];
	_ =	sdelay $0x1  }
0x8a: {  	s1 =	srdreg.scid  }
0x8b: {  	s0 =	sand.u32 $0x1, s1  }
0x8c: {  	s17 =	sshll.u32 s0, $0xA;
	s2 =	sadd.s32 s3, s2  }
0x8d: {  	s2 =	sadd.s32 s2, s17  }
0x8e: {  	[smem:$0x3FBD] =	sst s2  }
0x8f: {  	_ = 	snop  }
0x90: {  	s2 =	sld [smem:$0x3FD0];
	(tm) =	ssettm $0x1  }
0x91: {  	s18 =	sld [smem:$0x3FFB];
	_ =	sdelay $0x3  }
0x92: {  	_ =	strace s18  }
0x93: {  	s3 =	sld [smem:$0x3FFC];
	_ =	sdelay $0x3  }
0x94: {  	_ =	strace s3  }
0x95: {  	s3 =	sld [smem:$0x3FFD];
	_ =	sdelay $0x3  }
0x96: {  	_ =	strace s3  }
0x97: {  	_ =	strace $0x8FFFFFFF  }
0x98: {  	s19 =	sld [smem:$0x3FDB];
	_ =	sdelay $0x1  }
0x99: {  	s4 =	simm.s32 $_scs_section_size  }
0x9a: {  	s5 =	simm.s32 $_size__tile_overlayer_lowered;
	s6 =	simm.s32 $_tile_overlayer_lowered  }
0x9b: {  	s22 =	simm.s32 $0x1BFF;
	s21 =	sshll.u32 s6, $0x1;
	s3 =	sadd.s32 s4, s19  }
0x9c: {  	s7 =	simm.s32 $0x0;
	s20 =	sshll.u32 s5, $0x1;
	s5 =	sadd.s32 s21, s3  }
0x9d: {  	[timem:s7], [sflag:s22] =	dma.local [hbm:s5], s20  }
0x9e: {  	_ =	swait.ge [sflag:s22], s20  }
0x9f: {  	s4 =	ssub.s32 $0x0, s20;
	[sflag:s22] =	ssyncset.done $0x0  }
0xa0: {  	[sflag:s22] =	ssyncadd.s32 s4;
	_ =	sdelay $0x1  }
0xa1: {  	s23 =	simm.s32 $0x1B8B  }
0xa2: {  	_ =	swait.ge [sflag:s23], $0x1  }
0xa3: {  	[sflag:s23] =	ssyncset.done $0x0  }
0xa4: {  	s25 =	simm.s32 $0x1B8E;
	s24 =	sld [smem:$0x3FFE];
	[sflag:s23] =	ssyncadd.s32 $0xFFFFFFFF  }
0xa5: {  	s26 =	simm.s32 $execute0_lowered;
	[smem:$0x3FD2] =	sst s25  }
0xa6: {  	s5 =	sshll.u32 s26, $0x1;
	_ =	strace $0x80000046;
	[dreg:$0x1] =	wrdreg $0xFFFFFFFF  }
0xa7: {  	s28 =	simm.s32 $_size_execute0_lowered;
	s3 =	sadd.s32 s3, s5;
	[dreg:$0x0] =	wrdreg $0x0  }
0xa8: {  	s5 =	sshll.u32 s28, $0x1;
	[dreg:$0x2] =	wrdreg s3  }
0xa9: {  	[dreg:$0x3] =	wrdreg s5  }
0xaa: {  	[dreg:$0x4] =	wrdreg $0xC0  }
0xab: {  	_ =	task [dreg:s7], $0x5FFFF  }
0xac: {  	[dreg:$0x1] =	wrdreg $0xFFFFFFFF  }
0xad: {  	[dreg:$0x0] =	wrdreg $0x60  }
0xae: {  	[dreg:$0x2] =	wrdreg s24  }
0xaf: {  	[dreg:$0x3] =	wrdreg s2  }
0xb0: {  	[dreg:$0x4] =	wrdreg $0xFCB00  }
0xb1: {  	[dreg:$0x5] =	wrdreg $0x9  }
0xb2: {  	_ =	task.clear_ibuf [dreg:s7], $0x6FFFF;
	_ =	strace $0x90000046  }
0xb3: {  	s29 =	simm.s32 $0x9;
	_ =	strace $0x80000048  }
0xb4: {  	_ =	swait.ge [sflag:s29], $0x1  }
0xb5: {  	[sflag:s29] =	ssyncadd.s32 $0xFFFFFFFF  }
0xb6: {  	_ =	strace $0x90000048  }
0xb7: {  	_ =	sfence  }
0xb8: {  	s30 =	sld [smem:$0x0];
	_ =	sdelay $0x2  }
0xb9: {  	s31 =	sshll.u32 s1, $0xD;
	s1 =	sshrl.u32 s1, $0x2  }
0xba: {  	s3 =	sand.u32 $0x4000, s31;
	s1 =	sadd.s32 s1, s30  }
0xbb: {  	s0 =	sor.u32 s3, s0;
	s1 =	sshll.u32 s1, $0x11  }
0xbc: {  	s0 =	sor.u32 s1, s0  }
0xbd: {  	s0 =	sadd.s32 $0x8F2B, s0  }
0xbe: {  	[sflag:s0] =	ssyncadd.remote.s32 $0x1  }
0xbf: {  	_ =	sfence.sel $0xFFFF  }
0xc0: {  	[dreg:$0x0] =	wrdreg $0xFFFFFFFF;
	(pc) =	sbr.abs _section_cstart, $3  }
0xc1: {  	[dreg:$0x1] =	wrdreg $0xFFFFFFFF  }
0xc2: {  	_ =	task.clear_ibuf [dreg:s7], $0x2FFFF;
	_ =	strace $0x9FFFFFFF  }
0xc3: {  	(tm) =	ssettm $0x7FFFFFFF  }
tec
execute0_lowered:
.L_overlay_start_1:
0x0: {  	(tag) =	ssettag $0x1  }
0x1: {  	s0 =	rddreg [dreg:$0x0]  }
0x2: {  	s1 =	rddreg [dreg:$0x1]  }
0x3: {  	s3 =	srdreg.scid;
	s2 =	rddreg [dreg:$0x2];
	s14 =	simm.s32 $0x0  }
0x4: {  	s6 =	stileid.u32;
	s28 =	simm.s32 $0x4E20;
	s29 =	simm.s32 $0x3  }
0x5: {  	s30 =	simm.s32 $0x4EA0;
	s31 =	simm.s32 $0x80;
	s12 =	smul.u32 $0x12000, s6  }
0x6: {  	s7 =	sand.u32 $0x1, s3;
	[smem:$0x7FF] =	sst s14;
	s19 =	smul.u32 $0x138, s6  }
0x7: {  	s4 =	sadd.s32 $0x2800, s0;
	s22 =	smul.u32 $0x2BE00, s6;
	s25 =	sadd.s32 $0xAF800, s2  }
0x8: {  	p1 =	sgt.u32 s6, $0x7;
	p0 =	sne.s32 s6, $0x0;
	s8 =	smul.u32 $0x2710, s7  }
0x9: {  	_ =	strace $0x80000047;
	s10 =	sshll.u32 s7, $0x1;
	s11 =	ssub.s32 $0x2, s7  }
0xa: {  	s7 =	smul.u32 $0x15F900, s7;
	[dreg:$0xc] =	wrdreg s25;
	s25 =	simm.s32 $0x5020  }
0xb: {  	s10 =	sadd.s32 s10, s0;
	s13 =	sshrl.u32 s11, $0x1;
	s17 =	sshrl.u32 s12, $0x2  }
0xc: {  	s5 =	sshrl.u32 s8, $0x3;
	s16 =	ssub.s32 s11, s13;
	s20 =	sadd.s32 $0x51E00, s10  }
0xd: {  	s10 =	sshrl.u32 s22, $0x2;
	s7 =	sshrl.u32 s7, $0x3;
	s9 =	sadd.s32 s5, s0  }
0xe: {  	s5 =	sadd.s32 $0x52000, s0;
	[dreg:$0x6] =	wrdreg s20;
	s10 =	sadd.s32 s10, s2  }
0xf: {  	s0 =	sadd.s32 $0x5BE00, s0;
	s26 =	smax.u32 s16, $0x1;
	[dreg:$0xa] =	wrdreg s10  }
0x10: {  	s15 =	sadd.s32 $0x50A00, s9;
	s18 =	sadd.s32 $0x513C4, s9;
	[dreg:$0xf] =	wrdreg s26  }
0x11: {  	s9 =	sadd.s32 s17, s2;
	s26 =	simm.s32 $0xD8B0;
	[dreg:$0x4] =	wrdreg s15  }
0x12: {  	s10 =	simm.s32 $0x9020;
	[dreg:$0x5] =	wrdreg s18;
	s21 =	sadd.s32 $0x2400, s9  }
0x13: {  	s23 =	sadd.s32 $0x48000, s9;
	s15 =	sadd.s32 s19, s8;
	s13 =	sadd.s32 $0x4A400, s9  }
0x14: {  	s14 =	sadd.s32 $0x90000, s9;
	[dreg:$0x7] =	wrdreg s21;
	s17 =	smul.u32 $0x12, s15  }
0x15: {  	v1 =	vmov s8;
	s8 =	simm.s32 $0x4FA0;
	[dreg:$0x8] =	wrdreg s23;
	s15 =	sadd.s32 $0x92400, s9  }
.Ltmp0:
0x16: {  	s24 =	sadd.s32 s0, s17;
	s0 =	sadd.s32 s0, s7;
	(pc) =	sbr.rel .LBB2_1-.Ltmp0, $4  }
0x17: {  	s23 =	simm.s32 $0x2;
	s7 =	sadd.s32 $0x15F00, s0;
	[dreg:$0x9] =	wrdreg s24  }
0x18: {  	s17 =	simm.s32 $0x0;
	s3 =	sadd.s32 $0x15F90, s24;
	[dreg:$0xb] =	wrdreg s7  }
0x19: {  	v0 =	vimm.f32 $0.0e+00;
	vm0 =	vcmask $0x300;
	s0 =	sadd.s32 $0x2BE90, s0;
	s24 =	simm.s32 $0x2710;
	[dreg:$0xd] =	wrdreg s3  }
0x1a: {  	v2 =	vsel vm0, $0x3F800000, v0;
	[dreg:$0xe] =	wrdreg s0;
	s0 =	simm.s32 $0x4F20;
	s7 =	simm.s32 $0x1  }
.LBB2_15:
0x1b: {  	[bflag:$0x0] =	sbarrier.arrive $0xFFFF  }
0x1c: {  	s3 =	rddreg [dreg:$0xd]  }
0x1d: {  	[hbm:s3], [sflag:s18] =	dma.local [spmem:s19], $0x15F0  }
0x1e: {  	_ =	swait.ge [sflag:s23], $0x15F0  }
0x1f: {  	[sflag:s23] =	ssyncset.done $0x0  }
0x20: {  	s3 =	rddreg [dreg:$0xe];
	[sflag:s23] =	ssyncadd.s32 $0xFFFFEA10  }
0x21: {  	[hbm:s3], [sflag:s18] =	dma.local @!p0 [spmem:s20], $0x90  }
0x22: {  	s3 =	simm.s32 @!p0 $0x2  }
0x23: {  	_ =	swait.ge @!p0 [sflag:s3], $0x90  }
0x24: {  	s17 =	sadd.s32 $0x1, s17;
	s22 =	rddreg [dreg:$0xf]  }
0x25: {  	p2 =	sne.s32 s17, s22  }
.Ltmp1:
0x26: {  	_ = 	snop;
	(pc) =	sbr.rel @!p2 .LBB2_16-.Ltmp1, $3  }
0x27: {  	[sflag:s3] =	ssyncset.done @!p0 $0x0  }
0x28: {  	[sflag:s3] =	ssyncadd.s32 @!p0 $0xFFFFFF70  }
0x29: {  	[bflag:$0x0] =	sbarrier.arrive $0xFFFF;
	_ =	sdelay $0x1  }
.LBB2_1:
0x2a: {  	s3 =	simm.s32 $0x0;
	s11 =	rddreg [dreg:$0x4]  }
0x2b: {  	[tilespmem:s3], [sflag:$0x2] =	stream.linear.gather [hbm4b:s11+s3], $0x2710, $0x38;
	[tilespmem:$0x1B0B0] =	vst v63  }
0x2c: {  	_ =	swait.ge [sflag:s23], $0x2710  }
0x2d: {  	[sflag:s23] =	ssyncset.done $0x0  }
0x2e: {  	s21 =	rddreg [dreg:$0x5];
	[sflag:s23] =	ssyncadd.s32 $0xFFFFD8F0  }
0x2f: {  	[tilespmem:s24], [sflag:$0x2] =	stream.linear.gather [hbm4b:s21+s3], $0x2710, $0x38;
	[tilespmem:$0x1B0B0] =	vst v63  }
0x30: {  	_ =	swait.ge [sflag:s23], $0x2710  }
0x31: {  	[sflag:s23] =	ssyncset.done $0x0  }
0x32: {  	s12 =	simm.s32 $0xD8A0;
	s22 =	rddreg [dreg:$0x6];
	[sflag:s23] =	ssyncadd.s32 $0xFFFFD8F0  }
0x33: {  	[tilespmem:s12], [sflag:$0x2] =	stream.linear.gather [hbm4b:s22+s3], $0x10, $0x38;
	[tilespmem:$0x1B0B0] =	vst v63  }
0x34: {  	_ =	swait.ge [sflag:s23], $0x10  }
0x35: {  	[sflag:s23] =	ssyncset.done $0x0  }
0x36: {  	[sflag:s23] =	ssyncadd.s32 $0xFFFFFFF0  }
0x37: {  	s16 =	simm.s32 $0x0;
	s18 =	simm.s32 $0x240;
	v3 =	vld [tilespmem:$0xD8A0]  }
.LBB2_2:
0x38: {  	p2 =	sne.s32 s18, $0x8DC0;
	[tilespmem:s16+$0xD930] =	vst v0  }
0x39: {  	[tilespmem:s16+$0xD8B0] =	vst v0  }
0x3a: {  	[tilespmem:s16+$0xD8C0] =	vst v0  }
0x3b: {  	[tilespmem:s16+$0xD8D0] =	vst v0  }
.Ltmp2:
0x3c: {  	[tilespmem:s16+$0xD8E0] =	vst v0;
	(pc) =	sbr.rel @p2 .LBB2_2-.Ltmp2, $4  }
0x3d: {  	[tilespmem:s16+$0xD8F0] =	vst v0  }
0x3e: {  	[tilespmem:s16+$0xD900] =	vst v0  }
0x3f: {  	[tilespmem:s16+$0xD910] =	vst v0  }
0x40: {  	[tilespmem:s16+$0xD920] =	vst v0;
	s16 =	sshra.s32 s18, $0x2;
	s18 =	sadd.s32 $0x240, s18  }
0x41: {  	[tilespmem:s16+$0xD930] =	vst v0  }
0x42: {  	[tilespmem:s16+$0xD8B0] =	vst v0  }
0x43: {  	[tilespmem:s16+$0xD8C0] =	vst v0  }
0x44: {  	[tilespmem:s16+$0xD8D0] =	vst v0  }
0x45: {  	[tilespmem:s16+$0xD8E0] =	vst v0  }
0x46: {  	[tilespmem:s16+$0xD8F0] =	vst v0  }
0x47: {  	[tilespmem:s16+$0xD900] =	vst v0  }
0x48: {  	[tilespmem:s16+$0xD910] =	vst v0  }
0x49: {  	[tilespmem:s16+$0xD920] =	vst v0  }
0x4a: {  	[spmem:s9] =	stream.linear.scatter [tilespmem:s26], [sflag:$0x2], $0x2400, $0x38;
	[tilespmem:$0x1B0B0] =	vst v63  }
0x4b: {  	_ =	swait.ge [sflag:s23], $0x2400  }
0x4c: {  	[sflag:s23] =	ssyncset.done $0x0  }
0x4d: {  	s3 =	rddreg [dreg:$0x7];
	[sflag:s23] =	ssyncadd.s32 $0xFFFFDC00  }
0x4e: {  	[spmem:s3] =	stream.linear.scatter [tilespmem:s26], [sflag:$0x2], $0x2400, $0x38;
	[tilespmem:$0x1B0B0] =	vst v63  }
0x4f: {  	_ =	swait.ge [sflag:s23], $0x2400  }
0x50: {  	[sflag:s23] =	ssyncset.done $0x0  }
0x51: {  	s22 =	rddreg [dreg:$0x8];
	[sflag:s23] =	ssyncadd.s32 $0xFFFFDC00  }
0x52: {  	[spmem:s22] =	stream.linear.scatter [tilespmem:s26], [sflag:$0x2], $0x2400, $0x38;
	[tilespmem:$0x1B0B0] =	vst v63  }
0x53: {  	_ =	swait.ge [sflag:s23], $0x2400  }
0x54: {  	[sflag:s23] =	ssyncset.done $0x0  }
0x55: {  	[sflag:s23] =	ssyncadd.s32 $0xFFFFDC00  }
0x56: {  	[spmem:s13] =	stream.linear.scatter [tilespmem:s26], [sflag:$0x2], $0x2400, $0x38;
	[tilespmem:$0x1B0B0] =	vst v63  }
0x57: {  	_ =	swait.ge [sflag:s23], $0x2400  }
0x58: {  	[sflag:s23] =	ssyncset.done $0x0  }
0x59: {  	s16 =	simm.s32 @!p1 $0xD8B0;
	s18 =	simm.s32 @!p1 $0x2;
	[sflag:s23] =	ssyncadd.s32 $0xFFFFDC00  }
0x5a: {  	[spmem:s14] =	stream.linear.scatter @!p1 [tilespmem:s16], [sflag:$0x2], $0x2400, $0x38;
	[tilespmem:$0x1B0B0] =	vst v63  }
0x5b: {  	_ =	swait.ge @!p1 [sflag:s18], $0x2400  }
0x5c: {  	[sflag:s18] =	ssyncset.done @!p1 $0x0  }
0x5d: {  	[sflag:s18] =	ssyncadd.s32 @!p1 $0xFFFFDC00  }
0x5e: {  	[spmem:s15] =	stream.linear.scatter @!p1 [tilespmem:s16], [sflag:$0x2], $0x2400, $0x38;
	[tilespmem:$0x1B0B0] =	vst v63  }
.Ltmp3:
0x5f: {  	_ =	swait.ge @!p1 [sflag:s18], $0x2400;
	(pc) =	sbr.rel .LBB2_4-.Ltmp3, $4  }
0x60: {  	[sflag:s18] =	ssyncset.done @!p1 $0x0  }
0x61: {  	[sflag:s18] =	ssyncadd.s32 @!p1 $0xFFFFDC00  }
0x62: {  	[bflag:$0x0] =	sbarrier.arrive $0xFFFF  }
0x63: {  	s18 =	simm.s32 $0x0  }
.LBB2_8:
0x64: {  	s18 =	sadd.s32 $0x1, s18  }
0x65: {  	p2 =	sne.s32 s18, $0x9D  }
.Ltmp4:
0x66: {  	_ = 	snop;
	(pc) =	sbr.rel @!p2 .LBB2_9-.Ltmp4, $1  }
0x67: {  	_ =	sdelay $0x3  }
.LBB2_4:
0x68: {  	s16 =	sshll.u32 s18, $0x4  }
0x69: {  	s16 =	sor.u32 s6, s16  }
0x6a: {  	p2 =	sgt.u32 s16, $0x9C3  }
.Ltmp5:
0x6b: {  	_ = 	snop;
	(pc) =	sbr.rel @p2 .LBB2_8-.Ltmp5, $1  }
0x6c: {  	_ =	sdelay $0x3  }
0x6d: {  	s16 =	sshll.u32 s16, $0x4  }
0x6e: {  	s19 =	simm.s32 $0x0;
	s20 =	sadd.s32 s5, s16  }
0x6f: {  	[tilespmem:s28], [sflag:$0x3] =	stream.linear.gather [hbm4b:s20+s19], $0x80, $0x38;
	[tilespmem:$0x1B0B0] =	vst v63  }
0x70: {  	_ =	swait.ge [sflag:s29], $0x80  }
0x71: {  	[sflag:s29] =	ssyncset.done $0x0  }
0x72: {  	s16 =	sadd.s32 s1, s16;
	[sflag:s29] =	ssyncadd.s32 $0xFFFFFF80  }
0x73: {  	[tilespmem:s30], [sflag:$0x3] =	stream.linear.gather [hbm4b:s16+s19], $0x80, $0x38;
	[tilespmem:$0x1B0B0] =	vst v63  }
0x74: {  	_ =	swait.ge [sflag:s29], $0x80  }
0x75: {  	[sflag:s29] =	ssyncset.done $0x0  }
0x76: {  	[sflag:s29] =	ssyncadd.s32 $0xFFFFFF80  }
0x77: {  	v4 =	vld [tilespmem:$0x4E20]  }
0x78: {  	v5 =	vld [tilespmem:$0x4EA0];
	_ =	sdelay $0x6  }
0x79: {  	v6 =	vld.idx.msk [tilespmem:v4+s19+$0x0], $0xffff  }
0x7a: {  	v7 =	vld.idx.msk [tilespmem:v5+s24+$0x0], $0xffff;
	_ =	sdelay $0x4  }
0x7b: {  	v6 =	vadd.f32 v7, v6;
	_ =	sdelay $0x1  }
0x7c: {  	v7 =	vmul.f32 $2.000000030e-01, v6;
	_ =	sdelay $0x1  }
0x7d: {  	v6 =	vmax.f32 v6, v7  }
0x7e: {  	v6 =	vsub.f32 v6, v3;
	_ =	sdelay $0x1  }
0x7f: {  	v6 =	vmul.f32 $1.442695020e+00, v6;
	_ =	sdelay $0x1  }
0x80: {  	(erf) = vpow2.f32 v6;
	_ =	sdelay $0x2  }
0x81: {  	v44 =	vld [tilespmem:$0x4E30]  }
0x82: {  	v45 =	vld [tilespmem:$0x4EB0];
	_ =	sdelay $0x2  }
0x83: {  	vm0 =	vlt.u32 v5, $0x1388;
	v4 =	vadd.s32 v1, v4  }
0x84: {  	[tilespmem:$0x4F20] =	vst v4;
	v4 =	vnsel vm0, $0x13C4, v5  }
0x85: {  	[tilespmem:$0x4FA0] =	vst v4;
	v8 =	vpop (erf)  }
0x86: {  	[tilespmem:$0xD820] =	vst v8  }
0x87: {  	v4 =	vld.idx.msk [tilespmem:v44+s19+$0x0], $0xffff  }
0x88: {  	v5 =	vld.idx.msk [tilespmem:v45+s24+$0x0], $0xffff;
	_ =	sdelay $0x4  }
0x89: {  	v4 =	vadd.f32 v5, v4;
	_ =	sdelay $0x1  }
0x8a: {  	v5 =	vmul.f32 $2.000000030e-01, v4;
	_ =	sdelay $0x1  }
0x8b: {  	v4 =	vmax.f32 v4, v5  }
0x8c: {  	v4 =	vsub.f32 v4, v3;
	_ =	sdelay $0x1  }
0x8d: {  	v4 =	vmul.f32 $1.442695020e+00, v4;
	_ =	sdelay $0x1  }
0x8e: {  	(erf) = vpow2.f32 v4;
	_ =	sdelay $0x2  }
0x8f: {  	v4 =	vld [tilespmem:$0x4E40]  }
0x90: {  	v5 =	vld [tilespmem:$0x4EC0];
	_ =	sdelay $0x2  }
0x91: {  	vm9 =	vlt.u32 v45, $0x1388;
	v6 =	vadd.s32 v1, v44  }
0x92: {  	v47 =	vnsel vm9, $0x13C4, v45;
	[tilespmem:$0x4F30] =	vst v6  }
0x93: {  	[tilespmem:$0x4FB0] =	vst v47;
	v46 =	vpop (erf)  }
0x94: {  	[tilespmem:$0xD830] =	vst v46  }
0x95: {  	v6 =	vld.idx.msk [tilespmem:v4+s19+$0x0], $0xffff  }
0x96: {  	v48 =	vld.idx.msk [tilespmem:v5+s24+$0x0], $0xffff;
	_ =	sdelay $0x4  }
0x97: {  	v6 =	vadd.f32 v48, v6;
	_ =	sdelay $0x1  }
0x98: {  	v7 =	vmul.f32 $2.000000030e-01, v6;
	_ =	sdelay $0x1  }
0x99: {  	v6 =	vmax.f32 v6, v7  }
0x9a: {  	v6 =	vsub.f32 v6, v3;
	_ =	sdelay $0x1  }
0x9b: {  	v6 =	vmul.f32 $1.442695020e+00, v6;
	_ =	sdelay $0x1  }
0x9c: {  	(erf) = vpow2.f32 v6;
	_ =	sdelay $0x2  }
0x9d: {  	v49 =	vld [tilespmem:$0x4E50]  }
0x9e: {  	v50 =	vld [tilespmem:$0x4ED0];
	_ =	sdelay $0x2  }
0x9f: {  	vm10 =	vlt.u32 v5, $0x1388;
	v4 =	vadd.s32 v1, v4  }
0xa0: {  	[tilespmem:$0x4F40] =	vst v4;
	v4 =	vnsel vm10, $0x13C4, v5  }
0xa1: {  	[tilespmem:$0x4FC0] =	vst v4;
	v51 =	vpop (erf)  }
0xa2: {  	[tilespmem:$0xD840] =	vst v51  }
0xa3: {  	v4 =	vld.idx.msk [tilespmem:v49+s19+$0x0], $0xffff  }
0xa4: {  	v5 =	vld.idx.msk [tilespmem:v50+s24+$0x0], $0xffff;
	_ =	sdelay $0x4  }
0xa5: {  	v4 =	vadd.f32 v5, v4;
	_ =	sdelay $0x1  }
0xa6: {  	v5 =	vmul.f32 $2.000000030e-01, v4;
	_ =	sdelay $0x1  }
0xa7: {  	v4 =	vmax.f32 v4, v5  }
0xa8: {  	v4 =	vsub.f32 v4, v3;
	_ =	sdelay $0x1  }
0xa9: {  	v4 =	vmul.f32 $1.442695020e+00, v4;
	_ =	sdelay $0x1  }
0xaa: {  	(erf) = vpow2.f32 v4;
	_ =	sdelay $0x2  }
0xab: {  	v4 =	vld [tilespmem:$0x4E60]  }
0xac: {  	v5 =	vld [tilespmem:$0x4EE0];
	_ =	sdelay $0x2  }
0xad: {  	vm11 =	vlt.u32 v50, $0x1388;
	v6 =	vadd.s32 v1, v49  }
0xae: {  	v53 =	vnsel vm11, $0x13C4, v50;
	[tilespmem:$0x4F50] =	vst v6  }
0xaf: {  	[tilespmem:$0x4FD0] =	vst v53;
	v52 =	vpop (erf)  }
0xb0: {  	[tilespmem:$0xD850] =	vst v52  }
0xb1: {  	v6 =	vld.idx.msk [tilespmem:v4+s19+$0x0], $0xffff  }
0xb2: {  	v54 =	vld.idx.msk [tilespmem:v5+s24+$0x0], $0xffff;
	_ =	sdelay $0x4  }
0xb3: {  	v6 =	vadd.f32 v54, v6;
	_ =	sdelay $0x1  }
0xb4: {  	v7 =	vmul.f32 $2.000000030e-01, v6;
	_ =	sdelay $0x1  }
0xb5: {  	v6 =	vmax.f32 v6, v7  }
0xb6: {  	v6 =	vsub.f32 v6, v3;
	_ =	sdelay $0x1  }
0xb7: {  	v6 =	vmul.f32 $1.442695020e+00, v6;
	_ =	sdelay $0x1  }
0xb8: {  	(erf) = vpow2.f32 v6;
	_ =	sdelay $0x2  }
0xb9: {  	v55 =	vld [tilespmem:$0x4E70]  }
0xba: {  	v56 =	vld [tilespmem:$0x4EF0];
	_ =	sdelay $0x2  }
0xbb: {  	vm12 =	vlt.u32 v5, $0x1388;
	v4 =	vadd.s32 v1, v4  }
0xbc: {  	[tilespmem:$0x4F60] =	vst v4;
	v4 =	vnsel vm12, $0x13C4, v5  }
0xbd: {  	[tilespmem:$0x4FE0] =	vst v4;
	v57 =	vpop (erf)  }
0xbe: {  	[tilespmem:$0xD860] =	vst v57  }
0xbf: {  	v4 =	vld.idx.msk [tilespmem:v55+s19+$0x0], $0xffff  }
0xc0: {  	v5 =	vld.idx.msk [tilespmem:v56+s24+$0x0], $0xffff;
	_ =	sdelay $0x4  }
0xc1: {  	v4 =	vadd.f32 v5, v4;
	_ =	sdelay $0x1  }
0xc2: {  	v5 =	vmul.f32 $2.000000030e-01, v4;
	_ =	sdelay $0x1  }
0xc3: {  	v4 =	vmax.f32 v4, v5  }
0xc4: {  	v4 =	vsub.f32 v4, v3;
	_ =	sdelay $0x1  }
0xc5: {  	v4 =	vmul.f32 $1.442695020e+00, v4;
	_ =	sdelay $0x1  }
0xc6: {  	(erf) = vpow2.f32 v4;
	_ =	sdelay $0x2  }
0xc7: {  	v4 =	vld [tilespmem:$0x4E80]  }
0xc8: {  	v5 =	vld [tilespmem:$0x4F00];
	_ =	sdelay $0x2  }
0xc9: {  	vm13 =	vlt.u32 v56, $0x1388;
	v6 =	vadd.s32 v1, v55  }
0xca: {  	v59 =	vnsel vm13, $0x13C4, v56;
	[tilespmem:$0x4F70] =	vst v6  }
0xcb: {  	[tilespmem:$0x4FF0] =	vst v59;
	v58 =	vpop (erf)  }
0xcc: {  	[tilespmem:$0xD870] =	vst v58  }
0xcd: {  	v6 =	vld.idx.msk [tilespmem:v4+s19+$0x0], $0xffff  }
0xce: {  	v60 =	vld.idx.msk [tilespmem:v5+s24+$0x0], $0xffff;
	_ =	sdelay $0x4  }
0xcf: {  	v6 =	vadd.f32 v60, v6;
	_ =	sdelay $0x1  }
0xd0: {  	v7 =	vmul.f32 $2.000000030e-01, v6;
	_ =	sdelay $0x1  }
0xd1: {  	v6 =	vmax.f32 v6, v7  }
0xd2: {  	v6 =	vsub.f32 v6, v3;
	_ =	sdelay $0x1  }
0xd3: {  	v6 =	vmul.f32 $1.442695020e+00, v6;
	_ =	sdelay $0x1  }
0xd4: {  	(erf) = vpow2.f32 v6;
	_ =	sdelay $0x2  }
0xd5: {  	v61 =	vld [tilespmem:$0x4E90]  }
0xd6: {  	v62 =	vld [tilespmem:$0x4F10];
	_ =	sdelay $0x2  }
0xd7: {  	vm14 =	vlt.u32 v5, $0x1388;
	v4 =	vadd.s32 v1, v4  }
0xd8: {  	[tilespmem:$0x4F80] =	vst v4;
	v4 =	vnsel vm14, $0x13C4, v5  }
0xd9: {  	[tilespmem:$0x5000] =	vst v4;
	v63 =	vpop (erf)  }
0xda: {  	[tilespmem:$0xD880] =	vst v63  }
0xdb: {  	v4 =	vld.idx.msk [tilespmem:v61+s19+$0x0], $0xffff  }
0xdc: {  	v5 =	vld.idx.msk [tilespmem:v62+s24+$0x0], $0xffff;
	_ =	sdelay $0x4  }
0xdd: {  	v4 =	vadd.f32 v5, v4;
	_ =	sdelay $0x1  }
0xde: {  	v5 =	vmul.f32 $2.000000030e-01, v4;
	_ =	sdelay $0x1  }
0xdf: {  	v4 =	vmax.f32 v4, v5  }
0xe0: {  	v4 =	vsub.f32 v4, v3;
	_ =	sdelay $0x1  }
0xe1: {  	v4 =	vmul.f32 $1.442695020e+00, v4;
	_ =	sdelay $0x1  }
0xe2: {  	(erf) = vpow2.f32 v4;
	_ =	sdelay $0x8  }
0xe3: {  	v4 =	vpop (erf)  }
0xe4: {  	vm15 =	vlt.u32 v62, $0x1388;
	[tilespmem:$0xD890] =	vst v4;
	v4 =	vadd.s32 v1, v61  }
0xe5: {  	[tilespmem:$0x4F90] =	vst v4;
	v4 =	vnsel vm15, $0x13C4, v62  }
0xe6: {  	[tilespmem:$0x5010] =	vst v4  }
0xe7: {  	[tilespmem:s25], [sflag:$0x1] =	stream.indirect.gather [hbm4b:s4+s31], $0x80, s0, s31, $0xb8;
	[tilespmem:$0x1B0B0] =	vst v63  }
0xe8: {  	_ =	swait.ge [sflag:s7], $0x4000  }
0xe9: {  	[sflag:s7] =	ssyncset.done $0x0  }
0xea: {  	[sflag:s7] =	ssyncadd.s32 $0xFFFFC000  }
.LBB2_6:
0xeb: {  	s20 =	sshll.u32 s19, $0x4  }
0xec: {  	s16 =	sshll.u32 s19, $0xB;
	v4 =	vld [tilespmem:s20+$0xD820]  }
0xed: {  	s16 =	sand.u32 $0x3FFFF800, s16  }
0xee: {  	v5 =	vld [tilespmem:s16+$0x5020];
	_ =	sdelay $0x2  }
0xef: {  	v6 =	vbroadcast v4, $0x0  }
0xf0: {  	s21 =	smul.u32 $0x2400, s19  }
0xf1: {  	v5 =	vmul.f32 v6, v5  }
0xf2: {  	s21 =	sshra.s32 s21, $0x2  }
0xf3: {  	[tilespmem:s21+$0x9020] =	vst v5  }
0xf4: {  	v5 =	vld [tilespmem:s16+$0x5030];
	_ =	sdelay $0x4  }
0xf5: {  	v5 =	vmul.f32 v5, v6;
	_ =	sdelay $0x1  }
0xf6: {  	[tilespmem:s21+$0x9030] =	vst v5  }
0xf7: {  	v5 =	vld [tilespmem:s16+$0x5040];
	_ =	sdelay $0x4  }
0xf8: {  	v5 =	vmul.f32 v5, v6;
	_ =	sdelay $0x1  }
0xf9: {  	[tilespmem:s21+$0x9040] =	vst v5  }
0xfa: {  	v5 =	vld [tilespmem:s16+$0x5050];
	_ =	sdelay $0x4  }
0xfb: {  	v5 =	vmul.f32 v5, v6;
	_ =	sdelay $0x1  }
0xfc: {  	[tilespmem:s21+$0x9050] =	vst v5  }
0xfd: {  	v5 =	vld [tilespmem:s16+$0x5060];
	_ =	sdelay $0x4  }
0xfe: {  	v5 =	vmul.f32 v5, v6;
	_ =	sdelay $0x1  }
0xff: {  	[tilespmem:s21+$0x9060] =	vst v5  }
0x100: {  	v5 =	vld [tilespmem:s16+$0x5070];
	_ =	sdelay $0x4  }
0x101: {  	v5 =	vmul.f32 v5, v6;
	_ =	sdelay $0x1  }
0x102: {  	[tilespmem:s21+$0x9070] =	vst v5  }
0x103: {  	v5 =	vld [tilespmem:s16+$0x5080];
	_ =	sdelay $0x4  }
0x104: {  	v5 =	vmul.f32 v5, v6;
	_ =	sdelay $0x1  }
0x105: {  	[tilespmem:s21+$0x9080] =	vst v5  }
0x106: {  	v5 =	vld [tilespmem:s16+$0x5090];
	_ =	sdelay $0x4  }
0x107: {  	v5 =	vmul.f32 v5, v6  }
0x108: {  	s12 =	sor.u32 $0x1, s20;
	v6 =	vmul.f32 v2, v6  }
0x109: {  	s22 =	sshll.u32 s12, $0x7;
	[tilespmem:s21+$0x9090] =	vst v5  }
0x10a: {  	s3 =	sand.u32 $0x3FFFF880, s22;
	[tilespmem:s21+$0x90A0] =	vst v6  }
0x10b: {  	v5 =	vld [tilespmem:s3+$0x5020];
	_ =	sdelay $0x2  }
0x10c: {  	v50 =	vbroadcast v4, $0x1  }
0x10d: {  	s16 =	smul.u32 $0x240, s12  }
0x10e: {  	v5 =	vmul.f32 v5, v50  }
0x10f: {  	s16 =	sshra.s32 s16, $0x2  }
0x110: {  	[tilespmem:s16+$0x9020] =	vst v5  }
0x111: {  	v5 =	vld [tilespmem:s3+$0x5030];
	_ =	sdelay $0x4  }
0x112: {  	v5 =	vmul.f32 v5, v50;
	_ =	sdelay $0x1  }
0x113: {  	[tilespmem:s16+$0x9030] =	vst v5  }
0x114: {  	v5 =	vld [tilespmem:s3+$0x5040];
	_ =	sdelay $0x4  }
0x115: {  	v5 =	vmul.f32 v5, v50;
	_ =	sdelay $0x1  }
0x116: {  	[tilespmem:s16+$0x9040] =	vst v5  }
0x117: {  	v5 =	vld [tilespmem:s3+$0x5050];
	_ =	sdelay $0x4  }
0x118: {  	v5 =	vmul.f32 v5, v50;
	_ =	sdelay $0x1  }
0x119: {  	[tilespmem:s16+$0x9050] =	vst v5  }
0x11a: {  	v5 =	vld [tilespmem:s3+$0x5060];
	_ =	sdelay $0x4  }
0x11b: {  	v5 =	vmul.f32 v5, v50;
	_ =	sdelay $0x1  }
0x11c: {  	[tilespmem:s16+$0x9060] =	vst v5  }
0x11d: {  	v5 =	vld [tilespmem:s3+$0x5070];
	_ =	sdelay $0x4  }
0x11e: {  	v5 =	vmul.f32 v5, v50;
	_ =	sdelay $0x1  }
0x11f: {  	[tilespmem:s16+$0x9070] =	vst v5  }
0x120: {  	v5 =	vld [tilespmem:s3+$0x5080];
	_ =	sdelay $0x4  }
0x121: {  	v5 =	vmul.f32 v5, v50;
	_ =	sdelay $0x1  }
0x122: {  	[tilespmem:s16+$0x9080] =	vst v5  }
0x123: {  	v5 =	vld [tilespmem:s3+$0x5090];
	_ =	sdelay $0x3  }
0x124: {  	v6 =	vmul.f32 v2, v50  }
0x125: {  	s11 =	sor.u32 $0x2, s20;
	v5 =	vmul.f32 v5, v50  }
0x126: {  	s12 =	sshll.u32 s11, $0x7;
	[tilespmem:s16+$0x90A0] =	vst v6  }
0x127: {  	s3 =	sand.u32 $0x3FFFF900, s12;
	[tilespmem:s16+$0x9090] =	vst v5  }
0x128: {  	v5 =	vld [tilespmem:s3+$0x5020];
	_ =	sdelay $0x2  }
0x129: {  	v51 =	vbroadcast v4, $0x2  }
0x12a: {  	s21 =	smul.u32 $0x240, s11  }
0x12b: {  	v5 =	vmul.f32 v5, v51  }
0x12c: {  	s21 =	sshra.s32 s21, $0x2  }
0x12d: {  	[tilespmem:s21+$0x9020] =	vst v5  }
0x12e: {  	v5 =	vld [tilespmem:s3+$0x5030];
	_ =	sdelay $0x4  }
0x12f: {  	v5 =	vmul.f32 v5, v51;
	_ =	sdelay $0x1  }
0x130: {  	[tilespmem:s21+$0x9030] =	vst v5  }
0x131: {  	v5 =	vld [tilespmem:s3+$0x5040];
	_ =	sdelay $0x4  }
0x132: {  	v5 =	vmul.f32 v5, v51;
	_ =	sdelay $0x1  }
0x133: {  	[tilespmem:s21+$0x9040] =	vst v5  }
0x134: {  	v5 =	vld [tilespmem:s3+$0x5050];
	_ =	sdelay $0x4  }
0x135: {  	v5 =	vmul.f32 v5, v51;
	_ =	sdelay $0x1  }
0x136: {  	[tilespmem:s21+$0x9050] =	vst v5  }
0x137: {  	v5 =	vld [tilespmem:s3+$0x5060];
	_ =	sdelay $0x4  }
0x138: {  	v5 =	vmul.f32 v5, v51;
	_ =	sdelay $0x1  }
0x139: {  	[tilespmem:s21+$0x9060] =	vst v5  }
0x13a: {  	v5 =	vld [tilespmem:s3+$0x5070];
	_ =	sdelay $0x4  }
0x13b: {  	v5 =	vmul.f32 v5, v51;
	_ =	sdelay $0x1  }
0x13c: {  	[tilespmem:s21+$0x9070] =	vst v5  }
0x13d: {  	v5 =	vld [tilespmem:s3+$0x5080];
	_ =	sdelay $0x4  }
0x13e: {  	v5 =	vmul.f32 v5, v51;
	_ =	sdelay $0x1  }
0x13f: {  	[tilespmem:s21+$0x9080] =	vst v5  }
0x140: {  	v5 =	vld [tilespmem:s3+$0x5090];
	_ =	sdelay $0x3  }
0x141: {  	v6 =	vmul.f32 v2, v51  }
0x142: {  	s11 =	sor.u32 $0x3, s20;
	v5 =	vmul.f32 v5, v51  }
0x143: {  	s12 =	sshll.u32 s11, $0x7;
	[tilespmem:s21+$0x90A0] =	vst v6  }
0x144: {  	s3 =	sand.u32 $0x3FFFF980, s12;
	[tilespmem:s21+$0x9090] =	vst v5  }
0x145: {  	v5 =	vld [tilespmem:s3+$0x5020];
	_ =	sdelay $0x2  }
0x146: {  	v52 =	vbroadcast v4, $0x3  }
0x147: {  	s16 =	smul.u32 $0x240, s11  }
0x148: {  	v5 =	vmul.f32 v5, v52  }
0x149: {  	s16 =	sshra.s32 s16, $0x2  }
0x14a: {  	[tilespmem:s16+$0x9020] =	vst v5  }
0x14b: {  	v5 =	vld [tilespmem:s3+$0x5030];
	_ =	sdelay $0x4  }
0x14c: {  	v5 =	vmul.f32 v5, v52;
	_ =	sdelay $0x1  }
0x14d: {  	[tilespmem:s16+$0x9030] =	vst v5  }
0x14e: {  	v5 =	vld [tilespmem:s3+$0x5040];
	_ =	sdelay $0x4  }
0x14f: {  	v5 =	vmul.f32 v5, v52;
	_ =	sdelay $0x1  }
0x150: {  	[tilespmem:s16+$0x9040] =	vst v5  }
0x151: {  	v5 =	vld [tilespmem:s3+$0x5050];
	_ =	sdelay $0x4  }
0x152: {  	v5 =	vmul.f32 v5, v52;
	_ =	sdelay $0x1  }
0x153: {  	[tilespmem:s16+$0x9050] =	vst v5  }
0x154: {  	v5 =	vld [tilespmem:s3+$0x5060];
	_ =	sdelay $0x4  }
0x155: {  	v5 =	vmul.f32 v5, v52;
	_ =	sdelay $0x1  }
0x156: {  	[tilespmem:s16+$0x9060] =	vst v5  }
0x157: {  	v5 =	vld [tilespmem:s3+$0x5070];
	_ =	sdelay $0x4  }
0x158: {  	v5 =	vmul.f32 v5, v52;
	_ =	sdelay $0x1  }
0x159: {  	[tilespmem:s16+$0x9070] =	vst v5  }
0x15a: {  	v5 =	vld [tilespmem:s3+$0x5080];
	_ =	sdelay $0x4  }
0x15b: {  	v5 =	vmul.f32 v5, v52;
	_ =	sdelay $0x1  }
0x15c: {  	[tilespmem:s16+$0x9080] =	vst v5  }
0x15d: {  	v5 =	vld [tilespmem:s3+$0x5090];
	_ =	sdelay $0x3  }
0x15e: {  	v6 =	vmul.f32 v2, v52  }
0x15f: {  	s11 =	sor.u32 $0x4, s20;
	v5 =	vmul.f32 v5, v52  }
0x160: {  	s12 =	sshll.u32 s11, $0x7;
	[tilespmem:s16+$0x90A0] =	vst v6  }
0x161: {  	s3 =	sand.u32 $0x3FFFFA00, s12;
	[tilespmem:s16+$0x9090] =	vst v5  }
0x162: {  	v5 =	vld [tilespmem:s3+$0x5020];
	_ =	sdelay $0x2  }
0x163: {  	v53 =	vbroadcast v4, $0x4  }
0x164: {  	s21 =	smul.u32 $0x240, s11  }
0x165: {  	v5 =	vmul.f32 v5, v53  }
0x166: {  	s21 =	sshra.s32 s21, $0x2  }
0x167: {  	[tilespmem:s21+$0x9020] =	vst v5  }
0x168: {  	v5 =	vld [tilespmem:s3+$0x5030];
	_ =	sdelay $0x4  }
0x169: {  	v5 =	vmul.f32 v5, v53;
	_ =	sdelay $0x1  }
0x16a: {  	[tilespmem:s21+$0x9030] =	vst v5  }
0x16b: {  	v5 =	vld [tilespmem:s3+$0x5040];
	_ =	sdelay $0x4  }
0x16c: {  	v5 =	vmul.f32 v5, v53;
	_ =	sdelay $0x1  }
0x16d: {  	[tilespmem:s21+$0x9040] =	vst v5  }
0x16e: {  	v5 =	vld [tilespmem:s3+$0x5050];
	_ =	sdelay $0x4  }
0x16f: {  	v5 =	vmul.f32 v5, v53;
	_ =	sdelay $0x1  }
0x170: {  	[tilespmem:s21+$0x9050] =	vst v5  }
0x171: {  	v5 =	vld [tilespmem:s3+$0x5060];
	_ =	sdelay $0x4  }
0x172: {  	v5 =	vmul.f32 v5, v53;
	_ =	sdelay $0x1  }
0x173: {  	[tilespmem:s21+$0x9060] =	vst v5  }
0x174: {  	v5 =	vld [tilespmem:s3+$0x5070];
	_ =	sdelay $0x4  }
0x175: {  	v5 =	vmul.f32 v5, v53;
	_ =	sdelay $0x1  }
0x176: {  	[tilespmem:s21+$0x9070] =	vst v5  }
0x177: {  	v5 =	vld [tilespmem:s3+$0x5080];
	_ =	sdelay $0x4  }
0x178: {  	v5 =	vmul.f32 v5, v53;
	_ =	sdelay $0x1  }
0x179: {  	[tilespmem:s21+$0x9080] =	vst v5  }
0x17a: {  	v5 =	vld [tilespmem:s3+$0x5090];
	_ =	sdelay $0x3  }
0x17b: {  	v6 =	vmul.f32 v2, v53  }
0x17c: {  	s11 =	sor.u32 $0x5, s20;
	v5 =	vmul.f32 v5, v53  }
0x17d: {  	s12 =	sshll.u32 s11, $0x7;
	[tilespmem:s21+$0x90A0] =	vst v6  }
0x17e: {  	s3 =	sand.u32 $0x3FFFFA80, s12;
	[tilespmem:s21+$0x9090] =	vst v5  }
0x17f: {  	v5 =	vld [tilespmem:s3+$0x5020];
	_ =	sdelay $0x2  }
0x180: {  	v54 =	vbroadcast v4, $0x5  }
0x181: {  	s16 =	smul.u32 $0x240, s11  }
0x182: {  	v5 =	vmul.f32 v5, v54  }
0x183: {  	s16 =	sshra.s32 s16, $0x2  }
0x184: {  	[tilespmem:s16+$0x9020] =	vst v5  }
0x185: {  	v5 =	vld [tilespmem:s3+$0x5030];
	_ =	sdelay $0x4  }
0x186: {  	v5 =	vmul.f32 v5, v54;
	_ =	sdelay $0x1  }
0x187: {  	[tilespmem:s16+$0x9030] =	vst v5  }
0x188: {  	v5 =	vld [tilespmem:s3+$0x5040];
	_ =	sdelay $0x4  }
0x189: {  	v5 =	vmul.f32 v5, v54;
	_ =	sdelay $0x1  }
0x18a: {  	[tilespmem:s16+$0x9040] =	vst v5  }
0x18b: {  	v5 =	vld [tilespmem:s3+$0x5050];
	_ =	sdelay $0x4  }
0x18c: {  	v5 =	vmul.f32 v5, v54;
	_ =	sdelay $0x1  }
0x18d: {  	[tilespmem:s16+$0x9050] =	vst v5  }
0x18e: {  	v5 =	vld [tilespmem:s3+$0x5060];
	_ =	sdelay $0x4  }
0x18f: {  	v5 =	vmul.f32 v5, v54;
	_ =	sdelay $0x1  }
0x190: {  	[tilespmem:s16+$0x9060] =	vst v5  }
0x191: {  	v5 =	vld [tilespmem:s3+$0x5070];
	_ =	sdelay $0x4  }
0x192: {  	v5 =	vmul.f32 v5, v54;
	_ =	sdelay $0x1  }
0x193: {  	[tilespmem:s16+$0x9070] =	vst v5  }
0x194: {  	v5 =	vld [tilespmem:s3+$0x5080];
	_ =	sdelay $0x4  }
0x195: {  	v5 =	vmul.f32 v5, v54;
	_ =	sdelay $0x1  }
0x196: {  	[tilespmem:s16+$0x9080] =	vst v5  }
0x197: {  	v5 =	vld [tilespmem:s3+$0x5090];
	_ =	sdelay $0x3  }
0x198: {  	v6 =	vmul.f32 v2, v54  }
0x199: {  	s11 =	sor.u32 $0x6, s20;
	v5 =	vmul.f32 v5, v54  }
0x19a: {  	s12 =	sshll.u32 s11, $0x7;
	[tilespmem:s16+$0x90A0] =	vst v6  }
0x19b: {  	s3 =	sand.u32 $0x3FFFFB00, s12;
	[tilespmem:s16+$0x9090] =	vst v5  }
0x19c: {  	v5 =	vld [tilespmem:s3+$0x5020];
	_ =	sdelay $0x2  }
0x19d: {  	v55 =	vbroadcast v4, $0x6  }
0x19e: {  	s21 =	smul.u32 $0x240, s11  }
0x19f: {  	v5 =	vmul.f32 v5, v55  }
0x1a0: {  	s21 =	sshra.s32 s21, $0x2  }
0x1a1: {  	[tilespmem:s21+$0x9020] =	vst v5  }
0x1a2: {  	v5 =	vld [tilespmem:s3+$0x5030];
	_ =	sdelay $0x4  }
0x1a3: {  	v5 =	vmul.f32 v5, v55;
	_ =	sdelay $0x1  }
0x1a4: {  	[tilespmem:s21+$0x9030] =	vst v5  }
0x1a5: {  	v5 =	vld [tilespmem:s3+$0x5040];
	_ =	sdelay $0x4  }
0x1a6: {  	v5 =	vmul.f32 v5, v55;
	_ =	sdelay $0x1  }
0x1a7: {  	[tilespmem:s21+$0x9040] =	vst v5  }
0x1a8: {  	v5 =	vld [tilespmem:s3+$0x5050];
	_ =	sdelay $0x4  }
0x1a9: {  	v5 =	vmul.f32 v5, v55;
	_ =	sdelay $0x1  }
0x1aa: {  	[tilespmem:s21+$0x9050] =	vst v5  }
0x1ab: {  	v5 =	vld [tilespmem:s3+$0x5060];
	_ =	sdelay $0x4  }
0x1ac: {  	v5 =	vmul.f32 v5, v55;
	_ =	sdelay $0x1  }
0x1ad: {  	[tilespmem:s21+$0x9060] =	vst v5  }
0x1ae: {  	v5 =	vld [tilespmem:s3+$0x5070];
	_ =	sdelay $0x4  }
0x1af: {  	v5 =	vmul.f32 v5, v55;
	_ =	sdelay $0x1  }
0x1b0: {  	[tilespmem:s21+$0x9070] =	vst v5  }
0x1b1: {  	v5 =	vld [tilespmem:s3+$0x5080];
	_ =	sdelay $0x4  }
0x1b2: {  	v5 =	vmul.f32 v5, v55;
	_ =	sdelay $0x1  }
0x1b3: {  	[tilespmem:s21+$0x9080] =	vst v5  }
0x1b4: {  	v5 =	vld [tilespmem:s3+$0x5090];
	_ =	sdelay $0x3  }
0x1b5: {  	v6 =	vmul.f32 v2, v55  }
0x1b6: {  	s11 =	sor.u32 $0x7, s20;
	v5 =	vmul.f32 v5, v55  }
0x1b7: {  	s12 =	sshll.u32 s11, $0x7;
	[tilespmem:s21+$0x90A0] =	vst v6  }
0x1b8: {  	s3 =	sand.u32 $0x3FFFFB80, s12;
	[tilespmem:s21+$0x9090] =	vst v5  }
0x1b9: {  	v5 =	vld [tilespmem:s3+$0x5020];
	_ =	sdelay $0x2  }
0x1ba: {  	v56 =	vbroadcast v4, $0x7  }
0x1bb: {  	s16 =	smul.u32 $0x240, s11  }
0x1bc: {  	v5 =	vmul.f32 v5, v56  }
0x1bd: {  	s16 =	sshra.s32 s16, $0x2  }
0x1be: {  	[tilespmem:s16+$0x9020] =	vst v5  }
0x1bf: {  	v5 =	vld [tilespmem:s3+$0x5030];
	_ =	sdelay $0x4  }
0x1c0: {  	v5 =	vmul.f32 v5, v56;
	_ =	sdelay $0x1  }
0x1c1: {  	[tilespmem:s16+$0x9030] =	vst v5  }
0x1c2: {  	v5 =	vld [tilespmem:s3+$0x5040];
	_ =	sdelay $0x4  }
0x1c3: {  	v5 =	vmul.f32 v5, v56;
	_ =	sdelay $0x1  }
0x1c4: {  	[tilespmem:s16+$0x9040] =	vst v5  }
0x1c5: {  	v5 =	vld [tilespmem:s3+$0x5050];
	_ =	sdelay $0x4  }
0x1c6: {  	v5 =	vmul.f32 v5, v56;
	_ =	sdelay $0x1  }
0x1c7: {  	[tilespmem:s16+$0x9050] =	vst v5  }
0x1c8: {  	v5 =	vld [tilespmem:s3+$0x5060];
	_ =	sdelay $0x4  }
0x1c9: {  	v5 =	vmul.f32 v5, v56;
	_ =	sdelay $0x1  }
0x1ca: {  	[tilespmem:s16+$0x9060] =	vst v5  }
0x1cb: {  	v5 =	vld [tilespmem:s3+$0x5070];
	_ =	sdelay $0x4  }
0x1cc: {  	v5 =	vmul.f32 v5, v56;
	_ =	sdelay $0x1  }
0x1cd: {  	[tilespmem:s16+$0x9070] =	vst v5  }
0x1ce: {  	v5 =	vld [tilespmem:s3+$0x5080];
	_ =	sdelay $0x4  }
0x1cf: {  	v5 =	vmul.f32 v5, v56;
	_ =	sdelay $0x1  }
0x1d0: {  	[tilespmem:s16+$0x9080] =	vst v5  }
0x1d1: {  	v5 =	vld [tilespmem:s3+$0x5090];
	_ =	sdelay $0x3  }
0x1d2: {  	v6 =	vmul.f32 v2, v56  }
0x1d3: {  	s11 =	sor.u32 $0x8, s20;
	v5 =	vmul.f32 v5, v56  }
0x1d4: {  	s12 =	sshll.u32 s11, $0x7;
	[tilespmem:s16+$0x90A0] =	vst v6  }
0x1d5: {  	s3 =	sand.u32 $0x3FFFFC00, s12;
	[tilespmem:s16+$0x9090] =	vst v5  }
0x1d6: {  	v5 =	vld [tilespmem:s3+$0x5020];
	_ =	sdelay $0x2  }
0x1d7: {  	v57 =	vbroadcast v4, $0x8  }
0x1d8: {  	s21 =	smul.u32 $0x240, s11  }
0x1d9: {  	v5 =	vmul.f32 v5, v57  }
0x1da: {  	s21 =	sshra.s32 s21, $0x2  }
0x1db: {  	[tilespmem:s21+$0x9020] =	vst v5  }
0x1dc: {  	v5 =	vld [tilespmem:s3+$0x5030];
	_ =	sdelay $0x4  }
0x1dd: {  	v5 =	vmul.f32 v5, v57;
	_ =	sdelay $0x1  }
0x1de: {  	[tilespmem:s21+$0x9030] =	vst v5  }
0x1df: {  	v5 =	vld [tilespmem:s3+$0x5040];
	_ =	sdelay $0x4  }
0x1e0: {  	v5 =	vmul.f32 v5, v57;
	_ =	sdelay $0x1  }
0x1e1: {  	[tilespmem:s21+$0x9040] =	vst v5  }
0x1e2: {  	v5 =	vld [tilespmem:s3+$0x5050];
	_ =	sdelay $0x4  }
0x1e3: {  	v5 =	vmul.f32 v5, v57;
	_ =	sdelay $0x1  }
0x1e4: {  	[tilespmem:s21+$0x9050] =	vst v5  }
0x1e5: {  	v5 =	vld [tilespmem:s3+$0x5060];
	_ =	sdelay $0x4  }
0x1e6: {  	v5 =	vmul.f32 v5, v57;
	_ =	sdelay $0x1  }
0x1e7: {  	[tilespmem:s21+$0x9060] =	vst v5  }
0x1e8: {  	v5 =	vld [tilespmem:s3+$0x5070];
	_ =	sdelay $0x4  }
0x1e9: {  	v5 =	vmul.f32 v5, v57;
	_ =	sdelay $0x1  }
0x1ea: {  	[tilespmem:s21+$0x9070] =	vst v5  }
0x1eb: {  	v5 =	vld [tilespmem:s3+$0x5080];
	_ =	sdelay $0x4  }
0x1ec: {  	v5 =	vmul.f32 v5, v57;
	_ =	sdelay $0x1  }
0x1ed: {  	[tilespmem:s21+$0x9080] =	vst v5  }
0x1ee: {  	v5 =	vld [tilespmem:s3+$0x5090];
	_ =	sdelay $0x3  }
0x1ef: {  	v6 =	vmul.f32 v2, v57  }
0x1f0: {  	s11 =	sor.u32 $0x9, s20;
	v5 =	vmul.f32 v5, v57  }
0x1f1: {  	s12 =	sshll.u32 s11, $0x7;
	[tilespmem:s21+$0x90A0] =	vst v6  }
0x1f2: {  	s3 =	sand.u32 $0x3FFFFC80, s12;
	[tilespmem:s21+$0x9090] =	vst v5  }
0x1f3: {  	v5 =	vld [tilespmem:s3+$0x5020];
	_ =	sdelay $0x2  }
0x1f4: {  	v58 =	vbroadcast v4, $0x9  }
0x1f5: {  	s16 =	smul.u32 $0x240, s11  }
0x1f6: {  	v5 =	vmul.f32 v5, v58  }
0x1f7: {  	s16 =	sshra.s32 s16, $0x2  }
0x1f8: {  	[tilespmem:s16+$0x9020] =	vst v5  }
0x1f9: {  	v5 =	vld [tilespmem:s3+$0x5030];
	_ =	sdelay $0x4  }
0x1fa: {  	v5 =	vmul.f32 v5, v58;
	_ =	sdelay $0x1  }
0x1fb: {  	[tilespmem:s16+$0x9030] =	vst v5  }
0x1fc: {  	v5 =	vld [tilespmem:s3+$0x5040];
	_ =	sdelay $0x4  }
0x1fd: {  	v5 =	vmul.f32 v5, v58;
	_ =	sdelay $0x1  }
0x1fe: {  	[tilespmem:s16+$0x9040] =	vst v5  }
0x1ff: {  	v5 =	vld [tilespmem:s3+$0x5050];
	_ =	sdelay $0x4  }
0x200: {  	v5 =	vmul.f32 v5, v58;
	_ =	sdelay $0x1  }
0x201: {  	[tilespmem:s16+$0x9050] =	vst v5  }
0x202: {  	v5 =	vld [tilespmem:s3+$0x5060];
	_ =	sdelay $0x4  }
0x203: {  	v5 =	vmul.f32 v5, v58;
	_ =	sdelay $0x1  }
0x204: {  	[tilespmem:s16+$0x9060] =	vst v5  }
0x205: {  	v5 =	vld [tilespmem:s3+$0x5070];
	_ =	sdelay $0x4  }
0x206: {  	v5 =	vmul.f32 v5, v58;
	_ =	sdelay $0x1  }
0x207: {  	[tilespmem:s16+$0x9070] =	vst v5  }
0x208: {  	v5 =	vld [tilespmem:s3+$0x5080];
	_ =	sdelay $0x4  }
0x209: {  	v5 =	vmul.f32 v5, v58;
	_ =	sdelay $0x1  }
0x20a: {  	[tilespmem:s16+$0x9080] =	vst v5  }
0x20b: {  	v5 =	vld [tilespmem:s3+$0x5090];
	_ =	sdelay $0x3  }
0x20c: {  	v6 =	vmul.f32 v2, v58  }
0x20d: {  	s11 =	sor.u32 $0xA, s20;
	v5 =	vmul.f32 v5, v58  }
0x20e: {  	s12 =	sshll.u32 s11, $0x7;
	[tilespmem:s16+$0x90A0] =	vst v6  }
0x20f: {  	s3 =	sand.u32 $0x3FFFFD00, s12;
	[tilespmem:s16+$0x9090] =	vst v5  }
0x210: {  	v5 =	vld [tilespmem:s3+$0x5020];
	_ =	sdelay $0x2  }
0x211: {  	v59 =	vbroadcast v4, $0xA  }
0x212: {  	s21 =	smul.u32 $0x240, s11  }
0x213: {  	v5 =	vmul.f32 v5, v59  }
0x214: {  	s21 =	sshra.s32 s21, $0x2  }
0x215: {  	[tilespmem:s21+$0x9020] =	vst v5  }
0x216: {  	v5 =	vld [tilespmem:s3+$0x5030];
	_ =	sdelay $0x4  }
0x217: {  	v5 =	vmul.f32 v5, v59;
	_ =	sdelay $0x1  }
0x218: {  	[tilespmem:s21+$0x9030] =	vst v5  }
0x219: {  	v5 =	vld [tilespmem:s3+$0x5040];
	_ =	sdelay $0x4  }
0x21a: {  	v5 =	vmul.f32 v5, v59;
	_ =	sdelay $0x1  }
0x21b: {  	[tilespmem:s21+$0x9040] =	vst v5  }
0x21c: {  	v5 =	vld [tilespmem:s3+$0x5050];
	_ =	sdelay $0x4  }
0x21d: {  	v5 =	vmul.f32 v5, v59;
	_ =	sdelay $0x1  }
0x21e: {  	[tilespmem:s21+$0x9050] =	vst v5  }
0x21f: {  	v5 =	vld [tilespmem:s3+$0x5060];
	_ =	sdelay $0x4  }
0x220: {  	v5 =	vmul.f32 v5, v59;
	_ =	sdelay $0x1  }
0x221: {  	[tilespmem:s21+$0x9060] =	vst v5  }
0x222: {  	v5 =	vld [tilespmem:s3+$0x5070];
	_ =	sdelay $0x4  }
0x223: {  	v5 =	vmul.f32 v5, v59;
	_ =	sdelay $0x1  }
0x224: {  	[tilespmem:s21+$0x9070] =	vst v5  }
0x225: {  	v5 =	vld [tilespmem:s3+$0x5080];
	_ =	sdelay $0x4  }
0x226: {  	v5 =	vmul.f32 v5, v59;
	_ =	sdelay $0x1  }
0x227: {  	[tilespmem:s21+$0x9080] =	vst v5  }
0x228: {  	v5 =	vld [tilespmem:s3+$0x5090];
	_ =	sdelay $0x3  }
0x229: {  	v6 =	vmul.f32 v2, v59  }
0x22a: {  	s11 =	sor.u32 $0xB, s20;
	v5 =	vmul.f32 v5, v59  }
0x22b: {  	s12 =	sshll.u32 s11, $0x7;
	[tilespmem:s21+$0x90A0] =	vst v6  }
0x22c: {  	s3 =	sand.u32 $0x3FFFFD80, s12;
	[tilespmem:s21+$0x9090] =	vst v5  }
0x22d: {  	v5 =	vld [tilespmem:s3+$0x5020];
	_ =	sdelay $0x2  }
0x22e: {  	v60 =	vbroadcast v4, $0xB  }
0x22f: {  	s16 =	smul.u32 $0x240, s11  }
0x230: {  	v5 =	vmul.f32 v5, v60  }
0x231: {  	s16 =	sshra.s32 s16, $0x2  }
0x232: {  	[tilespmem:s16+$0x9020] =	vst v5  }
0x233: {  	v5 =	vld [tilespmem:s3+$0x5030];
	_ =	sdelay $0x4  }
0x234: {  	v5 =	vmul.f32 v5, v60;
	_ =	sdelay $0x1  }
0x235: {  	[tilespmem:s16+$0x9030] =	vst v5  }
0x236: {  	v5 =	vld [tilespmem:s3+$0x5040];
	_ =	sdelay $0x4  }
0x237: {  	v5 =	vmul.f32 v5, v60;
	_ =	sdelay $0x1  }
0x238: {  	[tilespmem:s16+$0x9040] =	vst v5  }
0x239: {  	v5 =	vld [tilespmem:s3+$0x5050];
	_ =	sdelay $0x4  }
0x23a: {  	v5 =	vmul.f32 v5, v60;
	_ =	sdelay $0x1  }
0x23b: {  	[tilespmem:s16+$0x9050] =	vst v5  }
0x23c: {  	v5 =	vld [tilespmem:s3+$0x5060];
	_ =	sdelay $0x4  }
0x23d: {  	v5 =	vmul.f32 v5, v60;
	_ =	sdelay $0x1  }
0x23e: {  	[tilespmem:s16+$0x9060] =	vst v5  }
0x23f: {  	v5 =	vld [tilespmem:s3+$0x5070];
	_ =	sdelay $0x4  }
0x240: {  	v5 =	vmul.f32 v5, v60;
	_ =	sdelay $0x1  }
0x241: {  	[tilespmem:s16+$0x9070] =	vst v5  }
0x242: {  	v5 =	vld [tilespmem:s3+$0x5080];
	_ =	sdelay $0x4  }
0x243: {  	v5 =	vmul.f32 v5, v60;
	_ =	sdelay $0x1  }
0x244: {  	[tilespmem:s16+$0x9080] =	vst v5  }
0x245: {  	v5 =	vld [tilespmem:s3+$0x5090];
	_ =	sdelay $0x3  }
0x246: {  	v6 =	vmul.f32 v2, v60  }
0x247: {  	s11 =	sor.u32 $0xC, s20;
	v5 =	vmul.f32 v5, v60  }
0x248: {  	s12 =	sshll.u32 s11, $0x7;
	[tilespmem:s16+$0x90A0] =	vst v6  }
0x249: {  	s22 =	sand.u32 $0x3FFFFE00, s12;
	[tilespmem:s16+$0x9090] =	vst v5  }
0x24a: {  	v5 =	vld [tilespmem:s22+$0x5020];
	_ =	sdelay $0x2  }
0x24b: {  	v61 =	vbroadcast v4, $0xC  }
0x24c: {  	s21 =	smul.u32 $0x240, s11  }
0x24d: {  	v5 =	vmul.f32 v5, v61  }
0x24e: {  	s21 =	sshra.s32 s21, $0x2  }
0x24f: {  	[tilespmem:s21+$0x9020] =	vst v5  }
0x250: {  	v5 =	vld [tilespmem:s22+$0x5030];
	_ =	sdelay $0x4  }
0x251: {  	v5 =	vmul.f32 v5, v61;
	_ =	sdelay $0x1  }
0x252: {  	[tilespmem:s21+$0x9030] =	vst v5  }
0x253: {  	v5 =	vld [tilespmem:s22+$0x5040];
	_ =	sdelay $0x4  }
0x254: {  	v5 =	vmul.f32 v5, v61;
	_ =	sdelay $0x1  }
0x255: {  	[tilespmem:s21+$0x9040] =	vst v5  }
0x256: {  	v5 =	vld [tilespmem:s22+$0x5050];
	_ =	sdelay $0x4  }
0x257: {  	v5 =	vmul.f32 v5, v61;
	_ =	sdelay $0x1  }
0x258: {  	[tilespmem:s21+$0x9050] =	vst v5  }
0x259: {  	v5 =	vld [tilespmem:s22+$0x5060];
	_ =	sdelay $0x4  }
0x25a: {  	v5 =	vmul.f32 v5, v61;
	_ =	sdelay $0x1  }
0x25b: {  	[tilespmem:s21+$0x9060] =	vst v5  }
0x25c: {  	v5 =	vld [tilespmem:s22+$0x5070];
	_ =	sdelay $0x4  }
0x25d: {  	v5 =	vmul.f32 v5, v61;
	_ =	sdelay $0x1  }
0x25e: {  	[tilespmem:s21+$0x9070] =	vst v5  }
0x25f: {  	v5 =	vld [tilespmem:s22+$0x5080];
	_ =	sdelay $0x4  }
0x260: {  	v5 =	vmul.f32 v5, v61;
	_ =	sdelay $0x1  }
0x261: {  	[tilespmem:s21+$0x9080] =	vst v5  }
0x262: {  	v5 =	vld [tilespmem:s22+$0x5090];
	_ =	sdelay $0x3  }
0x263: {  	v6 =	vmul.f32 v2, v61  }
0x264: {  	s3 =	sor.u32 $0xD, s20;
	v5 =	vmul.f32 v5, v61  }
0x265: {  	s11 =	sshll.u32 s3, $0x7;
	[tilespmem:s21+$0x90A0] =	vst v6  }
0x266: {  	s12 =	sand.u32 $0x3FFFFE80, s11;
	[tilespmem:s21+$0x9090] =	vst v5  }
0x267: {  	v5 =	vld [tilespmem:s12+$0x5020];
	_ =	sdelay $0x2  }
0x268: {  	v62 =	vbroadcast v4, $0xD  }
0x269: {  	s16 =	smul.u32 $0x240, s3  }
0x26a: {  	v5 =	vmul.f32 v5, v62  }
0x26b: {  	s16 =	sshra.s32 s16, $0x2  }
0x26c: {  	[tilespmem:s16+$0x9020] =	vst v5  }
0x26d: {  	v5 =	vld [tilespmem:s12+$0x5030];
	_ =	sdelay $0x4  }
0x26e: {  	v5 =	vmul.f32 v5, v62;
	_ =	sdelay $0x1  }
0x26f: {  	[tilespmem:s16+$0x9030] =	vst v5  }
0x270: {  	v5 =	vld [tilespmem:s12+$0x5040];
	_ =	sdelay $0x4  }
0x271: {  	v5 =	vmul.f32 v5, v62;
	_ =	sdelay $0x1  }
0x272: {  	[tilespmem:s16+$0x9040] =	vst v5  }
0x273: {  	v5 =	vld [tilespmem:s12+$0x5050];
	_ =	sdelay $0x4  }
0x274: {  	v5 =	vmul.f32 v5, v62;
	_ =	sdelay $0x1  }
0x275: {  	[tilespmem:s16+$0x9050] =	vst v5  }
0x276: {  	v5 =	vld [tilespmem:s12+$0x5060];
	_ =	sdelay $0x4  }
0x277: {  	v5 =	vmul.f32 v5, v62;
	_ =	sdelay $0x1  }
0x278: {  	[tilespmem:s16+$0x9060] =	vst v5  }
0x279: {  	v5 =	vld [tilespmem:s12+$0x5070];
	_ =	sdelay $0x4  }
0x27a: {  	v5 =	vmul.f32 v5, v62;
	_ =	sdelay $0x1  }
0x27b: {  	[tilespmem:s16+$0x9070] =	vst v5  }
0x27c: {  	v5 =	vld [tilespmem:s12+$0x5080];
	_ =	sdelay $0x4  }
0x27d: {  	v5 =	vmul.f32 v5, v62;
	_ =	sdelay $0x1  }
0x27e: {  	[tilespmem:s16+$0x9080] =	vst v5  }
0x27f: {  	v5 =	vld [tilespmem:s12+$0x5090];
	_ =	sdelay $0x3  }
0x280: {  	v6 =	vmul.f32 v2, v62  }
0x281: {  	s20 =	sor.u32 $0xE, s20;
	v5 =	vmul.f32 v5, v62  }
0x282: {  	s22 =	sshll.u32 s20, $0x7;
	[tilespmem:s16+$0x90A0] =	vst v6  }
0x283: {  	s3 =	sand.u32 $0x3FFFFF00, s22;
	[tilespmem:s16+$0x9090] =	vst v5  }
0x284: {  	v5 =	vld [tilespmem:s3+$0x5020];
	_ =	sdelay $0x2  }
0x285: {  	v63 =	vbroadcast v4, $0xE  }
0x286: {  	s20 =	smul.u32 $0x240, s20  }
0x287: {  	v5 =	vmul.f32 v5, v63  }
0x288: {  	s20 =	sshra.s32 s20, $0x2  }
0x289: {  	[tilespmem:s20+$0x9020] =	vst v5  }
0x28a: {  	v5 =	vld [tilespmem:s3+$0x5030];
	_ =	sdelay $0x4  }
0x28b: {  	v5 =	vmul.f32 v5, v63;
	_ =	sdelay $0x1  }
0x28c: {  	[tilespmem:s20+$0x9030] =	vst v5  }
0x28d: {  	v5 =	vld [tilespmem:s3+$0x5040];
	_ =	sdelay $0x4  }
0x28e: {  	v5 =	vmul.f32 v5, v63;
	_ =	sdelay $0x1  }
0x28f: {  	[tilespmem:s20+$0x9040] =	vst v5  }
0x290: {  	v5 =	vld [tilespmem:s3+$0x5050];
	_ =	sdelay $0x4  }
0x291: {  	v5 =	vmul.f32 v5, v63;
	_ =	sdelay $0x1  }
0x292: {  	[tilespmem:s20+$0x9050] =	vst v5  }
0x293: {  	v5 =	vld [tilespmem:s3+$0x5060];
	_ =	sdelay $0x4  }
0x294: {  	v5 =	vmul.f32 v5, v63;
	_ =	sdelay $0x1  }
0x295: {  	[tilespmem:s20+$0x9060] =	vst v5  }
0x296: {  	v5 =	vld [tilespmem:s3+$0x5070];
	_ =	sdelay $0x4  }
0x297: {  	v5 =	vmul.f32 v5, v63;
	_ =	sdelay $0x1  }
0x298: {  	[tilespmem:s20+$0x9070] =	vst v5  }
0x299: {  	v5 =	vld [tilespmem:s3+$0x5080];
	_ =	sdelay $0x4  }
0x29a: {  	v5 =	vmul.f32 v5, v63;
	_ =	sdelay $0x1  }
0x29b: {  	[tilespmem:s20+$0x9080] =	vst v5  }
0x29c: {  	v5 =	vld [tilespmem:s3+$0x5090];
	_ =	sdelay $0x3  }
0x29d: {  	v6 =	vmul.f32 v2, v63  }
0x29e: {  	s11 =	sshllo.u32 s19, $0x4;
	v5 =	vmul.f32 v5, v63  }
0x29f: {  	s12 =	sshll.u32 s11, $0x7;
	[tilespmem:s20+$0x90A0] =	vst v6  }
0x2a0: {  	s22 =	sand.u32 $0x3FFFFF80, s12;
	[tilespmem:s20+$0x9090] =	vst v5  }
0x2a1: {  	v5 =	vld [tilespmem:s22+$0x5020];
	_ =	sdelay $0x2  }
0x2a2: {  	v4 =	vbroadcast v4, $0xF  }
0x2a3: {  	s16 =	smul.u32 $0x240, s11  }
0x2a4: {  	v5 =	vmul.f32 v5, v4  }
0x2a5: {  	s16 =	sshra.s32 s16, $0x2  }
0x2a6: {  	[tilespmem:s16+$0x9020] =	vst v5  }
0x2a7: {  	v5 =	vld [tilespmem:s22+$0x5030];
	_ =	sdelay $0x4  }
0x2a8: {  	v5 =	vmul.f32 v5, v4;
	_ =	sdelay $0x1  }
0x2a9: {  	[tilespmem:s16+$0x9030] =	vst v5  }
0x2aa: {  	v5 =	vld [tilespmem:s22+$0x5040];
	_ =	sdelay $0x4  }
0x2ab: {  	v5 =	vmul.f32 v5, v4;
	_ =	sdelay $0x1  }
0x2ac: {  	[tilespmem:s16+$0x9040] =	vst v5  }
0x2ad: {  	v5 =	vld [tilespmem:s22+$0x5050];
	_ =	sdelay $0x4  }
0x2ae: {  	v5 =	vmul.f32 v5, v4;
	_ =	sdelay $0x1  }
0x2af: {  	[tilespmem:s16+$0x9050] =	vst v5  }
0x2b0: {  	v5 =	vld [tilespmem:s22+$0x5060];
	_ =	sdelay $0x4  }
0x2b1: {  	v5 =	vmul.f32 v5, v4;
	_ =	sdelay $0x1  }
0x2b2: {  	[tilespmem:s16+$0x9060] =	vst v5  }
0x2b3: {  	v5 =	vld [tilespmem:s22+$0x5070];
	_ =	sdelay $0x4  }
0x2b4: {  	v5 =	vmul.f32 v5, v4;
	_ =	sdelay $0x1  }
0x2b5: {  	[tilespmem:s16+$0x9070] =	vst v5  }
0x2b6: {  	v5 =	vld [tilespmem:s22+$0x5080];
	_ =	sdelay $0x4  }
0x2b7: {  	v5 =	vmul.f32 v5, v4;
	_ =	sdelay $0x1  }
0x2b8: {  	[tilespmem:s16+$0x9080] =	vst v5  }
0x2b9: {  	v5 =	vld [tilespmem:s22+$0x5090];
	_ =	sdelay $0x2  }
0x2ba: {  	p2 =	sne.s32 s19, $0x7  }
.Ltmp6:
0x2bb: {  	_ = 	snop;
	(pc) =	sbr.rel @p2 .LBB2_6-.Ltmp6, $4  }
0x2bc: {  	v5 =	vmul.f32 v5, v4  }
0x2bd: {  	v4 =	vmul.f32 v2, v4  }
0x2be: {  	[tilespmem:s16+$0x9090] =	vst v5  }
0x2bf: {  	s19 =	sadd.s32 $0x1, s19;
	[tilespmem:s16+$0x90A0] =	vst v4  }
.Ltmp7:
0x2c0: {  	(pc) =	sbr.rel .LBB2_8-.Ltmp7, $4  }
0x2c1: {  	[spmem:s2] =	stream.indirect.scatter.add.f32 [tilespmem:s10], [sflag:$0x2], $0x90, s8, s31, $0xb8;
	[tilespmem:$0x1B0B0] =	vst v63  }
0x2c2: {  	_ =	swait.ge [sflag:s23], $0x4800  }
0x2c3: {  	[sflag:s23] =	ssyncset.done $0x0  }
0x2c4: {  	[sflag:s23] =	ssyncadd.s32 $0xFFFFB800  }
.LBB2_9:
0x2c5: {  	[bflag:$0x0] =	sbarrier.arrive $0xFFFF  }
0x2c6: {  	s16 =	sshll.u32 s6, $0x6;
	s3 =	rddreg [dreg:$0xa]  }
0x2c7: {  	s18 =	sor.u32 $0x1C02, s16;
	s20 =	rddreg [dreg:$0x9];
	s19 =	sshrl.u32 s3, $0x3  }
0x2c8: {  	[hbm:s20], [sflag:s18] =	dma.local [spmem:s19], $0x15F0  }
0x2c9: {  	_ =	swait.ge [sflag:s23], $0x15F0  }
0x2ca: {  	s16 =	simm.s32 @!p0 $0x2;
	[sflag:s23] =	ssyncset.done $0x0;
	s3 =	rddreg [dreg:$0xc]  }
0x2cb: {  	[sflag:s23] =	ssyncadd.s32 $0xFFFFEA10;
	s20 =	sshrl.u32 @!p0 s3, $0x3;
	s3 =	rddreg [dreg:$0xb]  }
0x2cc: {  	[hbm:s3], [sflag:s18] =	dma.local @!p0 [spmem:s20], $0x90  }
0x2cd: {  	_ =	swait.ge @!p0 [sflag:s16], $0x90  }
0x2ce: {  	[sflag:s16] =	ssyncset.done @!p0 $0x0  }
0x2cf: {  	[sflag:s16] =	ssyncadd.s32 @!p0 $0xFFFFFF70  }
0x2d0: {  	[bflag:$0x0] =	sbarrier.arrive $0xFFFF  }
0x2d1: {  	[spmem:s9] =	stream.linear.scatter [tilespmem:s26], [sflag:$0x2], $0x2400, $0x38;
	[tilespmem:$0x1B0B0] =	vst v63  }
0x2d2: {  	_ =	swait.ge [sflag:s23], $0x2400  }
0x2d3: {  	[sflag:s23] =	ssyncset.done $0x0  }
0x2d4: {  	s21 =	rddreg [dreg:$0x7];
	[sflag:s23] =	ssyncadd.s32 $0xFFFFDC00  }
0x2d5: {  	[spmem:s21] =	stream.linear.scatter [tilespmem:s26], [sflag:$0x2], $0x2400, $0x38;
	[tilespmem:$0x1B0B0] =	vst v63  }
0x2d6: {  	_ =	swait.ge [sflag:s23], $0x2400  }
0x2d7: {  	[sflag:s23] =	ssyncset.done $0x0  }
0x2d8: {  	s22 =	rddreg [dreg:$0x8];
	[sflag:s23] =	ssyncadd.s32 $0xFFFFDC00  }
0x2d9: {  	[spmem:s22] =	stream.linear.scatter [tilespmem:s26], [sflag:$0x2], $0x2400, $0x38;
	[tilespmem:$0x1B0B0] =	vst v63  }
0x2da: {  	_ =	swait.ge [sflag:s23], $0x2400  }
0x2db: {  	[sflag:s23] =	ssyncset.done $0x0  }
0x2dc: {  	[sflag:s23] =	ssyncadd.s32 $0xFFFFDC00  }
0x2dd: {  	[spmem:s13] =	stream.linear.scatter [tilespmem:s26], [sflag:$0x2], $0x2400, $0x38;
	[tilespmem:$0x1B0B0] =	vst v63  }
0x2de: {  	_ =	swait.ge [sflag:s23], $0x2400  }
0x2df: {  	[sflag:s23] =	ssyncset.done $0x0  }
0x2e0: {  	s16 =	simm.s32 @!p1 $0xD8B0;
	s21 =	simm.s32 @!p1 $0x2;
	[sflag:s23] =	ssyncadd.s32 $0xFFFFDC00  }
0x2e1: {  	[spmem:s14] =	stream.linear.scatter @!p1 [tilespmem:s16], [sflag:$0x2], $0x2400, $0x38;
	[tilespmem:$0x1B0B0] =	vst v63  }
0x2e2: {  	_ =	swait.ge @!p1 [sflag:s21], $0x2400  }
0x2e3: {  	[sflag:s21] =	ssyncset.done @!p1 $0x0  }
0x2e4: {  	[sflag:s21] =	ssyncadd.s32 @!p1 $0xFFFFDC00  }
0x2e5: {  	[spmem:s15] =	stream.linear.scatter @!p1 [tilespmem:s16], [sflag:$0x2], $0x2400, $0x38;
	[tilespmem:$0x1B0B0] =	vst v63  }
.Ltmp8:
0x2e6: {  	_ =	swait.ge @!p1 [sflag:s21], $0x2400;
	(pc) =	sbr.rel .LBB2_10-.Ltmp8, $4  }
0x2e7: {  	[sflag:s21] =	ssyncset.done @!p1 $0x0  }
0x2e8: {  	[sflag:s21] =	ssyncadd.s32 @!p1 $0xFFFFDC00  }
0x2e9: {  	[bflag:$0x0] =	sbarrier.arrive $0xFFFF  }
0x2ea: {  	s21 =	simm.s32 $0x0  }
.LBB2_14:
0x2eb: {  	s21 =	sadd.s32 $0x1, s21  }
0x2ec: {  	p2 =	sne.s32 s21, $0x9D  }
.Ltmp9:
0x2ed: {  	_ = 	snop;
	(pc) =	sbr.rel @!p2 .LBB2_15-.Ltmp9, $1  }
0x2ee: {  	_ =	sdelay $0x3  }
.LBB2_10:
0x2ef: {  	s16 =	sshll.u32 s21, $0x4  }
0x2f0: {  	s16 =	sor.u32 s6, s16  }
0x2f1: {  	p2 =	sgt.u32 s16, $0x9C3  }
.Ltmp10:
0x2f2: {  	_ = 	snop;
	(pc) =	sbr.rel @p2 .LBB2_14-.Ltmp10, $1  }
0x2f3: {  	_ =	sdelay $0x3  }
0x2f4: {  	s16 =	sshll.u32 s16, $0x4  }
0x2f5: {  	s22 =	simm.s32 $0x0;
	s3 =	sadd.s32 s5, s16  }
0x2f6: {  	[tilespmem:s28], [sflag:$0x3] =	stream.linear.gather [hbm4b:s3+s22], $0x80, $0x38;
	[tilespmem:$0x1B0B0] =	vst v63  }
0x2f7: {  	_ =	swait.ge [sflag:s29], $0x80  }
0x2f8: {  	[sflag:s29] =	ssyncset.done $0x0  }
0x2f9: {  	s16 =	sadd.s32 s1, s16;
	[sflag:s29] =	ssyncadd.s32 $0xFFFFFF80  }
0x2fa: {  	[tilespmem:s30], [sflag:$0x3] =	stream.linear.gather [hbm4b:s16+s22], $0x80, $0x38;
	[tilespmem:$0x1B0B0] =	vst v63  }
0x2fb: {  	_ =	swait.ge [sflag:s29], $0x80  }
0x2fc: {  	[sflag:s29] =	ssyncset.done $0x0  }
0x2fd: {  	[sflag:s29] =	ssyncadd.s32 $0xFFFFFF80  }
0x2fe: {  	v4 =	vld [tilespmem:$0x4E20]  }
0x2ff: {  	v5 =	vld [tilespmem:$0x4EA0];
	_ =	sdelay $0x6  }
0x300: {  	v6 =	vld.idx.msk [tilespmem:v4+s22+$0x0], $0xffff  }
0x301: {  	v7 =	vld.idx.msk [tilespmem:v5+s24+$0x0], $0xffff;
	_ =	sdelay $0x4  }
0x302: {  	v6 =	vadd.f32 v7, v6;
	_ =	sdelay $0x1  }
0x303: {  	v7 =	vmul.f32 $2.000000030e-01, v6;
	_ =	sdelay $0x1  }
0x304: {  	v6 =	vmax.f32 v6, v7  }
0x305: {  	v6 =	vsub.f32 v6, v3;
	_ =	sdelay $0x1  }
0x306: {  	v6 =	vmul.f32 $1.442695020e+00, v6;
	_ =	sdelay $0x1  }
0x307: {  	(erf) = vpow2.f32 v6;
	_ =	sdelay $0x2  }
0x308: {  	v44 =	vld [tilespmem:$0x4E30]  }
0x309: {  	v45 =	vld [tilespmem:$0x4EB0];
	_ =	sdelay $0x1  }
0x30a: {  	v5 =	vadd.s32 $0xFFFFEC78, v5  }
0x30b: {  	v4 =	vadd.s32 v1, v4;
	vm0 =	vlt.u32 v5, $0x1388  }
0x30c: {  	[tilespmem:$0x4F20] =	vst v4;
	v4 =	vnsel vm0, $0x13C4, v5  }
0x30d: {  	[tilespmem:$0x4FA0] =	vst v4;
	v8 =	vpop (erf)  }
0x30e: {  	[tilespmem:$0xD820] =	vst v8  }
0x30f: {  	v4 =	vld.idx.msk [tilespmem:v44+s22+$0x0], $0xffff  }
0x310: {  	v5 =	vld.idx.msk [tilespmem:v45+s24+$0x0], $0xffff;
	_ =	sdelay $0x4  }
0x311: {  	v4 =	vadd.f32 v5, v4;
	_ =	sdelay $0x1  }
0x312: {  	v5 =	vmul.f32 $2.000000030e-01, v4;
	_ =	sdelay $0x1  }
0x313: {  	v4 =	vmax.f32 v4, v5  }
0x314: {  	v4 =	vsub.f32 v4, v3;
	_ =	sdelay $0x1  }
0x315: {  	v4 =	vmul.f32 $1.442695020e+00, v4;
	_ =	sdelay $0x1  }
0x316: {  	(erf) = vpow2.f32 v4;
	_ =	sdelay $0x2  }
0x317: {  	v4 =	vld [tilespmem:$0x4E40]  }
0x318: {  	v5 =	vld [tilespmem:$0x4EC0];
	_ =	sdelay $0x1  }
0x319: {  	v7 =	vadd.s32 $0xFFFFEC78, v45  }
0x31a: {  	vm9 =	vlt.u32 v7, $0x1388;
	v6 =	vadd.s32 v1, v44  }
0x31b: {  	v47 =	vnsel vm9, $0x13C4, v7;
	[tilespmem:$0x4F30] =	vst v6  }
0x31c: {  	[tilespmem:$0x4FB0] =	vst v47;
	v46 =	vpop (erf)  }
0x31d: {  	[tilespmem:$0xD830] =	vst v46  }
0x31e: {  	v6 =	vld.idx.msk [tilespmem:v4+s22+$0x0], $0xffff  }
0x31f: {  	v48 =	vld.idx.msk [tilespmem:v5+s24+$0x0], $0xffff;
	_ =	sdelay $0x4  }
0x320: {  	v6 =	vadd.f32 v48, v6;
	_ =	sdelay $0x1  }
0x321: {  	v7 =	vmul.f32 $2.000000030e-01, v6;
	_ =	sdelay $0x1  }
0x322: {  	v6 =	vmax.f32 v6, v7  }
0x323: {  	v6 =	vsub.f32 v6, v3;
	_ =	sdelay $0x1  }
0x324: {  	v6 =	vmul.f32 $1.442695020e+00, v6;
	_ =	sdelay $0x1  }
0x325: {  	(erf) = vpow2.f32 v6;
	_ =	sdelay $0x2  }
0x326: {  	v49 =	vld [tilespmem:$0x4E50]  }
0x327: {  	v50 =	vld [tilespmem:$0x4ED0];
	_ =	sdelay $0x1  }
0x328: {  	v5 =	vadd.s32 $0xFFFFEC78, v5  }
0x329: {  	v4 =	vadd.s32 v1, v4;
	vm10 =	vlt.u32 v5, $0x1388  }
0x32a: {  	[tilespmem:$0x4F40] =	vst v4;
	v4 =	vnsel vm10, $0x13C4, v5  }
0x32b: {  	[tilespmem:$0x4FC0] =	vst v4;
	v51 =	vpop (erf)  }
0x32c: {  	[tilespmem:$0xD840] =	vst v51  }
0x32d: {  	v4 =	vld.idx.msk [tilespmem:v49+s22+$0x0], $0xffff  }
0x32e: {  	v5 =	vld.idx.msk [tilespmem:v50+s24+$0x0], $0xffff;
	_ =	sdelay $0x4  }
0x32f: {  	v4 =	vadd.f32 v5, v4;
	_ =	sdelay $0x1  }
0x330: {  	v5 =	vmul.f32 $2.000000030e-01, v4;
	_ =	sdelay $0x1  }
0x331: {  	v4 =	vmax.f32 v4, v5  }
0x332: {  	v4 =	vsub.f32 v4, v3;
	_ =	sdelay $0x1  }
0x333: {  	v4 =	vmul.f32 $1.442695020e+00, v4;
	_ =	sdelay $0x1  }
0x334: {  	(erf) = vpow2.f32 v4;
	_ =	sdelay $0x2  }
0x335: {  	v4 =	vld [tilespmem:$0x4E60]  }
0x336: {  	v5 =	vld [tilespmem:$0x4EE0];
	_ =	sdelay $0x1  }
0x337: {  	v7 =	vadd.s32 $0xFFFFEC78, v50  }
0x338: {  	vm11 =	vlt.u32 v7, $0x1388;
	v6 =	vadd.s32 v1, v49  }
0x339: {  	v53 =	vnsel vm11, $0x13C4, v7;
	[tilespmem:$0x4F50] =	vst v6  }
0x33a: {  	[tilespmem:$0x4FD0] =	vst v53;
	v52 =	vpop (erf)  }
0x33b: {  	[tilespmem:$0xD850] =	vst v52  }
0x33c: {  	v6 =	vld.idx.msk [tilespmem:v4+s22+$0x0], $0xffff  }
0x33d: {  	v54 =	vld.idx.msk [tilespmem:v5+s24+$0x0], $0xffff;
	_ =	sdelay $0x4  }
0x33e: {  	v6 =	vadd.f32 v54, v6;
	_ =	sdelay $0x1  }
0x33f: {  	v7 =	vmul.f32 $2.000000030e-01, v6;
	_ =	sdelay $0x1  }
0x340: {  	v6 =	vmax.f32 v6, v7  }
0x341: {  	v6 =	vsub.f32 v6, v3;
	_ =	sdelay $0x1  }
0x342: {  	v6 =	vmul.f32 $1.442695020e+00, v6;
	_ =	sdelay $0x1  }
0x343: {  	(erf) = vpow2.f32 v6;
	_ =	sdelay $0x2  }
0x344: {  	v55 =	vld [tilespmem:$0x4E70]  }
0x345: {  	v56 =	vld [tilespmem:$0x4EF0];
	_ =	sdelay $0x1  }
0x346: {  	v5 =	vadd.s32 $0xFFFFEC78, v5  }
0x347: {  	v4 =	vadd.s32 v1, v4;
	vm12 =	vlt.u32 v5, $0x1388  }
0x348: {  	[tilespmem:$0x4F60] =	vst v4;
	v4 =	vnsel vm12, $0x13C4, v5  }
0x349: {  	[tilespmem:$0x4FE0] =	vst v4;
	v57 =	vpop (erf)  }
0x34a: {  	[tilespmem:$0xD860] =	vst v57  }
0x34b: {  	v4 =	vld.idx.msk [tilespmem:v55+s22+$0x0], $0xffff  }
0x34c: {  	v5 =	vld.idx.msk [tilespmem:v56+s24+$0x0], $0xffff;
	_ =	sdelay $0x4  }
0x34d: {  	v4 =	vadd.f32 v5, v4;
	_ =	sdelay $0x1  }
0x34e: {  	v5 =	vmul.f32 $2.000000030e-01, v4;
	_ =	sdelay $0x1  }
0x34f: {  	v4 =	vmax.f32 v4, v5  }
0x350: {  	v4 =	vsub.f32 v4, v3;
	_ =	sdelay $0x1  }
0x351: {  	v4 =	vmul.f32 $1.442695020e+00, v4;
	_ =	sdelay $0x1  }
0x352: {  	(erf) = vpow2.f32 v4;
	_ =	sdelay $0x2  }
0x353: {  	v4 =	vld [tilespmem:$0x4E80]  }
0x354: {  	v5 =	vld [tilespmem:$0x4F00];
	_ =	sdelay $0x1  }
0x355: {  	v7 =	vadd.s32 $0xFFFFEC78, v56  }
0x356: {  	vm13 =	vlt.u32 v7, $0x1388;
	v6 =	vadd.s32 v1, v55  }
0x357: {  	v59 =	vnsel vm13, $0x13C4, v7;
	[tilespmem:$0x4F70] =	vst v6  }
0x358: {  	[tilespmem:$0x4FF0] =	vst v59;
	v58 =	vpop (erf)  }
0x359: {  	[tilespmem:$0xD870] =	vst v58  }
0x35a: {  	v6 =	vld.idx.msk [tilespmem:v4+s22+$0x0], $0xffff  }
0x35b: {  	v60 =	vld.idx.msk [tilespmem:v5+s24+$0x0], $0xffff;
	_ =	sdelay $0x4  }
0x35c: {  	v6 =	vadd.f32 v60, v6;
	_ =	sdelay $0x1  }
0x35d: {  	v7 =	vmul.f32 $2.000000030e-01, v6;
	_ =	sdelay $0x1  }
0x35e: {  	v6 =	vmax.f32 v6, v7  }
0x35f: {  	v6 =	vsub.f32 v6, v3;
	_ =	sdelay $0x1  }
0x360: {  	v6 =	vmul.f32 $1.442695020e+00, v6;
	_ =	sdelay $0x1  }
0x361: {  	(erf) = vpow2.f32 v6;
	_ =	sdelay $0x2  }
0x362: {  	v61 =	vld [tilespmem:$0x4E90]  }
0x363: {  	v62 =	vld [tilespmem:$0x4F10];
	_ =	sdelay $0x1  }
0x364: {  	v5 =	vadd.s32 $0xFFFFEC78, v5  }
0x365: {  	v4 =	vadd.s32 v1, v4;
	vm14 =	vlt.u32 v5, $0x1388  }
0x366: {  	[tilespmem:$0x4F80] =	vst v4;
	v4 =	vnsel vm14, $0x13C4, v5  }
0x367: {  	[tilespmem:$0x5000] =	vst v4;
	v63 =	vpop (erf)  }
0x368: {  	[tilespmem:$0xD880] =	vst v63  }
0x369: {  	v4 =	vld.idx.msk [tilespmem:v61+s22+$0x0], $0xffff  }
0x36a: {  	v5 =	vld.idx.msk [tilespmem:v62+s24+$0x0], $0xffff;
	_ =	sdelay $0x4  }
0x36b: {  	v4 =	vadd.f32 v5, v4;
	_ =	sdelay $0x1  }
0x36c: {  	v5 =	vmul.f32 $2.000000030e-01, v4;
	_ =	sdelay $0x1  }
0x36d: {  	v4 =	vmax.f32 v4, v5  }
0x36e: {  	v4 =	vsub.f32 v4, v3;
	_ =	sdelay $0x1  }
0x36f: {  	v4 =	vmul.f32 $1.442695020e+00, v4;
	_ =	sdelay $0x1  }
0x370: {  	(erf) = vpow2.f32 v4;
	_ =	sdelay $0x8  }
0x371: {  	v5 =	vadd.s32 $0xFFFFEC78, v62;
	v4 =	vpop (erf)  }
0x372: {  	vm15 =	vlt.u32 v5, $0x1388;
	[tilespmem:$0xD890] =	vst v4;
	v4 =	vadd.s32 v1, v61  }
0x373: {  	[tilespmem:$0x4F90] =	vst v4;
	v4 =	vnsel vm15, $0x13C4, v5  }
0x374: {  	[tilespmem:$0x5010] =	vst v4  }
0x375: {  	[tilespmem:s25], [sflag:$0x1] =	stream.indirect.gather [hbm4b:s4+s31], $0x80, s0, s31, $0xb8;
	[tilespmem:$0x1B0B0] =	vst v63  }
0x376: {  	_ =	swait.ge [sflag:s7], $0x4000  }
0x377: {  	[sflag:s7] =	ssyncset.done $0x0  }
0x378: {  	[sflag:s7] =	ssyncadd.s32 $0xFFFFC000  }
.LBB2_12:
0x379: {  	s16 =	sshll.u32 s22, $0x4  }
0x37a: {  	s3 =	sshll.u32 s22, $0xB;
	v4 =	vld [tilespmem:s16+$0xD820]  }
0x37b: {  	s3 =	sand.u32 $0x3FFFF800, s3  }
0x37c: {  	v5 =	vld [tilespmem:s3+$0x5020];
	_ =	sdelay $0x2  }
0x37d: {  	v6 =	vbroadcast v4, $0x0  }
0x37e: {  	s11 =	smul.u32 $0x2400, s22  }
0x37f: {  	v5 =	vmul.f32 v6, v5  }
0x380: {  	s11 =	sshra.s32 s11, $0x2  }
0x381: {  	[tilespmem:s11+$0x9020] =	vst v5  }
0x382: {  	v5 =	vld [tilespmem:s3+$0x5030];
	_ =	sdelay $0x4  }
0x383: {  	v5 =	vmul.f32 v5, v6;
	_ =	sdelay $0x1  }
0x384: {  	[tilespmem:s11+$0x9030] =	vst v5  }
0x385: {  	v5 =	vld [tilespmem:s3+$0x5040];
	_ =	sdelay $0x4  }
0x386: {  	v5 =	vmul.f32 v5, v6;
	_ =	sdelay $0x1  }
0x387: {  	[tilespmem:s11+$0x9040] =	vst v5  }
0x388: {  	v5 =	vld [tilespmem:s3+$0x5050];
	_ =	sdelay $0x4  }
0x389: {  	v5 =	vmul.f32 v5, v6;
	_ =	sdelay $0x1  }
0x38a: {  	[tilespmem:s11+$0x9050] =	vst v5  }
0x38b: {  	v5 =	vld [tilespmem:s3+$0x5060];
	_ =	sdelay $0x4  }
0x38c: {  	v5 =	vmul.f32 v5, v6;
	_ =	sdelay $0x1  }
0x38d: {  	[tilespmem:s11+$0x9060] =	vst v5  }
0x38e: {  	v5 =	vld [tilespmem:s3+$0x5070];
	_ =	sdelay $0x4  }
0x38f: {  	v5 =	vmul.f32 v5, v6;
	_ =	sdelay $0x1  }
0x390: {  	[tilespmem:s11+$0x9070] =	vst v5  }
0x391: {  	v5 =	vld [tilespmem:s3+$0x5080];
	_ =	sdelay $0x4  }
0x392: {  	v5 =	vmul.f32 v5, v6;
	_ =	sdelay $0x1  }
0x393: {  	[tilespmem:s11+$0x9080] =	vst v5  }
0x394: {  	v5 =	vld [tilespmem:s3+$0x5090];
	_ =	sdelay $0x4  }
0x395: {  	v5 =	vmul.f32 v5, v6  }
0x396: {  	s3 =	sor.u32 $0x1, s16;
	v6 =	vmul.f32 v2, v6  }
0x397: {  	s12 =	sshll.u32 s3, $0x7;
	[tilespmem:s11+$0x9090] =	vst v5  }
0x398: {  	s12 =	sand.u32 $0x3FFFF880, s12;
	[tilespmem:s11+$0x90A0] =	vst v6  }
0x399: {  	v5 =	vld [tilespmem:s12+$0x5020];
	_ =	sdelay $0x2  }
0x39a: {  	v50 =	vbroadcast v4, $0x1  }
0x39b: {  	s3 =	smul.u32 $0x240, s3  }
0x39c: {  	v5 =	vmul.f32 v5, v50  }
0x39d: {  	s3 =	sshra.s32 s3, $0x2  }
0x39e: {  	[tilespmem:s3+$0x9020] =	vst v5  }
0x39f: {  	v5 =	vld [tilespmem:s12+$0x5030];
	_ =	sdelay $0x4  }
0x3a0: {  	v5 =	vmul.f32 v5, v50;
	_ =	sdelay $0x1  }
0x3a1: {  	[tilespmem:s3+$0x9030] =	vst v5  }
0x3a2: {  	v5 =	vld [tilespmem:s12+$0x5040];
	_ =	sdelay $0x4  }
0x3a3: {  	v5 =	vmul.f32 v5, v50;
	_ =	sdelay $0x1  }
0x3a4: {  	[tilespmem:s3+$0x9040] =	vst v5  }
0x3a5: {  	v5 =	vld [tilespmem:s12+$0x5050];
	_ =	sdelay $0x4  }
0x3a6: {  	v5 =	vmul.f32 v5, v50;
	_ =	sdelay $0x1  }
0x3a7: {  	[tilespmem:s3+$0x9050] =	vst v5  }
0x3a8: {  	v5 =	vld [tilespmem:s12+$0x5060];
	_ =	sdelay $0x4  }
0x3a9: {  	v5 =	vmul.f32 v5, v50;
	_ =	sdelay $0x1  }
0x3aa: {  	[tilespmem:s3+$0x9060] =	vst v5  }
0x3ab: {  	v5 =	vld [tilespmem:s12+$0x5070];
	_ =	sdelay $0x4  }
0x3ac: {  	v5 =	vmul.f32 v5, v50;
	_ =	sdelay $0x1  }
0x3ad: {  	[tilespmem:s3+$0x9070] =	vst v5  }
0x3ae: {  	v5 =	vld [tilespmem:s12+$0x5080];
	_ =	sdelay $0x4  }
0x3af: {  	v5 =	vmul.f32 v5, v50;
	_ =	sdelay $0x1  }
0x3b0: {  	[tilespmem:s3+$0x9080] =	vst v5  }
0x3b1: {  	v5 =	vld [tilespmem:s12+$0x5090];
	_ =	sdelay $0x3  }
0x3b2: {  	v6 =	vmul.f32 v2, v50  }
0x3b3: {  	s11 =	sor.u32 $0x2, s16;
	v5 =	vmul.f32 v5, v50  }
0x3b4: {  	s12 =	sshll.u32 s11, $0x7;
	[tilespmem:s3+$0x90A0] =	vst v6  }
0x3b5: {  	s12 =	sand.u32 $0x3FFFF900, s12;
	[tilespmem:s3+$0x9090] =	vst v5  }
0x3b6: {  	v5 =	vld [tilespmem:s12+$0x5020];
	_ =	sdelay $0x2  }
0x3b7: {  	v51 =	vbroadcast v4, $0x2  }
0x3b8: {  	s11 =	smul.u32 $0x240, s11  }
0x3b9: {  	v5 =	vmul.f32 v5, v51  }
0x3ba: {  	s11 =	sshra.s32 s11, $0x2  }
0x3bb: {  	[tilespmem:s11+$0x9020] =	vst v5  }
0x3bc: {  	v5 =	vld [tilespmem:s12+$0x5030];
	_ =	sdelay $0x4  }
0x3bd: {  	v5 =	vmul.f32 v5, v51;
	_ =	sdelay $0x1  }
0x3be: {  	[tilespmem:s11+$0x9030] =	vst v5  }
0x3bf: {  	v5 =	vld [tilespmem:s12+$0x5040];
	_ =	sdelay $0x4  }
0x3c0: {  	v5 =	vmul.f32 v5, v51;
	_ =	sdelay $0x1  }
0x3c1: {  	[tilespmem:s11+$0x9040] =	vst v5  }
0x3c2: {  	v5 =	vld [tilespmem:s12+$0x5050];
	_ =	sdelay $0x4  }
0x3c3: {  	v5 =	vmul.f32 v5, v51;
	_ =	sdelay $0x1  }
0x3c4: {  	[tilespmem:s11+$0x9050] =	vst v5  }
0x3c5: {  	v5 =	vld [tilespmem:s12+$0x5060];
	_ =	sdelay $0x4  }
0x3c6: {  	v5 =	vmul.f32 v5, v51;
	_ =	sdelay $0x1  }
0x3c7: {  	[tilespmem:s11+$0x9060] =	vst v5  }
0x3c8: {  	v5 =	vld [tilespmem:s12+$0x5070];
	_ =	sdelay $0x4  }
0x3c9: {  	v5 =	vmul.f32 v5, v51;
	_ =	sdelay $0x1  }
0x3ca: {  	[tilespmem:s11+$0x9070] =	vst v5  }
0x3cb: {  	v5 =	vld [tilespmem:s12+$0x5080];
	_ =	sdelay $0x4  }
0x3cc: {  	v5 =	vmul.f32 v5, v51;
	_ =	sdelay $0x1  }
0x3cd: {  	[tilespmem:s11+$0x9080] =	vst v5  }
0x3ce: {  	v5 =	vld [tilespmem:s12+$0x5090];
	_ =	sdelay $0x3  }
0x3cf: {  	v6 =	vmul.f32 v2, v51  }
0x3d0: {  	s3 =	sor.u32 $0x3, s16;
	v5 =	vmul.f32 v5, v51  }
0x3d1: {  	s12 =	sshll.u32 s3, $0x7;
	[tilespmem:s11+$0x90A0] =	vst v6  }
0x3d2: {  	s12 =	sand.u32 $0x3FFFF980, s12;
	[tilespmem:s11+$0x9090] =	vst v5  }
0x3d3: {  	v5 =	vld [tilespmem:s12+$0x5020];
	_ =	sdelay $0x2  }
0x3d4: {  	v52 =	vbroadcast v4, $0x3  }
0x3d5: {  	s3 =	smul.u32 $0x240, s3  }
0x3d6: {  	v5 =	vmul.f32 v5, v52  }
0x3d7: {  	s3 =	sshra.s32 s3, $0x2  }
0x3d8: {  	[tilespmem:s3+$0x9020] =	vst v5  }
0x3d9: {  	v5 =	vld [tilespmem:s12+$0x5030];
	_ =	sdelay $0x4  }
0x3da: {  	v5 =	vmul.f32 v5, v52;
	_ =	sdelay $0x1  }
0x3db: {  	[tilespmem:s3+$0x9030] =	vst v5  }
0x3dc: {  	v5 =	vld [tilespmem:s12+$0x5040];
	_ =	sdelay $0x4  }
0x3dd: {  	v5 =	vmul.f32 v5, v52;
	_ =	sdelay $0x1  }
0x3de: {  	[tilespmem:s3+$0x9040] =	vst v5  }
0x3df: {  	v5 =	vld [tilespmem:s12+$0x5050];
	_ =	sdelay $0x4  }
0x3e0: {  	v5 =	vmul.f32 v5, v52;
	_ =	sdelay $0x1  }
0x3e1: {  	[tilespmem:s3+$0x9050] =	vst v5  }
0x3e2: {  	v5 =	vld [tilespmem:s12+$0x5060];
	_ =	sdelay $0x4  }
0x3e3: {  	v5 =	vmul.f32 v5, v52;
	_ =	sdelay $0x1  }
0x3e4: {  	[tilespmem:s3+$0x9060] =	vst v5  }
0x3e5: {  	v5 =	vld [tilespmem:s12+$0x5070];
	_ =	sdelay $0x4  }
0x3e6: {  	v5 =	vmul.f32 v5, v52;
	_ =	sdelay $0x1  }
0x3e7: {  	[tilespmem:s3+$0x9070] =	vst v5  }
0x3e8: {  	v5 =	vld [tilespmem:s12+$0x5080];
	_ =	sdelay $0x4  }
0x3e9: {  	v5 =	vmul.f32 v5, v52;
	_ =	sdelay $0x1  }
0x3ea: {  	[tilespmem:s3+$0x9080] =	vst v5  }
0x3eb: {  	v5 =	vld [tilespmem:s12+$0x5090];
	_ =	sdelay $0x3  }
0x3ec: {  	v6 =	vmul.f32 v2, v52  }
0x3ed: {  	s11 =	sor.u32 $0x4, s16;
	v5 =	vmul.f32 v5, v52  }
0x3ee: {  	s12 =	sshll.u32 s11, $0x7;
	[tilespmem:s3+$0x90A0] =	vst v6  }
0x3ef: {  	s12 =	sand.u32 $0x3FFFFA00, s12;
	[tilespmem:s3+$0x9090] =	vst v5  }
0x3f0: {  	v5 =	vld [tilespmem:s12+$0x5020];
	_ =	sdelay $0x2  }
0x3f1: {  	v53 =	vbroadcast v4, $0x4  }
0x3f2: {  	s11 =	smul.u32 $0x240, s11  }
0x3f3: {  	v5 =	vmul.f32 v5, v53  }
0x3f4: {  	s11 =	sshra.s32 s11, $0x2  }
0x3f5: {  	[tilespmem:s11+$0x9020] =	vst v5  }
0x3f6: {  	v5 =	vld [tilespmem:s12+$0x5030];
	_ =	sdelay $0x4  }
0x3f7: {  	v5 =	vmul.f32 v5, v53;
	_ =	sdelay $0x1  }
0x3f8: {  	[tilespmem:s11+$0x9030] =	vst v5  }
0x3f9: {  	v5 =	vld [tilespmem:s12+$0x5040];
	_ =	sdelay $0x4  }
0x3fa: {  	v5 =	vmul.f32 v5, v53;
	_ =	sdelay $0x1  }
0x3fb: {  	[tilespmem:s11+$0x9040] =	vst v5  }
0x3fc: {  	v5 =	vld [tilespmem:s12+$0x5050];
	_ =	sdelay $0x4  }
0x3fd: {  	v5 =	vmul.f32 v5, v53;
	_ =	sdelay $0x1  }
0x3fe: {  	[tilespmem:s11+$0x9050] =	vst v5  }
0x3ff: {  	v5 =	vld [tilespmem:s12+$0x5060];
	_ =	sdelay $0x4  }
0x400: {  	v5 =	vmul.f32 v5, v53;
	_ =	sdelay $0x1  }
0x401: {  	[tilespmem:s11+$0x9060] =	vst v5  }
0x402: {  	v5 =	vld [tilespmem:s12+$0x5070];
	_ =	sdelay $0x4  }
0x403: {  	v5 =	vmul.f32 v5, v53;
	_ =	sdelay $0x1  }
0x404: {  	[tilespmem:s11+$0x9070] =	vst v5  }
0x405: {  	v5 =	vld [tilespmem:s12+$0x5080];
	_ =	sdelay $0x4  }
0x406: {  	v5 =	vmul.f32 v5, v53;
	_ =	sdelay $0x1  }
0x407: {  	[tilespmem:s11+$0x9080] =	vst v5  }
0x408: {  	v5 =	vld [tilespmem:s12+$0x5090];
	_ =	sdelay $0x3  }
0x409: {  	v6 =	vmul.f32 v2, v53  }
0x40a: {  	s3 =	sor.u32 $0x5, s16;
	v5 =	vmul.f32 v5, v53  }
0x40b: {  	s12 =	sshll.u32 s3, $0x7;
	[tilespmem:s11+$0x90A0] =	vst v6  }
0x40c: {  	s12 =	sand.u32 $0x3FFFFA80, s12;
	[tilespmem:s11+$0x9090] =	vst v5  }
0x40d: {  	v5 =	vld [tilespmem:s12+$0x5020];
	_ =	sdelay $0x2  }
0x40e: {  	v54 =	vbroadcast v4, $0x5  }
0x40f: {  	s3 =	smul.u32 $0x240, s3  }
0x410: {  	v5 =	vmul.f32 v5, v54  }
0x411: {  	s3 =	sshra.s32 s3, $0x2  }
0x412: {  	[tilespmem:s3+$0x9020] =	vst v5  }
0x413: {  	v5 =	vld [tilespmem:s12+$0x5030];
	_ =	sdelay $0x4  }
0x414: {  	v5 =	vmul.f32 v5, v54;
	_ =	sdelay $0x1  }
0x415: {  	[tilespmem:s3+$0x9030] =	vst v5  }
0x416: {  	v5 =	vld [tilespmem:s12+$0x5040];
	_ =	sdelay $0x4  }
0x417: {  	v5 =	vmul.f32 v5, v54;
	_ =	sdelay $0x1  }
0x418: {  	[tilespmem:s3+$0x9040] =	vst v5  }
0x419: {  	v5 =	vld [tilespmem:s12+$0x5050];
	_ =	sdelay $0x4  }
0x41a: {  	v5 =	vmul.f32 v5, v54;
	_ =	sdelay $0x1  }
0x41b: {  	[tilespmem:s3+$0x9050] =	vst v5  }
0x41c: {  	v5 =	vld [tilespmem:s12+$0x5060];
	_ =	sdelay $0x4  }
0x41d: {  	v5 =	vmul.f32 v5, v54;
	_ =	sdelay $0x1  }
0x41e: {  	[tilespmem:s3+$0x9060] =	vst v5  }
0x41f: {  	v5 =	vld [tilespmem:s12+$0x5070];
	_ =	sdelay $0x4  }
0x420: {  	v5 =	vmul.f32 v5, v54;
	_ =	sdelay $0x1  }
0x421: {  	[tilespmem:s3+$0x9070] =	vst v5  }
0x422: {  	v5 =	vld [tilespmem:s12+$0x5080];
	_ =	sdelay $0x4  }
0x423: {  	v5 =	vmul.f32 v5, v54;
	_ =	sdelay $0x1  }
0x424: {  	[tilespmem:s3+$0x9080] =	vst v5  }
0x425: {  	v5 =	vld [tilespmem:s12+$0x5090];
	_ =	sdelay $0x3  }
0x426: {  	v6 =	vmul.f32 v2, v54  }
0x427: {  	s11 =	sor.u32 $0x6, s16;
	v5 =	vmul.f32 v5, v54  }
0x428: {  	s12 =	sshll.u32 s11, $0x7;
	[tilespmem:s3+$0x90A0] =	vst v6  }
0x429: {  	s12 =	sand.u32 $0x3FFFFB00, s12;
	[tilespmem:s3+$0x9090] =	vst v5  }
0x42a: {  	v5 =	vld [tilespmem:s12+$0x5020];
	_ =	sdelay $0x2  }
0x42b: {  	v55 =	vbroadcast v4, $0x6  }
0x42c: {  	s11 =	smul.u32 $0x240, s11  }
0x42d: {  	v5 =	vmul.f32 v5, v55  }
0x42e: {  	s11 =	sshra.s32 s11, $0x2  }
0x42f: {  	[tilespmem:s11+$0x9020] =	vst v5  }
0x430: {  	v5 =	vld [tilespmem:s12+$0x5030];
	_ =	sdelay $0x4  }
0x431: {  	v5 =	vmul.f32 v5, v55;
	_ =	sdelay $0x1  }
0x432: {  	[tilespmem:s11+$0x9030] =	vst v5  }
0x433: {  	v5 =	vld [tilespmem:s12+$0x5040];
	_ =	sdelay $0x4  }
0x434: {  	v5 =	vmul.f32 v5, v55;
	_ =	sdelay $0x1  }
0x435: {  	[tilespmem:s11+$0x9040] =	vst v5  }
0x436: {  	v5 =	vld [tilespmem:s12+$0x5050];
	_ =	sdelay $0x4  }
0x437: {  	v5 =	vmul.f32 v5, v55;
	_ =	sdelay $0x1  }
0x438: {  	[tilespmem:s11+$0x9050] =	vst v5  }
0x439: {  	v5 =	vld [tilespmem:s12+$0x5060];
	_ =	sdelay $0x4  }
0x43a: {  	v5 =	vmul.f32 v5, v55;
	_ =	sdelay $0x1  }
0x43b: {  	[tilespmem:s11+$0x9060] =	vst v5  }
0x43c: {  	v5 =	vld [tilespmem:s12+$0x5070];
	_ =	sdelay $0x4  }
0x43d: {  	v5 =	vmul.f32 v5, v55;
	_ =	sdelay $0x1  }
0x43e: {  	[tilespmem:s11+$0x9070] =	vst v5  }
0x43f: {  	v5 =	vld [tilespmem:s12+$0x5080];
	_ =	sdelay $0x4  }
0x440: {  	v5 =	vmul.f32 v5, v55;
	_ =	sdelay $0x1  }
0x441: {  	[tilespmem:s11+$0x9080] =	vst v5  }
0x442: {  	v5 =	vld [tilespmem:s12+$0x5090];
	_ =	sdelay $0x3  }
0x443: {  	v6 =	vmul.f32 v2, v55  }
0x444: {  	s3 =	sor.u32 $0x7, s16;
	v5 =	vmul.f32 v5, v55  }
0x445: {  	s12 =	sshll.u32 s3, $0x7;
	[tilespmem:s11+$0x90A0] =	vst v6  }
0x446: {  	s12 =	sand.u32 $0x3FFFFB80, s12;
	[tilespmem:s11+$0x9090] =	vst v5  }
0x447: {  	v5 =	vld [tilespmem:s12+$0x5020];
	_ =	sdelay $0x2  }
0x448: {  	v56 =	vbroadcast v4, $0x7  }
0x449: {  	s3 =	smul.u32 $0x240, s3  }
0x44a: {  	v5 =	vmul.f32 v5, v56  }
0x44b: {  	s3 =	sshra.s32 s3, $0x2  }
0x44c: {  	[tilespmem:s3+$0x9020] =	vst v5  }
0x44d: {  	v5 =	vld [tilespmem:s12+$0x5030];
	_ =	sdelay $0x4  }
0x44e: {  	v5 =	vmul.f32 v5, v56;
	_ =	sdelay $0x1  }
0x44f: {  	[tilespmem:s3+$0x9030] =	vst v5  }
0x450: {  	v5 =	vld [tilespmem:s12+$0x5040];
	_ =	sdelay $0x4  }
0x451: {  	v5 =	vmul.f32 v5, v56;
	_ =	sdelay $0x1  }
0x452: {  	[tilespmem:s3+$0x9040] =	vst v5  }
0x453: {  	v5 =	vld [tilespmem:s12+$0x5050];
	_ =	sdelay $0x4  }
0x454: {  	v5 =	vmul.f32 v5, v56;
	_ =	sdelay $0x1  }
0x455: {  	[tilespmem:s3+$0x9050] =	vst v5  }
0x456: {  	v5 =	vld [tilespmem:s12+$0x5060];
	_ =	sdelay $0x4  }
0x457: {  	v5 =	vmul.f32 v5, v56;
	_ =	sdelay $0x1  }
0x458: {  	[tilespmem:s3+$0x9060] =	vst v5  }
0x459: {  	v5 =	vld [tilespmem:s12+$0x5070];
	_ =	sdelay $0x4  }
0x45a: {  	v5 =	vmul.f32 v5, v56;
	_ =	sdelay $0x1  }
0x45b: {  	[tilespmem:s3+$0x9070] =	vst v5  }
0x45c: {  	v5 =	vld [tilespmem:s12+$0x5080];
	_ =	sdelay $0x4  }
0x45d: {  	v5 =	vmul.f32 v5, v56;
	_ =	sdelay $0x1  }
0x45e: {  	[tilespmem:s3+$0x9080] =	vst v5  }
0x45f: {  	v5 =	vld [tilespmem:s12+$0x5090];
	_ =	sdelay $0x3  }
0x460: {  	v6 =	vmul.f32 v2, v56  }
0x461: {  	s11 =	sor.u32 $0x8, s16;
	v5 =	vmul.f32 v5, v56  }
0x462: {  	s12 =	sshll.u32 s11, $0x7;
	[tilespmem:s3+$0x90A0] =	vst v6  }
0x463: {  	s12 =	sand.u32 $0x3FFFFC00, s12;
	[tilespmem:s3+$0x9090] =	vst v5  }
0x464: {  	v5 =	vld [tilespmem:s12+$0x5020];
	_ =	sdelay $0x2  }
0x465: {  	v57 =	vbroadcast v4, $0x8  }
0x466: {  	s11 =	smul.u32 $0x240, s11  }
0x467: {  	v5 =	vmul.f32 v5, v57  }
0x468: {  	s11 =	sshra.s32 s11, $0x2  }
0x469: {  	[tilespmem:s11+$0x9020] =	vst v5  }
0x46a: {  	v5 =	vld [tilespmem:s12+$0x5030];
	_ =	sdelay $0x4  }
0x46b: {  	v5 =	vmul.f32 v5, v57;
	_ =	sdelay $0x1  }
0x46c: {  	[tilespmem:s11+$0x9030] =	vst v5  }
0x46d: {  	v5 =	vld [tilespmem:s12+$0x5040];
	_ =	sdelay $0x4  }
0x46e: {  	v5 =	vmul.f32 v5, v57;
	_ =	sdelay $0x1  }
0x46f: {  	[tilespmem:s11+$0x9040] =	vst v5  }
0x470: {  	v5 =	vld [tilespmem:s12+$0x5050];
	_ =	sdelay $0x4  }
0x471: {  	v5 =	vmul.f32 v5, v57;
	_ =	sdelay $0x1  }
0x472: {  	[tilespmem:s11+$0x9050] =	vst v5  }
0x473: {  	v5 =	vld [tilespmem:s12+$0x5060];
	_ =	sdelay $0x4  }
0x474: {  	v5 =	vmul.f32 v5, v57;
	_ =	sdelay $0x1  }
0x475: {  	[tilespmem:s11+$0x9060] =	vst v5  }
0x476: {  	v5 =	vld [tilespmem:s12+$0x5070];
	_ =	sdelay $0x4  }
0x477: {  	v5 =	vmul.f32 v5, v57;
	_ =	sdelay $0x1  }
0x478: {  	[tilespmem:s11+$0x9070] =	vst v5  }
0x479: {  	v5 =	vld [tilespmem:s12+$0x5080];
	_ =	sdelay $0x4  }
0x47a: {  	v5 =	vmul.f32 v5, v57;
	_ =	sdelay $0x1  }
0x47b: {  	[tilespmem:s11+$0x9080] =	vst v5  }
0x47c: {  	v5 =	vld [tilespmem:s12+$0x5090];
	_ =	sdelay $0x3  }
0x47d: {  	v6 =	vmul.f32 v2, v57  }
0x47e: {  	s3 =	sor.u32 $0x9, s16;
	v5 =	vmul.f32 v5, v57  }
0x47f: {  	s12 =	sshll.u32 s3, $0x7;
	[tilespmem:s11+$0x90A0] =	vst v6  }
0x480: {  	s12 =	sand.u32 $0x3FFFFC80, s12;
	[tilespmem:s11+$0x9090] =	vst v5  }
0x481: {  	v5 =	vld [tilespmem:s12+$0x5020];
	_ =	sdelay $0x2  }
0x482: {  	v58 =	vbroadcast v4, $0x9  }
0x483: {  	s3 =	smul.u32 $0x240, s3  }
0x484: {  	v5 =	vmul.f32 v5, v58  }
0x485: {  	s3 =	sshra.s32 s3, $0x2  }
0x486: {  	[tilespmem:s3+$0x9020] =	vst v5  }
0x487: {  	v5 =	vld [tilespmem:s12+$0x5030];
	_ =	sdelay $0x4  }
0x488: {  	v5 =	vmul.f32 v5, v58;
	_ =	sdelay $0x1  }
0x489: {  	[tilespmem:s3+$0x9030] =	vst v5  }
0x48a: {  	v5 =	vld [tilespmem:s12+$0x5040];
	_ =	sdelay $0x4  }
0x48b: {  	v5 =	vmul.f32 v5, v58;
	_ =	sdelay $0x1  }
0x48c: {  	[tilespmem:s3+$0x9040] =	vst v5  }
0x48d: {  	v5 =	vld [tilespmem:s12+$0x5050];
	_ =	sdelay $0x4  }
0x48e: {  	v5 =	vmul.f32 v5, v58;
	_ =	sdelay $0x1  }
0x48f: {  	[tilespmem:s3+$0x9050] =	vst v5  }
0x490: {  	v5 =	vld [tilespmem:s12+$0x5060];
	_ =	sdelay $0x4  }
0x491: {  	v5 =	vmul.f32 v5, v58;
	_ =	sdelay $0x1  }
0x492: {  	[tilespmem:s3+$0x9060] =	vst v5  }
0x493: {  	v5 =	vld [tilespmem:s12+$0x5070];
	_ =	sdelay $0x4  }
0x494: {  	v5 =	vmul.f32 v5, v58;
	_ =	sdelay $0x1  }
0x495: {  	[tilespmem:s3+$0x9070] =	vst v5  }
0x496: {  	v5 =	vld [tilespmem:s12+$0x5080];
	_ =	sdelay $0x4  }
0x497: {  	v5 =	vmul.f32 v5, v58;
	_ =	sdelay $0x1  }
0x498: {  	[tilespmem:s3+$0x9080] =	vst v5  }
0x499: {  	v5 =	vld [tilespmem:s12+$0x5090];
	_ =	sdelay $0x3  }
0x49a: {  	v6 =	vmul.f32 v2, v58  }
0x49b: {  	s11 =	sor.u32 $0xA, s16;
	v5 =	vmul.f32 v5, v58  }
0x49c: {  	s12 =	sshll.u32 s11, $0x7;
	[tilespmem:s3+$0x90A0] =	vst v6  }
0x49d: {  	s12 =	sand.u32 $0x3FFFFD00, s12;
	[tilespmem:s3+$0x9090] =	vst v5  }
0x49e: {  	v5 =	vld [tilespmem:s12+$0x5020];
	_ =	sdelay $0x2  }
0x49f: {  	v59 =	vbroadcast v4, $0xA  }
0x4a0: {  	s11 =	smul.u32 $0x240, s11  }
0x4a1: {  	v5 =	vmul.f32 v5, v59  }
0x4a2: {  	s11 =	sshra.s32 s11, $0x2  }
0x4a3: {  	[tilespmem:s11+$0x9020] =	vst v5  }
0x4a4: {  	v5 =	vld [tilespmem:s12+$0x5030];
	_ =	sdelay $0x4  }
0x4a5: {  	v5 =	vmul.f32 v5, v59;
	_ =	sdelay $0x1  }
0x4a6: {  	[tilespmem:s11+$0x9030] =	vst v5  }
0x4a7: {  	v5 =	vld [tilespmem:s12+$0x5040];
	_ =	sdelay $0x4  }
0x4a8: {  	v5 =	vmul.f32 v5, v59;
	_ =	sdelay $0x1  }
0x4a9: {  	[tilespmem:s11+$0x9040] =	vst v5  }
0x4aa: {  	v5 =	vld [tilespmem:s12+$0x5050];
	_ =	sdelay $0x4  }
0x4ab: {  	v5 =	vmul.f32 v5, v59;
	_ =	sdelay $0x1  }
0x4ac: {  	[tilespmem:s11+$0x9050] =	vst v5  }
0x4ad: {  	v5 =	vld [tilespmem:s12+$0x5060];
	_ =	sdelay $0x4  }
0x4ae: {  	v5 =	vmul.f32 v5, v59;
	_ =	sdelay $0x1  }
0x4af: {  	[tilespmem:s11+$0x9060] =	vst v5  }
0x4b0: {  	v5 =	vld [tilespmem:s12+$0x5070];
	_ =	sdelay $0x4  }
0x4b1: {  	v5 =	vmul.f32 v5, v59;
	_ =	sdelay $0x1  }
0x4b2: {  	[tilespmem:s11+$0x9070] =	vst v5  }
0x4b3: {  	v5 =	vld [tilespmem:s12+$0x5080];
	_ =	sdelay $0x4  }
0x4b4: {  	v5 =	vmul.f32 v5, v59;
	_ =	sdelay $0x1  }
0x4b5: {  	[tilespmem:s11+$0x9080] =	vst v5  }
0x4b6: {  	v5 =	vld [tilespmem:s12+$0x5090];
	_ =	sdelay $0x3  }
0x4b7: {  	v6 =	vmul.f32 v2, v59  }
0x4b8: {  	s3 =	sor.u32 $0xB, s16;
	v5 =	vmul.f32 v5, v59  }
0x4b9: {  	s12 =	sshll.u32 s3, $0x7;
	[tilespmem:s11+$0x90A0] =	vst v6  }
0x4ba: {  	s12 =	sand.u32 $0x3FFFFD80, s12;
	[tilespmem:s11+$0x9090] =	vst v5  }
0x4bb: {  	v5 =	vld [tilespmem:s12+$0x5020];
	_ =	sdelay $0x2  }
0x4bc: {  	v60 =	vbroadcast v4, $0xB  }
0x4bd: {  	s3 =	smul.u32 $0x240, s3  }
0x4be: {  	v5 =	vmul.f32 v5, v60  }
0x4bf: {  	s3 =	sshra.s32 s3, $0x2  }
0x4c0: {  	[tilespmem:s3+$0x9020] =	vst v5  }
0x4c1: {  	v5 =	vld [tilespmem:s12+$0x5030];
	_ =	sdelay $0x4  }
0x4c2: {  	v5 =	vmul.f32 v5, v60;
	_ =	sdelay $0x1  }
0x4c3: {  	[tilespmem:s3+$0x9030] =	vst v5  }
0x4c4: {  	v5 =	vld [tilespmem:s12+$0x5040];
	_ =	sdelay $0x4  }
0x4c5: {  	v5 =	vmul.f32 v5, v60;
	_ =	sdelay $0x1  }
0x4c6: {  	[tilespmem:s3+$0x9040] =	vst v5  }
0x4c7: {  	v5 =	vld [tilespmem:s12+$0x5050];
	_ =	sdelay $0x4  }
0x4c8: {  	v5 =	vmul.f32 v5, v60;
	_ =	sdelay $0x1  }
0x4c9: {  	[tilespmem:s3+$0x9050] =	vst v5  }
0x4ca: {  	v5 =	vld [tilespmem:s12+$0x5060];
	_ =	sdelay $0x4  }
0x4cb: {  	v5 =	vmul.f32 v5, v60;
	_ =	sdelay $0x1  }
0x4cc: {  	[tilespmem:s3+$0x9060] =	vst v5  }
0x4cd: {  	v5 =	vld [tilespmem:s12+$0x5070];
	_ =	sdelay $0x4  }
0x4ce: {  	v5 =	vmul.f32 v5, v60;
	_ =	sdelay $0x1  }
0x4cf: {  	[tilespmem:s3+$0x9070] =	vst v5  }
0x4d0: {  	v5 =	vld [tilespmem:s12+$0x5080];
	_ =	sdelay $0x4  }
0x4d1: {  	v5 =	vmul.f32 v5, v60;
	_ =	sdelay $0x1  }
0x4d2: {  	[tilespmem:s3+$0x9080] =	vst v5  }
0x4d3: {  	v5 =	vld [tilespmem:s12+$0x5090];
	_ =	sdelay $0x3  }
0x4d4: {  	v6 =	vmul.f32 v2, v60  }
0x4d5: {  	s11 =	sor.u32 $0xC, s16;
	v5 =	vmul.f32 v5, v60  }
0x4d6: {  	s12 =	sshll.u32 s11, $0x7;
	[tilespmem:s3+$0x90A0] =	vst v6  }
0x4d7: {  	s12 =	sand.u32 $0x3FFFFE00, s12;
	[tilespmem:s3+$0x9090] =	vst v5  }
0x4d8: {  	v5 =	vld [tilespmem:s12+$0x5020];
	_ =	sdelay $0x2  }
0x4d9: {  	v61 =	vbroadcast v4, $0xC  }
0x4da: {  	s11 =	smul.u32 $0x240, s11  }
0x4db: {  	v5 =	vmul.f32 v5, v61  }
0x4dc: {  	s11 =	sshra.s32 s11, $0x2  }
0x4dd: {  	[tilespmem:s11+$0x9020] =	vst v5  }
0x4de: {  	v5 =	vld [tilespmem:s12+$0x5030];
	_ =	sdelay $0x4  }
0x4df: {  	v5 =	vmul.f32 v5, v61;
	_ =	sdelay $0x1  }
0x4e0: {  	[tilespmem:s11+$0x9030] =	vst v5  }
0x4e1: {  	v5 =	vld [tilespmem:s12+$0x5040];
	_ =	sdelay $0x4  }
0x4e2: {  	v5 =	vmul.f32 v5, v61;
	_ =	sdelay $0x1  }
0x4e3: {  	[tilespmem:s11+$0x9040] =	vst v5  }
0x4e4: {  	v5 =	vld [tilespmem:s12+$0x5050];
	_ =	sdelay $0x4  }
0x4e5: {  	v5 =	vmul.f32 v5, v61;
	_ =	sdelay $0x1  }
0x4e6: {  	[tilespmem:s11+$0x9050] =	vst v5  }
0x4e7: {  	v5 =	vld [tilespmem:s12+$0x5060];
	_ =	sdelay $0x4  }
0x4e8: {  	v5 =	vmul.f32 v5, v61;
	_ =	sdelay $0x1  }
0x4e9: {  	[tilespmem:s11+$0x9060] =	vst v5  }
0x4ea: {  	v5 =	vld [tilespmem:s12+$0x5070];
	_ =	sdelay $0x4  }
0x4eb: {  	v5 =	vmul.f32 v5, v61;
	_ =	sdelay $0x1  }
0x4ec: {  	[tilespmem:s11+$0x9070] =	vst v5  }
0x4ed: {  	v5 =	vld [tilespmem:s12+$0x5080];
	_ =	sdelay $0x4  }
0x4ee: {  	v5 =	vmul.f32 v5, v61;
	_ =	sdelay $0x1  }
0x4ef: {  	[tilespmem:s11+$0x9080] =	vst v5  }
0x4f0: {  	v5 =	vld [tilespmem:s12+$0x5090];
	_ =	sdelay $0x3  }
0x4f1: {  	v6 =	vmul.f32 v2, v61  }
0x4f2: {  	s3 =	sor.u32 $0xD, s16;
	v5 =	vmul.f32 v5, v61  }
0x4f3: {  	s12 =	sshll.u32 s3, $0x7;
	[tilespmem:s11+$0x90A0] =	vst v6  }
0x4f4: {  	s12 =	sand.u32 $0x3FFFFE80, s12;
	[tilespmem:s11+$0x9090] =	vst v5  }
0x4f5: {  	v5 =	vld [tilespmem:s12+$0x5020];
	_ =	sdelay $0x2  }
0x4f6: {  	v62 =	vbroadcast v4, $0xD  }
0x4f7: {  	s3 =	smul.u32 $0x240, s3  }
0x4f8: {  	v5 =	vmul.f32 v5, v62  }
0x4f9: {  	s3 =	sshra.s32 s3, $0x2  }
0x4fa: {  	[tilespmem:s3+$0x9020] =	vst v5  }
0x4fb: {  	v5 =	vld [tilespmem:s12+$0x5030];
	_ =	sdelay $0x4  }
0x4fc: {  	v5 =	vmul.f32 v5, v62;
	_ =	sdelay $0x1  }
0x4fd: {  	[tilespmem:s3+$0x9030] =	vst v5  }
0x4fe: {  	v5 =	vld [tilespmem:s12+$0x5040];
	_ =	sdelay $0x4  }
0x4ff: {  	v5 =	vmul.f32 v5, v62;
	_ =	sdelay $0x1  }
0x500: {  	[tilespmem:s3+$0x9040] =	vst v5  }
0x501: {  	v5 =	vld [tilespmem:s12+$0x5050];
	_ =	sdelay $0x4  }
0x502: {  	v5 =	vmul.f32 v5, v62;
	_ =	sdelay $0x1  }
0x503: {  	[tilespmem:s3+$0x9050] =	vst v5  }
0x504: {  	v5 =	vld [tilespmem:s12+$0x5060];
	_ =	sdelay $0x4  }
0x505: {  	v5 =	vmul.f32 v5, v62;
	_ =	sdelay $0x1  }
0x506: {  	[tilespmem:s3+$0x9060] =	vst v5  }
0x507: {  	v5 =	vld [tilespmem:s12+$0x5070];
	_ =	sdelay $0x4  }
0x508: {  	v5 =	vmul.f32 v5, v62;
	_ =	sdelay $0x1  }
0x509: {  	[tilespmem:s3+$0x9070] =	vst v5  }
0x50a: {  	v5 =	vld [tilespmem:s12+$0x5080];
	_ =	sdelay $0x4  }
0x50b: {  	v5 =	vmul.f32 v5, v62;
	_ =	sdelay $0x1  }
0x50c: {  	[tilespmem:s3+$0x9080] =	vst v5  }
0x50d: {  	v5 =	vld [tilespmem:s12+$0x5090];
	_ =	sdelay $0x3  }
0x50e: {  	v6 =	vmul.f32 v2, v62  }
0x50f: {  	s11 =	sor.u32 $0xE, s16;
	v5 =	vmul.f32 v5, v62  }
0x510: {  	s16 =	sshll.u32 s11, $0x7;
	[tilespmem:s3+$0x90A0] =	vst v6  }
0x511: {  	s12 =	sand.u32 $0x3FFFFF00, s16;
	[tilespmem:s3+$0x9090] =	vst v5  }
0x512: {  	v5 =	vld [tilespmem:s12+$0x5020];
	_ =	sdelay $0x2  }
0x513: {  	v63 =	vbroadcast v4, $0xE  }
0x514: {  	s11 =	smul.u32 $0x240, s11  }
0x515: {  	v5 =	vmul.f32 v5, v63  }
0x516: {  	s11 =	sshra.s32 s11, $0x2  }
0x517: {  	[tilespmem:s11+$0x9020] =	vst v5  }
0x518: {  	v5 =	vld [tilespmem:s12+$0x5030];
	_ =	sdelay $0x4  }
0x519: {  	v5 =	vmul.f32 v5, v63;
	_ =	sdelay $0x1  }
0x51a: {  	[tilespmem:s11+$0x9030] =	vst v5  }
0x51b: {  	v5 =	vld [tilespmem:s12+$0x5040];
	_ =	sdelay $0x4  }
0x51c: {  	v5 =	vmul.f32 v5, v63;
	_ =	sdelay $0x1  }
0x51d: {  	[tilespmem:s11+$0x9040] =	vst v5  }
0x51e: {  	v5 =	vld [tilespmem:s12+$0x5050];
	_ =	sdelay $0x4  }
0x51f: {  	v5 =	vmul.f32 v5, v63;
	_ =	sdelay $0x1  }
0x520: {  	[tilespmem:s11+$0x9050] =	vst v5  }
0x521: {  	v5 =	vld [tilespmem:s12+$0x5060];
	_ =	sdelay $0x4  }
0x522: {  	v5 =	vmul.f32 v5, v63;
	_ =	sdelay $0x1  }
0x523: {  	[tilespmem:s11+$0x9060] =	vst v5  }
0x524: {  	v5 =	vld [tilespmem:s12+$0x5070];
	_ =	sdelay $0x4  }
0x525: {  	v5 =	vmul.f32 v5, v63;
	_ =	sdelay $0x1  }
0x526: {  	[tilespmem:s11+$0x9070] =	vst v5  }
0x527: {  	v5 =	vld [tilespmem:s12+$0x5080];
	_ =	sdelay $0x4  }
0x528: {  	v5 =	vmul.f32 v5, v63;
	_ =	sdelay $0x1  }
0x529: {  	[tilespmem:s11+$0x9080] =	vst v5  }
0x52a: {  	v5 =	vld [tilespmem:s12+$0x5090];
	_ =	sdelay $0x3  }
0x52b: {  	v6 =	vmul.f32 v2, v63  }
0x52c: {  	s3 =	sshllo.u32 s22, $0x4;
	v5 =	vmul.f32 v5, v63  }
0x52d: {  	s16 =	sshll.u32 s3, $0x7;
	[tilespmem:s11+$0x90A0] =	vst v6  }
0x52e: {  	s16 =	sand.u32 $0x3FFFFF80, s16;
	[tilespmem:s11+$0x9090] =	vst v5  }
0x52f: {  	v5 =	vld [tilespmem:s16+$0x5020];
	_ =	sdelay $0x2  }
0x530: {  	v4 =	vbroadcast v4, $0xF  }
0x531: {  	s3 =	smul.u32 $0x240, s3  }
0x532: {  	v5 =	vmul.f32 v5, v4  }
0x533: {  	s3 =	sshra.s32 s3, $0x2  }
0x534: {  	[tilespmem:s3+$0x9020] =	vst v5  }
0x535: {  	v5 =	vld [tilespmem:s16+$0x5030];
	_ =	sdelay $0x4  }
0x536: {  	v5 =	vmul.f32 v5, v4;
	_ =	sdelay $0x1  }
0x537: {  	[tilespmem:s3+$0x9030] =	vst v5  }
0x538: {  	v5 =	vld [tilespmem:s16+$0x5040];
	_ =	sdelay $0x4  }
0x539: {  	v5 =	vmul.f32 v5, v4;
	_ =	sdelay $0x1  }
0x53a: {  	[tilespmem:s3+$0x9040] =	vst v5  }
0x53b: {  	v5 =	vld [tilespmem:s16+$0x5050];
	_ =	sdelay $0x4  }
0x53c: {  	v5 =	vmul.f32 v5, v4;
	_ =	sdelay $0x1  }
0x53d: {  	[tilespmem:s3+$0x9050] =	vst v5  }
0x53e: {  	v5 =	vld [tilespmem:s16+$0x5060];
	_ =	sdelay $0x4  }
0x53f: {  	v5 =	vmul.f32 v5, v4;
	_ =	sdelay $0x1  }
0x540: {  	[tilespmem:s3+$0x9060] =	vst v5  }
0x541: {  	v5 =	vld [tilespmem:s16+$0x5070];
	_ =	sdelay $0x4  }
0x542: {  	v5 =	vmul.f32 v5, v4;
	_ =	sdelay $0x1  }
0x543: {  	[tilespmem:s3+$0x9070] =	vst v5  }
0x544: {  	v5 =	vld [tilespmem:s16+$0x5080];
	_ =	sdelay $0x4  }
0x545: {  	v5 =	vmul.f32 v5, v4;
	_ =	sdelay $0x1  }
0x546: {  	[tilespmem:s3+$0x9080] =	vst v5  }
0x547: {  	v5 =	vld [tilespmem:s16+$0x5090];
	_ =	sdelay $0x2  }
0x548: {  	p2 =	sne.s32 s22, $0x7  }
.Ltmp11:
0x549: {  	_ = 	snop;
	(pc) =	sbr.rel @p2 .LBB2_12-.Ltmp11, $4  }
0x54a: {  	v5 =	vmul.f32 v5, v4  }
0x54b: {  	v4 =	vmul.f32 v2, v4  }
0x54c: {  	[tilespmem:s3+$0x9090] =	vst v5  }
0x54d: {  	s22 =	sadd.s32 $0x1, s22;
	[tilespmem:s3+$0x90A0] =	vst v4  }
.Ltmp12:
0x54e: {  	(pc) =	sbr.rel .LBB2_14-.Ltmp12, $4  }
0x54f: {  	[spmem:s2] =	stream.indirect.scatter.add.f32 [tilespmem:s10], [sflag:$0x2], $0x90, s8, s31, $0xb8;
	[tilespmem:$0x1B0B0] =	vst v63  }
0x550: {  	_ =	swait.ge [sflag:s23], $0x4800  }
0x551: {  	[sflag:s23] =	ssyncset.done $0x0  }
0x552: {  	[sflag:s23] =	ssyncadd.s32 $0xFFFFB800  }
.LBB2_16:
0x553: {  	_ =	sfence.sel $0x180000  }
0x554: {  	[bflag:$0x0] =	sbarrier.arrive $0xFFFF  }
0x555: {  	_ =	strace $0x90000047  }
0x556: {  	[bflag:$0x2] =	sbarrier.arrive $0xFFFF  }
0x557: {  	s0 =	rddreg [dreg:$0x3]  }
0x558: {  	s0 =	sadd.s32 @!p0 $0x100000, s0  }
0x559: {  	[sflag:s0] =	ssyncadd.tile.s32 @!p0 $0x1;
	_ =	shalt  }
.Lfunc_end2:
_tile_overlayer_lowered:
.L_overlay_start_2:
0x55a: {  	(tag) =	ssettag $0x2  }
0x55b: {  	s0 =	rddreg [dreg:$0x0];
	s2 =	stileid.u32  }
0x55c: {  	s1 =	rddreg [dreg:$0x1];
	p0 =	sne.s32 s2, $0x0  }
0x55d: {  	s3 =	rddreg [dreg:$0x2];
	[bflag:$0x3] =	sbarrier.arrive $0xFFFF;
	s2 =	simm.s32 @!p0 $0x1C02  }
0x55e: {  	[timem:s3], [sflag:s2] =	dma.local @!p0 [hbm:s0], s1  }
0x55f: {  	s0 =	simm.s32 @!p0 $0x2  }
0x560: {  	_ =	swait.ge @!p0 [sflag:s0], s1  }
0x561: {  	s1 =	ssub.s32 @!p0 $0x0, s1;
	[sflag:s0] =	ssyncset.done @!p0 $0x0  }
0x562: {  	[sflag:s0] =	ssyncadd.s32 @!p0 s1  }
0x563: {  	[bflag:$0x3] =	sbarrier.arrive $0xFFFF  }
0x564: {  	_ =	shalt  }

</sc_bundles>
